<compile_context>
chip_gen: v7x
topology: tpu7x:2x2x1
jax: 0.10.2.dev20260603
libtpu: 0.0.44.dev20260713+nightly
codegen_flags: <defaults>
</compile_context>

<pallas_src>
import functools

import jax
import jax.numpy as jnp
from jax import lax
from jax.experimental import pallas as pl
from jax.experimental.pallas import tpu as pltpu
from jax.experimental.pallas import tpu_sc as plsc

D = 64
SCALE = 8.0

_NC, _NS, _L = 2, 16, 16
_NW = _NC * _NS

IDXW = 128
CHUNK = 256
IDX_R = CHUNK // IDXW
NBUF = 3
ROW_UNROLL = 8


@functools.lru_cache(maxsize=None)
def _make_kernel(B, V):
    assert B % (_NW * CHUNK * NBUF) == 0 or B % (_NW * CHUNK) == 0
    b_per_w = B // _NW
    n_chunks = b_per_w // CHUNK
    assert n_chunks % NBUF == 1
    mesh = plsc.VectorSubcoreMesh(
        core_axis_name="c", subcore_axis_name="s",
        num_cores=_NC, num_subcores=_NS,
    )

    @functools.partial(
        pl.kernel,
        out_type=jax.ShapeDtypeStruct((B, D), jnp.float32),
        mesh=mesh,
        scratch_types=[
            pltpu.VMEM((NBUF, IDX_R, IDXW), jnp.int32),
            pltpu.VMEM((NBUF, CHUNK, D), jnp.float32),
            pltpu.SemaphoreType.DMA((NBUF,)),
            pltpu.SemaphoreType.DMA((NBUF,)),
            pltpu.SemaphoreType.DMA((NBUF,)),
        ],
        compiler_params=pltpu.CompilerParams(use_tc_tiling_on_sc=False),
    )
    def emb_kernel(idx_hbm, table_hbm, out_hbm, idx_v, rows_v, gsem, isem, osem):
        wid = lax.axis_index("s") * _NC + lax.axis_index("c")
        row0 = wid * (b_per_w // IDXW)
        out0 = wid * b_per_w

        def idx_src(cc):
            return idx_hbm.at[pl.ds(row0 + cc * IDX_R, IDX_R)]

        def out_dst(cc):
            return out_hbm.at[pl.ds(out0 + cc * CHUNK, CHUNK)]

        def gather_descs(b):
            return [
                pltpu.make_async_copy(
                    table_hbm.at[idx_v.at[b, j]],
                    rows_v.at[b, pl.ds(j * IDXW, IDXW)],
                    gsem.at[b],
                )
                for j in range(IDX_R)
            ]

        def scale(b):
            def body(r, carry):
                base = r * ROW_UNROLL
                for u in range(ROW_UNROLL):
                    for q in range(D // _L):
                        sl = pl.ds(q * _L, _L)
                        rows_v[b, base + u, sl] = rows_v[b, base + u, sl] * SCALE
                return carry
            lax.fori_loop(0, CHUNK // ROW_UNROLL, body, 0)

        for b in range(NBUF):
            pltpu.async_copy(idx_src(b), idx_v.at[b], isem.at[b])
        pltpu.make_async_copy(idx_src(0), idx_v.at[0], isem.at[0]).wait()
        for d in gather_descs(0):
            d.start()

        def tri_body(i, carry):
            for k in range(NBUF):
                cc = i * NBUF + k
                b, bn = k, (k + 1) % NBUF
                for d2 in gather_descs(b):
                    d2.wait()
                pltpu.make_async_copy(
                    idx_src(cc + 1), idx_v.at[bn], isem.at[bn]
                ).wait()
                @pl.when(cc >= NBUF - 1)
                def _():
                    pltpu.make_async_copy(
                        rows_v.at[bn], out_dst(cc), osem.at[bn]
                    ).wait()
                for d2 in gather_descs(bn):
                    d2.start()
                scale(b)
                pltpu.async_copy(rows_v.at[b], out_dst(cc), osem.at[b])
                @pl.when(cc + NBUF < n_chunks)
                def _():
                    pltpu.async_copy(idx_src(cc + NBUF), idx_v.at[b], isem.at[b])
            return carry

        lax.fori_loop(0, (n_chunks - 1) // NBUF, tri_body, 0)

        last = n_chunks - 1
        bl = last % NBUF
        for d in gather_descs(bl):
            d.wait()
        scale(bl)
        pltpu.async_copy(rows_v.at[bl], out_dst(last), osem.at[bl])
        for b in range(NBUF):
            pltpu.make_async_copy(
                rows_v.at[b], out_dst(last), osem.at[b]
            ).wait()

    return emb_kernel


def kernel(tokens, embed_table):
    s0, s1 = tokens.shape
    b = s0 * s1
    idx = tokens.reshape(b // IDXW, IDXW).astype(jnp.int32)
    out = _make_kernel(b, embed_table.shape[0])(idx, embed_table)
    return out.reshape(s0, s1, D)

# --- scband reference (transcript-rebuilt; emitter-appended) ---
"""Pipeline reference for scband-embedding-88261577933392 (READ-ONLY COPY).

The authoritative reference and input builder live on the scoring server;
editing this copy changes nothing except your own understanding.
"""

import jax, jax.numpy as jnp
import numpy as np

D_MODEL = 64
VOCAB = 1000000

def setup_inputs(seed: int = 0) -> dict:
    key = jax.random.key(seed)
    k_tok, k_emb = jax.random.split(key)
    tokens = jax.random.randint(k_tok, (4096, 200), 0, VOCAB, dtype=jnp.int64 if jax.config.jax_enable_x64 else jnp.int32)
    embed_table = jax.random.normal(k_emb, (VOCAB, D_MODEL), dtype=jnp.float32)
    return {"tokens": tokens, "embed_table": embed_table}

def reference(tokens, embed_table):
    x = jnp.take(embed_table, tokens, axis=0)
    x = x * (D_MODEL ** 0.5)
    return x

if __name__ == "__main__":
    import jax
    _d = setup_inputs()
    print(jax.jit(kernel)(*tuple(_d.values())))

</pallas_src>

<mosaic_0001>
#map = affine_map<(d0, d1) -> (0, 0)>
module attributes {stable_mosaic.version = 14 : i64} {
  func.func @emb_kernel(%arg0: i32, %arg1: i32, %arg2: memref<6400x128xi32, #tpu.memory_space<hbm>>, %arg3: memref<1000000x64xf32, #tpu.memory_space<hbm>>, %arg4: memref<819200x64xf32, #tpu.memory_space<hbm>>, %arg5: memref<3x2x128xi32, #tpu.memory_space<vmem>>, %arg6: memref<3x256x64xf32, #tpu.memory_space<vmem>>, %arg7: memref<3x!tpu.dma_semaphore, #tpu.memory_space<semaphore_mem>>, %arg8: memref<3x!tpu.dma_semaphore, #tpu.memory_space<semaphore_mem>>, %arg9: memref<3x!tpu.dma_semaphore, #tpu.memory_space<semaphore_mem>>) attributes {dimension_semantics = [#tpu.dimension_semantics<core_parallel>, #tpu.dimension_semantics<subcore_parallel>], iteration_bounds = array<i64: 2, 16>, scalar_prefetch = 0 : i64, scratch_operands = 5 : i64, tpu.core_type = #tpu.core_type<sc_vector_subcore>, window_params = [{transform_indices = #map}, {transform_indices = #map}, {transform_indices = #map}]} {
    %mul3A = arith.constant 2 : i32
    %mul3A_0 = arith.muli %arg1, %mul3A : i32
    %add3A = arith.addi %mul3A_0, %arg0 : i32
    %mul3A_1 = arith.constant 200 : i32
    %mul3A_2 = arith.muli %add3A, %mul3A_1 : i32
    %mul3A_3 = arith.constant 25600 : i32
    %mul3A_4 = arith.muli %add3A, %mul3A_3 : i32
    %add3A_5 = arith.constant 0 : i32
    %add3A_6 = arith.addi %mul3A_2, %add3A_5 : i32
    %dma_start3A = arith.constant 0 : i32
    %dma_start3A_7 = arith.constant 0 : i32
    %dma_start3A_8 = arith.constant 0 : i32
    %dma_start3A_9 = arith.constant 0 : i32
    %dma_start3A_10 = tpu.memref_slice %arg5[%dma_start3A, %dma_start3A_8, %dma_start3A_9] : memref<3x2x128xi32, #tpu.memory_space<vmem>> -> memref<1x2x128xi32, #tpu.memory_space<vmem>>
    %dma_start3A_11 = tpu.memref_squeeze %dma_start3A_10 : memref<1x2x128xi32, #tpu.memory_space<vmem>> -> memref<2x128xi32, #tpu.memory_space<vmem>>
    %dma_start3A_12 = arith.constant 0 : i32
    %dma_start3A_13 = tpu.memref_slice %arg2[%add3A_6, %dma_start3A_12] : memref<6400x128xi32, #tpu.memory_space<hbm>> -> memref<2x128xi32, #tpu.memory_space<hbm>>
    %dma_start3A_14 = tpu.memref_slice %arg8[%dma_start3A_7] : memref<3x!tpu.dma_semaphore, #tpu.memory_space<semaphore_mem>> -> memref<1x!tpu.dma_semaphore, #tpu.memory_space<semaphore_mem>>
    %dma_start3A_15 = tpu.memref_squeeze %dma_start3A_14 : memref<1x!tpu.dma_semaphore, #tpu.memory_space<semaphore_mem>> -> memref<!tpu.dma_semaphore, #tpu.memory_space<semaphore_mem>>
    %dma_start3A_16 = arith.constant 0 : i32
    %dma_start3A_17 = arith.constant 0 : i32
    %dma_start3A_18 = tpu.memref_slice %arg5[%dma_start3A, %dma_start3A_16, %dma_start3A_17] : memref<3x2x128xi32, #tpu.memory_space<vmem>> -> memref<1x2x128xi32, #tpu.memory_space<vmem>>
    %dma_start3A_19 = tpu.memref_squeeze %dma_start3A_18 : memref<1x2x128xi32, #tpu.memory_space<vmem>> -> memref<2x128xi32, #tpu.memory_space<vmem>>
    %dma_start3A_20 = arith.constant 0 : i32
    %dma_start3A_21 = tpu.memref_slice %arg2[%add3A_6, %dma_start3A_20] : memref<6400x128xi32, #tpu.memory_space<hbm>> -> memref<2x128xi32, #tpu.memory_space<hbm>>
    tpu.enqueue_dma source(%dma_start3A_21 : memref<2x128xi32, #tpu.memory_space<hbm>>) target(%dma_start3A_19 : memref<2x128xi32, #tpu.memory_space<vmem>>) target_semaphore(%dma_start3A_15 : memref<!tpu.dma_semaphore, #tpu.memory_space<semaphore_mem>>)
    %add3A_22 = arith.constant 2 : i32
    %add3A_23 = arith.addi %mul3A_2, %add3A_22 : i32
    %dma_start3A_24 = arith.constant 1 : i32
    %dma_start3A_25 = arith.constant 1 : i32
    %dma_start3A_26 = arith.constant 0 : i32
    %dma_start3A_27 = arith.constant 0 : i32
    %dma_start3A_28 = tpu.memref_slice %arg5[%dma_start3A_24, %dma_start3A_26, %dma_start3A_27] : memref<3x2x128xi32, #tpu.memory_space<vmem>> -> memref<1x2x128xi32, #tpu.memory_space<vmem>>
    %dma_start3A_29 = tpu.memref_squeeze %dma_start3A_28 : memref<1x2x128xi32, #tpu.memory_space<vmem>> -> memref<2x128xi32, #tpu.memory_space<vmem>>
    %dma_start3A_30 = arith.constant 0 : i32
    %dma_start3A_31 = tpu.memref_slice %arg2[%add3A_23, %dma_start3A_30] : memref<6400x128xi32, #tpu.memory_space<hbm>> -> memref<2x128xi32, #tpu.memory_space<hbm>>
    %dma_start3A_32 = tpu.memref_slice %arg8[%dma_start3A_25] : memref<3x!tpu.dma_semaphore, #tpu.memory_space<semaphore_mem>> -> memref<1x!tpu.dma_semaphore, #tpu.memory_space<semaphore_mem>>
    %dma_start3A_33 = tpu.memref_squeeze %dma_start3A_32 : memref<1x!tpu.dma_semaphore, #tpu.memory_space<semaphore_mem>> -> memref<!tpu.dma_semaphore, #tpu.memory_space<semaphore_mem>>
    %dma_start3A_34 = arith.constant 0 : i32
    %dma_start3A_35 = arith.constant 0 : i32
    %dma_start3A_36 = tpu.memref_slice %arg5[%dma_start3A_24, %dma_start3A_34, %dma_start3A_35] : memref<3x2x128xi32, #tpu.memory_space<vmem>> -> memref<1x2x128xi32, #tpu.memory_space<vmem>>
    %dma_start3A_37 = tpu.memref_squeeze %dma_start3A_36 : memref<1x2x128xi32, #tpu.memory_space<vmem>> -> memref<2x128xi32, #tpu.memory_space<vmem>>
    %dma_start3A_38 = arith.constant 0 : i32
    %dma_start3A_39 = tpu.memref_slice %arg2[%add3A_23, %dma_start3A_38] : memref<6400x128xi32, #tpu.memory_space<hbm>> -> memref<2x128xi32, #tpu.memory_space<hbm>>
    tpu.enqueue_dma source(%dma_start3A_39 : memref<2x128xi32, #tpu.memory_space<hbm>>) target(%dma_start3A_37 : memref<2x128xi32, #tpu.memory_space<vmem>>) target_semaphore(%dma_start3A_33 : memref<!tpu.dma_semaphore, #tpu.memory_space<semaphore_mem>>)
    %add3A_40 = arith.constant 4 : i32
    %add3A_41 = arith.addi %mul3A_2, %add3A_40 : i32
    %dma_start3A_42 = arith.constant 2 : i32
    %dma_start3A_43 = arith.constant 2 : i32
    %dma_start3A_44 = arith.constant 0 : i32
    %dma_start3A_45 = arith.constant 0 : i32
    %dma_start3A_46 = tpu.memref_slice %arg5[%dma_start3A_42, %dma_start3A_44, %dma_start3A_45] : memref<3x2x128xi32, #tpu.memory_space<vmem>> -> memref<1x2x128xi32, #tpu.memory_space<vmem>>
    %dma_start3A_47 = tpu.memref_squeeze %dma_start3A_46 : memref<1x2x128xi32, #tpu.memory_space<vmem>> -> memref<2x128xi32, #tpu.memory_space<vmem>>
    %dma_start3A_48 = arith.constant 0 : i32
    %dma_start3A_49 = tpu.memref_slice %arg2[%add3A_41, %dma_start3A_48] : memref<6400x128xi32, #tpu.memory_space<hbm>> -> memref<2x128xi32, #tpu.memory_space<hbm>>
    %dma_start3A_50 = tpu.memref_slice %arg8[%dma_start3A_43] : memref<3x!tpu.dma_semaphore, #tpu.memory_space<semaphore_mem>> -> memref<1x!tpu.dma_semaphore, #tpu.memory_space<semaphore_mem>>
    %dma_start3A_51 = tpu.memref_squeeze %dma_start3A_50 : memref<1x!tpu.dma_semaphore, #tpu.memory_space<semaphore_mem>> -> memref<!tpu.dma_semaphore, #tpu.memory_space<semaphore_mem>>
    %dma_start3A_52 = arith.constant 0 : i32
    %dma_start3A_53 = arith.constant 0 : i32
    %dma_start3A_54 = tpu.memref_slice %arg5[%dma_start3A_42, %dma_start3A_52, %dma_start3A_53] : memref<3x2x128xi32, #tpu.memory_space<vmem>> -> memref<1x2x128xi32, #tpu.memory_space<vmem>>
    %dma_start3A_55 = tpu.memref_squeeze %dma_start3A_54 : memref<1x2x128xi32, #tpu.memory_space<vmem>> -> memref<2x128xi32, #tpu.memory_space<vmem>>
    %dma_start3A_56 = arith.constant 0 : i32
    %dma_start3A_57 = tpu.memref_slice %arg2[%add3A_41, %dma_start3A_56] : memref<6400x128xi32, #tpu.memory_space<hbm>> -> memref<2x128xi32, #tpu.memory_space<hbm>>
    tpu.enqueue_dma source(%dma_start3A_57 : memref<2x128xi32, #tpu.memory_space<hbm>>) target(%dma_start3A_55 : memref<2x128xi32, #tpu.memory_space<vmem>>) target_semaphore(%dma_start3A_51 : memref<!tpu.dma_semaphore, #tpu.memory_space<semaphore_mem>>)
    %add3A_58 = arith.constant 0 : i32
    %add3A_59 = arith.addi %mul3A_2, %add3A_58 : i32
    %dma_wait3A = arith.constant 0 : i32
    %dma_wait3A_60 = arith.constant 0 : i32
    %dma_wait3A_61 = arith.constant 0 : i32
    %dma_wait3A_62 = arith.constant 0 : i32
    %dma_wait3A_63 = tpu.memref_slice %arg5[%dma_wait3A, %dma_wait3A_61, %dma_wait3A_62] : memref<3x2x128xi32, #tpu.memory_space<vmem>> -> memref<1x2x128xi32, #tpu.memory_space<vmem>>
    %dma_wait3A_64 = tpu.memref_squeeze %dma_wait3A_63 : memref<1x2x128xi32, #tpu.memory_space<vmem>> -> memref<2x128xi32, #tpu.memory_space<vmem>>
    %dma_wait3A_65 = arith.constant 0 : i32
    %dma_wait3A_66 = tpu.memref_slice %arg2[%add3A_59, %dma_wait3A_65] : memref<6400x128xi32, #tpu.memory_space<hbm>> -> memref<2x128xi32, #tpu.memory_space<hbm>>
    %dma_wait3A_67 = tpu.memref_slice %arg8[%dma_wait3A_60] : memref<3x!tpu.dma_semaphore, #tpu.memory_space<semaphore_mem>> -> memref<1x!tpu.dma_semaphore, #tpu.memory_space<semaphore_mem>>
    %dma_wait3A_68 = tpu.memref_squeeze %dma_wait3A_67 : memref<1x!tpu.dma_semaphore, #tpu.memory_space<semaphore_mem>> -> memref<!tpu.dma_semaphore, #tpu.memory_space<semaphore_mem>>
    %dma_wait3A_69 = arith.constant 0 : i32
    %dma_wait3A_70 = arith.constant 0 : i32
    %dma_wait3A_71 = tpu.memref_slice %arg5[%dma_wait3A, %dma_wait3A_69, %dma_wait3A_70] : memref<3x2x128xi32, #tpu.memory_space<vmem>> -> memref<1x2x128xi32, #tpu.memory_space<vmem>>
    %dma_wait3A_72 = tpu.memref_squeeze %dma_wait3A_71 : memref<1x2x128xi32, #tpu.memory_space<vmem>> -> memref<2x128xi32, #tpu.memory_space<vmem>>
    %dma_wait3A_73 = arith.constant 0 : i32
    %dma_wait3A_74 = tpu.memref_slice %arg2[%add3A_59, %dma_wait3A_73] : memref<6400x128xi32, #tpu.memory_space<hbm>> -> memref<2x128xi32, #tpu.memory_space<hbm>>
    tpu.wait_dma2 semaphore(%dma_wait3A_68 : memref<!tpu.dma_semaphore, #tpu.memory_space<semaphore_mem>>) src(%dma_wait3A_74 : memref<2x128xi32, #tpu.memory_space<hbm>>) dst(%dma_wait3A_72 : memref<2x128xi32, #tpu.memory_space<vmem>>)
    %dma_start3A_75 = arith.constant 0 : i32
    %dma_start3A_76 = arith.constant 0 : i32
    %dma_start3A_77 = arith.constant 0 : i32
    %dma_start3A_78 = arith.constant 0 : i32
    %dma_start3A_79 = arith.constant 0 : i32
    %dma_start3A_80 = arith.constant 0 : i32
    %dma_start3A_81 = tpu.memref_slice %arg6[%dma_start3A_77, %dma_start3A_79, %dma_start3A_80] : memref<3x256x64xf32, #tpu.memory_space<vmem>> -> memref<1x128x64xf32, #tpu.memory_space<vmem>>
    %dma_start3A_82 = tpu.memref_squeeze %dma_start3A_81 : memref<1x128x64xf32, #tpu.memory_space<vmem>> -> memref<128x64xf32, #tpu.memory_space<vmem>>
    %dma_start3A_83 = arith.constant 0 : i32
    %dma_start3A_84 = tpu.memref_slice %arg5[%dma_start3A_75, %dma_start3A_76, %dma_start3A_83] : memref<3x2x128xi32, #tpu.memory_space<vmem>> -> memref<1x1x128xi32, #tpu.memory_space<vmem>>
    %dma_start3A_85 = tpu.memref_squeeze %dma_start3A_84 : memref<1x1x128xi32, #tpu.memory_space<vmem>> -> memref<128xi32, #tpu.memory_space<vmem>>
    %dma_start3A_86 = arith.constant 0 : i32
    %dma_start3A_87 = arith.constant 0 : i32
    %dma_start3A_88 = tpu.memref_slice %arg3[%dma_start3A_86, %dma_start3A_87] : memref<1000000x64xf32, #tpu.memory_space<hbm>> -> memref<1000000x64xf32, #tpu.memory_space<hbm>>
    %dma_start3A_89 = tpu.memref_slice %arg7[%dma_start3A_78] : memref<3x!tpu.dma_semaphore, #tpu.memory_space<semaphore_mem>> -> memref<1x!tpu.dma_semaphore, #tpu.memory_space<semaphore_mem>>
    %dma_start3A_90 = tpu.memref_squeeze %dma_start3A_89 : memref<1x!tpu.dma_semaphore, #tpu.memory_space<semaphore_mem>> -> memref<!tpu.dma_semaphore, #tpu.memory_space<semaphore_mem>>
    tpu.enqueue_indirect_dma source(%dma_start3A_88 : memref<1000000x64xf32, #tpu.memory_space<hbm>>) target(%dma_start3A_82 : memref<128x64xf32, #tpu.memory_space<vmem>>) offsets(%dma_start3A_85 : memref<128xi32, #tpu.memory_space<vmem>>) semaphore(%dma_start3A_90 : memref<!tpu.dma_semaphore, #tpu.memory_space<semaphore_mem>>)
    %dma_start3A_91 = arith.constant 0 : i32
    %dma_start3A_92 = arith.constant 1 : i32
    %dma_start3A_93 = arith.constant 0 : i32
    %dma_start3A_94 = arith.constant 0 : i32
    %dma_start3A_95 = arith.constant 128 : i32
    %dma_start3A_96 = arith.constant 0 : i32
    %dma_start3A_97 = tpu.memref_slice %arg6[%dma_start3A_93, %dma_start3A_95, %dma_start3A_96] : memref<3x256x64xf32, #tpu.memory_space<vmem>> -> memref<1x128x64xf32, #tpu.memory_space<vmem>>
    %dma_start3A_98 = tpu.memref_squeeze %dma_start3A_97 : memref<1x128x64xf32, #tpu.memory_space<vmem>> -> memref<128x64xf32, #tpu.memory_space<vmem>>
    %dma_start3A_99 = arith.constant 0 : i32
    %dma_start3A_100 = tpu.memref_slice %arg5[%dma_start3A_91, %dma_start3A_92, %dma_start3A_99] : memref<3x2x128xi32, #tpu.memory_space<vmem>> -> memref<1x1x128xi32, #tpu.memory_space<vmem>>
    %dma_start3A_101 = tpu.memref_squeeze %dma_start3A_100 : memref<1x1x128xi32, #tpu.memory_space<vmem>> -> memref<128xi32, #tpu.memory_space<vmem>>
    %dma_start3A_102 = arith.constant 0 : i32
    %dma_start3A_103 = arith.constant 0 : i32
    %dma_start3A_104 = tpu.memref_slice %arg3[%dma_start3A_102, %dma_start3A_103] : memref<1000000x64xf32, #tpu.memory_space<hbm>> -> memref<1000000x64xf32, #tpu.memory_space<hbm>>
    %dma_start3A_105 = tpu.memref_slice %arg7[%dma_start3A_94] : memref<3x!tpu.dma_semaphore, #tpu.memory_space<semaphore_mem>> -> memref<1x!tpu.dma_semaphore, #tpu.memory_space<semaphore_mem>>
    %dma_start3A_106 = tpu.memref_squeeze %dma_start3A_105 : memref<1x!tpu.dma_semaphore, #tpu.memory_space<semaphore_mem>> -> memref<!tpu.dma_semaphore, #tpu.memory_space<semaphore_mem>>
    tpu.enqueue_indirect_dma source(%dma_start3A_104 : memref<1000000x64xf32, #tpu.memory_space<hbm>>) target(%dma_start3A_98 : memref<128x64xf32, #tpu.memory_space<vmem>>) offsets(%dma_start3A_101 : memref<128xi32, #tpu.memory_space<vmem>>) semaphore(%dma_start3A_106 : memref<!tpu.dma_semaphore, #tpu.memory_space<semaphore_mem>>)
    %scan3A = arith.constant 0 : i32
    %scan3A_107 = arith.constant 0 : i32
    %scan3A_108 = arith.constant 33 : i32
    %scan3A_109 = arith.addi %scan3A_107, %scan3A_108 : i32
    %scan3A_110 = arith.constant 1 : i32
    scf.for %scan3A_222 = %scan3A_107 to %scan3A_109 step %scan3A_110  : i32 {
      %mul3A_223 = arith.constant 3 : i32
      %mul3A_224 = arith.muli %scan3A_222, %mul3A_223 : i32
      %add3A_225 = arith.constant 0 : i32
      %add3A_226 = arith.addi %mul3A_224, %add3A_225 : i32
      %dma_wait3A_227 = arith.constant 0 : i32
      %dma_wait3A_228 = arith.constant 0 : i32
      %dma_wait3A_229 = arith.constant 0 : i32
      %dma_wait3A_230 = arith.constant 0 : i32
      %dma_wait3A_231 = arith.constant 0 : i32
      %dma_wait3A_232 = arith.constant 0 : i32
      %dma_wait3A_233 = tpu.memref_slice %arg6[%dma_wait3A_229, %dma_wait3A_231, %dma_wait3A_232] : memref<3x256x64xf32, #tpu.memory_space<vmem>> -> memref<1x128x64xf32, #tpu.memory_space<vmem>>
      %dma_wait3A_234 = tpu.memref_squeeze %dma_wait3A_233 : memref<1x128x64xf32, #tpu.memory_space<vmem>> -> memref<128x64xf32, #tpu.memory_space<vmem>>
      %dma_wait3A_235 = arith.constant 0 : i32
      %dma_wait3A_236 = tpu.memref_slice %arg5[%dma_wait3A_227, %dma_wait3A_228, %dma_wait3A_235] : memref<3x2x128xi32, #tpu.memory_space<vmem>> -> memref<1x1x128xi32, #tpu.memory_space<vmem>>
      %dma_wait3A_237 = tpu.memref_squeeze %dma_wait3A_236 : memref<1x1x128xi32, #tpu.memory_space<vmem>> -> memref<128xi32, #tpu.memory_space<vmem>>
      %dma_wait3A_238 = arith.constant 0 : i32
      %dma_wait3A_239 = arith.constant 0 : i32
      %dma_wait3A_240 = tpu.memref_slice %arg3[%dma_wait3A_238, %dma_wait3A_239] : memref<1000000x64xf32, #tpu.memory_space<hbm>> -> memref<1000000x64xf32, #tpu.memory_space<hbm>>
      %dma_wait3A_241 = tpu.memref_slice %arg7[%dma_wait3A_230] : memref<3x!tpu.dma_semaphore, #tpu.memory_space<semaphore_mem>> -> memref<1x!tpu.dma_semaphore, #tpu.memory_space<semaphore_mem>>
      %dma_wait3A_242 = tpu.memref_squeeze %dma_wait3A_241 : memref<1x!tpu.dma_semaphore, #tpu.memory_space<semaphore_mem>> -> memref<!tpu.dma_semaphore, #tpu.memory_space<semaphore_mem>>
      tpu.wait_indirect_dma semaphore(%dma_wait3A_242 : memref<!tpu.dma_semaphore, #tpu.memory_space<semaphore_mem>>) src(%dma_wait3A_240 : memref<1000000x64xf32, #tpu.memory_space<hbm>>) dst(%dma_wait3A_234 : memref<128x64xf32, #tpu.memory_space<vmem>>)
      %dma_wait3A_243 = arith.constant 0 : i32
      %dma_wait3A_244 = arith.constant 1 : i32
      %dma_wait3A_245 = arith.constant 0 : i32
      %dma_wait3A_246 = arith.constant 0 : i32
      %dma_wait3A_247 = arith.constant 128 : i32
      %dma_wait3A_248 = arith.constant 0 : i32
      %dma_wait3A_249 = tpu.memref_slice %arg6[%dma_wait3A_245, %dma_wait3A_247, %dma_wait3A_248] : memref<3x256x64xf32, #tpu.memory_space<vmem>> -> memref<1x128x64xf32, #tpu.memory_space<vmem>>
      %dma_wait3A_250 = tpu.memref_squeeze %dma_wait3A_249 : memref<1x128x64xf32, #tpu.memory_space<vmem>> -> memref<128x64xf32, #tpu.memory_space<vmem>>
      %dma_wait3A_251 = arith.constant 0 : i32
      %dma_wait3A_252 = tpu.memref_slice %arg5[%dma_wait3A_243, %dma_wait3A_244, %dma_wait3A_251] : memref<3x2x128xi32, #tpu.memory_space<vmem>> -> memref<1x1x128xi32, #tpu.memory_space<vmem>>
      %dma_wait3A_253 = tpu.memref_squeeze %dma_wait3A_252 : memref<1x1x128xi32, #tpu.memory_space<vmem>> -> memref<128xi32, #tpu.memory_space<vmem>>
      %dma_wait3A_254 = arith.constant 0 : i32
      %dma_wait3A_255 = arith.constant 0 : i32
      %dma_wait3A_256 = tpu.memref_slice %arg3[%dma_wait3A_254, %dma_wait3A_255] : memref<1000000x64xf32, #tpu.memory_space<hbm>> -> memref<1000000x64xf32, #tpu.memory_space<hbm>>
      %dma_wait3A_257 = tpu.memref_slice %arg7[%dma_wait3A_246] : memref<3x!tpu.dma_semaphore, #tpu.memory_space<semaphore_mem>> -> memref<1x!tpu.dma_semaphore, #tpu.memory_space<semaphore_mem>>
      %dma_wait3A_258 = tpu.memref_squeeze %dma_wait3A_257 : memref<1x!tpu.dma_semaphore, #tpu.memory_space<semaphore_mem>> -> memref<!tpu.dma_semaphore, #tpu.memory_space<semaphore_mem>>
      tpu.wait_indirect_dma semaphore(%dma_wait3A_258 : memref<!tpu.dma_semaphore, #tpu.memory_space<semaphore_mem>>) src(%dma_wait3A_256 : memref<1000000x64xf32, #tpu.memory_space<hbm>>) dst(%dma_wait3A_250 : memref<128x64xf32, #tpu.memory_space<vmem>>)
      %add3A_259 = arith.constant 1 : i32
      %add3A_260 = arith.addi %add3A_226, %add3A_259 : i32
      %mul3A_261 = arith.constant 2 : i32
      %mul3A_262 = arith.muli %add3A_260, %mul3A_261 : i32
      %add3A_263 = arith.addi %mul3A_2, %mul3A_262 : i32
      %dma_wait3A_264 = arith.constant 1 : i32
      %dma_wait3A_265 = arith.constant 1 : i32
      %dma_wait3A_266 = arith.constant 0 : i32
      %dma_wait3A_267 = arith.constant 0 : i32
      %dma_wait3A_268 = tpu.memref_slice %arg5[%dma_wait3A_264, %dma_wait3A_266, %dma_wait3A_267] : memref<3x2x128xi32, #tpu.memory_space<vmem>> -> memref<1x2x128xi32, #tpu.memory_space<vmem>>
      %dma_wait3A_269 = tpu.memref_squeeze %dma_wait3A_268 : memref<1x2x128xi32, #tpu.memory_space<vmem>> -> memref<2x128xi32, #tpu.memory_space<vmem>>
      %dma_wait3A_270 = arith.constant 0 : i32
      %dma_wait3A_271 = tpu.memref_slice %arg2[%add3A_263, %dma_wait3A_270] : memref<6400x128xi32, #tpu.memory_space<hbm>> -> memref<2x128xi32, #tpu.memory_space<hbm>>
      %dma_wait3A_272 = tpu.memref_slice %arg8[%dma_wait3A_265] : memref<3x!tpu.dma_semaphore, #tpu.memory_space<semaphore_mem>> -> memref<1x!tpu.dma_semaphore, #tpu.memory_space<semaphore_mem>>
      %dma_wait3A_273 = tpu.memref_squeeze %dma_wait3A_272 : memref<1x!tpu.dma_semaphore, #tpu.memory_space<semaphore_mem>> -> memref<!tpu.dma_semaphore, #tpu.memory_space<semaphore_mem>>
      %dma_wait3A_274 = arith.constant 0 : i32
      %dma_wait3A_275 = arith.constant 0 : i32
      %dma_wait3A_276 = tpu.memref_slice %arg5[%dma_wait3A_264, %dma_wait3A_274, %dma_wait3A_275] : memref<3x2x128xi32, #tpu.memory_space<vmem>> -> memref<1x2x128xi32, #tpu.memory_space<vmem>>
      %dma_wait3A_277 = tpu.memref_squeeze %dma_wait3A_276 : memref<1x2x128xi32, #tpu.memory_space<vmem>> -> memref<2x128xi32, #tpu.memory_space<vmem>>
      %dma_wait3A_278 = arith.constant 0 : i32
      %dma_wait3A_279 = tpu.memref_slice %arg2[%add3A_263, %dma_wait3A_278] : memref<6400x128xi32, #tpu.memory_space<hbm>> -> memref<2x128xi32, #tpu.memory_space<hbm>>
      tpu.wait_dma2 semaphore(%dma_wait3A_273 : memref<!tpu.dma_semaphore, #tpu.memory_space<semaphore_mem>>) src(%dma_wait3A_279 : memref<2x128xi32, #tpu.memory_space<hbm>>) dst(%dma_wait3A_277 : memref<2x128xi32, #tpu.memory_space<vmem>>)
      %ge3A = arith.constant 2 : i32
      %ge3A_280 = arith.cmpi sge, %add3A_226, %ge3A : i32
      %convert_element_type3A = arith.extui %ge3A_280 : i1 to i32
      %cond3A = arith.constant 0 : i32
      %cond3A_281 = arith.cmpi ne, %convert_element_type3A, %cond3A : i32
      scf.if %cond3A_281 {
        %mul3A_597 = arith.constant 256 : i32
        %mul3A_598 = arith.muli %add3A_226, %mul3A_597 : i32
        %add3A_599 = arith.addi %mul3A_4, %mul3A_598 : i32
        %dma_wait3A_600 = arith.constant 1 : i32
        %dma_wait3A_601 = arith.constant 1 : i32
        %dma_wait3A_602 = arith.constant 0 : i32
        %dma_wait3A_603 = arith.constant 0 : i32
        %dma_wait3A_604 = tpu.memref_slice %arg6[%dma_wait3A_600, %dma_wait3A_602, %dma_wait3A_603] : memref<3x256x64xf32, #tpu.memory_space<vmem>> -> memref<1x256x64xf32, #tpu.memory_space<vmem>>
        %dma_wait3A_605 = tpu.memref_squeeze %dma_wait3A_604 : memref<1x256x64xf32, #tpu.memory_space<vmem>> -> memref<256x64xf32, #tpu.memory_space<vmem>>
        %dma_wait3A_606 = arith.constant 0 : i32
        %dma_wait3A_607 = tpu.memref_slice %arg4[%add3A_599, %dma_wait3A_606] : memref<819200x64xf32, #tpu.memory_space<hbm>> -> memref<256x64xf32, #tpu.memory_space<hbm>>
        %dma_wait3A_608 = tpu.memref_slice %arg9[%dma_wait3A_601] : memref<3x!tpu.dma_semaphore, #tpu.memory_space<semaphore_mem>> -> memref<1x!tpu.dma_semaphore, #tpu.memory_space<semaphore_mem>>
        %dma_wait3A_609 = tpu.memref_squeeze %dma_wait3A_608 : memref<1x!tpu.dma_semaphore, #tpu.memory_space<semaphore_mem>> -> memref<!tpu.dma_semaphore, #tpu.memory_space<semaphore_mem>>
        %dma_wait3A_610 = arith.constant 0 : i32
        %dma_wait3A_611 = tpu.memref_slice %arg4[%add3A_599, %dma_wait3A_610] : memref<819200x64xf32, #tpu.memory_space<hbm>> -> memref<256x64xf32, #tpu.memory_space<hbm>>
        %dma_wait3A_612 = arith.constant 0 : i32
        %dma_wait3A_613 = arith.constant 0 : i32
        %dma_wait3A_614 = tpu.memref_slice %arg6[%dma_wait3A_600, %dma_wait3A_612, %dma_wait3A_613] : memref<3x256x64xf32, #tpu.memory_space<vmem>> -> memref<1x256x64xf32, #tpu.memory_space<vmem>>
        %dma_wait3A_615 = tpu.memref_squeeze %dma_wait3A_614 : memref<1x256x64xf32, #tpu.memory_space<vmem>> -> memref<256x64xf32, #tpu.memory_space<vmem>>
        tpu.wait_dma2 semaphore(%dma_wait3A_609 : memref<!tpu.dma_semaphore, #tpu.memory_space<semaphore_mem>>) src(%dma_wait3A_615 : memref<256x64xf32, #tpu.memory_space<vmem>>) dst(%dma_wait3A_611 : memref<256x64xf32, #tpu.memory_space<hbm>>)
      } else {
      }
      %dma_start3A_282 = arith.constant 1 : i32
      %dma_start3A_283 = arith.constant 0 : i32
      %dma_start3A_284 = arith.constant 1 : i32
      %dma_start3A_285 = arith.constant 1 : i32
      %dma_start3A_286 = arith.constant 0 : i32
      %dma_start3A_287 = arith.constant 0 : i32
      %dma_start3A_288 = tpu.memref_slice %arg6[%dma_start3A_284, %dma_start3A_286, %dma_start3A_287] : memref<3x256x64xf32, #tpu.memory_space<vmem>> -> memref<1x128x64xf32, #tpu.memory_space<vmem>>
      %dma_start3A_289 = tpu.memref_squeeze %dma_start3A_288 : memref<1x128x64xf32, #tpu.memory_space<vmem>> -> memref<128x64xf32, #tpu.memory_space<vmem>>
      %dma_start3A_290 = arith.constant 0 : i32
      %dma_start3A_291 = tpu.memref_slice %arg5[%dma_start3A_282, %dma_start3A_283, %dma_start3A_290] : memref<3x2x128xi32, #tpu.memory_space<vmem>> -> memref<1x1x128xi32, #tpu.memory_space<vmem>>
      %dma_start3A_292 = tpu.memref_squeeze %dma_start3A_291 : memref<1x1x128xi32, #tpu.memory_space<vmem>> -> memref<128xi32, #tpu.memory_space<vmem>>
      %dma_start3A_293 = arith.constant 0 : i32
      %dma_start3A_294 = arith.constant 0 : i32
      %dma_start3A_295 = tpu.memref_slice %arg3[%dma_start3A_293, %dma_start3A_294] : memref<1000000x64xf32, #tpu.memory_space<hbm>> -> memref<1000000x64xf32, #tpu.memory_space<hbm>>
      %dma_start3A_296 = tpu.memref_slice %arg7[%dma_start3A_285] : memref<3x!tpu.dma_semaphore, #tpu.memory_space<semaphore_mem>> -> memref<1x!tpu.dma_semaphore, #tpu.memory_space<semaphore_mem>>
      %dma_start3A_297 = tpu.memref_squeeze %dma_start3A_296 : memref<1x!tpu.dma_semaphore, #tpu.memory_space<semaphore_mem>> -> memref<!tpu.dma_semaphore, #tpu.memory_space<semaphore_mem>>
      tpu.enqueue_indirect_dma source(%dma_start3A_295 : memref<1000000x64xf32, #tpu.memory_space<hbm>>) target(%dma_start3A_289 : memref<128x64xf32, #tpu.memory_space<vmem>>) offsets(%dma_start3A_292 : memref<128xi32, #tpu.memory_space<vmem>>) semaphore(%dma_start3A_297 : memref<!tpu.dma_semaphore, #tpu.memory_space<semaphore_mem>>)
      %dma_start3A_298 = arith.constant 1 : i32
      %dma_start3A_299 = arith.constant 1 : i32
      %dma_start3A_300 = arith.constant 1 : i32
      %dma_start3A_301 = arith.constant 1 : i32
      %dma_start3A_302 = arith.constant 128 : i32
      %dma_start3A_303 = arith.constant 0 : i32
      %dma_start3A_304 = tpu.memref_slice %arg6[%dma_start3A_300, %dma_start3A_302, %dma_start3A_303] : memref<3x256x64xf32, #tpu.memory_space<vmem>> -> memref<1x128x64xf32, #tpu.memory_space<vmem>>
      %dma_start3A_305 = tpu.memref_squeeze %dma_start3A_304 : memref<1x128x64xf32, #tpu.memory_space<vmem>> -> memref<128x64xf32, #tpu.memory_space<vmem>>
      %dma_start3A_306 = arith.constant 0 : i32
      %dma_start3A_307 = tpu.memref_slice %arg5[%dma_start3A_298, %dma_start3A_299, %dma_start3A_306] : memref<3x2x128xi32, #tpu.memory_space<vmem>> -> memref<1x1x128xi32, #tpu.memory_space<vmem>>
      %dma_start3A_308 = tpu.memref_squeeze %dma_start3A_307 : memref<1x1x128xi32, #tpu.memory_space<vmem>> -> memref<128xi32, #tpu.memory_space<vmem>>
      %dma_start3A_309 = arith.constant 0 : i32
      %dma_start3A_310 = arith.constant 0 : i32
      %dma_start3A_311 = tpu.memref_slice %arg3[%dma_start3A_309, %dma_start3A_310] : memref<1000000x64xf32, #tpu.memory_space<hbm>> -> memref<1000000x64xf32, #tpu.memory_space<hbm>>
      %dma_start3A_312 = tpu.memref_slice %arg7[%dma_start3A_301] : memref<3x!tpu.dma_semaphore, #tpu.memory_space<semaphore_mem>> -> memref<1x!tpu.dma_semaphore, #tpu.memory_space<semaphore_mem>>
      %dma_start3A_313 = tpu.memref_squeeze %dma_start3A_312 : memref<1x!tpu.dma_semaphore, #tpu.memory_space<semaphore_mem>> -> memref<!tpu.dma_semaphore, #tpu.memory_space<semaphore_mem>>
      tpu.enqueue_indirect_dma source(%dma_start3A_311 : memref<1000000x64xf32, #tpu.memory_space<hbm>>) target(%dma_start3A_305 : memref<128x64xf32, #tpu.memory_space<vmem>>) offsets(%dma_start3A_308 : memref<128xi32, #tpu.memory_space<vmem>>) semaphore(%dma_start3A_313 : memref<!tpu.dma_semaphore, #tpu.memory_space<semaphore_mem>>)
      %scan3A_314 = arith.constant 0 : i32
      %scan3A_315 = arith.constant 0 : i32
      %scan3A_316 = arith.constant 32 : i32
      %scan3A_317 = arith.addi %scan3A_315, %scan3A_316 : i32
      %scan3A_318 = arith.constant 1 : i32
      scf.for %scan3A_597 = %scan3A_315 to %scan3A_317 step %scan3A_318  : i32 {
        %mul3A_598 = arith.constant 8 : i32
        %mul3A_599 = arith.muli %scan3A_597, %mul3A_598 : i32
        %add3A_600 = arith.constant 0 : i32
        %add3A_601 = arith.addi %mul3A_599, %add3A_600 : i32
        %get3A = arith.constant 0 : i32
        %get3A_602 = arith.index_cast %get3A : i32 to index
        %get3A_603 = arith.index_cast %add3A_601 : i32 to index
        %get3A_604 = arith.constant 0 : index
        %get3A_605 = tpu.vector_load %arg6[%get3A_602, %get3A_603, %get3A_604] {strides = array<i32>} : memref<3x256x64xf32, #tpu.memory_space<vmem>>, vector<1x1x16xf32>,
        %get3A_606 = vector.shape_cast %get3A_605 : vector<1x1x16xf32> to vector<16xf32>
        %mul3A_607 = arith.constant 8.000000e+00 : f32
        %mul3A_608 = vector.broadcast %mul3A_607 : f32 to vector<16xf32>
        %mul3A_609 = arith.mulf %get3A_606, %mul3A_608 : vector<16xf32>
        %add3A_610 = arith.constant 0 : i32
        %add3A_611 = arith.addi %mul3A_599, %add3A_610 : i32
        %swap3A = arith.constant 0 : i32
        %swap3A_612 = arith.index_cast %swap3A : i32 to index
        %swap3A_613 = arith.index_cast %add3A_611 : i32 to index
        %swap3A_614 = arith.constant 0 : index
        %swap3A_615 = tpu.vector_load %arg6[%swap3A_612, %swap3A_613, %swap3A_614] {strides = array<i32>} : memref<3x256x64xf32, #tpu.memory_space<vmem>>, vector<1x1x16xf32>,
        %swap3A_616 = vector.shape_cast %swap3A_615 : vector<1x1x16xf32> to vector<16xf32>
        %swap3A_617 = vector.shape_cast %mul3A_609 : vector<16xf32> to vector<1x1x16xf32>
        tpu.vector_store %arg6[%swap3A_612, %swap3A_613, %swap3A_614], %swap3A_617 {strides = array<i32>} : memref<3x256x64xf32, #tpu.memory_space<vmem>>, vector<1x1x16xf32>,
        %add3A_618 = arith.constant 0 : i32
        %add3A_619 = arith.addi %mul3A_599, %add3A_618 : i32
        %get3A_620 = arith.constant 0 : i32
        %get3A_621 = arith.index_cast %get3A_620 : i32 to index
        %get3A_622 = arith.index_cast %add3A_619 : i32 to index
        %get3A_623 = arith.constant 16 : index
        %get3A_624 = tpu.vector_load %arg6[%get3A_621, %get3A_622, %get3A_623] {strides = array<i32>} : memref<3x256x64xf32, #tpu.memory_space<vmem>>, vector<1x1x16xf32>,
        %get3A_625 = vector.shape_cast %get3A_624 : vector<1x1x16xf32> to vector<16xf32>
        %mul3A_626 = arith.constant 8.000000e+00 : f32
        %mul3A_627 = vector.broadcast %mul3A_626 : f32 to vector<16xf32>
        %mul3A_628 = arith.mulf %get3A_625, %mul3A_627 : vector<16xf32>
        %add3A_629 = arith.constant 0 : i32
        %add3A_630 = arith.addi %mul3A_599, %add3A_629 : i32
        %swap3A_631 = arith.constant 0 : i32
        %swap3A_632 = arith.index_cast %swap3A_631 : i32 to index
        %swap3A_633 = arith.index_cast %add3A_630 : i32 to index
        %swap3A_634 = arith.constant 16 : index
        %swap3A_635 = tpu.vector_load %arg6[%swap3A_632, %swap3A_633, %swap3A_634] {strides = array<i32>} : memref<3x256x64xf32, #tpu.memory_space<vmem>>, vector<1x1x16xf32>,
        %swap3A_636 = vector.shape_cast %swap3A_635 : vector<1x1x16xf32> to vector<16xf32>
        %swap3A_637 = vector.shape_cast %mul3A_628 : vector<16xf32> to vector<1x1x16xf32>
        tpu.vector_store %arg6[%swap3A_632, %swap3A_633, %swap3A_634], %swap3A_637 {strides = array<i32>} : memref<3x256x64xf32, #tpu.memory_space<vmem>>, vector<1x1x16xf32>,
        %add3A_638 = arith.constant 0 : i32
        %add3A_639 = arith.addi %mul3A_599, %add3A_638 : i32
        %get3A_640 = arith.constant 0 : i32
        %get3A_641 = arith.index_cast %get3A_640 : i32 to index
        %get3A_642 = arith.index_cast %add3A_639 : i32 to index
        %get3A_643 = arith.constant 32 : index
        %get3A_644 = tpu.vector_load %arg6[%get3A_641, %get3A_642, %get3A_643] {strides = array<i32>} : memref<3x256x64xf32, #tpu.memory_space<vmem>>, vector<1x1x16xf32>,
        %get3A_645 = vector.shape_cast %get3A_644 : vector<1x1x16xf32> to vector<16xf32>
        %mul3A_646 = arith.constant 8.000000e+00 : f32
        %mul3A_647 = vector.broadcast %mul3A_646 : f32 to vector<16xf32>
        %mul3A_648 = arith.mulf %get3A_645, %mul3A_647 : vector<16xf32>
        %add3A_649 = arith.constant 0 : i32
        %add3A_650 = arith.addi %mul3A_599, %add3A_649 : i32
        %swap3A_651 = arith.constant 0 : i32
        %swap3A_652 = arith.index_cast %swap3A_651 : i32 to index
        %swap3A_653 = arith.index_cast %add3A_650 : i32 to index
        %swap3A_654 = arith.constant 32 : index
        %swap3A_655 = tpu.vector_load %arg6[%swap3A_652, %swap3A_653, %swap3A_654] {strides = array<i32>} : memref<3x256x64xf32, #tpu.memory_space<vmem>>, vector<1x1x16xf32>,
        %swap3A_656 = vector.shape_cast %swap3A_655 : vector<1x1x16xf32> to vector<16xf32>
        %swap3A_657 = vector.shape_cast %mul3A_648 : vector<16xf32> to vector<1x1x16xf32>
        tpu.vector_store %arg6[%swap3A_652, %swap3A_653, %swap3A_654], %swap3A_657 {strides = array<i32>} : memref<3x256x64xf32, #tpu.memory_space<vmem>>, vector<1x1x16xf32>,
        %add3A_658 = arith.constant 0 : i32
        %add3A_659 = arith.addi %mul3A_599, %add3A_658 : i32
        %get3A_660 = arith.constant 0 : i32
        %get3A_661 = arith.index_cast %get3A_660 : i32 to index
        %get3A_662 = arith.index_cast %add3A_659 : i32 to index
        %get3A_663 = arith.constant 48 : index
        %get3A_664 = tpu.vector_load %arg6[%get3A_661, %get3A_662, %get3A_663] {strides = array<i32>} : memref<3x256x64xf32, #tpu.memory_space<vmem>>, vector<1x1x16xf32>,
        %get3A_665 = vector.shape_cast %get3A_664 : vector<1x1x16xf32> to vector<16xf32>
        %mul3A_666 = arith.constant 8.000000e+00 : f32
        %mul3A_667 = vector.broadcast %mul3A_666 : f32 to vector<16xf32>
        %mul3A_668 = arith.mulf %get3A_665, %mul3A_667 : vector<16xf32>
        %add3A_669 = arith.constant 0 : i32
        %add3A_670 = arith.addi %mul3A_599, %add3A_669 : i32
        %swap3A_671 = arith.constant 0 : i32
        %swap3A_672 = arith.index_cast %swap3A_671 : i32 to index
        %swap3A_673 = arith.index_cast %add3A_670 : i32 to index
        %swap3A_674 = arith.constant 48 : index
        %swap3A_675 = tpu.vector_load %arg6[%swap3A_672, %swap3A_673, %swap3A_674] {strides = array<i32>} : memref<3x256x64xf32, #tpu.memory_space<vmem>>, vector<1x1x16xf32>,
        %swap3A_676 = vector.shape_cast %swap3A_675 : vector<1x1x16xf32> to vector<16xf32>
        %swap3A_677 = vector.shape_cast %mul3A_668 : vector<16xf32> to vector<1x1x16xf32>
        tpu.vector_store %arg6[%swap3A_672, %swap3A_673, %swap3A_674], %swap3A_677 {strides = array<i32>} : memref<3x256x64xf32, #tpu.memory_space<vmem>>, vector<1x1x16xf32>,
        %add3A_678 = arith.constant 1 : i32
        %add3A_679 = arith.addi %mul3A_599, %add3A_678 : i32
        %get3A_680 = arith.constant 0 : i32
        %get3A_681 = arith.index_cast %get3A_680 : i32 to index
        %get3A_682 = arith.index_cast %add3A_679 : i32 to index
        %get3A_683 = arith.constant 0 : index
        %get3A_684 = tpu.vector_load %arg6[%get3A_681, %get3A_682, %get3A_683] {strides = array<i32>} : memref<3x256x64xf32, #tpu.memory_space<vmem>>, vector<1x1x16xf32>,
        %get3A_685 = vector.shape_cast %get3A_684 : vector<1x1x16xf32> to vector<16xf32>
        %mul3A_686 = arith.constant 8.000000e+00 : f32
        %mul3A_687 = vector.broadcast %mul3A_686 : f32 to vector<16xf32>
        %mul3A_688 = arith.mulf %get3A_685, %mul3A_687 : vector<16xf32>
        %add3A_689 = arith.constant 1 : i32
        %add3A_690 = arith.addi %mul3A_599, %add3A_689 : i32
        %swap3A_691 = arith.constant 0 : i32
        %swap3A_692 = arith.index_cast %swap3A_691 : i32 to index
        %swap3A_693 = arith.index_cast %add3A_690 : i32 to index
        %swap3A_694 = arith.constant 0 : index
        %swap3A_695 = tpu.vector_load %arg6[%swap3A_692, %swap3A_693, %swap3A_694] {strides = array<i32>} : memref<3x256x64xf32, #tpu.memory_space<vmem>>, vector<1x1x16xf32>,
        %swap3A_696 = vector.shape_cast %swap3A_695 : vector<1x1x16xf32> to vector<16xf32>
        %swap3A_697 = vector.shape_cast %mul3A_688 : vector<16xf32> to vector<1x1x16xf32>
        tpu.vector_store %arg6[%swap3A_692, %swap3A_693, %swap3A_694], %swap3A_697 {strides = array<i32>} : memref<3x256x64xf32, #tpu.memory_space<vmem>>, vector<1x1x16xf32>,
        %add3A_698 = arith.constant 1 : i32
        %add3A_699 = arith.addi %mul3A_599, %add3A_698 : i32
        %get3A_700 = arith.constant 0 : i32
        %get3A_701 = arith.index_cast %get3A_700 : i32 to index
        %get3A_702 = arith.index_cast %add3A_699 : i32 to index
        %get3A_703 = arith.constant 16 : index
        %get3A_704 = tpu.vector_load %arg6[%get3A_701, %get3A_702, %get3A_703] {strides = array<i32>} : memref<3x256x64xf32, #tpu.memory_space<vmem>>, vector<1x1x16xf32>,
        %get3A_705 = vector.shape_cast %get3A_704 : vector<1x1x16xf32> to vector<16xf32>
        %mul3A_706 = arith.constant 8.000000e+00 : f32
        %mul3A_707 = vector.broadcast %mul3A_706 : f32 to vector<16xf32>
        %mul3A_708 = arith.mulf %get3A_705, %mul3A_707 : vector<16xf32>
        %add3A_709 = arith.constant 1 : i32
        %add3A_710 = arith.addi %mul3A_599, %add3A_709 : i32
        %swap3A_711 = arith.constant 0 : i32
        %swap3A_712 = arith.index_cast %swap3A_711 : i32 to index
        %swap3A_713 = arith.index_cast %add3A_710 : i32 to index
        %swap3A_714 = arith.constant 16 : index
        %swap3A_715 = tpu.vector_load %arg6[%swap3A_712, %swap3A_713, %swap3A_714] {strides = array<i32>} : memref<3x256x64xf32, #tpu.memory_space<vmem>>, vector<1x1x16xf32>,
        %swap3A_716 = vector.shape_cast %swap3A_715 : vector<1x1x16xf32> to vector<16xf32>
        %swap3A_717 = vector.shape_cast %mul3A_708 : vector<16xf32> to vector<1x1x16xf32>
        tpu.vector_store %arg6[%swap3A_712, %swap3A_713, %swap3A_714], %swap3A_717 {strides = array<i32>} : memref<3x256x64xf32, #tpu.memory_space<vmem>>, vector<1x1x16xf32>,
        %add3A_718 = arith.constant 1 : i32
        %add3A_719 = arith.addi %mul3A_599, %add3A_718 : i32
        %get3A_720 = arith.constant 0 : i32
        %get3A_721 = arith.index_cast %get3A_720 : i32 to index
        %get3A_722 = arith.index_cast %add3A_719 : i32 to index
        %get3A_723 = arith.constant 32 : index
        %get3A_724 = tpu.vector_load %arg6[%get3A_721, %get3A_722, %get3A_723] {strides = array<i32>} : memref<3x256x64xf32, #tpu.memory_space<vmem>>, vector<1x1x16xf32>,
        %get3A_725 = vector.shape_cast %get3A_724 : vector<1x1x16xf32> to vector<16xf32>
        %mul3A_726 = arith.constant 8.000000e+00 : f32
        %mul3A_727 = vector.broadcast %mul3A_726 : f32 to vector<16xf32>
        %mul3A_728 = arith.mulf %get3A_725, %mul3A_727 : vector<16xf32>
        %add3A_729 = arith.constant 1 : i32
        %add3A_730 = arith.addi %mul3A_599, %add3A_729 : i32
        %swap3A_731 = arith.constant 0 : i32
        %swap3A_732 = arith.index_cast %swap3A_731 : i32 to index
        %swap3A_733 = arith.index_cast %add3A_730 : i32 to index
        %swap3A_734 = arith.constant 32 : index
        %swap3A_735 = tpu.vector_load %arg6[%swap3A_732, %swap3A_733, %swap3A_734] {strides = array<i32>} : memref<3x256x64xf32, #tpu.memory_space<vmem>>, vector<1x1x16xf32>,
        %swap3A_736 = vector.shape_cast %swap3A_735 : vector<1x1x16xf32> to vector<16xf32>
        %swap3A_737 = vector.shape_cast %mul3A_728 : vector<16xf32> to vector<1x1x16xf32>
        tpu.vector_store %arg6[%swap3A_732, %swap3A_733, %swap3A_734], %swap3A_737 {strides = array<i32>} : memref<3x256x64xf32, #tpu.memory_space<vmem>>, vector<1x1x16xf32>,
        %add3A_738 = arith.constant 1 : i32
        %add3A_739 = arith.addi %mul3A_599, %add3A_738 : i32
        %get3A_740 = arith.constant 0 : i32
        %get3A_741 = arith.index_cast %get3A_740 : i32 to index
        %get3A_742 = arith.index_cast %add3A_739 : i32 to index
        %get3A_743 = arith.constant 48 : index
        %get3A_744 = tpu.vector_load %arg6[%get3A_741, %get3A_742, %get3A_743] {strides = array<i32>} : memref<3x256x64xf32, #tpu.memory_space<vmem>>, vector<1x1x16xf32>,
        %get3A_745 = vector.shape_cast %get3A_744 : vector<1x1x16xf32> to vector<16xf32>
        %mul3A_746 = arith.constant 8.000000e+00 : f32
        %mul3A_747 = vector.broadcast %mul3A_746 : f32 to vector<16xf32>
        %mul3A_748 = arith.mulf %get3A_745, %mul3A_747 : vector<16xf32>
        %add3A_749 = arith.constant 1 : i32
        %add3A_750 = arith.addi %mul3A_599, %add3A_749 : i32
        %swap3A_751 = arith.constant 0 : i32
        %swap3A_752 = arith.index_cast %swap3A_751 : i32 to index
        %swap3A_753 = arith.index_cast %add3A_750 : i32 to index
        %swap3A_754 = arith.constant 48 : index
        %swap3A_755 = tpu.vector_load %arg6[%swap3A_752, %swap3A_753, %swap3A_754] {strides = array<i32>} : memref<3x256x64xf32, #tpu.memory_space<vmem>>, vector<1x1x16xf32>,
        %swap3A_756 = vector.shape_cast %swap3A_755 : vector<1x1x16xf32> to vector<16xf32>
        %swap3A_757 = vector.shape_cast %mul3A_748 : vector<16xf32> to vector<1x1x16xf32>
        tpu.vector_store %arg6[%swap3A_752, %swap3A_753, %swap3A_754], %swap3A_757 {strides = array<i32>} : memref<3x256x64xf32, #tpu.memory_space<vmem>>, vector<1x1x16xf32>,
        %add3A_758 = arith.constant 2 : i32
        %add3A_759 = arith.addi %mul3A_599, %add3A_758 : i32
        %get3A_760 = arith.constant 0 : i32
        %get3A_761 = arith.index_cast %get3A_760 : i32 to index
        %get3A_762 = arith.index_cast %add3A_759 : i32 to index
        %get3A_763 = arith.constant 0 : index
        %get3A_764 = tpu.vector_load %arg6[%get3A_761, %get3A_762, %get3A_763] {strides = array<i32>} : memref<3x256x64xf32, #tpu.memory_space<vmem>>, vector<1x1x16xf32>,
        %get3A_765 = vector.shape_cast %get3A_764 : vector<1x1x16xf32> to vector<16xf32>
        %mul3A_766 = arith.constant 8.000000e+00 : f32
        %mul3A_767 = vector.broadcast %mul3A_766 : f32 to vector<16xf32>
        %mul3A_768 = arith.mulf %get3A_765, %mul3A_767 : vector<16xf32>
        %add3A_769 = arith.constant 2 : i32
        %add3A_770 = arith.addi %mul3A_599, %add3A_769 : i32
        %swap3A_771 = arith.constant 0 : i32
        %swap3A_772 = arith.index_cast %swap3A_771 : i32 to index
        %swap3A_773 = arith.index_cast %add3A_770 : i32 to index
        %swap3A_774 = arith.constant 0 : index
        %swap3A_775 = tpu.vector_load %arg6[%swap3A_772, %swap3A_773, %swap3A_774] {strides = array<i32>} : memref<3x256x64xf32, #tpu.memory_space<vmem>>, vector<1x1x16xf32>,
        %swap3A_776 = vector.shape_cast %swap3A_775 : vector<1x1x16xf32> to vector<16xf32>
        %swap3A_777 = vector.shape_cast %mul3A_768 : vector<16xf32> to vector<1x1x16xf32>
        tpu.vector_store %arg6[%swap3A_772, %swap3A_773, %swap3A_774], %swap3A_777 {strides = array<i32>} : memref<3x256x64xf32, #tpu.memory_space<vmem>>, vector<1x1x16xf32>,
        %add3A_778 = arith.constant 2 : i32
        %add3A_779 = arith.addi %mul3A_599, %add3A_778 : i32
        %get3A_780 = arith.constant 0 : i32
        %get3A_781 = arith.index_cast %get3A_780 : i32 to index
        %get3A_782 = arith.index_cast %add3A_779 : i32 to index
        %get3A_783 = arith.constant 16 : index
        %get3A_784 = tpu.vector_load %arg6[%get3A_781, %get3A_782, %get3A_783] {strides = array<i32>} : memref<3x256x64xf32, #tpu.memory_space<vmem>>, vector<1x1x16xf32>,
        %get3A_785 = vector.shape_cast %get3A_784 : vector<1x1x16xf32> to vector<16xf32>
        %mul3A_786 = arith.constant 8.000000e+00 : f32
        %mul3A_787 = vector.broadcast %mul3A_786 : f32 to vector<16xf32>
        %mul3A_788 = arith.mulf %get3A_785, %mul3A_787 : vector<16xf32>
        %add3A_789 = arith.constant 2 : i32
        %add3A_790 = arith.addi %mul3A_599, %add3A_789 : i32
        %swap3A_791 = arith.constant 0 : i32
        %swap3A_792 = arith.index_cast %swap3A_791 : i32 to index
        %swap3A_793 = arith.index_cast %add3A_790 : i32 to index
        %swap3A_794 = arith.constant 16 : index
        %swap3A_795 = tpu.vector_load %arg6[%swap3A_792, %swap3A_793, %swap3A_794] {strides = array<i32>} : memref<3x256x64xf32, #tpu.memory_space<vmem>>, vector<1x1x16xf32>,
        %swap3A_796 = vector.shape_cast %swap3A_795 : vector<1x1x16xf32> to vector<16xf32>
        %swap3A_797 = vector.shape_cast %mul3A_788 : vector<16xf32> to vector<1x1x16xf32>
        tpu.vector_store %arg6[%swap3A_792, %swap3A_793, %swap3A_794], %swap3A_797 {strides = array<i32>} : memref<3x256x64xf32, #tpu.memory_space<vmem>>, vector<1x1x16xf32>,
        %add3A_798 = arith.constant 2 : i32
        %add3A_799 = arith.addi %mul3A_599, %add3A_798 : i32
        %get3A_800 = arith.constant 0 : i32
        %get3A_801 = arith.index_cast %get3A_800 : i32 to index
        %get3A_802 = arith.index_cast %add3A_799 : i32 to index
        %get3A_803 = arith.constant 32 : index
        %get3A_804 = tpu.vector_load %arg6[%get3A_801, %get3A_802, %get3A_803] {strides = array<i32>} : memref<3x256x64xf32, #tpu.memory_space<vmem>>, vector<1x1x16xf32>,
        %get3A_805 = vector.shape_cast %get3A_804 : vector<1x1x16xf32> to vector<16xf32>
        %mul3A_806 = arith.constant 8.000000e+00 : f32
        %mul3A_807 = vector.broadcast %mul3A_806 : f32 to vector<16xf32>
        %mul3A_808 = arith.mulf %get3A_805, %mul3A_807 : vector<16xf32>
        %add3A_809 = arith.constant 2 : i32
        %add3A_810 = arith.addi %mul3A_599, %add3A_809 : i32
        %swap3A_811 = arith.constant 0 : i32
        %swap3A_812 = arith.index_cast %swap3A_811 : i32 to index
        %swap3A_813 = arith.index_cast %add3A_810 : i32 to index
        %swap3A_814 = arith.constant 32 : index
        %swap3A_815 = tpu.vector_load %arg6[%swap3A_812, %swap3A_813, %swap3A_814] {strides = array<i32>} : memref<3x256x64xf32, #tpu.memory_space<vmem>>, vector<1x1x16xf32>,
        %swap3A_816 = vector.shape_cast %swap3A_815 : vector<1x1x16xf32> to vector<16xf32>
        %swap3A_817 = vector.shape_cast %mul3A_808 : vector<16xf32> to vector<1x1x16xf32>
        tpu.vector_store %arg6[%swap3A_812, %swap3A_813, %swap3A_814], %swap3A_817 {strides = array<i32>} : memref<3x256x64xf32, #tpu.memory_space<vmem>>, vector<1x1x16xf32>,
        %add3A_818 = arith.constant 2 : i32
        %add3A_819 = arith.addi %mul3A_599, %add3A_818 : i32
        %get3A_820 = arith.constant 0 : i32
        %get3A_821 = arith.index_cast %get3A_820 : i32 to index
        %get3A_822 = arith.index_cast %add3A_819 : i32 to index
        %get3A_823 = arith.constant 48 : index
        %get3A_824 = tpu.vector_load %arg6[%get3A_821, %get3A_822, %get3A_823] {strides = array<i32>} : memref<3x256x64xf32, #tpu.memory_space<vmem>>, vector<1x1x16xf32>,
        %get3A_825 = vector.shape_cast %get3A_824 : vector<1x1x16xf32> to vector<16xf32>
        %mul3A_826 = arith.constant 8.000000e+00 : f32
        %mul3A_827 = vector.broadcast %mul3A_826 : f32 to vector<16xf32>
        %mul3A_828 = arith.mulf %get3A_825, %mul3A_827 : vector<16xf32>
        %add3A_829 = arith.constant 2 : i32
        %add3A_830 = arith.addi %mul3A_599, %add3A_829 : i32
        %swap3A_831 = arith.constant 0 : i32
        %swap3A_832 = arith.index_cast %swap3A_831 : i32 to index
        %swap3A_833 = arith.index_cast %add3A_830 : i32 to index
        %swap3A_834 = arith.constant 48 : index
        %swap3A_835 = tpu.vector_load %arg6[%swap3A_832, %swap3A_833, %swap3A_834] {strides = array<i32>} : memref<3x256x64xf32, #tpu.memory_space<vmem>>, vector<1x1x16xf32>,
        %swap3A_836 = vector.shape_cast %swap3A_835 : vector<1x1x16xf32> to vector<16xf32>
        %swap3A_837 = vector.shape_cast %mul3A_828 : vector<16xf32> to vector<1x1x16xf32>
        tpu.vector_store %arg6[%swap3A_832, %swap3A_833, %swap3A_834], %swap3A_837 {strides = array<i32>} : memref<3x256x64xf32, #tpu.memory_space<vmem>>, vector<1x1x16xf32>,
        %add3A_838 = arith.constant 3 : i32
        %add3A_839 = arith.addi %mul3A_599, %add3A_838 : i32
        %get3A_840 = arith.constant 0 : i32
        %get3A_841 = arith.index_cast %get3A_840 : i32 to index
        %get3A_842 = arith.index_cast %add3A_839 : i32 to index
        %get3A_843 = arith.constant 0 : index
        %get3A_844 = tpu.vector_load %arg6[%get3A_841, %get3A_842, %get3A_843] {strides = array<i32>} : memref<3x256x64xf32, #tpu.memory_space<vmem>>, vector<1x1x16xf32>,
        %get3A_845 = vector.shape_cast %get3A_844 : vector<1x1x16xf32> to vector<16xf32>
        %mul3A_846 = arith.constant 8.000000e+00 : f32
        %mul3A_847 = vector.broadcast %mul3A_846 : f32 to vector<16xf32>
        %mul3A_848 = arith.mulf %get3A_845, %mul3A_847 : vector<16xf32>
        %add3A_849 = arith.constant 3 : i32
        %add3A_850 = arith.addi %mul3A_599, %add3A_849 : i32
        %swap3A_851 = arith.constant 0 : i32
        %swap3A_852 = arith.index_cast %swap3A_851 : i32 to index
        %swap3A_853 = arith.index_cast %add3A_850 : i32 to index
        %swap3A_854 = arith.constant 0 : index
        %swap3A_855 = tpu.vector_load %arg6[%swap3A_852, %swap3A_853, %swap3A_854] {strides = array<i32>} : memref<3x256x64xf32, #tpu.memory_space<vmem>>, vector<1x1x16xf32>,
        %swap3A_856 = vector.shape_cast %swap3A_855 : vector<1x1x16xf32> to vector<16xf32>
        %swap3A_857 = vector.shape_cast %mul3A_848 : vector<16xf32> to vector<1x1x16xf32>
        tpu.vector_store %arg6[%swap3A_852, %swap3A_853, %swap3A_854], %swap3A_857 {strides = array<i32>} : memref<3x256x64xf32, #tpu.memory_space<vmem>>, vector<1x1x16xf32>,
        %add3A_858 = arith.constant 3 : i32
        %add3A_859 = arith.addi %mul3A_599, %add3A_858 : i32
        %get3A_860 = arith.constant 0 : i32
        %get3A_861 = arith.index_cast %get3A_860 : i32 to index
        %get3A_862 = arith.index_cast %add3A_859 : i32 to index
        %get3A_863 = arith.constant 16 : index
        %get3A_864 = tpu.vector_load %arg6[%get3A_861, %get3A_862, %get3A_863] {strides = array<i32>} : memref<3x256x64xf32, #tpu.memory_space<vmem>>, vector<1x1x16xf32>,
        %get3A_865 = vector.shape_cast %get3A_864 : vector<1x1x16xf32> to vector<16xf32>
        %mul3A_866 = arith.constant 8.000000e+00 : f32
        %mul3A_867 = vector.broadcast %mul3A_866 : f32 to vector<16xf32>
        %mul3A_868 = arith.mulf %get3A_865, %mul3A_867 : vector<16xf32>
        %add3A_869 = arith.constant 3 : i32
        %add3A_870 = arith.addi %mul3A_599, %add3A_869 : i32
        %swap3A_871 = arith.constant 0 : i32
        %swap3A_872 = arith.index_cast %swap3A_871 : i32 to index
        %swap3A_873 = arith.index_cast %add3A_870 : i32 to index
        %swap3A_874 = arith.constant 16 : index
        %swap3A_875 = tpu.vector_load %arg6[%swap3A_872, %swap3A_873, %swap3A_874] {strides = array<i32>} : memref<3x256x64xf32, #tpu.memory_space<vmem>>, vector<1x1x16xf32>,
        %swap3A_876 = vector.shape_cast %swap3A_875 : vector<1x1x16xf32> to vector<16xf32>
        %swap3A_877 = vector.shape_cast %mul3A_868 : vector<16xf32> to vector<1x1x16xf32>
        tpu.vector_store %arg6[%swap3A_872, %swap3A_873, %swap3A_874], %swap3A_877 {strides = array<i32>} : memref<3x256x64xf32, #tpu.memory_space<vmem>>, vector<1x1x16xf32>,
        %add3A_878 = arith.constant 3 : i32
        %add3A_879 = arith.addi %mul3A_599, %add3A_878 : i32
        %get3A_880 = arith.constant 0 : i32
        %get3A_881 = arith.index_cast %get3A_880 : i32 to index
        %get3A_882 = arith.index_cast %add3A_879 : i32 to index
        %get3A_883 = arith.constant 32 : index
        %get3A_884 = tpu.vector_load %arg6[%get3A_881, %get3A_882, %get3A_883] {strides = array<i32>} : memref<3x256x64xf32, #tpu.memory_space<vmem>>, vector<1x1x16xf32>,
        %get3A_885 = vector.shape_cast %get3A_884 : vector<1x1x16xf32> to vector<16xf32>
        %mul3A_886 = arith.constant 8.000000e+00 : f32
        %mul3A_887 = vector.broadcast %mul3A_886 : f32 to vector<16xf32>
        %mul3A_888 = arith.mulf %get3A_885, %mul3A_887 : vector<16xf32>
        %add3A_889 = arith.constant 3 : i32
        %add3A_890 = arith.addi %mul3A_599, %add3A_889 : i32
        %swap3A_891 = arith.constant 0 : i32
        %swap3A_892 = arith.index_cast %swap3A_891 : i32 to index
        %swap3A_893 = arith.index_cast %add3A_890 : i32 to index
        %swap3A_894 = arith.constant 32 : index
        %swap3A_895 = tpu.vector_load %arg6[%swap3A_892, %swap3A_893, %swap3A_894] {strides = array<i32>} : memref<3x256x64xf32, #tpu.memory_space<vmem>>, vector<1x1x16xf32>,
        %swap3A_896 = vector.shape_cast %swap3A_895 : vector<1x1x16xf32> to vector<16xf32>
        %swap3A_897 = vector.shape_cast %mul3A_888 : vector<16xf32> to vector<1x1x16xf32>
        tpu.vector_store %arg6[%swap3A_892, %swap3A_893, %swap3A_894], %swap3A_897 {strides = array<i32>} : memref<3x256x64xf32, #tpu.memory_space<vmem>>, vector<1x1x16xf32>,
        %add3A_898 = arith.constant 3 : i32
        %add3A_899 = arith.addi %mul3A_599, %add3A_898 : i32
        %get3A_900 = arith.constant 0 : i32
        %get3A_901 = arith.index_cast %get3A_900 : i32 to index
        %get3A_902 = arith.index_cast %add3A_899 : i32 to index
        %get3A_903 = arith.constant 48 : index
        %get3A_904 = tpu.vector_load %arg6[%get3A_901, %get3A_902, %get3A_903] {strides = array<i32>} : memref<3x256x64xf32, #tpu.memory_space<vmem>>, vector<1x1x16xf32>,
        %get3A_905 = vector.shape_cast %get3A_904 : vector<1x1x16xf32> to vector<16xf32>
        %mul3A_906 = arith.constant 8.000000e+00 : f32
        %mul3A_907 = vector.broadcast %mul3A_906 : f32 to vector<16xf32>
        %mul3A_908 = arith.mulf %get3A_905, %mul3A_907 : vector<16xf32>
        %add3A_909 = arith.constant 3 : i32
        %add3A_910 = arith.addi %mul3A_599, %add3A_909 : i32
        %swap3A_911 = arith.constant 0 : i32
        %swap3A_912 = arith.index_cast %swap3A_911 : i32 to index
        %swap3A_913 = arith.index_cast %add3A_910 : i32 to index
        %swap3A_914 = arith.constant 48 : index
        %swap3A_915 = tpu.vector_load %arg6[%swap3A_912, %swap3A_913, %swap3A_914] {strides = array<i32>} : memref<3x256x64xf32, #tpu.memory_space<vmem>>, vector<1x1x16xf32>,
        %swap3A_916 = vector.shape_cast %swap3A_915 : vector<1x1x16xf32> to vector<16xf32>
        %swap3A_917 = vector.shape_cast %mul3A_908 : vector<16xf32> to vector<1x1x16xf32>
        tpu.vector_store %arg6[%swap3A_912, %swap3A_913, %swap3A_914], %swap3A_917 {strides = array<i32>} : memref<3x256x64xf32, #tpu.memory_space<vmem>>, vector<1x1x16xf32>,
        %add3A_918 = arith.constant 4 : i32
        %add3A_919 = arith.addi %mul3A_599, %add3A_918 : i32
        %get3A_920 = arith.constant 0 : i32
        %get3A_921 = arith.index_cast %get3A_920 : i32 to index
        %get3A_922 = arith.index_cast %add3A_919 : i32 to index
        %get3A_923 = arith.constant 0 : index
        %get3A_924 = tpu.vector_load %arg6[%get3A_921, %get3A_922, %get3A_923] {strides = array<i32>} : memref<3x256x64xf32, #tpu.memory_space<vmem>>, vector<1x1x16xf32>,
        %get3A_925 = vector.shape_cast %get3A_924 : vector<1x1x16xf32> to vector<16xf32>
        %mul3A_926 = arith.constant 8.000000e+00 : f32
        %mul3A_927 = vector.broadcast %mul3A_926 : f32 to vector<16xf32>
        %mul3A_928 = arith.mulf %get3A_925, %mul3A_927 : vector<16xf32>
        %add3A_929 = arith.constant 4 : i32
        %add3A_930 = arith.addi %mul3A_599, %add3A_929 : i32
        %swap3A_931 = arith.constant 0 : i32
        %swap3A_932 = arith.index_cast %swap3A_931 : i32 to index
        %swap3A_933 = arith.index_cast %add3A_930 : i32 to index
        %swap3A_934 = arith.constant 0 : index
        %swap3A_935 = tpu.vector_load %arg6[%swap3A_932, %swap3A_933, %swap3A_934] {strides = array<i32>} : memref<3x256x64xf32, #tpu.memory_space<vmem>>, vector<1x1x16xf32>,
        %swap3A_936 = vector.shape_cast %swap3A_935 : vector<1x1x16xf32> to vector<16xf32>
        %swap3A_937 = vector.shape_cast %mul3A_928 : vector<16xf32> to vector<1x1x16xf32>
        tpu.vector_store %arg6[%swap3A_932, %swap3A_933, %swap3A_934], %swap3A_937 {strides = array<i32>} : memref<3x256x64xf32, #tpu.memory_space<vmem>>, vector<1x1x16xf32>,
        %add3A_938 = arith.constant 4 : i32
        %add3A_939 = arith.addi %mul3A_599, %add3A_938 : i32
        %get3A_940 = arith.constant 0 : i32
        %get3A_941 = arith.index_cast %get3A_940 : i32 to index
        %get3A_942 = arith.index_cast %add3A_939 : i32 to index
        %get3A_943 = arith.constant 16 : index
        %get3A_944 = tpu.vector_load %arg6[%get3A_941, %get3A_942, %get3A_943] {strides = array<i32>} : memref<3x256x64xf32, #tpu.memory_space<vmem>>, vector<1x1x16xf32>,
        %get3A_945 = vector.shape_cast %get3A_944 : vector<1x1x16xf32> to vector<16xf32>
        %mul3A_946 = arith.constant 8.000000e+00 : f32
        %mul3A_947 = vector.broadcast %mul3A_946 : f32 to vector<16xf32>
        %mul3A_948 = arith.mulf %get3A_945, %mul3A_947 : vector<16xf32>
        %add3A_949 = arith.constant 4 : i32
        %add3A_950 = arith.addi %mul3A_599, %add3A_949 : i32
        %swap3A_951 = arith.constant 0 : i32
        %swap3A_952 = arith.index_cast %swap3A_951 : i32 to index
        %swap3A_953 = arith.index_cast %add3A_950 : i32 to index
        %swap3A_954 = arith.constant 16 : index
        %swap3A_955 = tpu.vector_load %arg6[%swap3A_952, %swap3A_953, %swap3A_954] {strides = array<i32>} : memref<3x256x64xf32, #tpu.memory_space<vmem>>, vector<1x1x16xf32>,
        %swap3A_956 = vector.shape_cast %swap3A_955 : vector<1x1x16xf32> to vector<16xf32>
        %swap3A_957 = vector.shape_cast %mul3A_948 : vector<16xf32> to vector<1x1x16xf32>
        tpu.vector_store %arg6[%swap3A_952, %swap3A_953, %swap3A_954], %swap3A_957 {strides = array<i32>} : memref<3x256x64xf32, #tpu.memory_space<vmem>>, vector<1x1x16xf32>,
        %add3A_958 = arith.constant 4 : i32
        %add3A_959 = arith.addi %mul3A_599, %add3A_958 : i32
        %get3A_960 = arith.constant 0 : i32
        %get3A_961 = arith.index_cast %get3A_960 : i32 to index
        %get3A_962 = arith.index_cast %add3A_959 : i32 to index
        %get3A_963 = arith.constant 32 : index
        %get3A_964 = tpu.vector_load %arg6[%get3A_961, %get3A_962, %get3A_963] {strides = array<i32>} : memref<3x256x64xf32, #tpu.memory_space<vmem>>, vector<1x1x16xf32>,
        %get3A_965 = vector.shape_cast %get3A_964 : vector<1x1x16xf32> to vector<16xf32>
        %mul3A_966 = arith.constant 8.000000e+00 : f32
        %mul3A_967 = vector.broadcast %mul3A_966 : f32 to vector<16xf32>
        %mul3A_968 = arith.mulf %get3A_965, %mul3A_967 : vector<16xf32>
        %add3A_969 = arith.constant 4 : i32
        %add3A_970 = arith.addi %mul3A_599, %add3A_969 : i32
        %swap3A_971 = arith.constant 0 : i32
        %swap3A_972 = arith.index_cast %swap3A_971 : i32 to index
        %swap3A_973 = arith.index_cast %add3A_970 : i32 to index
        %swap3A_974 = arith.constant 32 : index
        %swap3A_975 = tpu.vector_load %arg6[%swap3A_972, %swap3A_973, %swap3A_974] {strides = array<i32>} : memref<3x256x64xf32, #tpu.memory_space<vmem>>, vector<1x1x16xf32>,
        %swap3A_976 = vector.shape_cast %swap3A_975 : vector<1x1x16xf32> to vector<16xf32>
        %swap3A_977 = vector.shape_cast %mul3A_968 : vector<16xf32> to vector<1x1x16xf32>
        tpu.vector_store %arg6[%swap3A_972, %swap3A_973, %swap3A_974], %swap3A_977 {strides = array<i32>} : memref<3x256x64xf32, #tpu.memory_space<vmem>>, vector<1x1x16xf32>,
        %add3A_978 = arith.constant 4 : i32
        %add3A_979 = arith.addi %mul3A_599, %add3A_978 : i32
        %get3A_980 = arith.constant 0 : i32
        %get3A_981 = arith.index_cast %get3A_980 : i32 to index
        %get3A_982 = arith.index_cast %add3A_979 : i32 to index
        %get3A_983 = arith.constant 48 : index
        %get3A_984 = tpu.vector_load %arg6[%get3A_981, %get3A_982, %get3A_983] {strides = array<i32>} : memref<3x256x64xf32, #tpu.memory_space<vmem>>, vector<1x1x16xf32>,
        %get3A_985 = vector.shape_cast %get3A_984 : vector<1x1x16xf32> to vector<16xf32>
        %mul3A_986 = arith.constant 8.000000e+00 : f32
        %mul3A_987 = vector.broadcast %mul3A_986 : f32 to vector<16xf32>
        %mul3A_988 = arith.mulf %get3A_985, %mul3A_987 : vector<16xf32>
        %add3A_989 = arith.constant 4 : i32
        %add3A_990 = arith.addi %mul3A_599, %add3A_989 : i32
        %swap3A_991 = arith.constant 0 : i32
        %swap3A_992 = arith.index_cast %swap3A_991 : i32 to index
        %swap3A_993 = arith.index_cast %add3A_990 : i32 to index
        %swap3A_994 = arith.constant 48 : index
        %swap3A_995 = tpu.vector_load %arg6[%swap3A_992, %swap3A_993, %swap3A_994] {strides = array<i32>} : memref<3x256x64xf32, #tpu.memory_space<vmem>>, vector<1x1x16xf32>,
        %swap3A_996 = vector.shape_cast %swap3A_995 : vector<1x1x16xf32> to vector<16xf32>
        %swap3A_997 = vector.shape_cast %mul3A_988 : vector<16xf32> to vector<1x1x16xf32>
        tpu.vector_store %arg6[%swap3A_992, %swap3A_993, %swap3A_994], %swap3A_997 {strides = array<i32>} : memref<3x256x64xf32, #tpu.memory_space<vmem>>, vector<1x1x16xf32>,
        %add3A_998 = arith.constant 5 : i32
        %add3A_999 = arith.addi %mul3A_599, %add3A_998 : i32
        %get3A_1000 = arith.constant 0 : i32
        %get3A_1001 = arith.index_cast %get3A_1000 : i32 to index
        %get3A_1002 = arith.index_cast %add3A_999 : i32 to index
        %get3A_1003 = arith.constant 0 : index
        %get3A_1004 = tpu.vector_load %arg6[%get3A_1001, %get3A_1002, %get3A_1003] {strides = array<i32>} : memref<3x256x64xf32, #tpu.memory_space<vmem>>, vector<1x1x16xf32>,
        %get3A_1005 = vector.shape_cast %get3A_1004 : vector<1x1x16xf32> to vector<16xf32>
        %mul3A_1006 = arith.constant 8.000000e+00 : f32
        %mul3A_1007 = vector.broadcast %mul3A_1006 : f32 to vector<16xf32>
        %mul3A_1008 = arith.mulf %get3A_1005, %mul3A_1007 : vector<16xf32>
        %add3A_1009 = arith.constant 5 : i32
        %add3A_1010 = arith.addi %mul3A_599, %add3A_1009 : i32
        %swap3A_1011 = arith.constant 0 : i32
        %swap3A_1012 = arith.index_cast %swap3A_1011 : i32 to index
        %swap3A_1013 = arith.index_cast %add3A_1010 : i32 to index
        %swap3A_1014 = arith.constant 0 : index
        %swap3A_1015 = tpu.vector_load %arg6[%swap3A_1012, %swap3A_1013, %swap3A_1014] {strides = array<i32>} : memref<3x256x64xf32, #tpu.memory_space<vmem>>, vector<1x1x16xf32>,
        %swap3A_1016 = vector.shape_cast %swap3A_1015 : vector<1x1x16xf32> to vector<16xf32>
        %swap3A_1017 = vector.shape_cast %mul3A_1008 : vector<16xf32> to vector<1x1x16xf32>
        tpu.vector_store %arg6[%swap3A_1012, %swap3A_1013, %swap3A_1014], %swap3A_1017 {strides = array<i32>} : memref<3x256x64xf32, #tpu.memory_space<vmem>>, vector<1x1x16xf32>,
        %add3A_1018 = arith.constant 5 : i32
        %add3A_1019 = arith.addi %mul3A_599, %add3A_1018 : i32
        %get3A_1020 = arith.constant 0 : i32
        %get3A_1021 = arith.index_cast %get3A_1020 : i32 to index
        %get3A_1022 = arith.index_cast %add3A_1019 : i32 to index
        %get3A_1023 = arith.constant 16 : index
        %get3A_1024 = tpu.vector_load %arg6[%get3A_1021, %get3A_1022, %get3A_1023] {strides = array<i32>} : memref<3x256x64xf32, #tpu.memory_space<vmem>>, vector<1x1x16xf32>,
        %get3A_1025 = vector.shape_cast %get3A_1024 : vector<1x1x16xf32> to vector<16xf32>
        %mul3A_1026 = arith.constant 8.000000e+00 : f32
        %mul3A_1027 = vector.broadcast %mul3A_1026 : f32 to vector<16xf32>
        %mul3A_1028 = arith.mulf %get3A_1025, %mul3A_1027 : vector<16xf32>
        %add3A_1029 = arith.constant 5 : i32
        %add3A_1030 = arith.addi %mul3A_599, %add3A_1029 : i32
        %swap3A_1031 = arith.constant 0 : i32
        %swap3A_1032 = arith.index_cast %swap3A_1031 : i32 to index
        %swap3A_1033 = arith.index_cast %add3A_1030 : i32 to index
        %swap3A_1034 = arith.constant 16 : index
        %swap3A_1035 = tpu.vector_load %arg6[%swap3A_1032, %swap3A_1033, %swap3A_1034] {strides = array<i32>} : memref<3x256x64xf32, #tpu.memory_space<vmem>>, vector<1x1x16xf32>,
        %swap3A_1036 = vector.shape_cast %swap3A_1035 : vector<1x1x16xf32> to vector<16xf32>
        %swap3A_1037 = vector.shape_cast %mul3A_1028 : vector<16xf32> to vector<1x1x16xf32>
        tpu.vector_store %arg6[%swap3A_1032, %swap3A_1033, %swap3A_1034], %swap3A_1037 {strides = array<i32>} : memref<3x256x64xf32, #tpu.memory_space<vmem>>, vector<1x1x16xf32>,
        %add3A_1038 = arith.constant 5 : i32
        %add3A_1039 = arith.addi %mul3A_599, %add3A_1038 : i32
        %get3A_1040 = arith.constant 0 : i32
        %get3A_1041 = arith.index_cast %get3A_1040 : i32 to index
        %get3A_1042 = arith.index_cast %add3A_1039 : i32 to index
        %get3A_1043 = arith.constant 32 : index
        %get3A_1044 = tpu.vector_load %arg6[%get3A_1041, %get3A_1042, %get3A_1043] {strides = array<i32>} : memref<3x256x64xf32, #tpu.memory_space<vmem>>, vector<1x1x16xf32>,
        %get3A_1045 = vector.shape_cast %get3A_1044 : vector<1x1x16xf32> to vector<16xf32>
        %mul3A_1046 = arith.constant 8.000000e+00 : f32
        %mul3A_1047 = vector.broadcast %mul3A_1046 : f32 to vector<16xf32>
        %mul3A_1048 = arith.mulf %get3A_1045, %mul3A_1047 : vector<16xf32>
        %add3A_1049 = arith.constant 5 : i32
        %add3A_1050 = arith.addi %mul3A_599, %add3A_1049 : i32
        %swap3A_1051 = arith.constant 0 : i32
        %swap3A_1052 = arith.index_cast %swap3A_1051 : i32 to index
        %swap3A_1053 = arith.index_cast %add3A_1050 : i32 to index
        %swap3A_1054 = arith.constant 32 : index
        %swap3A_1055 = tpu.vector_load %arg6[%swap3A_1052, %swap3A_1053, %swap3A_1054] {strides = array<i32>} : memref<3x256x64xf32, #tpu.memory_space<vmem>>, vector<1x1x16xf32>,
        %swap3A_1056 = vector.shape_cast %swap3A_1055 : vector<1x1x16xf32> to vector<16xf32>
        %swap3A_1057 = vector.shape_cast %mul3A_1048 : vector<16xf32> to vector<1x1x16xf32>
        tpu.vector_store %arg6[%swap3A_1052, %swap3A_1053, %swap3A_1054], %swap3A_1057 {strides = array<i32>} : memref<3x256x64xf32, #tpu.memory_space<vmem>>, vector<1x1x16xf32>,
        %add3A_1058 = arith.constant 5 : i32
        %add3A_1059 = arith.addi %mul3A_599, %add3A_1058 : i32
        %get3A_1060 = arith.constant 0 : i32
        %get3A_1061 = arith.index_cast %get3A_1060 : i32 to index
        %get3A_1062 = arith.index_cast %add3A_1059 : i32 to index
        %get3A_1063 = arith.constant 48 : index
        %get3A_1064 = tpu.vector_load %arg6[%get3A_1061, %get3A_1062, %get3A_1063] {strides = array<i32>} : memref<3x256x64xf32, #tpu.memory_space<vmem>>, vector<1x1x16xf32>,
        %get3A_1065 = vector.shape_cast %get3A_1064 : vector<1x1x16xf32> to vector<16xf32>
        %mul3A_1066 = arith.constant 8.000000e+00 : f32
        %mul3A_1067 = vector.broadcast %mul3A_1066 : f32 to vector<16xf32>
        %mul3A_1068 = arith.mulf %get3A_1065, %mul3A_1067 : vector<16xf32>
        %add3A_1069 = arith.constant 5 : i32
        %add3A_1070 = arith.addi %mul3A_599, %add3A_1069 : i32
        %swap3A_1071 = arith.constant 0 : i32
        %swap3A_1072 = arith.index_cast %swap3A_1071 : i32 to index
        %swap3A_1073 = arith.index_cast %add3A_1070 : i32 to index
        %swap3A_1074 = arith.constant 48 : index
        %swap3A_1075 = tpu.vector_load %arg6[%swap3A_1072, %swap3A_1073, %swap3A_1074] {strides = array<i32>} : memref<3x256x64xf32, #tpu.memory_space<vmem>>, vector<1x1x16xf32>,
        %swap3A_1076 = vector.shape_cast %swap3A_1075 : vector<1x1x16xf32> to vector<16xf32>
        %swap3A_1077 = vector.shape_cast %mul3A_1068 : vector<16xf32> to vector<1x1x16xf32>
        tpu.vector_store %arg6[%swap3A_1072, %swap3A_1073, %swap3A_1074], %swap3A_1077 {strides = array<i32>} : memref<3x256x64xf32, #tpu.memory_space<vmem>>, vector<1x1x16xf32>,
        %add3A_1078 = arith.constant 6 : i32
        %add3A_1079 = arith.addi %mul3A_599, %add3A_1078 : i32
        %get3A_1080 = arith.constant 0 : i32
        %get3A_1081 = arith.index_cast %get3A_1080 : i32 to index
        %get3A_1082 = arith.index_cast %add3A_1079 : i32 to index
        %get3A_1083 = arith.constant 0 : index
        %get3A_1084 = tpu.vector_load %arg6[%get3A_1081, %get3A_1082, %get3A_1083] {strides = array<i32>} : memref<3x256x64xf32, #tpu.memory_space<vmem>>, vector<1x1x16xf32>,
        %get3A_1085 = vector.shape_cast %get3A_1084 : vector<1x1x16xf32> to vector<16xf32>
        %mul3A_1086 = arith.constant 8.000000e+00 : f32
        %mul3A_1087 = vector.broadcast %mul3A_1086 : f32 to vector<16xf32>
        %mul3A_1088 = arith.mulf %get3A_1085, %mul3A_1087 : vector<16xf32>
        %add3A_1089 = arith.constant 6 : i32
        %add3A_1090 = arith.addi %mul3A_599, %add3A_1089 : i32
        %swap3A_1091 = arith.constant 0 : i32
        %swap3A_1092 = arith.index_cast %swap3A_1091 : i32 to index
        %swap3A_1093 = arith.index_cast %add3A_1090 : i32 to index
        %swap3A_1094 = arith.constant 0 : index
        %swap3A_1095 = tpu.vector_load %arg6[%swap3A_1092, %swap3A_1093, %swap3A_1094] {strides = array<i32>} : memref<3x256x64xf32, #tpu.memory_space<vmem>>, vector<1x1x16xf32>,
        %swap3A_1096 = vector.shape_cast %swap3A_1095 : vector<1x1x16xf32> to vector<16xf32>
        %swap3A_1097 = vector.shape_cast %mul3A_1088 : vector<16xf32> to vector<1x1x16xf32>
        tpu.vector_store %arg6[%swap3A_1092, %swap3A_1093, %swap3A_1094], %swap3A_1097 {strides = array<i32>} : memref<3x256x64xf32, #tpu.memory_space<vmem>>, vector<1x1x16xf32>,
        %add3A_1098 = arith.constant 6 : i32
        %add3A_1099 = arith.addi %mul3A_599, %add3A_1098 : i32
        %get3A_1100 = arith.constant 0 : i32
        %get3A_1101 = arith.index_cast %get3A_1100 : i32 to index
        %get3A_1102 = arith.index_cast %add3A_1099 : i32 to index
        %get3A_1103 = arith.constant 16 : index
        %get3A_1104 = tpu.vector_load %arg6[%get3A_1101, %get3A_1102, %get3A_1103] {strides = array<i32>} : memref<3x256x64xf32, #tpu.memory_space<vmem>>, vector<1x1x16xf32>,
        %get3A_1105 = vector.shape_cast %get3A_1104 : vector<1x1x16xf32> to vector<16xf32>
        %mul3A_1106 = arith.constant 8.000000e+00 : f32
        %mul3A_1107 = vector.broadcast %mul3A_1106 : f32 to vector<16xf32>
        %mul3A_1108 = arith.mulf %get3A_1105, %mul3A_1107 : vector<16xf32>
        %add3A_1109 = arith.constant 6 : i32
        %add3A_1110 = arith.addi %mul3A_599, %add3A_1109 : i32
        %swap3A_1111 = arith.constant 0 : i32
        %swap3A_1112 = arith.index_cast %swap3A_1111 : i32 to index
        %swap3A_1113 = arith.index_cast %add3A_1110 : i32 to index
        %swap3A_1114 = arith.constant 16 : index
        %swap3A_1115 = tpu.vector_load %arg6[%swap3A_1112, %swap3A_1113, %swap3A_1114] {strides = array<i32>} : memref<3x256x64xf32, #tpu.memory_space<vmem>>, vector<1x1x16xf32>,
        %swap3A_1116 = vector.shape_cast %swap3A_1115 : vector<1x1x16xf32> to vector<16xf32>
        %swap3A_1117 = vector.shape_cast %mul3A_1108 : vector<16xf32> to vector<1x1x16xf32>
        tpu.vector_store %arg6[%swap3A_1112, %swap3A_1113, %swap3A_1114], %swap3A_1117 {strides = array<i32>} : memref<3x256x64xf32, #tpu.memory_space<vmem>>, vector<1x1x16xf32>,
        %add3A_1118 = arith.constant 6 : i32
        %add3A_1119 = arith.addi %mul3A_599, %add3A_1118 : i32
        %get3A_1120 = arith.constant 0 : i32
        %get3A_1121 = arith.index_cast %get3A_1120 : i32 to index
        %get3A_1122 = arith.index_cast %add3A_1119 : i32 to index
        %get3A_1123 = arith.constant 32 : index
        %get3A_1124 = tpu.vector_load %arg6[%get3A_1121, %get3A_1122, %get3A_1123] {strides = array<i32>} : memref<3x256x64xf32, #tpu.memory_space<vmem>>, vector<1x1x16xf32>,
        %get3A_1125 = vector.shape_cast %get3A_1124 : vector<1x1x16xf32> to vector<16xf32>
        %mul3A_1126 = arith.constant 8.000000e+00 : f32
        %mul3A_1127 = vector.broadcast %mul3A_1126 : f32 to vector<16xf32>
        %mul3A_1128 = arith.mulf %get3A_1125, %mul3A_1127 : vector<16xf32>
        %add3A_1129 = arith.constant 6 : i32
        %add3A_1130 = arith.addi %mul3A_599, %add3A_1129 : i32
        %swap3A_1131 = arith.constant 0 : i32
        %swap3A_1132 = arith.index_cast %swap3A_1131 : i32 to index
        %swap3A_1133 = arith.index_cast %add3A_1130 : i32 to index
        %swap3A_1134 = arith.constant 32 : index
        %swap3A_1135 = tpu.vector_load %arg6[%swap3A_1132, %swap3A_1133, %swap3A_1134] {strides = array<i32>} : memref<3x256x64xf32, #tpu.memory_space<vmem>>, vector<1x1x16xf32>,
        %swap3A_1136 = vector.shape_cast %swap3A_1135 : vector<1x1x16xf32> to vector<16xf32>
        %swap3A_1137 = vector.shape_cast %mul3A_1128 : vector<16xf32> to vector<1x1x16xf32>
        tpu.vector_store %arg6[%swap3A_1132, %swap3A_1133, %swap3A_1134], %swap3A_1137 {strides = array<i32>} : memref<3x256x64xf32, #tpu.memory_space<vmem>>, vector<1x1x16xf32>,
        %add3A_1138 = arith.constant 6 : i32
        %add3A_1139 = arith.addi %mul3A_599, %add3A_1138 : i32
        %get3A_1140 = arith.constant 0 : i32
        %get3A_1141 = arith.index_cast %get3A_1140 : i32 to index
        %get3A_1142 = arith.index_cast %add3A_1139 : i32 to index
        %get3A_1143 = arith.constant 48 : index
        %get3A_1144 = tpu.vector_load %arg6[%get3A_1141, %get3A_1142, %get3A_1143] {strides = array<i32>} : memref<3x256x64xf32, #tpu.memory_space<vmem>>, vector<1x1x16xf32>,
        %get3A_1145 = vector.shape_cast %get3A_1144 : vector<1x1x16xf32> to vector<16xf32>
        %mul3A_1146 = arith.constant 8.000000e+00 : f32
        %mul3A_1147 = vector.broadcast %mul3A_1146 : f32 to vector<16xf32>
        %mul3A_1148 = arith.mulf %get3A_1145, %mul3A_1147 : vector<16xf32>
        %add3A_1149 = arith.constant 6 : i32
        %add3A_1150 = arith.addi %mul3A_599, %add3A_1149 : i32
        %swap3A_1151 = arith.constant 0 : i32
        %swap3A_1152 = arith.index_cast %swap3A_1151 : i32 to index
        %swap3A_1153 = arith.index_cast %add3A_1150 : i32 to index
        %swap3A_1154 = arith.constant 48 : index
        %swap3A_1155 = tpu.vector_load %arg6[%swap3A_1152, %swap3A_1153, %swap3A_1154] {strides = array<i32>} : memref<3x256x64xf32, #tpu.memory_space<vmem>>, vector<1x1x16xf32>,
        %swap3A_1156 = vector.shape_cast %swap3A_1155 : vector<1x1x16xf32> to vector<16xf32>
        %swap3A_1157 = vector.shape_cast %mul3A_1148 : vector<16xf32> to vector<1x1x16xf32>
        tpu.vector_store %arg6[%swap3A_1152, %swap3A_1153, %swap3A_1154], %swap3A_1157 {strides = array<i32>} : memref<3x256x64xf32, #tpu.memory_space<vmem>>, vector<1x1x16xf32>,
        %add3A_1158 = arith.constant 7 : i32
        %add3A_1159 = arith.addi %mul3A_599, %add3A_1158 : i32
        %get3A_1160 = arith.constant 0 : i32
        %get3A_1161 = arith.index_cast %get3A_1160 : i32 to index
        %get3A_1162 = arith.index_cast %add3A_1159 : i32 to index
        %get3A_1163 = arith.constant 0 : index
        %get3A_1164 = tpu.vector_load %arg6[%get3A_1161, %get3A_1162, %get3A_1163] {strides = array<i32>} : memref<3x256x64xf32, #tpu.memory_space<vmem>>, vector<1x1x16xf32>,
        %get3A_1165 = vector.shape_cast %get3A_1164 : vector<1x1x16xf32> to vector<16xf32>
        %mul3A_1166 = arith.constant 8.000000e+00 : f32
        %mul3A_1167 = vector.broadcast %mul3A_1166 : f32 to vector<16xf32>
        %mul3A_1168 = arith.mulf %get3A_1165, %mul3A_1167 : vector<16xf32>
        %add3A_1169 = arith.constant 7 : i32
        %add3A_1170 = arith.addi %mul3A_599, %add3A_1169 : i32
        %swap3A_1171 = arith.constant 0 : i32
        %swap3A_1172 = arith.index_cast %swap3A_1171 : i32 to index
        %swap3A_1173 = arith.index_cast %add3A_1170 : i32 to index
        %swap3A_1174 = arith.constant 0 : index
        %swap3A_1175 = tpu.vector_load %arg6[%swap3A_1172, %swap3A_1173, %swap3A_1174] {strides = array<i32>} : memref<3x256x64xf32, #tpu.memory_space<vmem>>, vector<1x1x16xf32>,
        %swap3A_1176 = vector.shape_cast %swap3A_1175 : vector<1x1x16xf32> to vector<16xf32>
        %swap3A_1177 = vector.shape_cast %mul3A_1168 : vector<16xf32> to vector<1x1x16xf32>
        tpu.vector_store %arg6[%swap3A_1172, %swap3A_1173, %swap3A_1174], %swap3A_1177 {strides = array<i32>} : memref<3x256x64xf32, #tpu.memory_space<vmem>>, vector<1x1x16xf32>,
        %add3A_1178 = arith.constant 7 : i32
        %add3A_1179 = arith.addi %mul3A_599, %add3A_1178 : i32
        %get3A_1180 = arith.constant 0 : i32
        %get3A_1181 = arith.index_cast %get3A_1180 : i32 to index
        %get3A_1182 = arith.index_cast %add3A_1179 : i32 to index
        %get3A_1183 = arith.constant 16 : index
        %get3A_1184 = tpu.vector_load %arg6[%get3A_1181, %get3A_1182, %get3A_1183] {strides = array<i32>} : memref<3x256x64xf32, #tpu.memory_space<vmem>>, vector<1x1x16xf32>,
        %get3A_1185 = vector.shape_cast %get3A_1184 : vector<1x1x16xf32> to vector<16xf32>
        %mul3A_1186 = arith.constant 8.000000e+00 : f32
        %mul3A_1187 = vector.broadcast %mul3A_1186 : f32 to vector<16xf32>
        %mul3A_1188 = arith.mulf %get3A_1185, %mul3A_1187 : vector<16xf32>
        %add3A_1189 = arith.constant 7 : i32
        %add3A_1190 = arith.addi %mul3A_599, %add3A_1189 : i32
        %swap3A_1191 = arith.constant 0 : i32
        %swap3A_1192 = arith.index_cast %swap3A_1191 : i32 to index
        %swap3A_1193 = arith.index_cast %add3A_1190 : i32 to index
        %swap3A_1194 = arith.constant 16 : index
        %swap3A_1195 = tpu.vector_load %arg6[%swap3A_1192, %swap3A_1193, %swap3A_1194] {strides = array<i32>} : memref<3x256x64xf32, #tpu.memory_space<vmem>>, vector<1x1x16xf32>,
        %swap3A_1196 = vector.shape_cast %swap3A_1195 : vector<1x1x16xf32> to vector<16xf32>
        %swap3A_1197 = vector.shape_cast %mul3A_1188 : vector<16xf32> to vector<1x1x16xf32>
        tpu.vector_store %arg6[%swap3A_1192, %swap3A_1193, %swap3A_1194], %swap3A_1197 {strides = array<i32>} : memref<3x256x64xf32, #tpu.memory_space<vmem>>, vector<1x1x16xf32>,
        %add3A_1198 = arith.constant 7 : i32
        %add3A_1199 = arith.addi %mul3A_599, %add3A_1198 : i32
        %get3A_1200 = arith.constant 0 : i32
        %get3A_1201 = arith.index_cast %get3A_1200 : i32 to index
        %get3A_1202 = arith.index_cast %add3A_1199 : i32 to index
        %get3A_1203 = arith.constant 32 : index
        %get3A_1204 = tpu.vector_load %arg6[%get3A_1201, %get3A_1202, %get3A_1203] {strides = array<i32>} : memref<3x256x64xf32, #tpu.memory_space<vmem>>, vector<1x1x16xf32>,
        %get3A_1205 = vector.shape_cast %get3A_1204 : vector<1x1x16xf32> to vector<16xf32>
        %mul3A_1206 = arith.constant 8.000000e+00 : f32
        %mul3A_1207 = vector.broadcast %mul3A_1206 : f32 to vector<16xf32>
        %mul3A_1208 = arith.mulf %get3A_1205, %mul3A_1207 : vector<16xf32>
        %add3A_1209 = arith.constant 7 : i32
        %add3A_1210 = arith.addi %mul3A_599, %add3A_1209 : i32
        %swap3A_1211 = arith.constant 0 : i32
        %swap3A_1212 = arith.index_cast %swap3A_1211 : i32 to index
        %swap3A_1213 = arith.index_cast %add3A_1210 : i32 to index
        %swap3A_1214 = arith.constant 32 : index
        %swap3A_1215 = tpu.vector_load %arg6[%swap3A_1212, %swap3A_1213, %swap3A_1214] {strides = array<i32>} : memref<3x256x64xf32, #tpu.memory_space<vmem>>, vector<1x1x16xf32>,
        %swap3A_1216 = vector.shape_cast %swap3A_1215 : vector<1x1x16xf32> to vector<16xf32>
        %swap3A_1217 = vector.shape_cast %mul3A_1208 : vector<16xf32> to vector<1x1x16xf32>
        tpu.vector_store %arg6[%swap3A_1212, %swap3A_1213, %swap3A_1214], %swap3A_1217 {strides = array<i32>} : memref<3x256x64xf32, #tpu.memory_space<vmem>>, vector<1x1x16xf32>,
        %add3A_1218 = arith.constant 7 : i32
        %add3A_1219 = arith.addi %mul3A_599, %add3A_1218 : i32
        %get3A_1220 = arith.constant 0 : i32
        %get3A_1221 = arith.index_cast %get3A_1220 : i32 to index
        %get3A_1222 = arith.index_cast %add3A_1219 : i32 to index
        %get3A_1223 = arith.constant 48 : index
        %get3A_1224 = tpu.vector_load %arg6[%get3A_1221, %get3A_1222, %get3A_1223] {strides = array<i32>} : memref<3x256x64xf32, #tpu.memory_space<vmem>>, vector<1x1x16xf32>,
        %get3A_1225 = vector.shape_cast %get3A_1224 : vector<1x1x16xf32> to vector<16xf32>
        %mul3A_1226 = arith.constant 8.000000e+00 : f32
        %mul3A_1227 = vector.broadcast %mul3A_1226 : f32 to vector<16xf32>
        %mul3A_1228 = arith.mulf %get3A_1225, %mul3A_1227 : vector<16xf32>
        %add3A_1229 = arith.constant 7 : i32
        %add3A_1230 = arith.addi %mul3A_599, %add3A_1229 : i32
        %swap3A_1231 = arith.constant 0 : i32
        %swap3A_1232 = arith.index_cast %swap3A_1231 : i32 to index
        %swap3A_1233 = arith.index_cast %add3A_1230 : i32 to index
        %swap3A_1234 = arith.constant 48 : index
        %swap3A_1235 = tpu.vector_load %arg6[%swap3A_1232, %swap3A_1233, %swap3A_1234] {strides = array<i32>} : memref<3x256x64xf32, #tpu.memory_space<vmem>>, vector<1x1x16xf32>,
        %swap3A_1236 = vector.shape_cast %swap3A_1235 : vector<1x1x16xf32> to vector<16xf32>
        %swap3A_1237 = vector.shape_cast %mul3A_1228 : vector<16xf32> to vector<1x1x16xf32>
        tpu.vector_store %arg6[%swap3A_1232, %swap3A_1233, %swap3A_1234], %swap3A_1237 {strides = array<i32>} : memref<3x256x64xf32, #tpu.memory_space<vmem>>, vector<1x1x16xf32>,
      }
      %scan3A_319 = arith.constant 32 : i32
      %mul3A_320 = arith.constant 256 : i32
      %mul3A_321 = arith.muli %add3A_226, %mul3A_320 : i32
      %add3A_322 = arith.addi %mul3A_4, %mul3A_321 : i32
      %dma_start3A_323 = arith.constant 0 : i32
      %dma_start3A_324 = arith.constant 0 : i32
      %dma_start3A_325 = arith.constant 0 : i32
      %dma_start3A_326 = arith.constant 0 : i32
      %dma_start3A_327 = tpu.memref_slice %arg6[%dma_start3A_323, %dma_start3A_325, %dma_start3A_326] : memref<3x256x64xf32, #tpu.memory_space<vmem>> -> memref<1x256x64xf32, #tpu.memory_space<vmem>>
      %dma_start3A_328 = tpu.memref_squeeze %dma_start3A_327 : memref<1x256x64xf32, #tpu.memory_space<vmem>> -> memref<256x64xf32, #tpu.memory_space<vmem>>
      %dma_start3A_329 = arith.constant 0 : i32
      %dma_start3A_330 = tpu.memref_slice %arg4[%add3A_322, %dma_start3A_329] : memref<819200x64xf32, #tpu.memory_space<hbm>> -> memref<256x64xf32, #tpu.memory_space<hbm>>
      %dma_start3A_331 = tpu.memref_slice %arg9[%dma_start3A_324] : memref<3x!tpu.dma_semaphore, #tpu.memory_space<semaphore_mem>> -> memref<1x!tpu.dma_semaphore, #tpu.memory_space<semaphore_mem>>
      %dma_start3A_332 = tpu.memref_squeeze %dma_start3A_331 : memref<1x!tpu.dma_semaphore, #tpu.memory_space<semaphore_mem>> -> memref<!tpu.dma_semaphore, #tpu.memory_space<semaphore_mem>>
      %dma_start3A_333 = arith.constant 0 : i32
      %dma_start3A_334 = tpu.memref_slice %arg4[%add3A_322, %dma_start3A_333] : memref<819200x64xf32, #tpu.memory_space<hbm>> -> memref<256x64xf32, #tpu.memory_space<hbm>>
      %dma_start3A_335 = arith.constant 0 : i32
      %dma_start3A_336 = arith.constant 0 : i32
      %dma_start3A_337 = tpu.memref_slice %arg6[%dma_start3A_323, %dma_start3A_335, %dma_start3A_336] : memref<3x256x64xf32, #tpu.memory_space<vmem>> -> memref<1x256x64xf32, #tpu.memory_space<vmem>>
      %dma_start3A_338 = tpu.memref_squeeze %dma_start3A_337 : memref<1x256x64xf32, #tpu.memory_space<vmem>> -> memref<256x64xf32, #tpu.memory_space<vmem>>
      tpu.enqueue_dma source(%dma_start3A_338 : memref<256x64xf32, #tpu.memory_space<vmem>>) target(%dma_start3A_334 : memref<256x64xf32, #tpu.memory_space<hbm>>) target_semaphore(%dma_start3A_332 : memref<!tpu.dma_semaphore, #tpu.memory_space<semaphore_mem>>)
      %add3A_339 = arith.constant 3 : i32
      %add3A_340 = arith.addi %add3A_226, %add3A_339 : i32
      %lt3A = arith.constant 100 : i32
      %lt3A_341 = arith.cmpi slt, %add3A_340, %lt3A : i32
      %convert_element_type3A_342 = arith.extui %lt3A_341 : i1 to i32
      %cond3A_343 = arith.constant 0 : i32
      %cond3A_344 = arith.cmpi ne, %convert_element_type3A_342, %cond3A_343 : i32
      scf.if %cond3A_344 {
        %add3A_597 = arith.constant 3 : i32
        %add3A_598 = arith.addi %add3A_226, %add3A_597 : i32
        %mul3A_599 = arith.constant 2 : i32
        %mul3A_600 = arith.muli %add3A_598, %mul3A_599 : i32
        %add3A_601 = arith.addi %mul3A_2, %mul3A_600 : i32
        %dma_start3A_602 = arith.constant 0 : i32
        %dma_start3A_603 = arith.constant 0 : i32
        %dma_start3A_604 = arith.constant 0 : i32
        %dma_start3A_605 = arith.constant 0 : i32
        %dma_start3A_606 = tpu.memref_slice %arg5[%dma_start3A_602, %dma_start3A_604, %dma_start3A_605] : memref<3x2x128xi32, #tpu.memory_space<vmem>> -> memref<1x2x128xi32, #tpu.memory_space<vmem>>
        %dma_start3A_607 = tpu.memref_squeeze %dma_start3A_606 : memref<1x2x128xi32, #tpu.memory_space<vmem>> -> memref<2x128xi32, #tpu.memory_space<vmem>>
        %dma_start3A_608 = arith.constant 0 : i32
        %dma_start3A_609 = tpu.memref_slice %arg2[%add3A_601, %dma_start3A_608] : memref<6400x128xi32, #tpu.memory_space<hbm>> -> memref<2x128xi32, #tpu.memory_space<hbm>>
        %dma_start3A_610 = tpu.memref_slice %arg8[%dma_start3A_603] : memref<3x!tpu.dma_semaphore, #tpu.memory_space<semaphore_mem>> -> memref<1x!tpu.dma_semaphore, #tpu.memory_space<semaphore_mem>>
        %dma_start3A_611 = tpu.memref_squeeze %dma_start3A_610 : memref<1x!tpu.dma_semaphore, #tpu.memory_space<semaphore_mem>> -> memref<!tpu.dma_semaphore, #tpu.memory_space<semaphore_mem>>
        %dma_start3A_612 = arith.constant 0 : i32
        %dma_start3A_613 = arith.constant 0 : i32
        %dma_start3A_614 = tpu.memref_slice %arg5[%dma_start3A_602, %dma_start3A_612, %dma_start3A_613] : memref<3x2x128xi32, #tpu.memory_space<vmem>> -> memref<1x2x128xi32, #tpu.memory_space<vmem>>
        %dma_start3A_615 = tpu.memref_squeeze %dma_start3A_614 : memref<1x2x128xi32, #tpu.memory_space<vmem>> -> memref<2x128xi32, #tpu.memory_space<vmem>>
        %dma_start3A_616 = arith.constant 0 : i32
        %dma_start3A_617 = tpu.memref_slice %arg2[%add3A_601, %dma_start3A_616] : memref<6400x128xi32, #tpu.memory_space<hbm>> -> memref<2x128xi32, #tpu.memory_space<hbm>>
        tpu.enqueue_dma source(%dma_start3A_617 : memref<2x128xi32, #tpu.memory_space<hbm>>) target(%dma_start3A_615 : memref<2x128xi32, #tpu.memory_space<vmem>>) target_semaphore(%dma_start3A_611 : memref<!tpu.dma_semaphore, #tpu.memory_space<semaphore_mem>>)
      } else {
      }
      %mul3A_345 = arith.constant 3 : i32
      %mul3A_346 = arith.muli %scan3A_222, %mul3A_345 : i32
      %add3A_347 = arith.constant 1 : i32
      %add3A_348 = arith.addi %mul3A_346, %add3A_347 : i32
      %dma_wait3A_349 = arith.constant 1 : i32
      %dma_wait3A_350 = arith.constant 0 : i32
      %dma_wait3A_351 = arith.constant 1 : i32
      %dma_wait3A_352 = arith.constant 1 : i32
      %dma_wait3A_353 = arith.constant 0 : i32
      %dma_wait3A_354 = arith.constant 0 : i32
      %dma_wait3A_355 = tpu.memref_slice %arg6[%dma_wait3A_351, %dma_wait3A_353, %dma_wait3A_354] : memref<3x256x64xf32, #tpu.memory_space<vmem>> -> memref<1x128x64xf32, #tpu.memory_space<vmem>>
      %dma_wait3A_356 = tpu.memref_squeeze %dma_wait3A_355 : memref<1x128x64xf32, #tpu.memory_space<vmem>> -> memref<128x64xf32, #tpu.memory_space<vmem>>
      %dma_wait3A_357 = arith.constant 0 : i32
      %dma_wait3A_358 = tpu.memref_slice %arg5[%dma_wait3A_349, %dma_wait3A_350, %dma_wait3A_357] : memref<3x2x128xi32, #tpu.memory_space<vmem>> -> memref<1x1x128xi32, #tpu.memory_space<vmem>>
      %dma_wait3A_359 = tpu.memref_squeeze %dma_wait3A_358 : memref<1x1x128xi32, #tpu.memory_space<vmem>> -> memref<128xi32, #tpu.memory_space<vmem>>
      %dma_wait3A_360 = arith.constant 0 : i32
      %dma_wait3A_361 = arith.constant 0 : i32
      %dma_wait3A_362 = tpu.memref_slice %arg3[%dma_wait3A_360, %dma_wait3A_361] : memref<1000000x64xf32, #tpu.memory_space<hbm>> -> memref<1000000x64xf32, #tpu.memory_space<hbm>>
      %dma_wait3A_363 = tpu.memref_slice %arg7[%dma_wait3A_352] : memref<3x!tpu.dma_semaphore, #tpu.memory_space<semaphore_mem>> -> memref<1x!tpu.dma_semaphore, #tpu.memory_space<semaphore_mem>>
      %dma_wait3A_364 = tpu.memref_squeeze %dma_wait3A_363 : memref<1x!tpu.dma_semaphore, #tpu.memory_space<semaphore_mem>> -> memref<!tpu.dma_semaphore, #tpu.memory_space<semaphore_mem>>
      tpu.wait_indirect_dma semaphore(%dma_wait3A_364 : memref<!tpu.dma_semaphore, #tpu.memory_space<semaphore_mem>>) src(%dma_wait3A_362 : memref<1000000x64xf32, #tpu.memory_space<hbm>>) dst(%dma_wait3A_356 : memref<128x64xf32, #tpu.memory_space<vmem>>)
      %dma_wait3A_365 = arith.constant 1 : i32
      %dma_wait3A_366 = arith.constant 1 : i32
      %dma_wait3A_367 = arith.constant 1 : i32
      %dma_wait3A_368 = arith.constant 1 : i32
      %dma_wait3A_369 = arith.constant 128 : i32
      %dma_wait3A_370 = arith.constant 0 : i32
      %dma_wait3A_371 = tpu.memref_slice %arg6[%dma_wait3A_367, %dma_wait3A_369, %dma_wait3A_370] : memref<3x256x64xf32, #tpu.memory_space<vmem>> -> memref<1x128x64xf32, #tpu.memory_space<vmem>>
      %dma_wait3A_372 = tpu.memref_squeeze %dma_wait3A_371 : memref<1x128x64xf32, #tpu.memory_space<vmem>> -> memref<128x64xf32, #tpu.memory_space<vmem>>
      %dma_wait3A_373 = arith.constant 0 : i32
      %dma_wait3A_374 = tpu.memref_slice %arg5[%dma_wait3A_365, %dma_wait3A_366, %dma_wait3A_373] : memref<3x2x128xi32, #tpu.memory_space<vmem>> -> memref<1x1x128xi32, #tpu.memory_space<vmem>>
      %dma_wait3A_375 = tpu.memref_squeeze %dma_wait3A_374 : memref<1x1x128xi32, #tpu.memory_space<vmem>> -> memref<128xi32, #tpu.memory_space<vmem>>
      %dma_wait3A_376 = arith.constant 0 : i32
      %dma_wait3A_377 = arith.constant 0 : i32
      %dma_wait3A_378 = tpu.memref_slice %arg3[%dma_wait3A_376, %dma_wait3A_377] : memref<1000000x64xf32, #tpu.memory_space<hbm>> -> memref<1000000x64xf32, #tpu.memory_space<hbm>>
      %dma_wait3A_379 = tpu.memref_slice %arg7[%dma_wait3A_368] : memref<3x!tpu.dma_semaphore, #tpu.memory_space<semaphore_mem>> -> memref<1x!tpu.dma_semaphore, #tpu.memory_space<semaphore_mem>>
      %dma_wait3A_380 = tpu.memref_squeeze %dma_wait3A_379 : memref<1x!tpu.dma_semaphore, #tpu.memory_space<semaphore_mem>> -> memref<!tpu.dma_semaphore, #tpu.memory_space<semaphore_mem>>
      tpu.wait_indirect_dma semaphore(%dma_wait3A_380 : memref<!tpu.dma_semaphore, #tpu.memory_space<semaphore_mem>>) src(%dma_wait3A_378 : memref<1000000x64xf32, #tpu.memory_space<hbm>>) dst(%dma_wait3A_372 : memref<128x64xf32, #tpu.memory_space<vmem>>)
      %add3A_381 = arith.constant 1 : i32
      %add3A_382 = arith.addi %add3A_348, %add3A_381 : i32
      %mul3A_383 = arith.constant 2 : i32
      %mul3A_384 = arith.muli %add3A_382, %mul3A_383 : i32
      %add3A_385 = arith.addi %mul3A_2, %mul3A_384 : i32
      %dma_wait3A_386 = arith.constant 2 : i32
      %dma_wait3A_387 = arith.constant 2 : i32
      %dma_wait3A_388 = arith.constant 0 : i32
      %dma_wait3A_389 = arith.constant 0 : i32
      %dma_wait3A_390 = tpu.memref_slice %arg5[%dma_wait3A_386, %dma_wait3A_388, %dma_wait3A_389] : memref<3x2x128xi32, #tpu.memory_space<vmem>> -> memref<1x2x128xi32, #tpu.memory_space<vmem>>
      %dma_wait3A_391 = tpu.memref_squeeze %dma_wait3A_390 : memref<1x2x128xi32, #tpu.memory_space<vmem>> -> memref<2x128xi32, #tpu.memory_space<vmem>>
      %dma_wait3A_392 = arith.constant 0 : i32
      %dma_wait3A_393 = tpu.memref_slice %arg2[%add3A_385, %dma_wait3A_392] : memref<6400x128xi32, #tpu.memory_space<hbm>> -> memref<2x128xi32, #tpu.memory_space<hbm>>
      %dma_wait3A_394 = tpu.memref_slice %arg8[%dma_wait3A_387] : memref<3x!tpu.dma_semaphore, #tpu.memory_space<semaphore_mem>> -> memref<1x!tpu.dma_semaphore, #tpu.memory_space<semaphore_mem>>
      %dma_wait3A_395 = tpu.memref_squeeze %dma_wait3A_394 : memref<1x!tpu.dma_semaphore, #tpu.memory_space<semaphore_mem>> -> memref<!tpu.dma_semaphore, #tpu.memory_space<semaphore_mem>>
      %dma_wait3A_396 = arith.constant 0 : i32
      %dma_wait3A_397 = arith.constant 0 : i32
      %dma_wait3A_398 = tpu.memref_slice %arg5[%dma_wait3A_386, %dma_wait3A_396, %dma_wait3A_397] : memref<3x2x128xi32, #tpu.memory_space<vmem>> -> memref<1x2x128xi32, #tpu.memory_space<vmem>>
      %dma_wait3A_399 = tpu.memref_squeeze %dma_wait3A_398 : memref<1x2x128xi32, #tpu.memory_space<vmem>> -> memref<2x128xi32, #tpu.memory_space<vmem>>
      %dma_wait3A_400 = arith.constant 0 : i32
      %dma_wait3A_401 = tpu.memref_slice %arg2[%add3A_385, %dma_wait3A_400] : memref<6400x128xi32, #tpu.memory_space<hbm>> -> memref<2x128xi32, #tpu.memory_space<hbm>>
      tpu.wait_dma2 semaphore(%dma_wait3A_395 : memref<!tpu.dma_semaphore, #tpu.memory_space<semaphore_mem>>) src(%dma_wait3A_401 : memref<2x128xi32, #tpu.memory_space<hbm>>) dst(%dma_wait3A_399 : memref<2x128xi32, #tpu.memory_space<vmem>>)
      %ge3A_402 = arith.constant 2 : i32
      %ge3A_403 = arith.cmpi sge, %add3A_348, %ge3A_402 : i32
      %convert_element_type3A_404 = arith.extui %ge3A_403 : i1 to i32
      %cond3A_405 = arith.constant 0 : i32
      %cond3A_406 = arith.cmpi ne, %convert_element_type3A_404, %cond3A_405 : i32
      scf.if %cond3A_406 {
        %mul3A_597 = arith.constant 256 : i32
        %mul3A_598 = arith.muli %add3A_348, %mul3A_597 : i32
        %add3A_599 = arith.addi %mul3A_4, %mul3A_598 : i32
        %dma_wait3A_600 = arith.constant 2 : i32
        %dma_wait3A_601 = arith.constant 2 : i32
        %dma_wait3A_602 = arith.constant 0 : i32
        %dma_wait3A_603 = arith.constant 0 : i32
        %dma_wait3A_604 = tpu.memref_slice %arg6[%dma_wait3A_600, %dma_wait3A_602, %dma_wait3A_603] : memref<3x256x64xf32, #tpu.memory_space<vmem>> -> memref<1x256x64xf32, #tpu.memory_space<vmem>>
        %dma_wait3A_605 = tpu.memref_squeeze %dma_wait3A_604 : memref<1x256x64xf32, #tpu.memory_space<vmem>> -> memref<256x64xf32, #tpu.memory_space<vmem>>
        %dma_wait3A_606 = arith.constant 0 : i32
        %dma_wait3A_607 = tpu.memref_slice %arg4[%add3A_599, %dma_wait3A_606] : memref<819200x64xf32, #tpu.memory_space<hbm>> -> memref<256x64xf32, #tpu.memory_space<hbm>>
        %dma_wait3A_608 = tpu.memref_slice %arg9[%dma_wait3A_601] : memref<3x!tpu.dma_semaphore, #tpu.memory_space<semaphore_mem>> -> memref<1x!tpu.dma_semaphore, #tpu.memory_space<semaphore_mem>>
        %dma_wait3A_609 = tpu.memref_squeeze %dma_wait3A_608 : memref<1x!tpu.dma_semaphore, #tpu.memory_space<semaphore_mem>> -> memref<!tpu.dma_semaphore, #tpu.memory_space<semaphore_mem>>
        %dma_wait3A_610 = arith.constant 0 : i32
        %dma_wait3A_611 = tpu.memref_slice %arg4[%add3A_599, %dma_wait3A_610] : memref<819200x64xf32, #tpu.memory_space<hbm>> -> memref<256x64xf32, #tpu.memory_space<hbm>>
        %dma_wait3A_612 = arith.constant 0 : i32
        %dma_wait3A_613 = arith.constant 0 : i32
        %dma_wait3A_614 = tpu.memref_slice %arg6[%dma_wait3A_600, %dma_wait3A_612, %dma_wait3A_613] : memref<3x256x64xf32, #tpu.memory_space<vmem>> -> memref<1x256x64xf32, #tpu.memory_space<vmem>>
        %dma_wait3A_615 = tpu.memref_squeeze %dma_wait3A_614 : memref<1x256x64xf32, #tpu.memory_space<vmem>> -> memref<256x64xf32, #tpu.memory_space<vmem>>
        tpu.wait_dma2 semaphore(%dma_wait3A_609 : memref<!tpu.dma_semaphore, #tpu.memory_space<semaphore_mem>>) src(%dma_wait3A_615 : memref<256x64xf32, #tpu.memory_space<vmem>>) dst(%dma_wait3A_611 : memref<256x64xf32, #tpu.memory_space<hbm>>)
      } else {
      }
      %dma_start3A_407 = arith.constant 2 : i32
      %dma_start3A_408 = arith.constant 0 : i32
      %dma_start3A_409 = arith.constant 2 : i32
      %dma_start3A_410 = arith.constant 2 : i32
      %dma_start3A_411 = arith.constant 0 : i32
      %dma_start3A_412 = arith.constant 0 : i32
      %dma_start3A_413 = tpu.memref_slice %arg6[%dma_start3A_409, %dma_start3A_411, %dma_start3A_412] : memref<3x256x64xf32, #tpu.memory_space<vmem>> -> memref<1x128x64xf32, #tpu.memory_space<vmem>>
      %dma_start3A_414 = tpu.memref_squeeze %dma_start3A_413 : memref<1x128x64xf32, #tpu.memory_space<vmem>> -> memref<128x64xf32, #tpu.memory_space<vmem>>
      %dma_start3A_415 = arith.constant 0 : i32
      %dma_start3A_416 = tpu.memref_slice %arg5[%dma_start3A_407, %dma_start3A_408, %dma_start3A_415] : memref<3x2x128xi32, #tpu.memory_space<vmem>> -> memref<1x1x128xi32, #tpu.memory_space<vmem>>
      %dma_start3A_417 = tpu.memref_squeeze %dma_start3A_416 : memref<1x1x128xi32, #tpu.memory_space<vmem>> -> memref<128xi32, #tpu.memory_space<vmem>>
      %dma_start3A_418 = arith.constant 0 : i32
      %dma_start3A_419 = arith.constant 0 : i32
      %dma_start3A_420 = tpu.memref_slice %arg3[%dma_start3A_418, %dma_start3A_419] : memref<1000000x64xf32, #tpu.memory_space<hbm>> -> memref<1000000x64xf32, #tpu.memory_space<hbm>>
      %dma_start3A_421 = tpu.memref_slice %arg7[%dma_start3A_410] : memref<3x!tpu.dma_semaphore, #tpu.memory_space<semaphore_mem>> -> memref<1x!tpu.dma_semaphore, #tpu.memory_space<semaphore_mem>>
      %dma_start3A_422 = tpu.memref_squeeze %dma_start3A_421 : memref<1x!tpu.dma_semaphore, #tpu.memory_space<semaphore_mem>> -> memref<!tpu.dma_semaphore, #tpu.memory_space<semaphore_mem>>
      tpu.enqueue_indirect_dma source(%dma_start3A_420 : memref<1000000x64xf32, #tpu.memory_space<hbm>>) target(%dma_start3A_414 : memref<128x64xf32, #tpu.memory_space<vmem>>) offsets(%dma_start3A_417 : memref<128xi32, #tpu.memory_space<vmem>>) semaphore(%dma_start3A_422 : memref<!tpu.dma_semaphore, #tpu.memory_space<semaphore_mem>>)
      %dma_start3A_423 = arith.constant 2 : i32
      %dma_start3A_424 = arith.constant 1 : i32
      %dma_start3A_425 = arith.constant 2 : i32
      %dma_start3A_426 = arith.constant 2 : i32
      %dma_start3A_427 = arith.constant 128 : i32
      %dma_start3A_428 = arith.constant 0 : i32
      %dma_start3A_429 = tpu.memref_slice %arg6[%dma_start3A_425, %dma_start3A_427, %dma_start3A_428] : memref<3x256x64xf32, #tpu.memory_space<vmem>> -> memref<1x128x64xf32, #tpu.memory_space<vmem>>
      %dma_start3A_430 = tpu.memref_squeeze %dma_start3A_429 : memref<1x128x64xf32, #tpu.memory_space<vmem>> -> memref<128x64xf32, #tpu.memory_space<vmem>>
      %dma_start3A_431 = arith.constant 0 : i32
      %dma_start3A_432 = tpu.memref_slice %arg5[%dma_start3A_423, %dma_start3A_424, %dma_start3A_431] : memref<3x2x128xi32, #tpu.memory_space<vmem>> -> memref<1x1x128xi32, #tpu.memory_space<vmem>>
      %dma_start3A_433 = tpu.memref_squeeze %dma_start3A_432 : memref<1x1x128xi32, #tpu.memory_space<vmem>> -> memref<128xi32, #tpu.memory_space<vmem>>
      %dma_start3A_434 = arith.constant 0 : i32
      %dma_start3A_435 = arith.constant 0 : i32
      %dma_start3A_436 = tpu.memref_slice %arg3[%dma_start3A_434, %dma_start3A_435] : memref<1000000x64xf32, #tpu.memory_space<hbm>> -> memref<1000000x64xf32, #tpu.memory_space<hbm>>
      %dma_start3A_437 = tpu.memref_slice %arg7[%dma_start3A_426] : memref<3x!tpu.dma_semaphore, #tpu.memory_space<semaphore_mem>> -> memref<1x!tpu.dma_semaphore, #tpu.memory_space<semaphore_mem>>
      %dma_start3A_438 = tpu.memref_squeeze %dma_start3A_437 : memref<1x!tpu.dma_semaphore, #tpu.memory_space<semaphore_mem>> -> memref<!tpu.dma_semaphore, #tpu.memory_space<semaphore_mem>>
      tpu.enqueue_indirect_dma source(%dma_start3A_436 : memref<1000000x64xf32, #tpu.memory_space<hbm>>) target(%dma_start3A_430 : memref<128x64xf32, #tpu.memory_space<vmem>>) offsets(%dma_start3A_433 : memref<128xi32, #tpu.memory_space<vmem>>) semaphore(%dma_start3A_438 : memref<!tpu.dma_semaphore, #tpu.memory_space<semaphore_mem>>)
      %scan3A_439 = arith.constant 0 : i32
      %scan3A_440 = arith.constant 0 : i32
      %scan3A_441 = arith.constant 32 : i32
      %scan3A_442 = arith.addi %scan3A_440, %scan3A_441 : i32
      %scan3A_443 = arith.constant 1 : i32
      scf.for %scan3A_597 = %scan3A_440 to %scan3A_442 step %scan3A_443  : i32 {
        %mul3A_598 = arith.constant 8 : i32
        %mul3A_599 = arith.muli %scan3A_597, %mul3A_598 : i32
        %add3A_600 = arith.constant 0 : i32
        %add3A_601 = arith.addi %mul3A_599, %add3A_600 : i32
        %get3A = arith.constant 1 : i32
        %get3A_602 = arith.index_cast %get3A : i32 to index
        %get3A_603 = arith.index_cast %add3A_601 : i32 to index
        %get3A_604 = arith.constant 0 : index
        %get3A_605 = tpu.vector_load %arg6[%get3A_602, %get3A_603, %get3A_604] {strides = array<i32>} : memref<3x256x64xf32, #tpu.memory_space<vmem>>, vector<1x1x16xf32>,
        %get3A_606 = vector.shape_cast %get3A_605 : vector<1x1x16xf32> to vector<16xf32>
        %mul3A_607 = arith.constant 8.000000e+00 : f32
        %mul3A_608 = vector.broadcast %mul3A_607 : f32 to vector<16xf32>
        %mul3A_609 = arith.mulf %get3A_606, %mul3A_608 : vector<16xf32>
        %add3A_610 = arith.constant 0 : i32
        %add3A_611 = arith.addi %mul3A_599, %add3A_610 : i32
        %swap3A = arith.constant 1 : i32
        %swap3A_612 = arith.index_cast %swap3A : i32 to index
        %swap3A_613 = arith.index_cast %add3A_611 : i32 to index
        %swap3A_614 = arith.constant 0 : index
        %swap3A_615 = tpu.vector_load %arg6[%swap3A_612, %swap3A_613, %swap3A_614] {strides = array<i32>} : memref<3x256x64xf32, #tpu.memory_space<vmem>>, vector<1x1x16xf32>,
        %swap3A_616 = vector.shape_cast %swap3A_615 : vector<1x1x16xf32> to vector<16xf32>
        %swap3A_617 = vector.shape_cast %mul3A_609 : vector<16xf32> to vector<1x1x16xf32>
        tpu.vector_store %arg6[%swap3A_612, %swap3A_613, %swap3A_614], %swap3A_617 {strides = array<i32>} : memref<3x256x64xf32, #tpu.memory_space<vmem>>, vector<1x1x16xf32>,
        %add3A_618 = arith.constant 0 : i32
        %add3A_619 = arith.addi %mul3A_599, %add3A_618 : i32
        %get3A_620 = arith.constant 1 : i32
        %get3A_621 = arith.index_cast %get3A_620 : i32 to index
        %get3A_622 = arith.index_cast %add3A_619 : i32 to index
        %get3A_623 = arith.constant 16 : index
        %get3A_624 = tpu.vector_load %arg6[%get3A_621, %get3A_622, %get3A_623] {strides = array<i32>} : memref<3x256x64xf32, #tpu.memory_space<vmem>>, vector<1x1x16xf32>,
        %get3A_625 = vector.shape_cast %get3A_624 : vector<1x1x16xf32> to vector<16xf32>
        %mul3A_626 = arith.constant 8.000000e+00 : f32
        %mul3A_627 = vector.broadcast %mul3A_626 : f32 to vector<16xf32>
        %mul3A_628 = arith.mulf %get3A_625, %mul3A_627 : vector<16xf32>
        %add3A_629 = arith.constant 0 : i32
        %add3A_630 = arith.addi %mul3A_599, %add3A_629 : i32
        %swap3A_631 = arith.constant 1 : i32
        %swap3A_632 = arith.index_cast %swap3A_631 : i32 to index
        %swap3A_633 = arith.index_cast %add3A_630 : i32 to index
        %swap3A_634 = arith.constant 16 : index
        %swap3A_635 = tpu.vector_load %arg6[%swap3A_632, %swap3A_633, %swap3A_634] {strides = array<i32>} : memref<3x256x64xf32, #tpu.memory_space<vmem>>, vector<1x1x16xf32>,
        %swap3A_636 = vector.shape_cast %swap3A_635 : vector<1x1x16xf32> to vector<16xf32>
        %swap3A_637 = vector.shape_cast %mul3A_628 : vector<16xf32> to vector<1x1x16xf32>
        tpu.vector_store %arg6[%swap3A_632, %swap3A_633, %swap3A_634], %swap3A_637 {strides = array<i32>} : memref<3x256x64xf32, #tpu.memory_space<vmem>>, vector<1x1x16xf32>,
        %add3A_638 = arith.constant 0 : i32
        %add3A_639 = arith.addi %mul3A_599, %add3A_638 : i32
        %get3A_640 = arith.constant 1 : i32
        %get3A_641 = arith.index_cast %get3A_640 : i32 to index
        %get3A_642 = arith.index_cast %add3A_639 : i32 to index
        %get3A_643 = arith.constant 32 : index
        %get3A_644 = tpu.vector_load %arg6[%get3A_641, %get3A_642, %get3A_643] {strides = array<i32>} : memref<3x256x64xf32, #tpu.memory_space<vmem>>, vector<1x1x16xf32>,
        %get3A_645 = vector.shape_cast %get3A_644 : vector<1x1x16xf32> to vector<16xf32>
        %mul3A_646 = arith.constant 8.000000e+00 : f32
        %mul3A_647 = vector.broadcast %mul3A_646 : f32 to vector<16xf32>
        %mul3A_648 = arith.mulf %get3A_645, %mul3A_647 : vector<16xf32>
        %add3A_649 = arith.constant 0 : i32
        %add3A_650 = arith.addi %mul3A_599, %add3A_649 : i32
        %swap3A_651 = arith.constant 1 : i32
        %swap3A_652 = arith.index_cast %swap3A_651 : i32 to index
        %swap3A_653 = arith.index_cast %add3A_650 : i32 to index
        %swap3A_654 = arith.constant 32 : index
        %swap3A_655 = tpu.vector_load %arg6[%swap3A_652, %swap3A_653, %swap3A_654] {strides = array<i32>} : memref<3x256x64xf32, #tpu.memory_space<vmem>>, vector<1x1x16xf32>,
        %swap3A_656 = vector.shape_cast %swap3A_655 : vector<1x1x16xf32> to vector<16xf32>
        %swap3A_657 = vector.shape_cast %mul3A_648 : vector<16xf32> to vector<1x1x16xf32>
        tpu.vector_store %arg6[%swap3A_652, %swap3A_653, %swap3A_654], %swap3A_657 {strides = array<i32>} : memref<3x256x64xf32, #tpu.memory_space<vmem>>, vector<1x1x16xf32>,
        %add3A_658 = arith.constant 0 : i32
        %add3A_659 = arith.addi %mul3A_599, %add3A_658 : i32
        %get3A_660 = arith.constant 1 : i32
        %get3A_661 = arith.index_cast %get3A_660 : i32 to index
        %get3A_662 = arith.index_cast %add3A_659 : i32 to index
        %get3A_663 = arith.constant 48 : index
        %get3A_664 = tpu.vector_load %arg6[%get3A_661, %get3A_662, %get3A_663] {strides = array<i32>} : memref<3x256x64xf32, #tpu.memory_space<vmem>>, vector<1x1x16xf32>,
        %get3A_665 = vector.shape_cast %get3A_664 : vector<1x1x16xf32> to vector<16xf32>
        %mul3A_666 = arith.constant 8.000000e+00 : f32
        %mul3A_667 = vector.broadcast %mul3A_666 : f32 to vector<16xf32>
        %mul3A_668 = arith.mulf %get3A_665, %mul3A_667 : vector<16xf32>
        %add3A_669 = arith.constant 0 : i32
        %add3A_670 = arith.addi %mul3A_599, %add3A_669 : i32
        %swap3A_671 = arith.constant 1 : i32
        %swap3A_672 = arith.index_cast %swap3A_671 : i32 to index
        %swap3A_673 = arith.index_cast %add3A_670 : i32 to index
        %swap3A_674 = arith.constant 48 : index
        %swap3A_675 = tpu.vector_load %arg6[%swap3A_672, %swap3A_673, %swap3A_674] {strides = array<i32>} : memref<3x256x64xf32, #tpu.memory_space<vmem>>, vector<1x1x16xf32>,
        %swap3A_676 = vector.shape_cast %swap3A_675 : vector<1x1x16xf32> to vector<16xf32>
        %swap3A_677 = vector.shape_cast %mul3A_668 : vector<16xf32> to vector<1x1x16xf32>
        tpu.vector_store %arg6[%swap3A_672, %swap3A_673, %swap3A_674], %swap3A_677 {strides = array<i32>} : memref<3x256x64xf32, #tpu.memory_space<vmem>>, vector<1x1x16xf32>,
        %add3A_678 = arith.constant 1 : i32
        %add3A_679 = arith.addi %mul3A_599, %add3A_678 : i32
        %get3A_680 = arith.constant 1 : i32
        %get3A_681 = arith.index_cast %get3A_680 : i32 to index
        %get3A_682 = arith.index_cast %add3A_679 : i32 to index
        %get3A_683 = arith.constant 0 : index
        %get3A_684 = tpu.vector_load %arg6[%get3A_681, %get3A_682, %get3A_683] {strides = array<i32>} : memref<3x256x64xf32, #tpu.memory_space<vmem>>, vector<1x1x16xf32>,
        %get3A_685 = vector.shape_cast %get3A_684 : vector<1x1x16xf32> to vector<16xf32>
        %mul3A_686 = arith.constant 8.000000e+00 : f32
        %mul3A_687 = vector.broadcast %mul3A_686 : f32 to vector<16xf32>
        %mul3A_688 = arith.mulf %get3A_685, %mul3A_687 : vector<16xf32>
        %add3A_689 = arith.constant 1 : i32
        %add3A_690 = arith.addi %mul3A_599, %add3A_689 : i32
        %swap3A_691 = arith.constant 1 : i32
        %swap3A_692 = arith.index_cast %swap3A_691 : i32 to index
        %swap3A_693 = arith.index_cast %add3A_690 : i32 to index
        %swap3A_694 = arith.constant 0 : index
        %swap3A_695 = tpu.vector_load %arg6[%swap3A_692, %swap3A_693, %swap3A_694] {strides = array<i32>} : memref<3x256x64xf32, #tpu.memory_space<vmem>>, vector<1x1x16xf32>,
        %swap3A_696 = vector.shape_cast %swap3A_695 : vector<1x1x16xf32> to vector<16xf32>
        %swap3A_697 = vector.shape_cast %mul3A_688 : vector<16xf32> to vector<1x1x16xf32>
        tpu.vector_store %arg6[%swap3A_692, %swap3A_693, %swap3A_694], %swap3A_697 {strides = array<i32>} : memref<3x256x64xf32, #tpu.memory_space<vmem>>, vector<1x1x16xf32>,
        %add3A_698 = arith.constant 1 : i32
        %add3A_699 = arith.addi %mul3A_599, %add3A_698 : i32
        %get3A_700 = arith.constant 1 : i32
        %get3A_701 = arith.index_cast %get3A_700 : i32 to index
        %get3A_702 = arith.index_cast %add3A_699 : i32 to index
        %get3A_703 = arith.constant 16 : index
        %get3A_704 = tpu.vector_load %arg6[%get3A_701, %get3A_702, %get3A_703] {strides = array<i32>} : memref<3x256x64xf32, #tpu.memory_space<vmem>>, vector<1x1x16xf32>,
        %get3A_705 = vector.shape_cast %get3A_704 : vector<1x1x16xf32> to vector<16xf32>
        %mul3A_706 = arith.constant 8.000000e+00 : f32
        %mul3A_707 = vector.broadcast %mul3A_706 : f32 to vector<16xf32>
        %mul3A_708 = arith.mulf %get3A_705, %mul3A_707 : vector<16xf32>
        %add3A_709 = arith.constant 1 : i32
        %add3A_710 = arith.addi %mul3A_599, %add3A_709 : i32
        %swap3A_711 = arith.constant 1 : i32
        %swap3A_712 = arith.index_cast %swap3A_711 : i32 to index
        %swap3A_713 = arith.index_cast %add3A_710 : i32 to index
        %swap3A_714 = arith.constant 16 : index
        %swap3A_715 = tpu.vector_load %arg6[%swap3A_712, %swap3A_713, %swap3A_714] {strides = array<i32>} : memref<3x256x64xf32, #tpu.memory_space<vmem>>, vector<1x1x16xf32>,
        %swap3A_716 = vector.shape_cast %swap3A_715 : vector<1x1x16xf32> to vector<16xf32>
        %swap3A_717 = vector.shape_cast %mul3A_708 : vector<16xf32> to vector<1x1x16xf32>
        tpu.vector_store %arg6[%swap3A_712, %swap3A_713, %swap3A_714], %swap3A_717 {strides = array<i32>} : memref<3x256x64xf32, #tpu.memory_space<vmem>>, vector<1x1x16xf32>,
        %add3A_718 = arith.constant 1 : i32
        %add3A_719 = arith.addi %mul3A_599, %add3A_718 : i32
        %get3A_720 = arith.constant 1 : i32
        %get3A_721 = arith.index_cast %get3A_720 : i32 to index
        %get3A_722 = arith.index_cast %add3A_719 : i32 to index
        %get3A_723 = arith.constant 32 : index
        %get3A_724 = tpu.vector_load %arg6[%get3A_721, %get3A_722, %get3A_723] {strides = array<i32>} : memref<3x256x64xf32, #tpu.memory_space<vmem>>, vector<1x1x16xf32>,
        %get3A_725 = vector.shape_cast %get3A_724 : vector<1x1x16xf32> to vector<16xf32>
        %mul3A_726 = arith.constant 8.000000e+00 : f32
        %mul3A_727 = vector.broadcast %mul3A_726 : f32 to vector<16xf32>
        %mul3A_728 = arith.mulf %get3A_725, %mul3A_727 : vector<16xf32>
        %add3A_729 = arith.constant 1 : i32
        %add3A_730 = arith.addi %mul3A_599, %add3A_729 : i32
        %swap3A_731 = arith.constant 1 : i32
        %swap3A_732 = arith.index_cast %swap3A_731 : i32 to index
        %swap3A_733 = arith.index_cast %add3A_730 : i32 to index
        %swap3A_734 = arith.constant 32 : index
        %swap3A_735 = tpu.vector_load %arg6[%swap3A_732, %swap3A_733, %swap3A_734] {strides = array<i32>} : memref<3x256x64xf32, #tpu.memory_space<vmem>>, vector<1x1x16xf32>,
        %swap3A_736 = vector.shape_cast %swap3A_735 : vector<1x1x16xf32> to vector<16xf32>
        %swap3A_737 = vector.shape_cast %mul3A_728 : vector<16xf32> to vector<1x1x16xf32>
        tpu.vector_store %arg6[%swap3A_732, %swap3A_733, %swap3A_734], %swap3A_737 {strides = array<i32>} : memref<3x256x64xf32, #tpu.memory_space<vmem>>, vector<1x1x16xf32>,
        %add3A_738 = arith.constant 1 : i32
        %add3A_739 = arith.addi %mul3A_599, %add3A_738 : i32
        %get3A_740 = arith.constant 1 : i32
        %get3A_741 = arith.index_cast %get3A_740 : i32 to index
        %get3A_742 = arith.index_cast %add3A_739 : i32 to index
        %get3A_743 = arith.constant 48 : index
        %get3A_744 = tpu.vector_load %arg6[%get3A_741, %get3A_742, %get3A_743] {strides = array<i32>} : memref<3x256x64xf32, #tpu.memory_space<vmem>>, vector<1x1x16xf32>,
        %get3A_745 = vector.shape_cast %get3A_744 : vector<1x1x16xf32> to vector<16xf32>
        %mul3A_746 = arith.constant 8.000000e+00 : f32
        %mul3A_747 = vector.broadcast %mul3A_746 : f32 to vector<16xf32>
        %mul3A_748 = arith.mulf %get3A_745, %mul3A_747 : vector<16xf32>
        %add3A_749 = arith.constant 1 : i32
        %add3A_750 = arith.addi %mul3A_599, %add3A_749 : i32
        %swap3A_751 = arith.constant 1 : i32
        %swap3A_752 = arith.index_cast %swap3A_751 : i32 to index
        %swap3A_753 = arith.index_cast %add3A_750 : i32 to index
        %swap3A_754 = arith.constant 48 : index
        %swap3A_755 = tpu.vector_load %arg6[%swap3A_752, %swap3A_753, %swap3A_754] {strides = array<i32>} : memref<3x256x64xf32, #tpu.memory_space<vmem>>, vector<1x1x16xf32>,
        %swap3A_756 = vector.shape_cast %swap3A_755 : vector<1x1x16xf32> to vector<16xf32>
        %swap3A_757 = vector.shape_cast %mul3A_748 : vector<16xf32> to vector<1x1x16xf32>
        tpu.vector_store %arg6[%swap3A_752, %swap3A_753, %swap3A_754], %swap3A_757 {strides = array<i32>} : memref<3x256x64xf32, #tpu.memory_space<vmem>>, vector<1x1x16xf32>,
        %add3A_758 = arith.constant 2 : i32
        %add3A_759 = arith.addi %mul3A_599, %add3A_758 : i32
        %get3A_760 = arith.constant 1 : i32
        %get3A_761 = arith.index_cast %get3A_760 : i32 to index
        %get3A_762 = arith.index_cast %add3A_759 : i32 to index
        %get3A_763 = arith.constant 0 : index
        %get3A_764 = tpu.vector_load %arg6[%get3A_761, %get3A_762, %get3A_763] {strides = array<i32>} : memref<3x256x64xf32, #tpu.memory_space<vmem>>, vector<1x1x16xf32>,
        %get3A_765 = vector.shape_cast %get3A_764 : vector<1x1x16xf32> to vector<16xf32>
        %mul3A_766 = arith.constant 8.000000e+00 : f32
        %mul3A_767 = vector.broadcast %mul3A_766 : f32 to vector<16xf32>
        %mul3A_768 = arith.mulf %get3A_765, %mul3A_767 : vector<16xf32>
        %add3A_769 = arith.constant 2 : i32
        %add3A_770 = arith.addi %mul3A_599, %add3A_769 : i32
        %swap3A_771 = arith.constant 1 : i32
        %swap3A_772 = arith.index_cast %swap3A_771 : i32 to index
        %swap3A_773 = arith.index_cast %add3A_770 : i32 to index
        %swap3A_774 = arith.constant 0 : index
        %swap3A_775 = tpu.vector_load %arg6[%swap3A_772, %swap3A_773, %swap3A_774] {strides = array<i32>} : memref<3x256x64xf32, #tpu.memory_space<vmem>>, vector<1x1x16xf32>,
        %swap3A_776 = vector.shape_cast %swap3A_775 : vector<1x1x16xf32> to vector<16xf32>
        %swap3A_777 = vector.shape_cast %mul3A_768 : vector<16xf32> to vector<1x1x16xf32>
        tpu.vector_store %arg6[%swap3A_772, %swap3A_773, %swap3A_774], %swap3A_777 {strides = array<i32>} : memref<3x256x64xf32, #tpu.memory_space<vmem>>, vector<1x1x16xf32>,
        %add3A_778 = arith.constant 2 : i32
        %add3A_779 = arith.addi %mul3A_599, %add3A_778 : i32
        %get3A_780 = arith.constant 1 : i32
        %get3A_781 = arith.index_cast %get3A_780 : i32 to index
        %get3A_782 = arith.index_cast %add3A_779 : i32 to index
        %get3A_783 = arith.constant 16 : index
        %get3A_784 = tpu.vector_load %arg6[%get3A_781, %get3A_782, %get3A_783] {strides = array<i32>} : memref<3x256x64xf32, #tpu.memory_space<vmem>>, vector<1x1x16xf32>,
        %get3A_785 = vector.shape_cast %get3A_784 : vector<1x1x16xf32> to vector<16xf32>
        %mul3A_786 = arith.constant 8.000000e+00 : f32
        %mul3A_787 = vector.broadcast %mul3A_786 : f32 to vector<16xf32>
        %mul3A_788 = arith.mulf %get3A_785, %mul3A_787 : vector<16xf32>
        %add3A_789 = arith.constant 2 : i32
        %add3A_790 = arith.addi %mul3A_599, %add3A_789 : i32
        %swap3A_791 = arith.constant 1 : i32
        %swap3A_792 = arith.index_cast %swap3A_791 : i32 to index
        %swap3A_793 = arith.index_cast %add3A_790 : i32 to index
        %swap3A_794 = arith.constant 16 : index
        %swap3A_795 = tpu.vector_load %arg6[%swap3A_792, %swap3A_793, %swap3A_794] {strides = array<i32>} : memref<3x256x64xf32, #tpu.memory_space<vmem>>, vector<1x1x16xf32>,
        %swap3A_796 = vector.shape_cast %swap3A_795 : vector<1x1x16xf32> to vector<16xf32>
        %swap3A_797 = vector.shape_cast %mul3A_788 : vector<16xf32> to vector<1x1x16xf32>
        tpu.vector_store %arg6[%swap3A_792, %swap3A_793, %swap3A_794], %swap3A_797 {strides = array<i32>} : memref<3x256x64xf32, #tpu.memory_space<vmem>>, vector<1x1x16xf32>,
        %add3A_798 = arith.constant 2 : i32
        %add3A_799 = arith.addi %mul3A_599, %add3A_798 : i32
        %get3A_800 = arith.constant 1 : i32
        %get3A_801 = arith.index_cast %get3A_800 : i32 to index
        %get3A_802 = arith.index_cast %add3A_799 : i32 to index
        %get3A_803 = arith.constant 32 : index
        %get3A_804 = tpu.vector_load %arg6[%get3A_801, %get3A_802, %get3A_803] {strides = array<i32>} : memref<3x256x64xf32, #tpu.memory_space<vmem>>, vector<1x1x16xf32>,
        %get3A_805 = vector.shape_cast %get3A_804 : vector<1x1x16xf32> to vector<16xf32>
        %mul3A_806 = arith.constant 8.000000e+00 : f32
        %mul3A_807 = vector.broadcast %mul3A_806 : f32 to vector<16xf32>
        %mul3A_808 = arith.mulf %get3A_805, %mul3A_807 : vector<16xf32>
        %add3A_809 = arith.constant 2 : i32
        %add3A_810 = arith.addi %mul3A_599, %add3A_809 : i32
        %swap3A_811 = arith.constant 1 : i32
        %swap3A_812 = arith.index_cast %swap3A_811 : i32 to index
        %swap3A_813 = arith.index_cast %add3A_810 : i32 to index
        %swap3A_814 = arith.constant 32 : index
        %swap3A_815 = tpu.vector_load %arg6[%swap3A_812, %swap3A_813, %swap3A_814] {strides = array<i32>} : memref<3x256x64xf32, #tpu.memory_space<vmem>>, vector<1x1x16xf32>,
        %swap3A_816 = vector.shape_cast %swap3A_815 : vector<1x1x16xf32> to vector<16xf32>
        %swap3A_817 = vector.shape_cast %mul3A_808 : vector<16xf32> to vector<1x1x16xf32>
        tpu.vector_store %arg6[%swap3A_812, %swap3A_813, %swap3A_814], %swap3A_817 {strides = array<i32>} : memref<3x256x64xf32, #tpu.memory_space<vmem>>, vector<1x1x16xf32>,
        %add3A_818 = arith.constant 2 : i32
        %add3A_819 = arith.addi %mul3A_599, %add3A_818 : i32
        %get3A_820 = arith.constant 1 : i32
        %get3A_821 = arith.index_cast %get3A_820 : i32 to index
        %get3A_822 = arith.index_cast %add3A_819 : i32 to index
        %get3A_823 = arith.constant 48 : index
        %get3A_824 = tpu.vector_load %arg6[%get3A_821, %get3A_822, %get3A_823] {strides = array<i32>} : memref<3x256x64xf32, #tpu.memory_space<vmem>>, vector<1x1x16xf32>,
        %get3A_825 = vector.shape_cast %get3A_824 : vector<1x1x16xf32> to vector<16xf32>
        %mul3A_826 = arith.constant 8.000000e+00 : f32
        %mul3A_827 = vector.broadcast %mul3A_826 : f32 to vector<16xf32>
        %mul3A_828 = arith.mulf %get3A_825, %mul3A_827 : vector<16xf32>
        %add3A_829 = arith.constant 2 : i32
        %add3A_830 = arith.addi %mul3A_599, %add3A_829 : i32
        %swap3A_831 = arith.constant 1 : i32
        %swap3A_832 = arith.index_cast %swap3A_831 : i32 to index
        %swap3A_833 = arith.index_cast %add3A_830 : i32 to index
        %swap3A_834 = arith.constant 48 : index
        %swap3A_835 = tpu.vector_load %arg6[%swap3A_832, %swap3A_833, %swap3A_834] {strides = array<i32>} : memref<3x256x64xf32, #tpu.memory_space<vmem>>, vector<1x1x16xf32>,
        %swap3A_836 = vector.shape_cast %swap3A_835 : vector<1x1x16xf32> to vector<16xf32>
        %swap3A_837 = vector.shape_cast %mul3A_828 : vector<16xf32> to vector<1x1x16xf32>
        tpu.vector_store %arg6[%swap3A_832, %swap3A_833, %swap3A_834], %swap3A_837 {strides = array<i32>} : memref<3x256x64xf32, #tpu.memory_space<vmem>>, vector<1x1x16xf32>,
        %add3A_838 = arith.constant 3 : i32
        %add3A_839 = arith.addi %mul3A_599, %add3A_838 : i32
        %get3A_840 = arith.constant 1 : i32
        %get3A_841 = arith.index_cast %get3A_840 : i32 to index
        %get3A_842 = arith.index_cast %add3A_839 : i32 to index
        %get3A_843 = arith.constant 0 : index
        %get3A_844 = tpu.vector_load %arg6[%get3A_841, %get3A_842, %get3A_843] {strides = array<i32>} : memref<3x256x64xf32, #tpu.memory_space<vmem>>, vector<1x1x16xf32>,
        %get3A_845 = vector.shape_cast %get3A_844 : vector<1x1x16xf32> to vector<16xf32>
        %mul3A_846 = arith.constant 8.000000e+00 : f32
        %mul3A_847 = vector.broadcast %mul3A_846 : f32 to vector<16xf32>
        %mul3A_848 = arith.mulf %get3A_845, %mul3A_847 : vector<16xf32>
        %add3A_849 = arith.constant 3 : i32
        %add3A_850 = arith.addi %mul3A_599, %add3A_849 : i32
        %swap3A_851 = arith.constant 1 : i32
        %swap3A_852 = arith.index_cast %swap3A_851 : i32 to index
        %swap3A_853 = arith.index_cast %add3A_850 : i32 to index
        %swap3A_854 = arith.constant 0 : index
        %swap3A_855 = tpu.vector_load %arg6[%swap3A_852, %swap3A_853, %swap3A_854] {strides = array<i32>} : memref<3x256x64xf32, #tpu.memory_space<vmem>>, vector<1x1x16xf32>,
        %swap3A_856 = vector.shape_cast %swap3A_855 : vector<1x1x16xf32> to vector<16xf32>
        %swap3A_857 = vector.shape_cast %mul3A_848 : vector<16xf32> to vector<1x1x16xf32>
        tpu.vector_store %arg6[%swap3A_852, %swap3A_853, %swap3A_854], %swap3A_857 {strides = array<i32>} : memref<3x256x64xf32, #tpu.memory_space<vmem>>, vector<1x1x16xf32>,
        %add3A_858 = arith.constant 3 : i32
        %add3A_859 = arith.addi %mul3A_599, %add3A_858 : i32
        %get3A_860 = arith.constant 1 : i32
        %get3A_861 = arith.index_cast %get3A_860 : i32 to index
        %get3A_862 = arith.index_cast %add3A_859 : i32 to index
        %get3A_863 = arith.constant 16 : index
        %get3A_864 = tpu.vector_load %arg6[%get3A_861, %get3A_862, %get3A_863] {strides = array<i32>} : memref<3x256x64xf32, #tpu.memory_space<vmem>>, vector<1x1x16xf32>,
        %get3A_865 = vector.shape_cast %get3A_864 : vector<1x1x16xf32> to vector<16xf32>
        %mul3A_866 = arith.constant 8.000000e+00 : f32
        %mul3A_867 = vector.broadcast %mul3A_866 : f32 to vector<16xf32>
        %mul3A_868 = arith.mulf %get3A_865, %mul3A_867 : vector<16xf32>
        %add3A_869 = arith.constant 3 : i32
        %add3A_870 = arith.addi %mul3A_599, %add3A_869 : i32
        %swap3A_871 = arith.constant 1 : i32
        %swap3A_872 = arith.index_cast %swap3A_871 : i32 to index
        %swap3A_873 = arith.index_cast %add3A_870 : i32 to index
        %swap3A_874 = arith.constant 16 : index
        %swap3A_875 = tpu.vector_load %arg6[%swap3A_872, %swap3A_873, %swap3A_874] {strides = array<i32>} : memref<3x256x64xf32, #tpu.memory_space<vmem>>, vector<1x1x16xf32>,
        %swap3A_876 = vector.shape_cast %swap3A_875 : vector<1x1x16xf32> to vector<16xf32>
        %swap3A_877 = vector.shape_cast %mul3A_868 : vector<16xf32> to vector<1x1x16xf32>
        tpu.vector_store %arg6[%swap3A_872, %swap3A_873, %swap3A_874], %swap3A_877 {strides = array<i32>} : memref<3x256x64xf32, #tpu.memory_space<vmem>>, vector<1x1x16xf32>,
        %add3A_878 = arith.constant 3 : i32
        %add3A_879 = arith.addi %mul3A_599, %add3A_878 : i32
        %get3A_880 = arith.constant 1 : i32
        %get3A_881 = arith.index_cast %get3A_880 : i32 to index
        %get3A_882 = arith.index_cast %add3A_879 : i32 to index
        %get3A_883 = arith.constant 32 : index
        %get3A_884 = tpu.vector_load %arg6[%get3A_881, %get3A_882, %get3A_883] {strides = array<i32>} : memref<3x256x64xf32, #tpu.memory_space<vmem>>, vector<1x1x16xf32>,
        %get3A_885 = vector.shape_cast %get3A_884 : vector<1x1x16xf32> to vector<16xf32>
        %mul3A_886 = arith.constant 8.000000e+00 : f32
        %mul3A_887 = vector.broadcast %mul3A_886 : f32 to vector<16xf32>
        %mul3A_888 = arith.mulf %get3A_885, %mul3A_887 : vector<16xf32>
        %add3A_889 = arith.constant 3 : i32
        %add3A_890 = arith.addi %mul3A_599, %add3A_889 : i32
        %swap3A_891 = arith.constant 1 : i32
        %swap3A_892 = arith.index_cast %swap3A_891 : i32 to index
        %swap3A_893 = arith.index_cast %add3A_890 : i32 to index
        %swap3A_894 = arith.constant 32 : index
        %swap3A_895 = tpu.vector_load %arg6[%swap3A_892, %swap3A_893, %swap3A_894] {strides = array<i32>} : memref<3x256x64xf32, #tpu.memory_space<vmem>>, vector<1x1x16xf32>,
        %swap3A_896 = vector.shape_cast %swap3A_895 : vector<1x1x16xf32> to vector<16xf32>
        %swap3A_897 = vector.shape_cast %mul3A_888 : vector<16xf32> to vector<1x1x16xf32>
        tpu.vector_store %arg6[%swap3A_892, %swap3A_893, %swap3A_894], %swap3A_897 {strides = array<i32>} : memref<3x256x64xf32, #tpu.memory_space<vmem>>, vector<1x1x16xf32>,
        %add3A_898 = arith.constant 3 : i32
        %add3A_899 = arith.addi %mul3A_599, %add3A_898 : i32
        %get3A_900 = arith.constant 1 : i32
        %get3A_901 = arith.index_cast %get3A_900 : i32 to index
        %get3A_902 = arith.index_cast %add3A_899 : i32 to index
        %get3A_903 = arith.constant 48 : index
        %get3A_904 = tpu.vector_load %arg6[%get3A_901, %get3A_902, %get3A_903] {strides = array<i32>} : memref<3x256x64xf32, #tpu.memory_space<vmem>>, vector<1x1x16xf32>,
        %get3A_905 = vector.shape_cast %get3A_904 : vector<1x1x16xf32> to vector<16xf32>
        %mul3A_906 = arith.constant 8.000000e+00 : f32
        %mul3A_907 = vector.broadcast %mul3A_906 : f32 to vector<16xf32>
        %mul3A_908 = arith.mulf %get3A_905, %mul3A_907 : vector<16xf32>
        %add3A_909 = arith.constant 3 : i32
        %add3A_910 = arith.addi %mul3A_599, %add3A_909 : i32
        %swap3A_911 = arith.constant 1 : i32
        %swap3A_912 = arith.index_cast %swap3A_911 : i32 to index
        %swap3A_913 = arith.index_cast %add3A_910 : i32 to index
        %swap3A_914 = arith.constant 48 : index
        %swap3A_915 = tpu.vector_load %arg6[%swap3A_912, %swap3A_913, %swap3A_914] {strides = array<i32>} : memref<3x256x64xf32, #tpu.memory_space<vmem>>, vector<1x1x16xf32>,
        %swap3A_916 = vector.shape_cast %swap3A_915 : vector<1x1x16xf32> to vector<16xf32>
        %swap3A_917 = vector.shape_cast %mul3A_908 : vector<16xf32> to vector<1x1x16xf32>
        tpu.vector_store %arg6[%swap3A_912, %swap3A_913, %swap3A_914], %swap3A_917 {strides = array<i32>} : memref<3x256x64xf32, #tpu.memory_space<vmem>>, vector<1x1x16xf32>,
        %add3A_918 = arith.constant 4 : i32
        %add3A_919 = arith.addi %mul3A_599, %add3A_918 : i32
        %get3A_920 = arith.constant 1 : i32
        %get3A_921 = arith.index_cast %get3A_920 : i32 to index
        %get3A_922 = arith.index_cast %add3A_919 : i32 to index
        %get3A_923 = arith.constant 0 : index
        %get3A_924 = tpu.vector_load %arg6[%get3A_921, %get3A_922, %get3A_923] {strides = array<i32>} : memref<3x256x64xf32, #tpu.memory_space<vmem>>, vector<1x1x16xf32>,
        %get3A_925 = vector.shape_cast %get3A_924 : vector<1x1x16xf32> to vector<16xf32>
        %mul3A_926 = arith.constant 8.000000e+00 : f32
        %mul3A_927 = vector.broadcast %mul3A_926 : f32 to vector<16xf32>
        %mul3A_928 = arith.mulf %get3A_925, %mul3A_927 : vector<16xf32>
        %add3A_929 = arith.constant 4 : i32
        %add3A_930 = arith.addi %mul3A_599, %add3A_929 : i32
        %swap3A_931 = arith.constant 1 : i32
        %swap3A_932 = arith.index_cast %swap3A_931 : i32 to index
        %swap3A_933 = arith.index_cast %add3A_930 : i32 to index
        %swap3A_934 = arith.constant 0 : index
        %swap3A_935 = tpu.vector_load %arg6[%swap3A_932, %swap3A_933, %swap3A_934] {strides = array<i32>} : memref<3x256x64xf32, #tpu.memory_space<vmem>>, vector<1x1x16xf32>,
        %swap3A_936 = vector.shape_cast %swap3A_935 : vector<1x1x16xf32> to vector<16xf32>
        %swap3A_937 = vector.shape_cast %mul3A_928 : vector<16xf32> to vector<1x1x16xf32>
        tpu.vector_store %arg6[%swap3A_932, %swap3A_933, %swap3A_934], %swap3A_937 {strides = array<i32>} : memref<3x256x64xf32, #tpu.memory_space<vmem>>, vector<1x1x16xf32>,
        %add3A_938 = arith.constant 4 : i32
        %add3A_939 = arith.addi %mul3A_599, %add3A_938 : i32
        %get3A_940 = arith.constant 1 : i32
        %get3A_941 = arith.index_cast %get3A_940 : i32 to index
        %get3A_942 = arith.index_cast %add3A_939 : i32 to index
        %get3A_943 = arith.constant 16 : index
        %get3A_944 = tpu.vector_load %arg6[%get3A_941, %get3A_942, %get3A_943] {strides = array<i32>} : memref<3x256x64xf32, #tpu.memory_space<vmem>>, vector<1x1x16xf32>,
        %get3A_945 = vector.shape_cast %get3A_944 : vector<1x1x16xf32> to vector<16xf32>
        %mul3A_946 = arith.constant 8.000000e+00 : f32
        %mul3A_947 = vector.broadcast %mul3A_946 : f32 to vector<16xf32>
        %mul3A_948 = arith.mulf %get3A_945, %mul3A_947 : vector<16xf32>
        %add3A_949 = arith.constant 4 : i32
        %add3A_950 = arith.addi %mul3A_599, %add3A_949 : i32
        %swap3A_951 = arith.constant 1 : i32
        %swap3A_952 = arith.index_cast %swap3A_951 : i32 to index
        %swap3A_953 = arith.index_cast %add3A_950 : i32 to index
        %swap3A_954 = arith.constant 16 : index
        %swap3A_955 = tpu.vector_load %arg6[%swap3A_952, %swap3A_953, %swap3A_954] {strides = array<i32>} : memref<3x256x64xf32, #tpu.memory_space<vmem>>, vector<1x1x16xf32>,
        %swap3A_956 = vector.shape_cast %swap3A_955 : vector<1x1x16xf32> to vector<16xf32>
        %swap3A_957 = vector.shape_cast %mul3A_948 : vector<16xf32> to vector<1x1x16xf32>
        tpu.vector_store %arg6[%swap3A_952, %swap3A_953, %swap3A_954], %swap3A_957 {strides = array<i32>} : memref<3x256x64xf32, #tpu.memory_space<vmem>>, vector<1x1x16xf32>,
        %add3A_958 = arith.constant 4 : i32
        %add3A_959 = arith.addi %mul3A_599, %add3A_958 : i32
        %get3A_960 = arith.constant 1 : i32
        %get3A_961 = arith.index_cast %get3A_960 : i32 to index
        %get3A_962 = arith.index_cast %add3A_959 : i32 to index
        %get3A_963 = arith.constant 32 : index
        %get3A_964 = tpu.vector_load %arg6[%get3A_961, %get3A_962, %get3A_963] {strides = array<i32>} : memref<3x256x64xf32, #tpu.memory_space<vmem>>, vector<1x1x16xf32>,
        %get3A_965 = vector.shape_cast %get3A_964 : vector<1x1x16xf32> to vector<16xf32>
        %mul3A_966 = arith.constant 8.000000e+00 : f32
        %mul3A_967 = vector.broadcast %mul3A_966 : f32 to vector<16xf32>
        %mul3A_968 = arith.mulf %get3A_965, %mul3A_967 : vector<16xf32>
        %add3A_969 = arith.constant 4 : i32
        %add3A_970 = arith.addi %mul3A_599, %add3A_969 : i32
        %swap3A_971 = arith.constant 1 : i32
        %swap3A_972 = arith.index_cast %swap3A_971 : i32 to index
        %swap3A_973 = arith.index_cast %add3A_970 : i32 to index
        %swap3A_974 = arith.constant 32 : index
        %swap3A_975 = tpu.vector_load %arg6[%swap3A_972, %swap3A_973, %swap3A_974] {strides = array<i32>} : memref<3x256x64xf32, #tpu.memory_space<vmem>>, vector<1x1x16xf32>,
        %swap3A_976 = vector.shape_cast %swap3A_975 : vector<1x1x16xf32> to vector<16xf32>
        %swap3A_977 = vector.shape_cast %mul3A_968 : vector<16xf32> to vector<1x1x16xf32>
        tpu.vector_store %arg6[%swap3A_972, %swap3A_973, %swap3A_974], %swap3A_977 {strides = array<i32>} : memref<3x256x64xf32, #tpu.memory_space<vmem>>, vector<1x1x16xf32>,
        %add3A_978 = arith.constant 4 : i32
        %add3A_979 = arith.addi %mul3A_599, %add3A_978 : i32
        %get3A_980 = arith.constant 1 : i32
        %get3A_981 = arith.index_cast %get3A_980 : i32 to index
        %get3A_982 = arith.index_cast %add3A_979 : i32 to index
        %get3A_983 = arith.constant 48 : index
        %get3A_984 = tpu.vector_load %arg6[%get3A_981, %get3A_982, %get3A_983] {strides = array<i32>} : memref<3x256x64xf32, #tpu.memory_space<vmem>>, vector<1x1x16xf32>,
        %get3A_985 = vector.shape_cast %get3A_984 : vector<1x1x16xf32> to vector<16xf32>
        %mul3A_986 = arith.constant 8.000000e+00 : f32
        %mul3A_987 = vector.broadcast %mul3A_986 : f32 to vector<16xf32>
        %mul3A_988 = arith.mulf %get3A_985, %mul3A_987 : vector<16xf32>
        %add3A_989 = arith.constant 4 : i32
        %add3A_990 = arith.addi %mul3A_599, %add3A_989 : i32
        %swap3A_991 = arith.constant 1 : i32
        %swap3A_992 = arith.index_cast %swap3A_991 : i32 to index
        %swap3A_993 = arith.index_cast %add3A_990 : i32 to index
        %swap3A_994 = arith.constant 48 : index
        %swap3A_995 = tpu.vector_load %arg6[%swap3A_992, %swap3A_993, %swap3A_994] {strides = array<i32>} : memref<3x256x64xf32, #tpu.memory_space<vmem>>, vector<1x1x16xf32>,
        %swap3A_996 = vector.shape_cast %swap3A_995 : vector<1x1x16xf32> to vector<16xf32>
        %swap3A_997 = vector.shape_cast %mul3A_988 : vector<16xf32> to vector<1x1x16xf32>
        tpu.vector_store %arg6[%swap3A_992, %swap3A_993, %swap3A_994], %swap3A_997 {strides = array<i32>} : memref<3x256x64xf32, #tpu.memory_space<vmem>>, vector<1x1x16xf32>,
        %add3A_998 = arith.constant 5 : i32
        %add3A_999 = arith.addi %mul3A_599, %add3A_998 : i32
        %get3A_1000 = arith.constant 1 : i32
        %get3A_1001 = arith.index_cast %get3A_1000 : i32 to index
        %get3A_1002 = arith.index_cast %add3A_999 : i32 to index
        %get3A_1003 = arith.constant 0 : index
        %get3A_1004 = tpu.vector_load %arg6[%get3A_1001, %get3A_1002, %get3A_1003] {strides = array<i32>} : memref<3x256x64xf32, #tpu.memory_space<vmem>>, vector<1x1x16xf32>,
        %get3A_1005 = vector.shape_cast %get3A_1004 : vector<1x1x16xf32> to vector<16xf32>
        %mul3A_1006 = arith.constant 8.000000e+00 : f32
        %mul3A_1007 = vector.broadcast %mul3A_1006 : f32 to vector<16xf32>
        %mul3A_1008 = arith.mulf %get3A_1005, %mul3A_1007 : vector<16xf32>
        %add3A_1009 = arith.constant 5 : i32
        %add3A_1010 = arith.addi %mul3A_599, %add3A_1009 : i32
        %swap3A_1011 = arith.constant 1 : i32
        %swap3A_1012 = arith.index_cast %swap3A_1011 : i32 to index
        %swap3A_1013 = arith.index_cast %add3A_1010 : i32 to index
        %swap3A_1014 = arith.constant 0 : index
        %swap3A_1015 = tpu.vector_load %arg6[%swap3A_1012, %swap3A_1013, %swap3A_1014] {strides = array<i32>} : memref<3x256x64xf32, #tpu.memory_space<vmem>>, vector<1x1x16xf32>,
        %swap3A_1016 = vector.shape_cast %swap3A_1015 : vector<1x1x16xf32> to vector<16xf32>
        %swap3A_1017 = vector.shape_cast %mul3A_1008 : vector<16xf32> to vector<1x1x16xf32>
        tpu.vector_store %arg6[%swap3A_1012, %swap3A_1013, %swap3A_1014], %swap3A_1017 {strides = array<i32>} : memref<3x256x64xf32, #tpu.memory_space<vmem>>, vector<1x1x16xf32>,
        %add3A_1018 = arith.constant 5 : i32
        %add3A_1019 = arith.addi %mul3A_599, %add3A_1018 : i32
        %get3A_1020 = arith.constant 1 : i32
        %get3A_1021 = arith.index_cast %get3A_1020 : i32 to index
        %get3A_1022 = arith.index_cast %add3A_1019 : i32 to index
        %get3A_1023 = arith.constant 16 : index
        %get3A_1024 = tpu.vector_load %arg6[%get3A_1021, %get3A_1022, %get3A_1023] {strides = array<i32>} : memref<3x256x64xf32, #tpu.memory_space<vmem>>, vector<1x1x16xf32>,
        %get3A_1025 = vector.shape_cast %get3A_1024 : vector<1x1x16xf32> to vector<16xf32>
        %mul3A_1026 = arith.constant 8.000000e+00 : f32
        %mul3A_1027 = vector.broadcast %mul3A_1026 : f32 to vector<16xf32>
        %mul3A_1028 = arith.mulf %get3A_1025, %mul3A_1027 : vector<16xf32>
        %add3A_1029 = arith.constant 5 : i32
        %add3A_1030 = arith.addi %mul3A_599, %add3A_1029 : i32
        %swap3A_1031 = arith.constant 1 : i32
        %swap3A_1032 = arith.index_cast %swap3A_1031 : i32 to index
        %swap3A_1033 = arith.index_cast %add3A_1030 : i32 to index
        %swap3A_1034 = arith.constant 16 : index
        %swap3A_1035 = tpu.vector_load %arg6[%swap3A_1032, %swap3A_1033, %swap3A_1034] {strides = array<i32>} : memref<3x256x64xf32, #tpu.memory_space<vmem>>, vector<1x1x16xf32>,
        %swap3A_1036 = vector.shape_cast %swap3A_1035 : vector<1x1x16xf32> to vector<16xf32>
        %swap3A_1037 = vector.shape_cast %mul3A_1028 : vector<16xf32> to vector<1x1x16xf32>
        tpu.vector_store %arg6[%swap3A_1032, %swap3A_1033, %swap3A_1034], %swap3A_1037 {strides = array<i32>} : memref<3x256x64xf32, #tpu.memory_space<vmem>>, vector<1x1x16xf32>,
        %add3A_1038 = arith.constant 5 : i32
        %add3A_1039 = arith.addi %mul3A_599, %add3A_1038 : i32
        %get3A_1040 = arith.constant 1 : i32
        %get3A_1041 = arith.index_cast %get3A_1040 : i32 to index
        %get3A_1042 = arith.index_cast %add3A_1039 : i32 to index
        %get3A_1043 = arith.constant 32 : index
        %get3A_1044 = tpu.vector_load %arg6[%get3A_1041, %get3A_1042, %get3A_1043] {strides = array<i32>} : memref<3x256x64xf32, #tpu.memory_space<vmem>>, vector<1x1x16xf32>,
        %get3A_1045 = vector.shape_cast %get3A_1044 : vector<1x1x16xf32> to vector<16xf32>
        %mul3A_1046 = arith.constant 8.000000e+00 : f32
        %mul3A_1047 = vector.broadcast %mul3A_1046 : f32 to vector<16xf32>
        %mul3A_1048 = arith.mulf %get3A_1045, %mul3A_1047 : vector<16xf32>
        %add3A_1049 = arith.constant 5 : i32
        %add3A_1050 = arith.addi %mul3A_599, %add3A_1049 : i32
        %swap3A_1051 = arith.constant 1 : i32
        %swap3A_1052 = arith.index_cast %swap3A_1051 : i32 to index
        %swap3A_1053 = arith.index_cast %add3A_1050 : i32 to index
        %swap3A_1054 = arith.constant 32 : index
        %swap3A_1055 = tpu.vector_load %arg6[%swap3A_1052, %swap3A_1053, %swap3A_1054] {strides = array<i32>} : memref<3x256x64xf32, #tpu.memory_space<vmem>>, vector<1x1x16xf32>,
        %swap3A_1056 = vector.shape_cast %swap3A_1055 : vector<1x1x16xf32> to vector<16xf32>
        %swap3A_1057 = vector.shape_cast %mul3A_1048 : vector<16xf32> to vector<1x1x16xf32>
        tpu.vector_store %arg6[%swap3A_1052, %swap3A_1053, %swap3A_1054], %swap3A_1057 {strides = array<i32>} : memref<3x256x64xf32, #tpu.memory_space<vmem>>, vector<1x1x16xf32>,
        %add3A_1058 = arith.constant 5 : i32
        %add3A_1059 = arith.addi %mul3A_599, %add3A_1058 : i32
        %get3A_1060 = arith.constant 1 : i32
        %get3A_1061 = arith.index_cast %get3A_1060 : i32 to index
        %get3A_1062 = arith.index_cast %add3A_1059 : i32 to index
        %get3A_1063 = arith.constant 48 : index
        %get3A_1064 = tpu.vector_load %arg6[%get3A_1061, %get3A_1062, %get3A_1063] {strides = array<i32>} : memref<3x256x64xf32, #tpu.memory_space<vmem>>, vector<1x1x16xf32>,
        %get3A_1065 = vector.shape_cast %get3A_1064 : vector<1x1x16xf32> to vector<16xf32>
        %mul3A_1066 = arith.constant 8.000000e+00 : f32
        %mul3A_1067 = vector.broadcast %mul3A_1066 : f32 to vector<16xf32>
        %mul3A_1068 = arith.mulf %get3A_1065, %mul3A_1067 : vector<16xf32>
        %add3A_1069 = arith.constant 5 : i32
        %add3A_1070 = arith.addi %mul3A_599, %add3A_1069 : i32
        %swap3A_1071 = arith.constant 1 : i32
        %swap3A_1072 = arith.index_cast %swap3A_1071 : i32 to index
        %swap3A_1073 = arith.index_cast %add3A_1070 : i32 to index
        %swap3A_1074 = arith.constant 48 : index
        %swap3A_1075 = tpu.vector_load %arg6[%swap3A_1072, %swap3A_1073, %swap3A_1074] {strides = array<i32>} : memref<3x256x64xf32, #tpu.memory_space<vmem>>, vector<1x1x16xf32>,
        %swap3A_1076 = vector.shape_cast %swap3A_1075 : vector<1x1x16xf32> to vector<16xf32>
        %swap3A_1077 = vector.shape_cast %mul3A_1068 : vector<16xf32> to vector<1x1x16xf32>
        tpu.vector_store %arg6[%swap3A_1072, %swap3A_1073, %swap3A_1074], %swap3A_1077 {strides = array<i32>} : memref<3x256x64xf32, #tpu.memory_space<vmem>>, vector<1x1x16xf32>,
        %add3A_1078 = arith.constant 6 : i32
        %add3A_1079 = arith.addi %mul3A_599, %add3A_1078 : i32
        %get3A_1080 = arith.constant 1 : i32
        %get3A_1081 = arith.index_cast %get3A_1080 : i32 to index
        %get3A_1082 = arith.index_cast %add3A_1079 : i32 to index
        %get3A_1083 = arith.constant 0 : index
        %get3A_1084 = tpu.vector_load %arg6[%get3A_1081, %get3A_1082, %get3A_1083] {strides = array<i32>} : memref<3x256x64xf32, #tpu.memory_space<vmem>>, vector<1x1x16xf32>,
        %get3A_1085 = vector.shape_cast %get3A_1084 : vector<1x1x16xf32> to vector<16xf32>
        %mul3A_1086 = arith.constant 8.000000e+00 : f32
        %mul3A_1087 = vector.broadcast %mul3A_1086 : f32 to vector<16xf32>
        %mul3A_1088 = arith.mulf %get3A_1085, %mul3A_1087 : vector<16xf32>
        %add3A_1089 = arith.constant 6 : i32
        %add3A_1090 = arith.addi %mul3A_599, %add3A_1089 : i32
        %swap3A_1091 = arith.constant 1 : i32
        %swap3A_1092 = arith.index_cast %swap3A_1091 : i32 to index
        %swap3A_1093 = arith.index_cast %add3A_1090 : i32 to index
        %swap3A_1094 = arith.constant 0 : index
        %swap3A_1095 = tpu.vector_load %arg6[%swap3A_1092, %swap3A_1093, %swap3A_1094] {strides = array<i32>} : memref<3x256x64xf32, #tpu.memory_space<vmem>>, vector<1x1x16xf32>,
        %swap3A_1096 = vector.shape_cast %swap3A_1095 : vector<1x1x16xf32> to vector<16xf32>
        %swap3A_1097 = vector.shape_cast %mul3A_1088 : vector<16xf32> to vector<1x1x16xf32>
        tpu.vector_store %arg6[%swap3A_1092, %swap3A_1093, %swap3A_1094], %swap3A_1097 {strides = array<i32>} : memref<3x256x64xf32, #tpu.memory_space<vmem>>, vector<1x1x16xf32>,
        %add3A_1098 = arith.constant 6 : i32
        %add3A_1099 = arith.addi %mul3A_599, %add3A_1098 : i32
        %get3A_1100 = arith.constant 1 : i32
        %get3A_1101 = arith.index_cast %get3A_1100 : i32 to index
        %get3A_1102 = arith.index_cast %add3A_1099 : i32 to index
        %get3A_1103 = arith.constant 16 : index
        %get3A_1104 = tpu.vector_load %arg6[%get3A_1101, %get3A_1102, %get3A_1103] {strides = array<i32>} : memref<3x256x64xf32, #tpu.memory_space<vmem>>, vector<1x1x16xf32>,
        %get3A_1105 = vector.shape_cast %get3A_1104 : vector<1x1x16xf32> to vector<16xf32>
        %mul3A_1106 = arith.constant 8.000000e+00 : f32
        %mul3A_1107 = vector.broadcast %mul3A_1106 : f32 to vector<16xf32>
        %mul3A_1108 = arith.mulf %get3A_1105, %mul3A_1107 : vector<16xf32>
        %add3A_1109 = arith.constant 6 : i32
        %add3A_1110 = arith.addi %mul3A_599, %add3A_1109 : i32
        %swap3A_1111 = arith.constant 1 : i32
        %swap3A_1112 = arith.index_cast %swap3A_1111 : i32 to index
        %swap3A_1113 = arith.index_cast %add3A_1110 : i32 to index
        %swap3A_1114 = arith.constant 16 : index
        %swap3A_1115 = tpu.vector_load %arg6[%swap3A_1112, %swap3A_1113, %swap3A_1114] {strides = array<i32>} : memref<3x256x64xf32, #tpu.memory_space<vmem>>, vector<1x1x16xf32>,
        %swap3A_1116 = vector.shape_cast %swap3A_1115 : vector<1x1x16xf32> to vector<16xf32>
        %swap3A_1117 = vector.shape_cast %mul3A_1108 : vector<16xf32> to vector<1x1x16xf32>
        tpu.vector_store %arg6[%swap3A_1112, %swap3A_1113, %swap3A_1114], %swap3A_1117 {strides = array<i32>} : memref<3x256x64xf32, #tpu.memory_space<vmem>>, vector<1x1x16xf32>,
        %add3A_1118 = arith.constant 6 : i32
        %add3A_1119 = arith.addi %mul3A_599, %add3A_1118 : i32
        %get3A_1120 = arith.constant 1 : i32
        %get3A_1121 = arith.index_cast %get3A_1120 : i32 to index
        %get3A_1122 = arith.index_cast %add3A_1119 : i32 to index
        %get3A_1123 = arith.constant 32 : index
        %get3A_1124 = tpu.vector_load %arg6[%get3A_1121, %get3A_1122, %get3A_1123] {strides = array<i32>} : memref<3x256x64xf32, #tpu.memory_space<vmem>>, vector<1x1x16xf32>,
        %get3A_1125 = vector.shape_cast %get3A_1124 : vector<1x1x16xf32> to vector<16xf32>
        %mul3A_1126 = arith.constant 8.000000e+00 : f32
        %mul3A_1127 = vector.broadcast %mul3A_1126 : f32 to vector<16xf32>
        %mul3A_1128 = arith.mulf %get3A_1125, %mul3A_1127 : vector<16xf32>
        %add3A_1129 = arith.constant 6 : i32
        %add3A_1130 = arith.addi %mul3A_599, %add3A_1129 : i32
        %swap3A_1131 = arith.constant 1 : i32
        %swap3A_1132 = arith.index_cast %swap3A_1131 : i32 to index
        %swap3A_1133 = arith.index_cast %add3A_1130 : i32 to index
        %swap3A_1134 = arith.constant 32 : index
        %swap3A_1135 = tpu.vector_load %arg6[%swap3A_1132, %swap3A_1133, %swap3A_1134] {strides = array<i32>} : memref<3x256x64xf32, #tpu.memory_space<vmem>>, vector<1x1x16xf32>,
        %swap3A_1136 = vector.shape_cast %swap3A_1135 : vector<1x1x16xf32> to vector<16xf32>
        %swap3A_1137 = vector.shape_cast %mul3A_1128 : vector<16xf32> to vector<1x1x16xf32>
        tpu.vector_store %arg6[%swap3A_1132, %swap3A_1133, %swap3A_1134], %swap3A_1137 {strides = array<i32>} : memref<3x256x64xf32, #tpu.memory_space<vmem>>, vector<1x1x16xf32>,
        %add3A_1138 = arith.constant 6 : i32
        %add3A_1139 = arith.addi %mul3A_599, %add3A_1138 : i32
        %get3A_1140 = arith.constant 1 : i32
        %get3A_1141 = arith.index_cast %get3A_1140 : i32 to index
        %get3A_1142 = arith.index_cast %add3A_1139 : i32 to index
        %get3A_1143 = arith.constant 48 : index
        %get3A_1144 = tpu.vector_load %arg6[%get3A_1141, %get3A_1142, %get3A_1143] {strides = array<i32>} : memref<3x256x64xf32, #tpu.memory_space<vmem>>, vector<1x1x16xf32>,
        %get3A_1145 = vector.shape_cast %get3A_1144 : vector<1x1x16xf32> to vector<16xf32>
        %mul3A_1146 = arith.constant 8.000000e+00 : f32
        %mul3A_1147 = vector.broadcast %mul3A_1146 : f32 to vector<16xf32>
        %mul3A_1148 = arith.mulf %get3A_1145, %mul3A_1147 : vector<16xf32>
        %add3A_1149 = arith.constant 6 : i32
        %add3A_1150 = arith.addi %mul3A_599, %add3A_1149 : i32
        %swap3A_1151 = arith.constant 1 : i32
        %swap3A_1152 = arith.index_cast %swap3A_1151 : i32 to index
        %swap3A_1153 = arith.index_cast %add3A_1150 : i32 to index
        %swap3A_1154 = arith.constant 48 : index
        %swap3A_1155 = tpu.vector_load %arg6[%swap3A_1152, %swap3A_1153, %swap3A_1154] {strides = array<i32>} : memref<3x256x64xf32, #tpu.memory_space<vmem>>, vector<1x1x16xf32>,
        %swap3A_1156 = vector.shape_cast %swap3A_1155 : vector<1x1x16xf32> to vector<16xf32>
        %swap3A_1157 = vector.shape_cast %mul3A_1148 : vector<16xf32> to vector<1x1x16xf32>
        tpu.vector_store %arg6[%swap3A_1152, %swap3A_1153, %swap3A_1154], %swap3A_1157 {strides = array<i32>} : memref<3x256x64xf32, #tpu.memory_space<vmem>>, vector<1x1x16xf32>,
        %add3A_1158 = arith.constant 7 : i32
        %add3A_1159 = arith.addi %mul3A_599, %add3A_1158 : i32
        %get3A_1160 = arith.constant 1 : i32
        %get3A_1161 = arith.index_cast %get3A_1160 : i32 to index
        %get3A_1162 = arith.index_cast %add3A_1159 : i32 to index
        %get3A_1163 = arith.constant 0 : index
        %get3A_1164 = tpu.vector_load %arg6[%get3A_1161, %get3A_1162, %get3A_1163] {strides = array<i32>} : memref<3x256x64xf32, #tpu.memory_space<vmem>>, vector<1x1x16xf32>,
        %get3A_1165 = vector.shape_cast %get3A_1164 : vector<1x1x16xf32> to vector<16xf32>
        %mul3A_1166 = arith.constant 8.000000e+00 : f32
        %mul3A_1167 = vector.broadcast %mul3A_1166 : f32 to vector<16xf32>
        %mul3A_1168 = arith.mulf %get3A_1165, %mul3A_1167 : vector<16xf32>
        %add3A_1169 = arith.constant 7 : i32
        %add3A_1170 = arith.addi %mul3A_599, %add3A_1169 : i32
        %swap3A_1171 = arith.constant 1 : i32
        %swap3A_1172 = arith.index_cast %swap3A_1171 : i32 to index
        %swap3A_1173 = arith.index_cast %add3A_1170 : i32 to index
        %swap3A_1174 = arith.constant 0 : index
        %swap3A_1175 = tpu.vector_load %arg6[%swap3A_1172, %swap3A_1173, %swap3A_1174] {strides = array<i32>} : memref<3x256x64xf32, #tpu.memory_space<vmem>>, vector<1x1x16xf32>,
        %swap3A_1176 = vector.shape_cast %swap3A_1175 : vector<1x1x16xf32> to vector<16xf32>
        %swap3A_1177 = vector.shape_cast %mul3A_1168 : vector<16xf32> to vector<1x1x16xf32>
        tpu.vector_store %arg6[%swap3A_1172, %swap3A_1173, %swap3A_1174], %swap3A_1177 {strides = array<i32>} : memref<3x256x64xf32, #tpu.memory_space<vmem>>, vector<1x1x16xf32>,
        %add3A_1178 = arith.constant 7 : i32
        %add3A_1179 = arith.addi %mul3A_599, %add3A_1178 : i32
        %get3A_1180 = arith.constant 1 : i32
        %get3A_1181 = arith.index_cast %get3A_1180 : i32 to index
        %get3A_1182 = arith.index_cast %add3A_1179 : i32 to index
        %get3A_1183 = arith.constant 16 : index
        %get3A_1184 = tpu.vector_load %arg6[%get3A_1181, %get3A_1182, %get3A_1183] {strides = array<i32>} : memref<3x256x64xf32, #tpu.memory_space<vmem>>, vector<1x1x16xf32>,
        %get3A_1185 = vector.shape_cast %get3A_1184 : vector<1x1x16xf32> to vector<16xf32>
        %mul3A_1186 = arith.constant 8.000000e+00 : f32
        %mul3A_1187 = vector.broadcast %mul3A_1186 : f32 to vector<16xf32>
        %mul3A_1188 = arith.mulf %get3A_1185, %mul3A_1187 : vector<16xf32>
        %add3A_1189 = arith.constant 7 : i32
        %add3A_1190 = arith.addi %mul3A_599, %add3A_1189 : i32
        %swap3A_1191 = arith.constant 1 : i32
        %swap3A_1192 = arith.index_cast %swap3A_1191 : i32 to index
        %swap3A_1193 = arith.index_cast %add3A_1190 : i32 to index
        %swap3A_1194 = arith.constant 16 : index
        %swap3A_1195 = tpu.vector_load %arg6[%swap3A_1192, %swap3A_1193, %swap3A_1194] {strides = array<i32>} : memref<3x256x64xf32, #tpu.memory_space<vmem>>, vector<1x1x16xf32>,
        %swap3A_1196 = vector.shape_cast %swap3A_1195 : vector<1x1x16xf32> to vector<16xf32>
        %swap3A_1197 = vector.shape_cast %mul3A_1188 : vector<16xf32> to vector<1x1x16xf32>
        tpu.vector_store %arg6[%swap3A_1192, %swap3A_1193, %swap3A_1194], %swap3A_1197 {strides = array<i32>} : memref<3x256x64xf32, #tpu.memory_space<vmem>>, vector<1x1x16xf32>,
        %add3A_1198 = arith.constant 7 : i32
        %add3A_1199 = arith.addi %mul3A_599, %add3A_1198 : i32
        %get3A_1200 = arith.constant 1 : i32
        %get3A_1201 = arith.index_cast %get3A_1200 : i32 to index
        %get3A_1202 = arith.index_cast %add3A_1199 : i32 to index
        %get3A_1203 = arith.constant 32 : index
        %get3A_1204 = tpu.vector_load %arg6[%get3A_1201, %get3A_1202, %get3A_1203] {strides = array<i32>} : memref<3x256x64xf32, #tpu.memory_space<vmem>>, vector<1x1x16xf32>,
        %get3A_1205 = vector.shape_cast %get3A_1204 : vector<1x1x16xf32> to vector<16xf32>
        %mul3A_1206 = arith.constant 8.000000e+00 : f32
        %mul3A_1207 = vector.broadcast %mul3A_1206 : f32 to vector<16xf32>
        %mul3A_1208 = arith.mulf %get3A_1205, %mul3A_1207 : vector<16xf32>
        %add3A_1209 = arith.constant 7 : i32
        %add3A_1210 = arith.addi %mul3A_599, %add3A_1209 : i32
        %swap3A_1211 = arith.constant 1 : i32
        %swap3A_1212 = arith.index_cast %swap3A_1211 : i32 to index
        %swap3A_1213 = arith.index_cast %add3A_1210 : i32 to index
        %swap3A_1214 = arith.constant 32 : index
        %swap3A_1215 = tpu.vector_load %arg6[%swap3A_1212, %swap3A_1213, %swap3A_1214] {strides = array<i32>} : memref<3x256x64xf32, #tpu.memory_space<vmem>>, vector<1x1x16xf32>,
        %swap3A_1216 = vector.shape_cast %swap3A_1215 : vector<1x1x16xf32> to vector<16xf32>
        %swap3A_1217 = vector.shape_cast %mul3A_1208 : vector<16xf32> to vector<1x1x16xf32>
        tpu.vector_store %arg6[%swap3A_1212, %swap3A_1213, %swap3A_1214], %swap3A_1217 {strides = array<i32>} : memref<3x256x64xf32, #tpu.memory_space<vmem>>, vector<1x1x16xf32>,
        %add3A_1218 = arith.constant 7 : i32
        %add3A_1219 = arith.addi %mul3A_599, %add3A_1218 : i32
        %get3A_1220 = arith.constant 1 : i32
        %get3A_1221 = arith.index_cast %get3A_1220 : i32 to index
        %get3A_1222 = arith.index_cast %add3A_1219 : i32 to index
        %get3A_1223 = arith.constant 48 : index
        %get3A_1224 = tpu.vector_load %arg6[%get3A_1221, %get3A_1222, %get3A_1223] {strides = array<i32>} : memref<3x256x64xf32, #tpu.memory_space<vmem>>, vector<1x1x16xf32>,
        %get3A_1225 = vector.shape_cast %get3A_1224 : vector<1x1x16xf32> to vector<16xf32>
        %mul3A_1226 = arith.constant 8.000000e+00 : f32
        %mul3A_1227 = vector.broadcast %mul3A_1226 : f32 to vector<16xf32>
        %mul3A_1228 = arith.mulf %get3A_1225, %mul3A_1227 : vector<16xf32>
        %add3A_1229 = arith.constant 7 : i32
        %add3A_1230 = arith.addi %mul3A_599, %add3A_1229 : i32
        %swap3A_1231 = arith.constant 1 : i32
        %swap3A_1232 = arith.index_cast %swap3A_1231 : i32 to index
        %swap3A_1233 = arith.index_cast %add3A_1230 : i32 to index
        %swap3A_1234 = arith.constant 48 : index
        %swap3A_1235 = tpu.vector_load %arg6[%swap3A_1232, %swap3A_1233, %swap3A_1234] {strides = array<i32>} : memref<3x256x64xf32, #tpu.memory_space<vmem>>, vector<1x1x16xf32>,
        %swap3A_1236 = vector.shape_cast %swap3A_1235 : vector<1x1x16xf32> to vector<16xf32>
        %swap3A_1237 = vector.shape_cast %mul3A_1228 : vector<16xf32> to vector<1x1x16xf32>
        tpu.vector_store %arg6[%swap3A_1232, %swap3A_1233, %swap3A_1234], %swap3A_1237 {strides = array<i32>} : memref<3x256x64xf32, #tpu.memory_space<vmem>>, vector<1x1x16xf32>,
      }
      %scan3A_444 = arith.constant 32 : i32
      %mul3A_445 = arith.constant 256 : i32
      %mul3A_446 = arith.muli %add3A_348, %mul3A_445 : i32
      %add3A_447 = arith.addi %mul3A_4, %mul3A_446 : i32
      %dma_start3A_448 = arith.constant 1 : i32
      %dma_start3A_449 = arith.constant 1 : i32
      %dma_start3A_450 = arith.constant 0 : i32
      %dma_start3A_451 = arith.constant 0 : i32
      %dma_start3A_452 = tpu.memref_slice %arg6[%dma_start3A_448, %dma_start3A_450, %dma_start3A_451] : memref<3x256x64xf32, #tpu.memory_space<vmem>> -> memref<1x256x64xf32, #tpu.memory_space<vmem>>
      %dma_start3A_453 = tpu.memref_squeeze %dma_start3A_452 : memref<1x256x64xf32, #tpu.memory_space<vmem>> -> memref<256x64xf32, #tpu.memory_space<vmem>>
      %dma_start3A_454 = arith.constant 0 : i32
      %dma_start3A_455 = tpu.memref_slice %arg4[%add3A_447, %dma_start3A_454] : memref<819200x64xf32, #tpu.memory_space<hbm>> -> memref<256x64xf32, #tpu.memory_space<hbm>>
      %dma_start3A_456 = tpu.memref_slice %arg9[%dma_start3A_449] : memref<3x!tpu.dma_semaphore, #tpu.memory_space<semaphore_mem>> -> memref<1x!tpu.dma_semaphore, #tpu.memory_space<semaphore_mem>>
      %dma_start3A_457 = tpu.memref_squeeze %dma_start3A_456 : memref<1x!tpu.dma_semaphore, #tpu.memory_space<semaphore_mem>> -> memref<!tpu.dma_semaphore, #tpu.memory_space<semaphore_mem>>
      %dma_start3A_458 = arith.constant 0 : i32
      %dma_start3A_459 = tpu.memref_slice %arg4[%add3A_447, %dma_start3A_458] : memref<819200x64xf32, #tpu.memory_space<hbm>> -> memref<256x64xf32, #tpu.memory_space<hbm>>
      %dma_start3A_460 = arith.constant 0 : i32
      %dma_start3A_461 = arith.constant 0 : i32
      %dma_start3A_462 = tpu.memref_slice %arg6[%dma_start3A_448, %dma_start3A_460, %dma_start3A_461] : memref<3x256x64xf32, #tpu.memory_space<vmem>> -> memref<1x256x64xf32, #tpu.memory_space<vmem>>
      %dma_start3A_463 = tpu.memref_squeeze %dma_start3A_462 : memref<1x256x64xf32, #tpu.memory_space<vmem>> -> memref<256x64xf32, #tpu.memory_space<vmem>>
      tpu.enqueue_dma source(%dma_start3A_463 : memref<256x64xf32, #tpu.memory_space<vmem>>) target(%dma_start3A_459 : memref<256x64xf32, #tpu.memory_space<hbm>>) target_semaphore(%dma_start3A_457 : memref<!tpu.dma_semaphore, #tpu.memory_space<semaphore_mem>>)
      %add3A_464 = arith.constant 3 : i32
      %add3A_465 = arith.addi %add3A_348, %add3A_464 : i32
      %lt3A_466 = arith.constant 100 : i32
      %lt3A_467 = arith.cmpi slt, %add3A_465, %lt3A_466 : i32
      %convert_element_type3A_468 = arith.extui %lt3A_467 : i1 to i32
      %cond3A_469 = arith.constant 0 : i32
      %cond3A_470 = arith.cmpi ne, %convert_element_type3A_468, %cond3A_469 : i32
      scf.if %cond3A_470 {
        %add3A_597 = arith.constant 3 : i32
        %add3A_598 = arith.addi %add3A_348, %add3A_597 : i32
        %mul3A_599 = arith.constant 2 : i32
        %mul3A_600 = arith.muli %add3A_598, %mul3A_599 : i32
        %add3A_601 = arith.addi %mul3A_2, %mul3A_600 : i32
        %dma_start3A_602 = arith.constant 1 : i32
        %dma_start3A_603 = arith.constant 1 : i32
        %dma_start3A_604 = arith.constant 0 : i32
        %dma_start3A_605 = arith.constant 0 : i32
        %dma_start3A_606 = tpu.memref_slice %arg5[%dma_start3A_602, %dma_start3A_604, %dma_start3A_605] : memref<3x2x128xi32, #tpu.memory_space<vmem>> -> memref<1x2x128xi32, #tpu.memory_space<vmem>>
        %dma_start3A_607 = tpu.memref_squeeze %dma_start3A_606 : memref<1x2x128xi32, #tpu.memory_space<vmem>> -> memref<2x128xi32, #tpu.memory_space<vmem>>
        %dma_start3A_608 = arith.constant 0 : i32
        %dma_start3A_609 = tpu.memref_slice %arg2[%add3A_601, %dma_start3A_608] : memref<6400x128xi32, #tpu.memory_space<hbm>> -> memref<2x128xi32, #tpu.memory_space<hbm>>
        %dma_start3A_610 = tpu.memref_slice %arg8[%dma_start3A_603] : memref<3x!tpu.dma_semaphore, #tpu.memory_space<semaphore_mem>> -> memref<1x!tpu.dma_semaphore, #tpu.memory_space<semaphore_mem>>
        %dma_start3A_611 = tpu.memref_squeeze %dma_start3A_610 : memref<1x!tpu.dma_semaphore, #tpu.memory_space<semaphore_mem>> -> memref<!tpu.dma_semaphore, #tpu.memory_space<semaphore_mem>>
        %dma_start3A_612 = arith.constant 0 : i32
        %dma_start3A_613 = arith.constant 0 : i32
        %dma_start3A_614 = tpu.memref_slice %arg5[%dma_start3A_602, %dma_start3A_612, %dma_start3A_613] : memref<3x2x128xi32, #tpu.memory_space<vmem>> -> memref<1x2x128xi32, #tpu.memory_space<vmem>>
        %dma_start3A_615 = tpu.memref_squeeze %dma_start3A_614 : memref<1x2x128xi32, #tpu.memory_space<vmem>> -> memref<2x128xi32, #tpu.memory_space<vmem>>
        %dma_start3A_616 = arith.constant 0 : i32
        %dma_start3A_617 = tpu.memref_slice %arg2[%add3A_601, %dma_start3A_616] : memref<6400x128xi32, #tpu.memory_space<hbm>> -> memref<2x128xi32, #tpu.memory_space<hbm>>
        tpu.enqueue_dma source(%dma_start3A_617 : memref<2x128xi32, #tpu.memory_space<hbm>>) target(%dma_start3A_615 : memref<2x128xi32, #tpu.memory_space<vmem>>) target_semaphore(%dma_start3A_611 : memref<!tpu.dma_semaphore, #tpu.memory_space<semaphore_mem>>)
      } else {
      }
      %mul3A_471 = arith.constant 3 : i32
      %mul3A_472 = arith.muli %scan3A_222, %mul3A_471 : i32
      %add3A_473 = arith.constant 2 : i32
      %add3A_474 = arith.addi %mul3A_472, %add3A_473 : i32
      %dma_wait3A_475 = arith.constant 2 : i32
      %dma_wait3A_476 = arith.constant 0 : i32
      %dma_wait3A_477 = arith.constant 2 : i32
      %dma_wait3A_478 = arith.constant 2 : i32
      %dma_wait3A_479 = arith.constant 0 : i32
      %dma_wait3A_480 = arith.constant 0 : i32
      %dma_wait3A_481 = tpu.memref_slice %arg6[%dma_wait3A_477, %dma_wait3A_479, %dma_wait3A_480] : memref<3x256x64xf32, #tpu.memory_space<vmem>> -> memref<1x128x64xf32, #tpu.memory_space<vmem>>
      %dma_wait3A_482 = tpu.memref_squeeze %dma_wait3A_481 : memref<1x128x64xf32, #tpu.memory_space<vmem>> -> memref<128x64xf32, #tpu.memory_space<vmem>>
      %dma_wait3A_483 = arith.constant 0 : i32
      %dma_wait3A_484 = tpu.memref_slice %arg5[%dma_wait3A_475, %dma_wait3A_476, %dma_wait3A_483] : memref<3x2x128xi32, #tpu.memory_space<vmem>> -> memref<1x1x128xi32, #tpu.memory_space<vmem>>
      %dma_wait3A_485 = tpu.memref_squeeze %dma_wait3A_484 : memref<1x1x128xi32, #tpu.memory_space<vmem>> -> memref<128xi32, #tpu.memory_space<vmem>>
      %dma_wait3A_486 = arith.constant 0 : i32
      %dma_wait3A_487 = arith.constant 0 : i32
      %dma_wait3A_488 = tpu.memref_slice %arg3[%dma_wait3A_486, %dma_wait3A_487] : memref<1000000x64xf32, #tpu.memory_space<hbm>> -> memref<1000000x64xf32, #tpu.memory_space<hbm>>
      %dma_wait3A_489 = tpu.memref_slice %arg7[%dma_wait3A_478] : memref<3x!tpu.dma_semaphore, #tpu.memory_space<semaphore_mem>> -> memref<1x!tpu.dma_semaphore, #tpu.memory_space<semaphore_mem>>
      %dma_wait3A_490 = tpu.memref_squeeze %dma_wait3A_489 : memref<1x!tpu.dma_semaphore, #tpu.memory_space<semaphore_mem>> -> memref<!tpu.dma_semaphore, #tpu.memory_space<semaphore_mem>>
      tpu.wait_indirect_dma semaphore(%dma_wait3A_490 : memref<!tpu.dma_semaphore, #tpu.memory_space<semaphore_mem>>) src(%dma_wait3A_488 : memref<1000000x64xf32, #tpu.memory_space<hbm>>) dst(%dma_wait3A_482 : memref<128x64xf32, #tpu.memory_space<vmem>>)
      %dma_wait3A_491 = arith.constant 2 : i32
      %dma_wait3A_492 = arith.constant 1 : i32
      %dma_wait3A_493 = arith.constant 2 : i32
      %dma_wait3A_494 = arith.constant 2 : i32
      %dma_wait3A_495 = arith.constant 128 : i32
      %dma_wait3A_496 = arith.constant 0 : i32
      %dma_wait3A_497 = tpu.memref_slice %arg6[%dma_wait3A_493, %dma_wait3A_495, %dma_wait3A_496] : memref<3x256x64xf32, #tpu.memory_space<vmem>> -> memref<1x128x64xf32, #tpu.memory_space<vmem>>
      %dma_wait3A_498 = tpu.memref_squeeze %dma_wait3A_497 : memref<1x128x64xf32, #tpu.memory_space<vmem>> -> memref<128x64xf32, #tpu.memory_space<vmem>>
      %dma_wait3A_499 = arith.constant 0 : i32
      %dma_wait3A_500 = tpu.memref_slice %arg5[%dma_wait3A_491, %dma_wait3A_492, %dma_wait3A_499] : memref<3x2x128xi32, #tpu.memory_space<vmem>> -> memref<1x1x128xi32, #tpu.memory_space<vmem>>
      %dma_wait3A_501 = tpu.memref_squeeze %dma_wait3A_500 : memref<1x1x128xi32, #tpu.memory_space<vmem>> -> memref<128xi32, #tpu.memory_space<vmem>>
      %dma_wait3A_502 = arith.constant 0 : i32
      %dma_wait3A_503 = arith.constant 0 : i32
      %dma_wait3A_504 = tpu.memref_slice %arg3[%dma_wait3A_502, %dma_wait3A_503] : memref<1000000x64xf32, #tpu.memory_space<hbm>> -> memref<1000000x64xf32, #tpu.memory_space<hbm>>
      %dma_wait3A_505 = tpu.memref_slice %arg7[%dma_wait3A_494] : memref<3x!tpu.dma_semaphore, #tpu.memory_space<semaphore_mem>> -> memref<1x!tpu.dma_semaphore, #tpu.memory_space<semaphore_mem>>
      %dma_wait3A_506 = tpu.memref_squeeze %dma_wait3A_505 : memref<1x!tpu.dma_semaphore, #tpu.memory_space<semaphore_mem>> -> memref<!tpu.dma_semaphore, #tpu.memory_space<semaphore_mem>>
      tpu.wait_indirect_dma semaphore(%dma_wait3A_506 : memref<!tpu.dma_semaphore, #tpu.memory_space<semaphore_mem>>) src(%dma_wait3A_504 : memref<1000000x64xf32, #tpu.memory_space<hbm>>) dst(%dma_wait3A_498 : memref<128x64xf32, #tpu.memory_space<vmem>>)
      %add3A_507 = arith.constant 1 : i32
      %add3A_508 = arith.addi %add3A_474, %add3A_507 : i32
      %mul3A_509 = arith.constant 2 : i32
      %mul3A_510 = arith.muli %add3A_508, %mul3A_509 : i32
      %add3A_511 = arith.addi %mul3A_2, %mul3A_510 : i32
      %dma_wait3A_512 = arith.constant 0 : i32
      %dma_wait3A_513 = arith.constant 0 : i32
      %dma_wait3A_514 = arith.constant 0 : i32
      %dma_wait3A_515 = arith.constant 0 : i32
      %dma_wait3A_516 = tpu.memref_slice %arg5[%dma_wait3A_512, %dma_wait3A_514, %dma_wait3A_515] : memref<3x2x128xi32, #tpu.memory_space<vmem>> -> memref<1x2x128xi32, #tpu.memory_space<vmem>>
      %dma_wait3A_517 = tpu.memref_squeeze %dma_wait3A_516 : memref<1x2x128xi32, #tpu.memory_space<vmem>> -> memref<2x128xi32, #tpu.memory_space<vmem>>
      %dma_wait3A_518 = arith.constant 0 : i32
      %dma_wait3A_519 = tpu.memref_slice %arg2[%add3A_511, %dma_wait3A_518] : memref<6400x128xi32, #tpu.memory_space<hbm>> -> memref<2x128xi32, #tpu.memory_space<hbm>>
      %dma_wait3A_520 = tpu.memref_slice %arg8[%dma_wait3A_513] : memref<3x!tpu.dma_semaphore, #tpu.memory_space<semaphore_mem>> -> memref<1x!tpu.dma_semaphore, #tpu.memory_space<semaphore_mem>>
      %dma_wait3A_521 = tpu.memref_squeeze %dma_wait3A_520 : memref<1x!tpu.dma_semaphore, #tpu.memory_space<semaphore_mem>> -> memref<!tpu.dma_semaphore, #tpu.memory_space<semaphore_mem>>
      %dma_wait3A_522 = arith.constant 0 : i32
      %dma_wait3A_523 = arith.constant 0 : i32
      %dma_wait3A_524 = tpu.memref_slice %arg5[%dma_wait3A_512, %dma_wait3A_522, %dma_wait3A_523] : memref<3x2x128xi32, #tpu.memory_space<vmem>> -> memref<1x2x128xi32, #tpu.memory_space<vmem>>
      %dma_wait3A_525 = tpu.memref_squeeze %dma_wait3A_524 : memref<1x2x128xi32, #tpu.memory_space<vmem>> -> memref<2x128xi32, #tpu.memory_space<vmem>>
      %dma_wait3A_526 = arith.constant 0 : i32
      %dma_wait3A_527 = tpu.memref_slice %arg2[%add3A_511, %dma_wait3A_526] : memref<6400x128xi32, #tpu.memory_space<hbm>> -> memref<2x128xi32, #tpu.memory_space<hbm>>
      tpu.wait_dma2 semaphore(%dma_wait3A_521 : memref<!tpu.dma_semaphore, #tpu.memory_space<semaphore_mem>>) src(%dma_wait3A_527 : memref<2x128xi32, #tpu.memory_space<hbm>>) dst(%dma_wait3A_525 : memref<2x128xi32, #tpu.memory_space<vmem>>)
      %ge3A_528 = arith.constant 2 : i32
      %ge3A_529 = arith.cmpi sge, %add3A_474, %ge3A_528 : i32
      %convert_element_type3A_530 = arith.extui %ge3A_529 : i1 to i32
      %cond3A_531 = arith.constant 0 : i32
      %cond3A_532 = arith.cmpi ne, %convert_element_type3A_530, %cond3A_531 : i32
      scf.if %cond3A_532 {
        %mul3A_597 = arith.constant 256 : i32
        %mul3A_598 = arith.muli %add3A_474, %mul3A_597 : i32
        %add3A_599 = arith.addi %mul3A_4, %mul3A_598 : i32
        %dma_wait3A_600 = arith.constant 0 : i32
        %dma_wait3A_601 = arith.constant 0 : i32
        %dma_wait3A_602 = arith.constant 0 : i32
        %dma_wait3A_603 = arith.constant 0 : i32
        %dma_wait3A_604 = tpu.memref_slice %arg6[%dma_wait3A_600, %dma_wait3A_602, %dma_wait3A_603] : memref<3x256x64xf32, #tpu.memory_space<vmem>> -> memref<1x256x64xf32, #tpu.memory_space<vmem>>
        %dma_wait3A_605 = tpu.memref_squeeze %dma_wait3A_604 : memref<1x256x64xf32, #tpu.memory_space<vmem>> -> memref<256x64xf32, #tpu.memory_space<vmem>>
        %dma_wait3A_606 = arith.constant 0 : i32
        %dma_wait3A_607 = tpu.memref_slice %arg4[%add3A_599, %dma_wait3A_606] : memref<819200x64xf32, #tpu.memory_space<hbm>> -> memref<256x64xf32, #tpu.memory_space<hbm>>
        %dma_wait3A_608 = tpu.memref_slice %arg9[%dma_wait3A_601] : memref<3x!tpu.dma_semaphore, #tpu.memory_space<semaphore_mem>> -> memref<1x!tpu.dma_semaphore, #tpu.memory_space<semaphore_mem>>
        %dma_wait3A_609 = tpu.memref_squeeze %dma_wait3A_608 : memref<1x!tpu.dma_semaphore, #tpu.memory_space<semaphore_mem>> -> memref<!tpu.dma_semaphore, #tpu.memory_space<semaphore_mem>>
        %dma_wait3A_610 = arith.constant 0 : i32
        %dma_wait3A_611 = tpu.memref_slice %arg4[%add3A_599, %dma_wait3A_610] : memref<819200x64xf32, #tpu.memory_space<hbm>> -> memref<256x64xf32, #tpu.memory_space<hbm>>
        %dma_wait3A_612 = arith.constant 0 : i32
        %dma_wait3A_613 = arith.constant 0 : i32
        %dma_wait3A_614 = tpu.memref_slice %arg6[%dma_wait3A_600, %dma_wait3A_612, %dma_wait3A_613] : memref<3x256x64xf32, #tpu.memory_space<vmem>> -> memref<1x256x64xf32, #tpu.memory_space<vmem>>
        %dma_wait3A_615 = tpu.memref_squeeze %dma_wait3A_614 : memref<1x256x64xf32, #tpu.memory_space<vmem>> -> memref<256x64xf32, #tpu.memory_space<vmem>>
        tpu.wait_dma2 semaphore(%dma_wait3A_609 : memref<!tpu.dma_semaphore, #tpu.memory_space<semaphore_mem>>) src(%dma_wait3A_615 : memref<256x64xf32, #tpu.memory_space<vmem>>) dst(%dma_wait3A_611 : memref<256x64xf32, #tpu.memory_space<hbm>>)
      } else {
      }
      %dma_start3A_533 = arith.constant 0 : i32
      %dma_start3A_534 = arith.constant 0 : i32
      %dma_start3A_535 = arith.constant 0 : i32
      %dma_start3A_536 = arith.constant 0 : i32
      %dma_start3A_537 = arith.constant 0 : i32
      %dma_start3A_538 = arith.constant 0 : i32
      %dma_start3A_539 = tpu.memref_slice %arg6[%dma_start3A_535, %dma_start3A_537, %dma_start3A_538] : memref<3x256x64xf32, #tpu.memory_space<vmem>> -> memref<1x128x64xf32, #tpu.memory_space<vmem>>
      %dma_start3A_540 = tpu.memref_squeeze %dma_start3A_539 : memref<1x128x64xf32, #tpu.memory_space<vmem>> -> memref<128x64xf32, #tpu.memory_space<vmem>>
      %dma_start3A_541 = arith.constant 0 : i32
      %dma_start3A_542 = tpu.memref_slice %arg5[%dma_start3A_533, %dma_start3A_534, %dma_start3A_541] : memref<3x2x128xi32, #tpu.memory_space<vmem>> -> memref<1x1x128xi32, #tpu.memory_space<vmem>>
      %dma_start3A_543 = tpu.memref_squeeze %dma_start3A_542 : memref<1x1x128xi32, #tpu.memory_space<vmem>> -> memref<128xi32, #tpu.memory_space<vmem>>
      %dma_start3A_544 = arith.constant 0 : i32
      %dma_start3A_545 = arith.constant 0 : i32
      %dma_start3A_546 = tpu.memref_slice %arg3[%dma_start3A_544, %dma_start3A_545] : memref<1000000x64xf32, #tpu.memory_space<hbm>> -> memref<1000000x64xf32, #tpu.memory_space<hbm>>
      %dma_start3A_547 = tpu.memref_slice %arg7[%dma_start3A_536] : memref<3x!tpu.dma_semaphore, #tpu.memory_space<semaphore_mem>> -> memref<1x!tpu.dma_semaphore, #tpu.memory_space<semaphore_mem>>
      %dma_start3A_548 = tpu.memref_squeeze %dma_start3A_547 : memref<1x!tpu.dma_semaphore, #tpu.memory_space<semaphore_mem>> -> memref<!tpu.dma_semaphore, #tpu.memory_space<semaphore_mem>>
      tpu.enqueue_indirect_dma source(%dma_start3A_546 : memref<1000000x64xf32, #tpu.memory_space<hbm>>) target(%dma_start3A_540 : memref<128x64xf32, #tpu.memory_space<vmem>>) offsets(%dma_start3A_543 : memref<128xi32, #tpu.memory_space<vmem>>) semaphore(%dma_start3A_548 : memref<!tpu.dma_semaphore, #tpu.memory_space<semaphore_mem>>)
      %dma_start3A_549 = arith.constant 0 : i32
      %dma_start3A_550 = arith.constant 1 : i32
      %dma_start3A_551 = arith.constant 0 : i32
      %dma_start3A_552 = arith.constant 0 : i32
      %dma_start3A_553 = arith.constant 128 : i32
      %dma_start3A_554 = arith.constant 0 : i32
      %dma_start3A_555 = tpu.memref_slice %arg6[%dma_start3A_551, %dma_start3A_553, %dma_start3A_554] : memref<3x256x64xf32, #tpu.memory_space<vmem>> -> memref<1x128x64xf32, #tpu.memory_space<vmem>>
      %dma_start3A_556 = tpu.memref_squeeze %dma_start3A_555 : memref<1x128x64xf32, #tpu.memory_space<vmem>> -> memref<128x64xf32, #tpu.memory_space<vmem>>
      %dma_start3A_557 = arith.constant 0 : i32
      %dma_start3A_558 = tpu.memref_slice %arg5[%dma_start3A_549, %dma_start3A_550, %dma_start3A_557] : memref<3x2x128xi32, #tpu.memory_space<vmem>> -> memref<1x1x128xi32, #tpu.memory_space<vmem>>
      %dma_start3A_559 = tpu.memref_squeeze %dma_start3A_558 : memref<1x1x128xi32, #tpu.memory_space<vmem>> -> memref<128xi32, #tpu.memory_space<vmem>>
      %dma_start3A_560 = arith.constant 0 : i32
      %dma_start3A_561 = arith.constant 0 : i32
      %dma_start3A_562 = tpu.memref_slice %arg3[%dma_start3A_560, %dma_start3A_561] : memref<1000000x64xf32, #tpu.memory_space<hbm>> -> memref<1000000x64xf32, #tpu.memory_space<hbm>>
      %dma_start3A_563 = tpu.memref_slice %arg7[%dma_start3A_552] : memref<3x!tpu.dma_semaphore, #tpu.memory_space<semaphore_mem>> -> memref<1x!tpu.dma_semaphore, #tpu.memory_space<semaphore_mem>>
      %dma_start3A_564 = tpu.memref_squeeze %dma_start3A_563 : memref<1x!tpu.dma_semaphore, #tpu.memory_space<semaphore_mem>> -> memref<!tpu.dma_semaphore, #tpu.memory_space<semaphore_mem>>
      tpu.enqueue_indirect_dma source(%dma_start3A_562 : memref<1000000x64xf32, #tpu.memory_space<hbm>>) target(%dma_start3A_556 : memref<128x64xf32, #tpu.memory_space<vmem>>) offsets(%dma_start3A_559 : memref<128xi32, #tpu.memory_space<vmem>>) semaphore(%dma_start3A_564 : memref<!tpu.dma_semaphore, #tpu.memory_space<semaphore_mem>>)
      %scan3A_565 = arith.constant 0 : i32
      %scan3A_566 = arith.constant 0 : i32
      %scan3A_567 = arith.constant 32 : i32
      %scan3A_568 = arith.addi %scan3A_566, %scan3A_567 : i32
      %scan3A_569 = arith.constant 1 : i32
      scf.for %scan3A_597 = %scan3A_566 to %scan3A_568 step %scan3A_569  : i32 {
        %mul3A_598 = arith.constant 8 : i32
        %mul3A_599 = arith.muli %scan3A_597, %mul3A_598 : i32
        %add3A_600 = arith.constant 0 : i32
        %add3A_601 = arith.addi %mul3A_599, %add3A_600 : i32
        %get3A = arith.constant 2 : i32
        %get3A_602 = arith.index_cast %get3A : i32 to index
        %get3A_603 = arith.index_cast %add3A_601 : i32 to index
        %get3A_604 = arith.constant 0 : index
        %get3A_605 = tpu.vector_load %arg6[%get3A_602, %get3A_603, %get3A_604] {strides = array<i32>} : memref<3x256x64xf32, #tpu.memory_space<vmem>>, vector<1x1x16xf32>,
        %get3A_606 = vector.shape_cast %get3A_605 : vector<1x1x16xf32> to vector<16xf32>
        %mul3A_607 = arith.constant 8.000000e+00 : f32
        %mul3A_608 = vector.broadcast %mul3A_607 : f32 to vector<16xf32>
        %mul3A_609 = arith.mulf %get3A_606, %mul3A_608 : vector<16xf32>
        %add3A_610 = arith.constant 0 : i32
        %add3A_611 = arith.addi %mul3A_599, %add3A_610 : i32
        %swap3A = arith.constant 2 : i32
        %swap3A_612 = arith.index_cast %swap3A : i32 to index
        %swap3A_613 = arith.index_cast %add3A_611 : i32 to index
        %swap3A_614 = arith.constant 0 : index
        %swap3A_615 = tpu.vector_load %arg6[%swap3A_612, %swap3A_613, %swap3A_614] {strides = array<i32>} : memref<3x256x64xf32, #tpu.memory_space<vmem>>, vector<1x1x16xf32>,
        %swap3A_616 = vector.shape_cast %swap3A_615 : vector<1x1x16xf32> to vector<16xf32>
        %swap3A_617 = vector.shape_cast %mul3A_609 : vector<16xf32> to vector<1x1x16xf32>
        tpu.vector_store %arg6[%swap3A_612, %swap3A_613, %swap3A_614], %swap3A_617 {strides = array<i32>} : memref<3x256x64xf32, #tpu.memory_space<vmem>>, vector<1x1x16xf32>,
        %add3A_618 = arith.constant 0 : i32
        %add3A_619 = arith.addi %mul3A_599, %add3A_618 : i32
        %get3A_620 = arith.constant 2 : i32
        %get3A_621 = arith.index_cast %get3A_620 : i32 to index
        %get3A_622 = arith.index_cast %add3A_619 : i32 to index
        %get3A_623 = arith.constant 16 : index
        %get3A_624 = tpu.vector_load %arg6[%get3A_621, %get3A_622, %get3A_623] {strides = array<i32>} : memref<3x256x64xf32, #tpu.memory_space<vmem>>, vector<1x1x16xf32>,
        %get3A_625 = vector.shape_cast %get3A_624 : vector<1x1x16xf32> to vector<16xf32>
        %mul3A_626 = arith.constant 8.000000e+00 : f32
        %mul3A_627 = vector.broadcast %mul3A_626 : f32 to vector<16xf32>
        %mul3A_628 = arith.mulf %get3A_625, %mul3A_627 : vector<16xf32>
        %add3A_629 = arith.constant 0 : i32
        %add3A_630 = arith.addi %mul3A_599, %add3A_629 : i32
        %swap3A_631 = arith.constant 2 : i32
        %swap3A_632 = arith.index_cast %swap3A_631 : i32 to index
        %swap3A_633 = arith.index_cast %add3A_630 : i32 to index
        %swap3A_634 = arith.constant 16 : index
        %swap3A_635 = tpu.vector_load %arg6[%swap3A_632, %swap3A_633, %swap3A_634] {strides = array<i32>} : memref<3x256x64xf32, #tpu.memory_space<vmem>>, vector<1x1x16xf32>,
        %swap3A_636 = vector.shape_cast %swap3A_635 : vector<1x1x16xf32> to vector<16xf32>
        %swap3A_637 = vector.shape_cast %mul3A_628 : vector<16xf32> to vector<1x1x16xf32>
        tpu.vector_store %arg6[%swap3A_632, %swap3A_633, %swap3A_634], %swap3A_637 {strides = array<i32>} : memref<3x256x64xf32, #tpu.memory_space<vmem>>, vector<1x1x16xf32>,
        %add3A_638 = arith.constant 0 : i32
        %add3A_639 = arith.addi %mul3A_599, %add3A_638 : i32
        %get3A_640 = arith.constant 2 : i32
        %get3A_641 = arith.index_cast %get3A_640 : i32 to index
        %get3A_642 = arith.index_cast %add3A_639 : i32 to index
        %get3A_643 = arith.constant 32 : index
        %get3A_644 = tpu.vector_load %arg6[%get3A_641, %get3A_642, %get3A_643] {strides = array<i32>} : memref<3x256x64xf32, #tpu.memory_space<vmem>>, vector<1x1x16xf32>,
        %get3A_645 = vector.shape_cast %get3A_644 : vector<1x1x16xf32> to vector<16xf32>
        %mul3A_646 = arith.constant 8.000000e+00 : f32
        %mul3A_647 = vector.broadcast %mul3A_646 : f32 to vector<16xf32>
        %mul3A_648 = arith.mulf %get3A_645, %mul3A_647 : vector<16xf32>
        %add3A_649 = arith.constant 0 : i32
        %add3A_650 = arith.addi %mul3A_599, %add3A_649 : i32
        %swap3A_651 = arith.constant 2 : i32
        %swap3A_652 = arith.index_cast %swap3A_651 : i32 to index
        %swap3A_653 = arith.index_cast %add3A_650 : i32 to index
        %swap3A_654 = arith.constant 32 : index
        %swap3A_655 = tpu.vector_load %arg6[%swap3A_652, %swap3A_653, %swap3A_654] {strides = array<i32>} : memref<3x256x64xf32, #tpu.memory_space<vmem>>, vector<1x1x16xf32>,
        %swap3A_656 = vector.shape_cast %swap3A_655 : vector<1x1x16xf32> to vector<16xf32>
        %swap3A_657 = vector.shape_cast %mul3A_648 : vector<16xf32> to vector<1x1x16xf32>
        tpu.vector_store %arg6[%swap3A_652, %swap3A_653, %swap3A_654], %swap3A_657 {strides = array<i32>} : memref<3x256x64xf32, #tpu.memory_space<vmem>>, vector<1x1x16xf32>,
        %add3A_658 = arith.constant 0 : i32
        %add3A_659 = arith.addi %mul3A_599, %add3A_658 : i32
        %get3A_660 = arith.constant 2 : i32
        %get3A_661 = arith.index_cast %get3A_660 : i32 to index
        %get3A_662 = arith.index_cast %add3A_659 : i32 to index
        %get3A_663 = arith.constant 48 : index
        %get3A_664 = tpu.vector_load %arg6[%get3A_661, %get3A_662, %get3A_663] {strides = array<i32>} : memref<3x256x64xf32, #tpu.memory_space<vmem>>, vector<1x1x16xf32>,
        %get3A_665 = vector.shape_cast %get3A_664 : vector<1x1x16xf32> to vector<16xf32>
        %mul3A_666 = arith.constant 8.000000e+00 : f32
        %mul3A_667 = vector.broadcast %mul3A_666 : f32 to vector<16xf32>
        %mul3A_668 = arith.mulf %get3A_665, %mul3A_667 : vector<16xf32>
        %add3A_669 = arith.constant 0 : i32
        %add3A_670 = arith.addi %mul3A_599, %add3A_669 : i32
        %swap3A_671 = arith.constant 2 : i32
        %swap3A_672 = arith.index_cast %swap3A_671 : i32 to index
        %swap3A_673 = arith.index_cast %add3A_670 : i32 to index
        %swap3A_674 = arith.constant 48 : index
        %swap3A_675 = tpu.vector_load %arg6[%swap3A_672, %swap3A_673, %swap3A_674] {strides = array<i32>} : memref<3x256x64xf32, #tpu.memory_space<vmem>>, vector<1x1x16xf32>,
        %swap3A_676 = vector.shape_cast %swap3A_675 : vector<1x1x16xf32> to vector<16xf32>
        %swap3A_677 = vector.shape_cast %mul3A_668 : vector<16xf32> to vector<1x1x16xf32>
        tpu.vector_store %arg6[%swap3A_672, %swap3A_673, %swap3A_674], %swap3A_677 {strides = array<i32>} : memref<3x256x64xf32, #tpu.memory_space<vmem>>, vector<1x1x16xf32>,
        %add3A_678 = arith.constant 1 : i32
        %add3A_679 = arith.addi %mul3A_599, %add3A_678 : i32
        %get3A_680 = arith.constant 2 : i32
        %get3A_681 = arith.index_cast %get3A_680 : i32 to index
        %get3A_682 = arith.index_cast %add3A_679 : i32 to index
        %get3A_683 = arith.constant 0 : index
        %get3A_684 = tpu.vector_load %arg6[%get3A_681, %get3A_682, %get3A_683] {strides = array<i32>} : memref<3x256x64xf32, #tpu.memory_space<vmem>>, vector<1x1x16xf32>,
        %get3A_685 = vector.shape_cast %get3A_684 : vector<1x1x16xf32> to vector<16xf32>
        %mul3A_686 = arith.constant 8.000000e+00 : f32
        %mul3A_687 = vector.broadcast %mul3A_686 : f32 to vector<16xf32>
        %mul3A_688 = arith.mulf %get3A_685, %mul3A_687 : vector<16xf32>
        %add3A_689 = arith.constant 1 : i32
        %add3A_690 = arith.addi %mul3A_599, %add3A_689 : i32
        %swap3A_691 = arith.constant 2 : i32
        %swap3A_692 = arith.index_cast %swap3A_691 : i32 to index
        %swap3A_693 = arith.index_cast %add3A_690 : i32 to index
        %swap3A_694 = arith.constant 0 : index
        %swap3A_695 = tpu.vector_load %arg6[%swap3A_692, %swap3A_693, %swap3A_694] {strides = array<i32>} : memref<3x256x64xf32, #tpu.memory_space<vmem>>, vector<1x1x16xf32>,
        %swap3A_696 = vector.shape_cast %swap3A_695 : vector<1x1x16xf32> to vector<16xf32>
        %swap3A_697 = vector.shape_cast %mul3A_688 : vector<16xf32> to vector<1x1x16xf32>
        tpu.vector_store %arg6[%swap3A_692, %swap3A_693, %swap3A_694], %swap3A_697 {strides = array<i32>} : memref<3x256x64xf32, #tpu.memory_space<vmem>>, vector<1x1x16xf32>,
        %add3A_698 = arith.constant 1 : i32
        %add3A_699 = arith.addi %mul3A_599, %add3A_698 : i32
        %get3A_700 = arith.constant 2 : i32
        %get3A_701 = arith.index_cast %get3A_700 : i32 to index
        %get3A_702 = arith.index_cast %add3A_699 : i32 to index
        %get3A_703 = arith.constant 16 : index
        %get3A_704 = tpu.vector_load %arg6[%get3A_701, %get3A_702, %get3A_703] {strides = array<i32>} : memref<3x256x64xf32, #tpu.memory_space<vmem>>, vector<1x1x16xf32>,
        %get3A_705 = vector.shape_cast %get3A_704 : vector<1x1x16xf32> to vector<16xf32>
        %mul3A_706 = arith.constant 8.000000e+00 : f32
        %mul3A_707 = vector.broadcast %mul3A_706 : f32 to vector<16xf32>
        %mul3A_708 = arith.mulf %get3A_705, %mul3A_707 : vector<16xf32>
        %add3A_709 = arith.constant 1 : i32
        %add3A_710 = arith.addi %mul3A_599, %add3A_709 : i32
        %swap3A_711 = arith.constant 2 : i32
        %swap3A_712 = arith.index_cast %swap3A_711 : i32 to index
        %swap3A_713 = arith.index_cast %add3A_710 : i32 to index
        %swap3A_714 = arith.constant 16 : index
        %swap3A_715 = tpu.vector_load %arg6[%swap3A_712, %swap3A_713, %swap3A_714] {strides = array<i32>} : memref<3x256x64xf32, #tpu.memory_space<vmem>>, vector<1x1x16xf32>,
        %swap3A_716 = vector.shape_cast %swap3A_715 : vector<1x1x16xf32> to vector<16xf32>
        %swap3A_717 = vector.shape_cast %mul3A_708 : vector<16xf32> to vector<1x1x16xf32>
        tpu.vector_store %arg6[%swap3A_712, %swap3A_713, %swap3A_714], %swap3A_717 {strides = array<i32>} : memref<3x256x64xf32, #tpu.memory_space<vmem>>, vector<1x1x16xf32>,
        %add3A_718 = arith.constant 1 : i32
        %add3A_719 = arith.addi %mul3A_599, %add3A_718 : i32
        %get3A_720 = arith.constant 2 : i32
        %get3A_721 = arith.index_cast %get3A_720 : i32 to index
        %get3A_722 = arith.index_cast %add3A_719 : i32 to index
        %get3A_723 = arith.constant 32 : index
        %get3A_724 = tpu.vector_load %arg6[%get3A_721, %get3A_722, %get3A_723] {strides = array<i32>} : memref<3x256x64xf32, #tpu.memory_space<vmem>>, vector<1x1x16xf32>,
        %get3A_725 = vector.shape_cast %get3A_724 : vector<1x1x16xf32> to vector<16xf32>
        %mul3A_726 = arith.constant 8.000000e+00 : f32
        %mul3A_727 = vector.broadcast %mul3A_726 : f32 to vector<16xf32>
        %mul3A_728 = arith.mulf %get3A_725, %mul3A_727 : vector<16xf32>
        %add3A_729 = arith.constant 1 : i32
        %add3A_730 = arith.addi %mul3A_599, %add3A_729 : i32
        %swap3A_731 = arith.constant 2 : i32
        %swap3A_732 = arith.index_cast %swap3A_731 : i32 to index
        %swap3A_733 = arith.index_cast %add3A_730 : i32 to index
        %swap3A_734 = arith.constant 32 : index
        %swap3A_735 = tpu.vector_load %arg6[%swap3A_732, %swap3A_733, %swap3A_734] {strides = array<i32>} : memref<3x256x64xf32, #tpu.memory_space<vmem>>, vector<1x1x16xf32>,
        %swap3A_736 = vector.shape_cast %swap3A_735 : vector<1x1x16xf32> to vector<16xf32>
        %swap3A_737 = vector.shape_cast %mul3A_728 : vector<16xf32> to vector<1x1x16xf32>
        tpu.vector_store %arg6[%swap3A_732, %swap3A_733, %swap3A_734], %swap3A_737 {strides = array<i32>} : memref<3x256x64xf32, #tpu.memory_space<vmem>>, vector<1x1x16xf32>,
        %add3A_738 = arith.constant 1 : i32
        %add3A_739 = arith.addi %mul3A_599, %add3A_738 : i32
        %get3A_740 = arith.constant 2 : i32
        %get3A_741 = arith.index_cast %get3A_740 : i32 to index
        %get3A_742 = arith.index_cast %add3A_739 : i32 to index
        %get3A_743 = arith.constant 48 : index
        %get3A_744 = tpu.vector_load %arg6[%get3A_741, %get3A_742, %get3A_743] {strides = array<i32>} : memref<3x256x64xf32, #tpu.memory_space<vmem>>, vector<1x1x16xf32>,
        %get3A_745 = vector.shape_cast %get3A_744 : vector<1x1x16xf32> to vector<16xf32>
        %mul3A_746 = arith.constant 8.000000e+00 : f32
        %mul3A_747 = vector.broadcast %mul3A_746 : f32 to vector<16xf32>
        %mul3A_748 = arith.mulf %get3A_745, %mul3A_747 : vector<16xf32>
        %add3A_749 = arith.constant 1 : i32
        %add3A_750 = arith.addi %mul3A_599, %add3A_749 : i32
        %swap3A_751 = arith.constant 2 : i32
        %swap3A_752 = arith.index_cast %swap3A_751 : i32 to index
        %swap3A_753 = arith.index_cast %add3A_750 : i32 to index
        %swap3A_754 = arith.constant 48 : index
        %swap3A_755 = tpu.vector_load %arg6[%swap3A_752, %swap3A_753, %swap3A_754] {strides = array<i32>} : memref<3x256x64xf32, #tpu.memory_space<vmem>>, vector<1x1x16xf32>,
        %swap3A_756 = vector.shape_cast %swap3A_755 : vector<1x1x16xf32> to vector<16xf32>
        %swap3A_757 = vector.shape_cast %mul3A_748 : vector<16xf32> to vector<1x1x16xf32>
        tpu.vector_store %arg6[%swap3A_752, %swap3A_753, %swap3A_754], %swap3A_757 {strides = array<i32>} : memref<3x256x64xf32, #tpu.memory_space<vmem>>, vector<1x1x16xf32>,
        %add3A_758 = arith.constant 2 : i32
        %add3A_759 = arith.addi %mul3A_599, %add3A_758 : i32
        %get3A_760 = arith.constant 2 : i32
        %get3A_761 = arith.index_cast %get3A_760 : i32 to index
        %get3A_762 = arith.index_cast %add3A_759 : i32 to index
        %get3A_763 = arith.constant 0 : index
        %get3A_764 = tpu.vector_load %arg6[%get3A_761, %get3A_762, %get3A_763] {strides = array<i32>} : memref<3x256x64xf32, #tpu.memory_space<vmem>>, vector<1x1x16xf32>,
        %get3A_765 = vector.shape_cast %get3A_764 : vector<1x1x16xf32> to vector<16xf32>
        %mul3A_766 = arith.constant 8.000000e+00 : f32
        %mul3A_767 = vector.broadcast %mul3A_766 : f32 to vector<16xf32>
        %mul3A_768 = arith.mulf %get3A_765, %mul3A_767 : vector<16xf32>
        %add3A_769 = arith.constant 2 : i32
        %add3A_770 = arith.addi %mul3A_599, %add3A_769 : i32
        %swap3A_771 = arith.constant 2 : i32
        %swap3A_772 = arith.index_cast %swap3A_771 : i32 to index
        %swap3A_773 = arith.index_cast %add3A_770 : i32 to index
        %swap3A_774 = arith.constant 0 : index
        %swap3A_775 = tpu.vector_load %arg6[%swap3A_772, %swap3A_773, %swap3A_774] {strides = array<i32>} : memref<3x256x64xf32, #tpu.memory_space<vmem>>, vector<1x1x16xf32>,
        %swap3A_776 = vector.shape_cast %swap3A_775 : vector<1x1x16xf32> to vector<16xf32>
        %swap3A_777 = vector.shape_cast %mul3A_768 : vector<16xf32> to vector<1x1x16xf32>
        tpu.vector_store %arg6[%swap3A_772, %swap3A_773, %swap3A_774], %swap3A_777 {strides = array<i32>} : memref<3x256x64xf32, #tpu.memory_space<vmem>>, vector<1x1x16xf32>,
        %add3A_778 = arith.constant 2 : i32
        %add3A_779 = arith.addi %mul3A_599, %add3A_778 : i32
        %get3A_780 = arith.constant 2 : i32
        %get3A_781 = arith.index_cast %get3A_780 : i32 to index
        %get3A_782 = arith.index_cast %add3A_779 : i32 to index
        %get3A_783 = arith.constant 16 : index
        %get3A_784 = tpu.vector_load %arg6[%get3A_781, %get3A_782, %get3A_783] {strides = array<i32>} : memref<3x256x64xf32, #tpu.memory_space<vmem>>, vector<1x1x16xf32>,
        %get3A_785 = vector.shape_cast %get3A_784 : vector<1x1x16xf32> to vector<16xf32>
        %mul3A_786 = arith.constant 8.000000e+00 : f32
        %mul3A_787 = vector.broadcast %mul3A_786 : f32 to vector<16xf32>
        %mul3A_788 = arith.mulf %get3A_785, %mul3A_787 : vector<16xf32>
        %add3A_789 = arith.constant 2 : i32
        %add3A_790 = arith.addi %mul3A_599, %add3A_789 : i32
        %swap3A_791 = arith.constant 2 : i32
        %swap3A_792 = arith.index_cast %swap3A_791 : i32 to index
        %swap3A_793 = arith.index_cast %add3A_790 : i32 to index
        %swap3A_794 = arith.constant 16 : index
        %swap3A_795 = tpu.vector_load %arg6[%swap3A_792, %swap3A_793, %swap3A_794] {strides = array<i32>} : memref<3x256x64xf32, #tpu.memory_space<vmem>>, vector<1x1x16xf32>,
        %swap3A_796 = vector.shape_cast %swap3A_795 : vector<1x1x16xf32> to vector<16xf32>
        %swap3A_797 = vector.shape_cast %mul3A_788 : vector<16xf32> to vector<1x1x16xf32>
        tpu.vector_store %arg6[%swap3A_792, %swap3A_793, %swap3A_794], %swap3A_797 {strides = array<i32>} : memref<3x256x64xf32, #tpu.memory_space<vmem>>, vector<1x1x16xf32>,
        %add3A_798 = arith.constant 2 : i32
        %add3A_799 = arith.addi %mul3A_599, %add3A_798 : i32
        %get3A_800 = arith.constant 2 : i32
        %get3A_801 = arith.index_cast %get3A_800 : i32 to index
        %get3A_802 = arith.index_cast %add3A_799 : i32 to index
        %get3A_803 = arith.constant 32 : index
        %get3A_804 = tpu.vector_load %arg6[%get3A_801, %get3A_802, %get3A_803] {strides = array<i32>} : memref<3x256x64xf32, #tpu.memory_space<vmem>>, vector<1x1x16xf32>,
        %get3A_805 = vector.shape_cast %get3A_804 : vector<1x1x16xf32> to vector<16xf32>
        %mul3A_806 = arith.constant 8.000000e+00 : f32
        %mul3A_807 = vector.broadcast %mul3A_806 : f32 to vector<16xf32>
        %mul3A_808 = arith.mulf %get3A_805, %mul3A_807 : vector<16xf32>
        %add3A_809 = arith.constant 2 : i32
        %add3A_810 = arith.addi %mul3A_599, %add3A_809 : i32
        %swap3A_811 = arith.constant 2 : i32
        %swap3A_812 = arith.index_cast %swap3A_811 : i32 to index
        %swap3A_813 = arith.index_cast %add3A_810 : i32 to index
        %swap3A_814 = arith.constant 32 : index
        %swap3A_815 = tpu.vector_load %arg6[%swap3A_812, %swap3A_813, %swap3A_814] {strides = array<i32>} : memref<3x256x64xf32, #tpu.memory_space<vmem>>, vector<1x1x16xf32>,
        %swap3A_816 = vector.shape_cast %swap3A_815 : vector<1x1x16xf32> to vector<16xf32>
        %swap3A_817 = vector.shape_cast %mul3A_808 : vector<16xf32> to vector<1x1x16xf32>
        tpu.vector_store %arg6[%swap3A_812, %swap3A_813, %swap3A_814], %swap3A_817 {strides = array<i32>} : memref<3x256x64xf32, #tpu.memory_space<vmem>>, vector<1x1x16xf32>,
        %add3A_818 = arith.constant 2 : i32
        %add3A_819 = arith.addi %mul3A_599, %add3A_818 : i32
        %get3A_820 = arith.constant 2 : i32
        %get3A_821 = arith.index_cast %get3A_820 : i32 to index
        %get3A_822 = arith.index_cast %add3A_819 : i32 to index
        %get3A_823 = arith.constant 48 : index
        %get3A_824 = tpu.vector_load %arg6[%get3A_821, %get3A_822, %get3A_823] {strides = array<i32>} : memref<3x256x64xf32, #tpu.memory_space<vmem>>, vector<1x1x16xf32>,
        %get3A_825 = vector.shape_cast %get3A_824 : vector<1x1x16xf32> to vector<16xf32>
        %mul3A_826 = arith.constant 8.000000e+00 : f32
        %mul3A_827 = vector.broadcast %mul3A_826 : f32 to vector<16xf32>
        %mul3A_828 = arith.mulf %get3A_825, %mul3A_827 : vector<16xf32>
        %add3A_829 = arith.constant 2 : i32
        %add3A_830 = arith.addi %mul3A_599, %add3A_829 : i32
        %swap3A_831 = arith.constant 2 : i32
        %swap3A_832 = arith.index_cast %swap3A_831 : i32 to index
        %swap3A_833 = arith.index_cast %add3A_830 : i32 to index
        %swap3A_834 = arith.constant 48 : index
        %swap3A_835 = tpu.vector_load %arg6[%swap3A_832, %swap3A_833, %swap3A_834] {strides = array<i32>} : memref<3x256x64xf32, #tpu.memory_space<vmem>>, vector<1x1x16xf32>,
        %swap3A_836 = vector.shape_cast %swap3A_835 : vector<1x1x16xf32> to vector<16xf32>
        %swap3A_837 = vector.shape_cast %mul3A_828 : vector<16xf32> to vector<1x1x16xf32>
        tpu.vector_store %arg6[%swap3A_832, %swap3A_833, %swap3A_834], %swap3A_837 {strides = array<i32>} : memref<3x256x64xf32, #tpu.memory_space<vmem>>, vector<1x1x16xf32>,
        %add3A_838 = arith.constant 3 : i32
        %add3A_839 = arith.addi %mul3A_599, %add3A_838 : i32
        %get3A_840 = arith.constant 2 : i32
        %get3A_841 = arith.index_cast %get3A_840 : i32 to index
        %get3A_842 = arith.index_cast %add3A_839 : i32 to index
        %get3A_843 = arith.constant 0 : index
        %get3A_844 = tpu.vector_load %arg6[%get3A_841, %get3A_842, %get3A_843] {strides = array<i32>} : memref<3x256x64xf32, #tpu.memory_space<vmem>>, vector<1x1x16xf32>,
        %get3A_845 = vector.shape_cast %get3A_844 : vector<1x1x16xf32> to vector<16xf32>
        %mul3A_846 = arith.constant 8.000000e+00 : f32
        %mul3A_847 = vector.broadcast %mul3A_846 : f32 to vector<16xf32>
        %mul3A_848 = arith.mulf %get3A_845, %mul3A_847 : vector<16xf32>
        %add3A_849 = arith.constant 3 : i32
        %add3A_850 = arith.addi %mul3A_599, %add3A_849 : i32
        %swap3A_851 = arith.constant 2 : i32
        %swap3A_852 = arith.index_cast %swap3A_851 : i32 to index
        %swap3A_853 = arith.index_cast %add3A_850 : i32 to index
        %swap3A_854 = arith.constant 0 : index
        %swap3A_855 = tpu.vector_load %arg6[%swap3A_852, %swap3A_853, %swap3A_854] {strides = array<i32>} : memref<3x256x64xf32, #tpu.memory_space<vmem>>, vector<1x1x16xf32>,
        %swap3A_856 = vector.shape_cast %swap3A_855 : vector<1x1x16xf32> to vector<16xf32>
        %swap3A_857 = vector.shape_cast %mul3A_848 : vector<16xf32> to vector<1x1x16xf32>
        tpu.vector_store %arg6[%swap3A_852, %swap3A_853, %swap3A_854], %swap3A_857 {strides = array<i32>} : memref<3x256x64xf32, #tpu.memory_space<vmem>>, vector<1x1x16xf32>,
        %add3A_858 = arith.constant 3 : i32
        %add3A_859 = arith.addi %mul3A_599, %add3A_858 : i32
        %get3A_860 = arith.constant 2 : i32
        %get3A_861 = arith.index_cast %get3A_860 : i32 to index
        %get3A_862 = arith.index_cast %add3A_859 : i32 to index
        %get3A_863 = arith.constant 16 : index
        %get3A_864 = tpu.vector_load %arg6[%get3A_861, %get3A_862, %get3A_863] {strides = array<i32>} : memref<3x256x64xf32, #tpu.memory_space<vmem>>, vector<1x1x16xf32>,
        %get3A_865 = vector.shape_cast %get3A_864 : vector<1x1x16xf32> to vector<16xf32>
        %mul3A_866 = arith.constant 8.000000e+00 : f32
        %mul3A_867 = vector.broadcast %mul3A_866 : f32 to vector<16xf32>
        %mul3A_868 = arith.mulf %get3A_865, %mul3A_867 : vector<16xf32>
        %add3A_869 = arith.constant 3 : i32
        %add3A_870 = arith.addi %mul3A_599, %add3A_869 : i32
        %swap3A_871 = arith.constant 2 : i32
        %swap3A_872 = arith.index_cast %swap3A_871 : i32 to index
        %swap3A_873 = arith.index_cast %add3A_870 : i32 to index
        %swap3A_874 = arith.constant 16 : index
        %swap3A_875 = tpu.vector_load %arg6[%swap3A_872, %swap3A_873, %swap3A_874] {strides = array<i32>} : memref<3x256x64xf32, #tpu.memory_space<vmem>>, vector<1x1x16xf32>,
        %swap3A_876 = vector.shape_cast %swap3A_875 : vector<1x1x16xf32> to vector<16xf32>
        %swap3A_877 = vector.shape_cast %mul3A_868 : vector<16xf32> to vector<1x1x16xf32>
        tpu.vector_store %arg6[%swap3A_872, %swap3A_873, %swap3A_874], %swap3A_877 {strides = array<i32>} : memref<3x256x64xf32, #tpu.memory_space<vmem>>, vector<1x1x16xf32>,
        %add3A_878 = arith.constant 3 : i32
        %add3A_879 = arith.addi %mul3A_599, %add3A_878 : i32
        %get3A_880 = arith.constant 2 : i32
        %get3A_881 = arith.index_cast %get3A_880 : i32 to index
        %get3A_882 = arith.index_cast %add3A_879 : i32 to index
        %get3A_883 = arith.constant 32 : index
        %get3A_884 = tpu.vector_load %arg6[%get3A_881, %get3A_882, %get3A_883] {strides = array<i32>} : memref<3x256x64xf32, #tpu.memory_space<vmem>>, vector<1x1x16xf32>,
        %get3A_885 = vector.shape_cast %get3A_884 : vector<1x1x16xf32> to vector<16xf32>
        %mul3A_886 = arith.constant 8.000000e+00 : f32
        %mul3A_887 = vector.broadcast %mul3A_886 : f32 to vector<16xf32>
        %mul3A_888 = arith.mulf %get3A_885, %mul3A_887 : vector<16xf32>
        %add3A_889 = arith.constant 3 : i32
        %add3A_890 = arith.addi %mul3A_599, %add3A_889 : i32
        %swap3A_891 = arith.constant 2 : i32
        %swap3A_892 = arith.index_cast %swap3A_891 : i32 to index
        %swap3A_893 = arith.index_cast %add3A_890 : i32 to index
        %swap3A_894 = arith.constant 32 : index
        %swap3A_895 = tpu.vector_load %arg6[%swap3A_892, %swap3A_893, %swap3A_894] {strides = array<i32>} : memref<3x256x64xf32, #tpu.memory_space<vmem>>, vector<1x1x16xf32>,
        %swap3A_896 = vector.shape_cast %swap3A_895 : vector<1x1x16xf32> to vector<16xf32>
        %swap3A_897 = vector.shape_cast %mul3A_888 : vector<16xf32> to vector<1x1x16xf32>
        tpu.vector_store %arg6[%swap3A_892, %swap3A_893, %swap3A_894], %swap3A_897 {strides = array<i32>} : memref<3x256x64xf32, #tpu.memory_space<vmem>>, vector<1x1x16xf32>,
        %add3A_898 = arith.constant 3 : i32
        %add3A_899 = arith.addi %mul3A_599, %add3A_898 : i32
        %get3A_900 = arith.constant 2 : i32
        %get3A_901 = arith.index_cast %get3A_900 : i32 to index
        %get3A_902 = arith.index_cast %add3A_899 : i32 to index
        %get3A_903 = arith.constant 48 : index
        %get3A_904 = tpu.vector_load %arg6[%get3A_901, %get3A_902, %get3A_903] {strides = array<i32>} : memref<3x256x64xf32, #tpu.memory_space<vmem>>, vector<1x1x16xf32>,
        %get3A_905 = vector.shape_cast %get3A_904 : vector<1x1x16xf32> to vector<16xf32>
        %mul3A_906 = arith.constant 8.000000e+00 : f32
        %mul3A_907 = vector.broadcast %mul3A_906 : f32 to vector<16xf32>
        %mul3A_908 = arith.mulf %get3A_905, %mul3A_907 : vector<16xf32>
        %add3A_909 = arith.constant 3 : i32
        %add3A_910 = arith.addi %mul3A_599, %add3A_909 : i32
        %swap3A_911 = arith.constant 2 : i32
        %swap3A_912 = arith.index_cast %swap3A_911 : i32 to index
        %swap3A_913 = arith.index_cast %add3A_910 : i32 to index
        %swap3A_914 = arith.constant 48 : index
        %swap3A_915 = tpu.vector_load %arg6[%swap3A_912, %swap3A_913, %swap3A_914] {strides = array<i32>} : memref<3x256x64xf32, #tpu.memory_space<vmem>>, vector<1x1x16xf32>,
        %swap3A_916 = vector.shape_cast %swap3A_915 : vector<1x1x16xf32> to vector<16xf32>
        %swap3A_917 = vector.shape_cast %mul3A_908 : vector<16xf32> to vector<1x1x16xf32>
        tpu.vector_store %arg6[%swap3A_912, %swap3A_913, %swap3A_914], %swap3A_917 {strides = array<i32>} : memref<3x256x64xf32, #tpu.memory_space<vmem>>, vector<1x1x16xf32>,
        %add3A_918 = arith.constant 4 : i32
        %add3A_919 = arith.addi %mul3A_599, %add3A_918 : i32
        %get3A_920 = arith.constant 2 : i32
        %get3A_921 = arith.index_cast %get3A_920 : i32 to index
        %get3A_922 = arith.index_cast %add3A_919 : i32 to index
        %get3A_923 = arith.constant 0 : index
        %get3A_924 = tpu.vector_load %arg6[%get3A_921, %get3A_922, %get3A_923] {strides = array<i32>} : memref<3x256x64xf32, #tpu.memory_space<vmem>>, vector<1x1x16xf32>,
        %get3A_925 = vector.shape_cast %get3A_924 : vector<1x1x16xf32> to vector<16xf32>
        %mul3A_926 = arith.constant 8.000000e+00 : f32
        %mul3A_927 = vector.broadcast %mul3A_926 : f32 to vector<16xf32>
        %mul3A_928 = arith.mulf %get3A_925, %mul3A_927 : vector<16xf32>
        %add3A_929 = arith.constant 4 : i32
        %add3A_930 = arith.addi %mul3A_599, %add3A_929 : i32
        %swap3A_931 = arith.constant 2 : i32
        %swap3A_932 = arith.index_cast %swap3A_931 : i32 to index
        %swap3A_933 = arith.index_cast %add3A_930 : i32 to index
        %swap3A_934 = arith.constant 0 : index
        %swap3A_935 = tpu.vector_load %arg6[%swap3A_932, %swap3A_933, %swap3A_934] {strides = array<i32>} : memref<3x256x64xf32, #tpu.memory_space<vmem>>, vector<1x1x16xf32>,
        %swap3A_936 = vector.shape_cast %swap3A_935 : vector<1x1x16xf32> to vector<16xf32>
        %swap3A_937 = vector.shape_cast %mul3A_928 : vector<16xf32> to vector<1x1x16xf32>
        tpu.vector_store %arg6[%swap3A_932, %swap3A_933, %swap3A_934], %swap3A_937 {strides = array<i32>} : memref<3x256x64xf32, #tpu.memory_space<vmem>>, vector<1x1x16xf32>,
        %add3A_938 = arith.constant 4 : i32
        %add3A_939 = arith.addi %mul3A_599, %add3A_938 : i32
        %get3A_940 = arith.constant 2 : i32
        %get3A_941 = arith.index_cast %get3A_940 : i32 to index
        %get3A_942 = arith.index_cast %add3A_939 : i32 to index
        %get3A_943 = arith.constant 16 : index
        %get3A_944 = tpu.vector_load %arg6[%get3A_941, %get3A_942, %get3A_943] {strides = array<i32>} : memref<3x256x64xf32, #tpu.memory_space<vmem>>, vector<1x1x16xf32>,
        %get3A_945 = vector.shape_cast %get3A_944 : vector<1x1x16xf32> to vector<16xf32>
        %mul3A_946 = arith.constant 8.000000e+00 : f32
        %mul3A_947 = vector.broadcast %mul3A_946 : f32 to vector<16xf32>
        %mul3A_948 = arith.mulf %get3A_945, %mul3A_947 : vector<16xf32>
        %add3A_949 = arith.constant 4 : i32
        %add3A_950 = arith.addi %mul3A_599, %add3A_949 : i32
        %swap3A_951 = arith.constant 2 : i32
        %swap3A_952 = arith.index_cast %swap3A_951 : i32 to index
        %swap3A_953 = arith.index_cast %add3A_950 : i32 to index
        %swap3A_954 = arith.constant 16 : index
        %swap3A_955 = tpu.vector_load %arg6[%swap3A_952, %swap3A_953, %swap3A_954] {strides = array<i32>} : memref<3x256x64xf32, #tpu.memory_space<vmem>>, vector<1x1x16xf32>,
        %swap3A_956 = vector.shape_cast %swap3A_955 : vector<1x1x16xf32> to vector<16xf32>
        %swap3A_957 = vector.shape_cast %mul3A_948 : vector<16xf32> to vector<1x1x16xf32>
        tpu.vector_store %arg6[%swap3A_952, %swap3A_953, %swap3A_954], %swap3A_957 {strides = array<i32>} : memref<3x256x64xf32, #tpu.memory_space<vmem>>, vector<1x1x16xf32>,
        %add3A_958 = arith.constant 4 : i32
        %add3A_959 = arith.addi %mul3A_599, %add3A_958 : i32
        %get3A_960 = arith.constant 2 : i32
        %get3A_961 = arith.index_cast %get3A_960 : i32 to index
        %get3A_962 = arith.index_cast %add3A_959 : i32 to index
        %get3A_963 = arith.constant 32 : index
        %get3A_964 = tpu.vector_load %arg6[%get3A_961, %get3A_962, %get3A_963] {strides = array<i32>} : memref<3x256x64xf32, #tpu.memory_space<vmem>>, vector<1x1x16xf32>,
        %get3A_965 = vector.shape_cast %get3A_964 : vector<1x1x16xf32> to vector<16xf32>
        %mul3A_966 = arith.constant 8.000000e+00 : f32
        %mul3A_967 = vector.broadcast %mul3A_966 : f32 to vector<16xf32>
        %mul3A_968 = arith.mulf %get3A_965, %mul3A_967 : vector<16xf32>
        %add3A_969 = arith.constant 4 : i32
        %add3A_970 = arith.addi %mul3A_599, %add3A_969 : i32
        %swap3A_971 = arith.constant 2 : i32
        %swap3A_972 = arith.index_cast %swap3A_971 : i32 to index
        %swap3A_973 = arith.index_cast %add3A_970 : i32 to index
        %swap3A_974 = arith.constant 32 : index
        %swap3A_975 = tpu.vector_load %arg6[%swap3A_972, %swap3A_973, %swap3A_974] {strides = array<i32>} : memref<3x256x64xf32, #tpu.memory_space<vmem>>, vector<1x1x16xf32>,
        %swap3A_976 = vector.shape_cast %swap3A_975 : vector<1x1x16xf32> to vector<16xf32>
        %swap3A_977 = vector.shape_cast %mul3A_968 : vector<16xf32> to vector<1x1x16xf32>
        tpu.vector_store %arg6[%swap3A_972, %swap3A_973, %swap3A_974], %swap3A_977 {strides = array<i32>} : memref<3x256x64xf32, #tpu.memory_space<vmem>>, vector<1x1x16xf32>,
        %add3A_978 = arith.constant 4 : i32
        %add3A_979 = arith.addi %mul3A_599, %add3A_978 : i32
        %get3A_980 = arith.constant 2 : i32
        %get3A_981 = arith.index_cast %get3A_980 : i32 to index
        %get3A_982 = arith.index_cast %add3A_979 : i32 to index
        %get3A_983 = arith.constant 48 : index
        %get3A_984 = tpu.vector_load %arg6[%get3A_981, %get3A_982, %get3A_983] {strides = array<i32>} : memref<3x256x64xf32, #tpu.memory_space<vmem>>, vector<1x1x16xf32>,
        %get3A_985 = vector.shape_cast %get3A_984 : vector<1x1x16xf32> to vector<16xf32>
        %mul3A_986 = arith.constant 8.000000e+00 : f32
        %mul3A_987 = vector.broadcast %mul3A_986 : f32 to vector<16xf32>
        %mul3A_988 = arith.mulf %get3A_985, %mul3A_987 : vector<16xf32>
        %add3A_989 = arith.constant 4 : i32
        %add3A_990 = arith.addi %mul3A_599, %add3A_989 : i32
        %swap3A_991 = arith.constant 2 : i32
        %swap3A_992 = arith.index_cast %swap3A_991 : i32 to index
        %swap3A_993 = arith.index_cast %add3A_990 : i32 to index
        %swap3A_994 = arith.constant 48 : index
        %swap3A_995 = tpu.vector_load %arg6[%swap3A_992, %swap3A_993, %swap3A_994] {strides = array<i32>} : memref<3x256x64xf32, #tpu.memory_space<vmem>>, vector<1x1x16xf32>,
        %swap3A_996 = vector.shape_cast %swap3A_995 : vector<1x1x16xf32> to vector<16xf32>
        %swap3A_997 = vector.shape_cast %mul3A_988 : vector<16xf32> to vector<1x1x16xf32>
        tpu.vector_store %arg6[%swap3A_992, %swap3A_993, %swap3A_994], %swap3A_997 {strides = array<i32>} : memref<3x256x64xf32, #tpu.memory_space<vmem>>, vector<1x1x16xf32>,
        %add3A_998 = arith.constant 5 : i32
        %add3A_999 = arith.addi %mul3A_599, %add3A_998 : i32
        %get3A_1000 = arith.constant 2 : i32
        %get3A_1001 = arith.index_cast %get3A_1000 : i32 to index
        %get3A_1002 = arith.index_cast %add3A_999 : i32 to index
        %get3A_1003 = arith.constant 0 : index
        %get3A_1004 = tpu.vector_load %arg6[%get3A_1001, %get3A_1002, %get3A_1003] {strides = array<i32>} : memref<3x256x64xf32, #tpu.memory_space<vmem>>, vector<1x1x16xf32>,
        %get3A_1005 = vector.shape_cast %get3A_1004 : vector<1x1x16xf32> to vector<16xf32>
        %mul3A_1006 = arith.constant 8.000000e+00 : f32
        %mul3A_1007 = vector.broadcast %mul3A_1006 : f32 to vector<16xf32>
        %mul3A_1008 = arith.mulf %get3A_1005, %mul3A_1007 : vector<16xf32>
        %add3A_1009 = arith.constant 5 : i32
        %add3A_1010 = arith.addi %mul3A_599, %add3A_1009 : i32
        %swap3A_1011 = arith.constant 2 : i32
        %swap3A_1012 = arith.index_cast %swap3A_1011 : i32 to index
        %swap3A_1013 = arith.index_cast %add3A_1010 : i32 to index
        %swap3A_1014 = arith.constant 0 : index
        %swap3A_1015 = tpu.vector_load %arg6[%swap3A_1012, %swap3A_1013, %swap3A_1014] {strides = array<i32>} : memref<3x256x64xf32, #tpu.memory_space<vmem>>, vector<1x1x16xf32>,
        %swap3A_1016 = vector.shape_cast %swap3A_1015 : vector<1x1x16xf32> to vector<16xf32>
        %swap3A_1017 = vector.shape_cast %mul3A_1008 : vector<16xf32> to vector<1x1x16xf32>
        tpu.vector_store %arg6[%swap3A_1012, %swap3A_1013, %swap3A_1014], %swap3A_1017 {strides = array<i32>} : memref<3x256x64xf32, #tpu.memory_space<vmem>>, vector<1x1x16xf32>,
        %add3A_1018 = arith.constant 5 : i32
        %add3A_1019 = arith.addi %mul3A_599, %add3A_1018 : i32
        %get3A_1020 = arith.constant 2 : i32
        %get3A_1021 = arith.index_cast %get3A_1020 : i32 to index
        %get3A_1022 = arith.index_cast %add3A_1019 : i32 to index
        %get3A_1023 = arith.constant 16 : index
        %get3A_1024 = tpu.vector_load %arg6[%get3A_1021, %get3A_1022, %get3A_1023] {strides = array<i32>} : memref<3x256x64xf32, #tpu.memory_space<vmem>>, vector<1x1x16xf32>,
        %get3A_1025 = vector.shape_cast %get3A_1024 : vector<1x1x16xf32> to vector<16xf32>
        %mul3A_1026 = arith.constant 8.000000e+00 : f32
        %mul3A_1027 = vector.broadcast %mul3A_1026 : f32 to vector<16xf32>
        %mul3A_1028 = arith.mulf %get3A_1025, %mul3A_1027 : vector<16xf32>
        %add3A_1029 = arith.constant 5 : i32
        %add3A_1030 = arith.addi %mul3A_599, %add3A_1029 : i32
        %swap3A_1031 = arith.constant 2 : i32
        %swap3A_1032 = arith.index_cast %swap3A_1031 : i32 to index
        %swap3A_1033 = arith.index_cast %add3A_1030 : i32 to index
        %swap3A_1034 = arith.constant 16 : index
        %swap3A_1035 = tpu.vector_load %arg6[%swap3A_1032, %swap3A_1033, %swap3A_1034] {strides = array<i32>} : memref<3x256x64xf32, #tpu.memory_space<vmem>>, vector<1x1x16xf32>,
        %swap3A_1036 = vector.shape_cast %swap3A_1035 : vector<1x1x16xf32> to vector<16xf32>
        %swap3A_1037 = vector.shape_cast %mul3A_1028 : vector<16xf32> to vector<1x1x16xf32>
        tpu.vector_store %arg6[%swap3A_1032, %swap3A_1033, %swap3A_1034], %swap3A_1037 {strides = array<i32>} : memref<3x256x64xf32, #tpu.memory_space<vmem>>, vector<1x1x16xf32>,
        %add3A_1038 = arith.constant 5 : i32
        %add3A_1039 = arith.addi %mul3A_599, %add3A_1038 : i32
        %get3A_1040 = arith.constant 2 : i32
        %get3A_1041 = arith.index_cast %get3A_1040 : i32 to index
        %get3A_1042 = arith.index_cast %add3A_1039 : i32 to index
        %get3A_1043 = arith.constant 32 : index
        %get3A_1044 = tpu.vector_load %arg6[%get3A_1041, %get3A_1042, %get3A_1043] {strides = array<i32>} : memref<3x256x64xf32, #tpu.memory_space<vmem>>, vector<1x1x16xf32>,
        %get3A_1045 = vector.shape_cast %get3A_1044 : vector<1x1x16xf32> to vector<16xf32>
        %mul3A_1046 = arith.constant 8.000000e+00 : f32
        %mul3A_1047 = vector.broadcast %mul3A_1046 : f32 to vector<16xf32>
        %mul3A_1048 = arith.mulf %get3A_1045, %mul3A_1047 : vector<16xf32>
        %add3A_1049 = arith.constant 5 : i32
        %add3A_1050 = arith.addi %mul3A_599, %add3A_1049 : i32
        %swap3A_1051 = arith.constant 2 : i32
        %swap3A_1052 = arith.index_cast %swap3A_1051 : i32 to index
        %swap3A_1053 = arith.index_cast %add3A_1050 : i32 to index
        %swap3A_1054 = arith.constant 32 : index
        %swap3A_1055 = tpu.vector_load %arg6[%swap3A_1052, %swap3A_1053, %swap3A_1054] {strides = array<i32>} : memref<3x256x64xf32, #tpu.memory_space<vmem>>, vector<1x1x16xf32>,
        %swap3A_1056 = vector.shape_cast %swap3A_1055 : vector<1x1x16xf32> to vector<16xf32>
        %swap3A_1057 = vector.shape_cast %mul3A_1048 : vector<16xf32> to vector<1x1x16xf32>
        tpu.vector_store %arg6[%swap3A_1052, %swap3A_1053, %swap3A_1054], %swap3A_1057 {strides = array<i32>} : memref<3x256x64xf32, #tpu.memory_space<vmem>>, vector<1x1x16xf32>,
        %add3A_1058 = arith.constant 5 : i32
        %add3A_1059 = arith.addi %mul3A_599, %add3A_1058 : i32
        %get3A_1060 = arith.constant 2 : i32
        %get3A_1061 = arith.index_cast %get3A_1060 : i32 to index
        %get3A_1062 = arith.index_cast %add3A_1059 : i32 to index
        %get3A_1063 = arith.constant 48 : index
        %get3A_1064 = tpu.vector_load %arg6[%get3A_1061, %get3A_1062, %get3A_1063] {strides = array<i32>} : memref<3x256x64xf32, #tpu.memory_space<vmem>>, vector<1x1x16xf32>,
        %get3A_1065 = vector.shape_cast %get3A_1064 : vector<1x1x16xf32> to vector<16xf32>
        %mul3A_1066 = arith.constant 8.000000e+00 : f32
        %mul3A_1067 = vector.broadcast %mul3A_1066 : f32 to vector<16xf32>
        %mul3A_1068 = arith.mulf %get3A_1065, %mul3A_1067 : vector<16xf32>
        %add3A_1069 = arith.constant 5 : i32
        %add3A_1070 = arith.addi %mul3A_599, %add3A_1069 : i32
        %swap3A_1071 = arith.constant 2 : i32
        %swap3A_1072 = arith.index_cast %swap3A_1071 : i32 to index
        %swap3A_1073 = arith.index_cast %add3A_1070 : i32 to index
        %swap3A_1074 = arith.constant 48 : index
        %swap3A_1075 = tpu.vector_load %arg6[%swap3A_1072, %swap3A_1073, %swap3A_1074] {strides = array<i32>} : memref<3x256x64xf32, #tpu.memory_space<vmem>>, vector<1x1x16xf32>,
        %swap3A_1076 = vector.shape_cast %swap3A_1075 : vector<1x1x16xf32> to vector<16xf32>
        %swap3A_1077 = vector.shape_cast %mul3A_1068 : vector<16xf32> to vector<1x1x16xf32>
        tpu.vector_store %arg6[%swap3A_1072, %swap3A_1073, %swap3A_1074], %swap3A_1077 {strides = array<i32>} : memref<3x256x64xf32, #tpu.memory_space<vmem>>, vector<1x1x16xf32>,
        %add3A_1078 = arith.constant 6 : i32
        %add3A_1079 = arith.addi %mul3A_599, %add3A_1078 : i32
        %get3A_1080 = arith.constant 2 : i32
        %get3A_1081 = arith.index_cast %get3A_1080 : i32 to index
        %get3A_1082 = arith.index_cast %add3A_1079 : i32 to index
        %get3A_1083 = arith.constant 0 : index
        %get3A_1084 = tpu.vector_load %arg6[%get3A_1081, %get3A_1082, %get3A_1083] {strides = array<i32>} : memref<3x256x64xf32, #tpu.memory_space<vmem>>, vector<1x1x16xf32>,
        %get3A_1085 = vector.shape_cast %get3A_1084 : vector<1x1x16xf32> to vector<16xf32>
        %mul3A_1086 = arith.constant 8.000000e+00 : f32
        %mul3A_1087 = vector.broadcast %mul3A_1086 : f32 to vector<16xf32>
        %mul3A_1088 = arith.mulf %get3A_1085, %mul3A_1087 : vector<16xf32>
        %add3A_1089 = arith.constant 6 : i32
        %add3A_1090 = arith.addi %mul3A_599, %add3A_1089 : i32
        %swap3A_1091 = arith.constant 2 : i32
        %swap3A_1092 = arith.index_cast %swap3A_1091 : i32 to index
        %swap3A_1093 = arith.index_cast %add3A_1090 : i32 to index
        %swap3A_1094 = arith.constant 0 : index
        %swap3A_1095 = tpu.vector_load %arg6[%swap3A_1092, %swap3A_1093, %swap3A_1094] {strides = array<i32>} : memref<3x256x64xf32, #tpu.memory_space<vmem>>, vector<1x1x16xf32>,
        %swap3A_1096 = vector.shape_cast %swap3A_1095 : vector<1x1x16xf32> to vector<16xf32>
        %swap3A_1097 = vector.shape_cast %mul3A_1088 : vector<16xf32> to vector<1x1x16xf32>
        tpu.vector_store %arg6[%swap3A_1092, %swap3A_1093, %swap3A_1094], %swap3A_1097 {strides = array<i32>} : memref<3x256x64xf32, #tpu.memory_space<vmem>>, vector<1x1x16xf32>,
        %add3A_1098 = arith.constant 6 : i32
        %add3A_1099 = arith.addi %mul3A_599, %add3A_1098 : i32
        %get3A_1100 = arith.constant 2 : i32
        %get3A_1101 = arith.index_cast %get3A_1100 : i32 to index
        %get3A_1102 = arith.index_cast %add3A_1099 : i32 to index
        %get3A_1103 = arith.constant 16 : index
        %get3A_1104 = tpu.vector_load %arg6[%get3A_1101, %get3A_1102, %get3A_1103] {strides = array<i32>} : memref<3x256x64xf32, #tpu.memory_space<vmem>>, vector<1x1x16xf32>,
        %get3A_1105 = vector.shape_cast %get3A_1104 : vector<1x1x16xf32> to vector<16xf32>
        %mul3A_1106 = arith.constant 8.000000e+00 : f32
        %mul3A_1107 = vector.broadcast %mul3A_1106 : f32 to vector<16xf32>
        %mul3A_1108 = arith.mulf %get3A_1105, %mul3A_1107 : vector<16xf32>
        %add3A_1109 = arith.constant 6 : i32
        %add3A_1110 = arith.addi %mul3A_599, %add3A_1109 : i32
        %swap3A_1111 = arith.constant 2 : i32
        %swap3A_1112 = arith.index_cast %swap3A_1111 : i32 to index
        %swap3A_1113 = arith.index_cast %add3A_1110 : i32 to index
        %swap3A_1114 = arith.constant 16 : index
        %swap3A_1115 = tpu.vector_load %arg6[%swap3A_1112, %swap3A_1113, %swap3A_1114] {strides = array<i32>} : memref<3x256x64xf32, #tpu.memory_space<vmem>>, vector<1x1x16xf32>,
        %swap3A_1116 = vector.shape_cast %swap3A_1115 : vector<1x1x16xf32> to vector<16xf32>
        %swap3A_1117 = vector.shape_cast %mul3A_1108 : vector<16xf32> to vector<1x1x16xf32>
        tpu.vector_store %arg6[%swap3A_1112, %swap3A_1113, %swap3A_1114], %swap3A_1117 {strides = array<i32>} : memref<3x256x64xf32, #tpu.memory_space<vmem>>, vector<1x1x16xf32>,
        %add3A_1118 = arith.constant 6 : i32
        %add3A_1119 = arith.addi %mul3A_599, %add3A_1118 : i32
        %get3A_1120 = arith.constant 2 : i32
        %get3A_1121 = arith.index_cast %get3A_1120 : i32 to index
        %get3A_1122 = arith.index_cast %add3A_1119 : i32 to index
        %get3A_1123 = arith.constant 32 : index
        %get3A_1124 = tpu.vector_load %arg6[%get3A_1121, %get3A_1122, %get3A_1123] {strides = array<i32>} : memref<3x256x64xf32, #tpu.memory_space<vmem>>, vector<1x1x16xf32>,
        %get3A_1125 = vector.shape_cast %get3A_1124 : vector<1x1x16xf32> to vector<16xf32>
        %mul3A_1126 = arith.constant 8.000000e+00 : f32
        %mul3A_1127 = vector.broadcast %mul3A_1126 : f32 to vector<16xf32>
        %mul3A_1128 = arith.mulf %get3A_1125, %mul3A_1127 : vector<16xf32>
        %add3A_1129 = arith.constant 6 : i32
        %add3A_1130 = arith.addi %mul3A_599, %add3A_1129 : i32
        %swap3A_1131 = arith.constant 2 : i32
        %swap3A_1132 = arith.index_cast %swap3A_1131 : i32 to index
        %swap3A_1133 = arith.index_cast %add3A_1130 : i32 to index
        %swap3A_1134 = arith.constant 32 : index
        %swap3A_1135 = tpu.vector_load %arg6[%swap3A_1132, %swap3A_1133, %swap3A_1134] {strides = array<i32>} : memref<3x256x64xf32, #tpu.memory_space<vmem>>, vector<1x1x16xf32>,
        %swap3A_1136 = vector.shape_cast %swap3A_1135 : vector<1x1x16xf32> to vector<16xf32>
        %swap3A_1137 = vector.shape_cast %mul3A_1128 : vector<16xf32> to vector<1x1x16xf32>
        tpu.vector_store %arg6[%swap3A_1132, %swap3A_1133, %swap3A_1134], %swap3A_1137 {strides = array<i32>} : memref<3x256x64xf32, #tpu.memory_space<vmem>>, vector<1x1x16xf32>,
        %add3A_1138 = arith.constant 6 : i32
        %add3A_1139 = arith.addi %mul3A_599, %add3A_1138 : i32
        %get3A_1140 = arith.constant 2 : i32
        %get3A_1141 = arith.index_cast %get3A_1140 : i32 to index
        %get3A_1142 = arith.index_cast %add3A_1139 : i32 to index
        %get3A_1143 = arith.constant 48 : index
        %get3A_1144 = tpu.vector_load %arg6[%get3A_1141, %get3A_1142, %get3A_1143] {strides = array<i32>} : memref<3x256x64xf32, #tpu.memory_space<vmem>>, vector<1x1x16xf32>,
        %get3A_1145 = vector.shape_cast %get3A_1144 : vector<1x1x16xf32> to vector<16xf32>
        %mul3A_1146 = arith.constant 8.000000e+00 : f32
        %mul3A_1147 = vector.broadcast %mul3A_1146 : f32 to vector<16xf32>
        %mul3A_1148 = arith.mulf %get3A_1145, %mul3A_1147 : vector<16xf32>
        %add3A_1149 = arith.constant 6 : i32
        %add3A_1150 = arith.addi %mul3A_599, %add3A_1149 : i32
        %swap3A_1151 = arith.constant 2 : i32
        %swap3A_1152 = arith.index_cast %swap3A_1151 : i32 to index
        %swap3A_1153 = arith.index_cast %add3A_1150 : i32 to index
        %swap3A_1154 = arith.constant 48 : index
        %swap3A_1155 = tpu.vector_load %arg6[%swap3A_1152, %swap3A_1153, %swap3A_1154] {strides = array<i32>} : memref<3x256x64xf32, #tpu.memory_space<vmem>>, vector<1x1x16xf32>,
        %swap3A_1156 = vector.shape_cast %swap3A_1155 : vector<1x1x16xf32> to vector<16xf32>
        %swap3A_1157 = vector.shape_cast %mul3A_1148 : vector<16xf32> to vector<1x1x16xf32>
        tpu.vector_store %arg6[%swap3A_1152, %swap3A_1153, %swap3A_1154], %swap3A_1157 {strides = array<i32>} : memref<3x256x64xf32, #tpu.memory_space<vmem>>, vector<1x1x16xf32>,
        %add3A_1158 = arith.constant 7 : i32
        %add3A_1159 = arith.addi %mul3A_599, %add3A_1158 : i32
        %get3A_1160 = arith.constant 2 : i32
        %get3A_1161 = arith.index_cast %get3A_1160 : i32 to index
        %get3A_1162 = arith.index_cast %add3A_1159 : i32 to index
        %get3A_1163 = arith.constant 0 : index
        %get3A_1164 = tpu.vector_load %arg6[%get3A_1161, %get3A_1162, %get3A_1163] {strides = array<i32>} : memref<3x256x64xf32, #tpu.memory_space<vmem>>, vector<1x1x16xf32>,
        %get3A_1165 = vector.shape_cast %get3A_1164 : vector<1x1x16xf32> to vector<16xf32>
        %mul3A_1166 = arith.constant 8.000000e+00 : f32
        %mul3A_1167 = vector.broadcast %mul3A_1166 : f32 to vector<16xf32>
        %mul3A_1168 = arith.mulf %get3A_1165, %mul3A_1167 : vector<16xf32>
        %add3A_1169 = arith.constant 7 : i32
        %add3A_1170 = arith.addi %mul3A_599, %add3A_1169 : i32
        %swap3A_1171 = arith.constant 2 : i32
        %swap3A_1172 = arith.index_cast %swap3A_1171 : i32 to index
        %swap3A_1173 = arith.index_cast %add3A_1170 : i32 to index
        %swap3A_1174 = arith.constant 0 : index
        %swap3A_1175 = tpu.vector_load %arg6[%swap3A_1172, %swap3A_1173, %swap3A_1174] {strides = array<i32>} : memref<3x256x64xf32, #tpu.memory_space<vmem>>, vector<1x1x16xf32>,
        %swap3A_1176 = vector.shape_cast %swap3A_1175 : vector<1x1x16xf32> to vector<16xf32>
        %swap3A_1177 = vector.shape_cast %mul3A_1168 : vector<16xf32> to vector<1x1x16xf32>
        tpu.vector_store %arg6[%swap3A_1172, %swap3A_1173, %swap3A_1174], %swap3A_1177 {strides = array<i32>} : memref<3x256x64xf32, #tpu.memory_space<vmem>>, vector<1x1x16xf32>,
        %add3A_1178 = arith.constant 7 : i32
        %add3A_1179 = arith.addi %mul3A_599, %add3A_1178 : i32
        %get3A_1180 = arith.constant 2 : i32
        %get3A_1181 = arith.index_cast %get3A_1180 : i32 to index
        %get3A_1182 = arith.index_cast %add3A_1179 : i32 to index
        %get3A_1183 = arith.constant 16 : index
        %get3A_1184 = tpu.vector_load %arg6[%get3A_1181, %get3A_1182, %get3A_1183] {strides = array<i32>} : memref<3x256x64xf32, #tpu.memory_space<vmem>>, vector<1x1x16xf32>,
        %get3A_1185 = vector.shape_cast %get3A_1184 : vector<1x1x16xf32> to vector<16xf32>
        %mul3A_1186 = arith.constant 8.000000e+00 : f32
        %mul3A_1187 = vector.broadcast %mul3A_1186 : f32 to vector<16xf32>
        %mul3A_1188 = arith.mulf %get3A_1185, %mul3A_1187 : vector<16xf32>
        %add3A_1189 = arith.constant 7 : i32
        %add3A_1190 = arith.addi %mul3A_599, %add3A_1189 : i32
        %swap3A_1191 = arith.constant 2 : i32
        %swap3A_1192 = arith.index_cast %swap3A_1191 : i32 to index
        %swap3A_1193 = arith.index_cast %add3A_1190 : i32 to index
        %swap3A_1194 = arith.constant 16 : index
        %swap3A_1195 = tpu.vector_load %arg6[%swap3A_1192, %swap3A_1193, %swap3A_1194] {strides = array<i32>} : memref<3x256x64xf32, #tpu.memory_space<vmem>>, vector<1x1x16xf32>,
        %swap3A_1196 = vector.shape_cast %swap3A_1195 : vector<1x1x16xf32> to vector<16xf32>
        %swap3A_1197 = vector.shape_cast %mul3A_1188 : vector<16xf32> to vector<1x1x16xf32>
        tpu.vector_store %arg6[%swap3A_1192, %swap3A_1193, %swap3A_1194], %swap3A_1197 {strides = array<i32>} : memref<3x256x64xf32, #tpu.memory_space<vmem>>, vector<1x1x16xf32>,
        %add3A_1198 = arith.constant 7 : i32
        %add3A_1199 = arith.addi %mul3A_599, %add3A_1198 : i32
        %get3A_1200 = arith.constant 2 : i32
        %get3A_1201 = arith.index_cast %get3A_1200 : i32 to index
        %get3A_1202 = arith.index_cast %add3A_1199 : i32 to index
        %get3A_1203 = arith.constant 32 : index
        %get3A_1204 = tpu.vector_load %arg6[%get3A_1201, %get3A_1202, %get3A_1203] {strides = array<i32>} : memref<3x256x64xf32, #tpu.memory_space<vmem>>, vector<1x1x16xf32>,
        %get3A_1205 = vector.shape_cast %get3A_1204 : vector<1x1x16xf32> to vector<16xf32>
        %mul3A_1206 = arith.constant 8.000000e+00 : f32
        %mul3A_1207 = vector.broadcast %mul3A_1206 : f32 to vector<16xf32>
        %mul3A_1208 = arith.mulf %get3A_1205, %mul3A_1207 : vector<16xf32>
        %add3A_1209 = arith.constant 7 : i32
        %add3A_1210 = arith.addi %mul3A_599, %add3A_1209 : i32
        %swap3A_1211 = arith.constant 2 : i32
        %swap3A_1212 = arith.index_cast %swap3A_1211 : i32 to index
        %swap3A_1213 = arith.index_cast %add3A_1210 : i32 to index
        %swap3A_1214 = arith.constant 32 : index
        %swap3A_1215 = tpu.vector_load %arg6[%swap3A_1212, %swap3A_1213, %swap3A_1214] {strides = array<i32>} : memref<3x256x64xf32, #tpu.memory_space<vmem>>, vector<1x1x16xf32>,
        %swap3A_1216 = vector.shape_cast %swap3A_1215 : vector<1x1x16xf32> to vector<16xf32>
        %swap3A_1217 = vector.shape_cast %mul3A_1208 : vector<16xf32> to vector<1x1x16xf32>
        tpu.vector_store %arg6[%swap3A_1212, %swap3A_1213, %swap3A_1214], %swap3A_1217 {strides = array<i32>} : memref<3x256x64xf32, #tpu.memory_space<vmem>>, vector<1x1x16xf32>,
        %add3A_1218 = arith.constant 7 : i32
        %add3A_1219 = arith.addi %mul3A_599, %add3A_1218 : i32
        %get3A_1220 = arith.constant 2 : i32
        %get3A_1221 = arith.index_cast %get3A_1220 : i32 to index
        %get3A_1222 = arith.index_cast %add3A_1219 : i32 to index
        %get3A_1223 = arith.constant 48 : index
        %get3A_1224 = tpu.vector_load %arg6[%get3A_1221, %get3A_1222, %get3A_1223] {strides = array<i32>} : memref<3x256x64xf32, #tpu.memory_space<vmem>>, vector<1x1x16xf32>,
        %get3A_1225 = vector.shape_cast %get3A_1224 : vector<1x1x16xf32> to vector<16xf32>
        %mul3A_1226 = arith.constant 8.000000e+00 : f32
        %mul3A_1227 = vector.broadcast %mul3A_1226 : f32 to vector<16xf32>
        %mul3A_1228 = arith.mulf %get3A_1225, %mul3A_1227 : vector<16xf32>
        %add3A_1229 = arith.constant 7 : i32
        %add3A_1230 = arith.addi %mul3A_599, %add3A_1229 : i32
        %swap3A_1231 = arith.constant 2 : i32
        %swap3A_1232 = arith.index_cast %swap3A_1231 : i32 to index
        %swap3A_1233 = arith.index_cast %add3A_1230 : i32 to index
        %swap3A_1234 = arith.constant 48 : index
        %swap3A_1235 = tpu.vector_load %arg6[%swap3A_1232, %swap3A_1233, %swap3A_1234] {strides = array<i32>} : memref<3x256x64xf32, #tpu.memory_space<vmem>>, vector<1x1x16xf32>,
        %swap3A_1236 = vector.shape_cast %swap3A_1235 : vector<1x1x16xf32> to vector<16xf32>
        %swap3A_1237 = vector.shape_cast %mul3A_1228 : vector<16xf32> to vector<1x1x16xf32>
        tpu.vector_store %arg6[%swap3A_1232, %swap3A_1233, %swap3A_1234], %swap3A_1237 {strides = array<i32>} : memref<3x256x64xf32, #tpu.memory_space<vmem>>, vector<1x1x16xf32>,
      }
      %scan3A_570 = arith.constant 32 : i32
      %mul3A_571 = arith.constant 256 : i32
      %mul3A_572 = arith.muli %add3A_474, %mul3A_571 : i32
      %add3A_573 = arith.addi %mul3A_4, %mul3A_572 : i32
      %dma_start3A_574 = arith.constant 2 : i32
      %dma_start3A_575 = arith.constant 2 : i32
      %dma_start3A_576 = arith.constant 0 : i32
      %dma_start3A_577 = arith.constant 0 : i32
      %dma_start3A_578 = tpu.memref_slice %arg6[%dma_start3A_574, %dma_start3A_576, %dma_start3A_577] : memref<3x256x64xf32, #tpu.memory_space<vmem>> -> memref<1x256x64xf32, #tpu.memory_space<vmem>>
      %dma_start3A_579 = tpu.memref_squeeze %dma_start3A_578 : memref<1x256x64xf32, #tpu.memory_space<vmem>> -> memref<256x64xf32, #tpu.memory_space<vmem>>
      %dma_start3A_580 = arith.constant 0 : i32
      %dma_start3A_581 = tpu.memref_slice %arg4[%add3A_573, %dma_start3A_580] : memref<819200x64xf32, #tpu.memory_space<hbm>> -> memref<256x64xf32, #tpu.memory_space<hbm>>
      %dma_start3A_582 = tpu.memref_slice %arg9[%dma_start3A_575] : memref<3x!tpu.dma_semaphore, #tpu.memory_space<semaphore_mem>> -> memref<1x!tpu.dma_semaphore, #tpu.memory_space<semaphore_mem>>
      %dma_start3A_583 = tpu.memref_squeeze %dma_start3A_582 : memref<1x!tpu.dma_semaphore, #tpu.memory_space<semaphore_mem>> -> memref<!tpu.dma_semaphore, #tpu.memory_space<semaphore_mem>>
      %dma_start3A_584 = arith.constant 0 : i32
      %dma_start3A_585 = tpu.memref_slice %arg4[%add3A_573, %dma_start3A_584] : memref<819200x64xf32, #tpu.memory_space<hbm>> -> memref<256x64xf32, #tpu.memory_space<hbm>>
      %dma_start3A_586 = arith.constant 0 : i32
      %dma_start3A_587 = arith.constant 0 : i32
      %dma_start3A_588 = tpu.memref_slice %arg6[%dma_start3A_574, %dma_start3A_586, %dma_start3A_587] : memref<3x256x64xf32, #tpu.memory_space<vmem>> -> memref<1x256x64xf32, #tpu.memory_space<vmem>>
      %dma_start3A_589 = tpu.memref_squeeze %dma_start3A_588 : memref<1x256x64xf32, #tpu.memory_space<vmem>> -> memref<256x64xf32, #tpu.memory_space<vmem>>
      tpu.enqueue_dma source(%dma_start3A_589 : memref<256x64xf32, #tpu.memory_space<vmem>>) target(%dma_start3A_585 : memref<256x64xf32, #tpu.memory_space<hbm>>) target_semaphore(%dma_start3A_583 : memref<!tpu.dma_semaphore, #tpu.memory_space<semaphore_mem>>)
      %add3A_590 = arith.constant 3 : i32
      %add3A_591 = arith.addi %add3A_474, %add3A_590 : i32
      %lt3A_592 = arith.constant 100 : i32
      %lt3A_593 = arith.cmpi slt, %add3A_591, %lt3A_592 : i32
      %convert_element_type3A_594 = arith.extui %lt3A_593 : i1 to i32
      %cond3A_595 = arith.constant 0 : i32
      %cond3A_596 = arith.cmpi ne, %convert_element_type3A_594, %cond3A_595 : i32
      scf.if %cond3A_596 {
        %add3A_597 = arith.constant 3 : i32
        %add3A_598 = arith.addi %add3A_474, %add3A_597 : i32
        %mul3A_599 = arith.constant 2 : i32
        %mul3A_600 = arith.muli %add3A_598, %mul3A_599 : i32
        %add3A_601 = arith.addi %mul3A_2, %mul3A_600 : i32
        %dma_start3A_602 = arith.constant 2 : i32
        %dma_start3A_603 = arith.constant 2 : i32
        %dma_start3A_604 = arith.constant 0 : i32
        %dma_start3A_605 = arith.constant 0 : i32
        %dma_start3A_606 = tpu.memref_slice %arg5[%dma_start3A_602, %dma_start3A_604, %dma_start3A_605] : memref<3x2x128xi32, #tpu.memory_space<vmem>> -> memref<1x2x128xi32, #tpu.memory_space<vmem>>
        %dma_start3A_607 = tpu.memref_squeeze %dma_start3A_606 : memref<1x2x128xi32, #tpu.memory_space<vmem>> -> memref<2x128xi32, #tpu.memory_space<vmem>>
        %dma_start3A_608 = arith.constant 0 : i32
        %dma_start3A_609 = tpu.memref_slice %arg2[%add3A_601, %dma_start3A_608] : memref<6400x128xi32, #tpu.memory_space<hbm>> -> memref<2x128xi32, #tpu.memory_space<hbm>>
        %dma_start3A_610 = tpu.memref_slice %arg8[%dma_start3A_603] : memref<3x!tpu.dma_semaphore, #tpu.memory_space<semaphore_mem>> -> memref<1x!tpu.dma_semaphore, #tpu.memory_space<semaphore_mem>>
        %dma_start3A_611 = tpu.memref_squeeze %dma_start3A_610 : memref<1x!tpu.dma_semaphore, #tpu.memory_space<semaphore_mem>> -> memref<!tpu.dma_semaphore, #tpu.memory_space<semaphore_mem>>
        %dma_start3A_612 = arith.constant 0 : i32
        %dma_start3A_613 = arith.constant 0 : i32
        %dma_start3A_614 = tpu.memref_slice %arg5[%dma_start3A_602, %dma_start3A_612, %dma_start3A_613] : memref<3x2x128xi32, #tpu.memory_space<vmem>> -> memref<1x2x128xi32, #tpu.memory_space<vmem>>
        %dma_start3A_615 = tpu.memref_squeeze %dma_start3A_614 : memref<1x2x128xi32, #tpu.memory_space<vmem>> -> memref<2x128xi32, #tpu.memory_space<vmem>>
        %dma_start3A_616 = arith.constant 0 : i32
        %dma_start3A_617 = tpu.memref_slice %arg2[%add3A_601, %dma_start3A_616] : memref<6400x128xi32, #tpu.memory_space<hbm>> -> memref<2x128xi32, #tpu.memory_space<hbm>>
        tpu.enqueue_dma source(%dma_start3A_617 : memref<2x128xi32, #tpu.memory_space<hbm>>) target(%dma_start3A_615 : memref<2x128xi32, #tpu.memory_space<vmem>>) target_semaphore(%dma_start3A_611 : memref<!tpu.dma_semaphore, #tpu.memory_space<semaphore_mem>>)
      } else {
      }
    }
    %scan3A_111 = arith.constant 33 : i32
    %dma_wait3A_112 = arith.constant 0 : i32
    %dma_wait3A_113 = arith.constant 0 : i32
    %dma_wait3A_114 = arith.constant 0 : i32
    %dma_wait3A_115 = arith.constant 0 : i32
    %dma_wait3A_116 = arith.constant 0 : i32
    %dma_wait3A_117 = arith.constant 0 : i32
    %dma_wait3A_118 = tpu.memref_slice %arg6[%dma_wait3A_114, %dma_wait3A_116, %dma_wait3A_117] : memref<3x256x64xf32, #tpu.memory_space<vmem>> -> memref<1x128x64xf32, #tpu.memory_space<vmem>>
    %dma_wait3A_119 = tpu.memref_squeeze %dma_wait3A_118 : memref<1x128x64xf32, #tpu.memory_space<vmem>> -> memref<128x64xf32, #tpu.memory_space<vmem>>
    %dma_wait3A_120 = arith.constant 0 : i32
    %dma_wait3A_121 = tpu.memref_slice %arg5[%dma_wait3A_112, %dma_wait3A_113, %dma_wait3A_120] : memref<3x2x128xi32, #tpu.memory_space<vmem>> -> memref<1x1x128xi32, #tpu.memory_space<vmem>>
    %dma_wait3A_122 = tpu.memref_squeeze %dma_wait3A_121 : memref<1x1x128xi32, #tpu.memory_space<vmem>> -> memref<128xi32, #tpu.memory_space<vmem>>
    %dma_wait3A_123 = arith.constant 0 : i32
    %dma_wait3A_124 = arith.constant 0 : i32
    %dma_wait3A_125 = tpu.memref_slice %arg3[%dma_wait3A_123, %dma_wait3A_124] : memref<1000000x64xf32, #tpu.memory_space<hbm>> -> memref<1000000x64xf32, #tpu.memory_space<hbm>>
    %dma_wait3A_126 = tpu.memref_slice %arg7[%dma_wait3A_115] : memref<3x!tpu.dma_semaphore, #tpu.memory_space<semaphore_mem>> -> memref<1x!tpu.dma_semaphore, #tpu.memory_space<semaphore_mem>>
    %dma_wait3A_127 = tpu.memref_squeeze %dma_wait3A_126 : memref<1x!tpu.dma_semaphore, #tpu.memory_space<semaphore_mem>> -> memref<!tpu.dma_semaphore, #tpu.memory_space<semaphore_mem>>
    tpu.wait_indirect_dma semaphore(%dma_wait3A_127 : memref<!tpu.dma_semaphore, #tpu.memory_space<semaphore_mem>>) src(%dma_wait3A_125 : memref<1000000x64xf32, #tpu.memory_space<hbm>>) dst(%dma_wait3A_119 : memref<128x64xf32, #tpu.memory_space<vmem>>)
    %dma_wait3A_128 = arith.constant 0 : i32
    %dma_wait3A_129 = arith.constant 1 : i32
    %dma_wait3A_130 = arith.constant 0 : i32
    %dma_wait3A_131 = arith.constant 0 : i32
    %dma_wait3A_132 = arith.constant 128 : i32
    %dma_wait3A_133 = arith.constant 0 : i32
    %dma_wait3A_134 = tpu.memref_slice %arg6[%dma_wait3A_130, %dma_wait3A_132, %dma_wait3A_133] : memref<3x256x64xf32, #tpu.memory_space<vmem>> -> memref<1x128x64xf32, #tpu.memory_space<vmem>>
    %dma_wait3A_135 = tpu.memref_squeeze %dma_wait3A_134 : memref<1x128x64xf32, #tpu.memory_space<vmem>> -> memref<128x64xf32, #tpu.memory_space<vmem>>
    %dma_wait3A_136 = arith.constant 0 : i32
    %dma_wait3A_137 = tpu.memref_slice %arg5[%dma_wait3A_128, %dma_wait3A_129, %dma_wait3A_136] : memref<3x2x128xi32, #tpu.memory_space<vmem>> -> memref<1x1x128xi32, #tpu.memory_space<vmem>>
    %dma_wait3A_138 = tpu.memref_squeeze %dma_wait3A_137 : memref<1x1x128xi32, #tpu.memory_space<vmem>> -> memref<128xi32, #tpu.memory_space<vmem>>
    %dma_wait3A_139 = arith.constant 0 : i32
    %dma_wait3A_140 = arith.constant 0 : i32
    %dma_wait3A_141 = tpu.memref_slice %arg3[%dma_wait3A_139, %dma_wait3A_140] : memref<1000000x64xf32, #tpu.memory_space<hbm>> -> memref<1000000x64xf32, #tpu.memory_space<hbm>>
    %dma_wait3A_142 = tpu.memref_slice %arg7[%dma_wait3A_131] : memref<3x!tpu.dma_semaphore, #tpu.memory_space<semaphore_mem>> -> memref<1x!tpu.dma_semaphore, #tpu.memory_space<semaphore_mem>>
    %dma_wait3A_143 = tpu.memref_squeeze %dma_wait3A_142 : memref<1x!tpu.dma_semaphore, #tpu.memory_space<semaphore_mem>> -> memref<!tpu.dma_semaphore, #tpu.memory_space<semaphore_mem>>
    tpu.wait_indirect_dma semaphore(%dma_wait3A_143 : memref<!tpu.dma_semaphore, #tpu.memory_space<semaphore_mem>>) src(%dma_wait3A_141 : memref<1000000x64xf32, #tpu.memory_space<hbm>>) dst(%dma_wait3A_135 : memref<128x64xf32, #tpu.memory_space<vmem>>)
    %scan3A_144 = arith.constant 0 : i32
    %scan3A_145 = arith.constant 0 : i32
    %scan3A_146 = arith.constant 32 : i32
    %scan3A_147 = arith.addi %scan3A_145, %scan3A_146 : i32
    %scan3A_148 = arith.constant 1 : i32
    scf.for %scan3A_222 = %scan3A_145 to %scan3A_147 step %scan3A_148  : i32 {
      %mul3A_223 = arith.constant 8 : i32
      %mul3A_224 = arith.muli %scan3A_222, %mul3A_223 : i32
      %add3A_225 = arith.constant 0 : i32
      %add3A_226 = arith.addi %mul3A_224, %add3A_225 : i32
      %get3A = arith.constant 0 : i32
      %get3A_227 = arith.index_cast %get3A : i32 to index
      %get3A_228 = arith.index_cast %add3A_226 : i32 to index
      %get3A_229 = arith.constant 0 : index
      %get3A_230 = tpu.vector_load %arg6[%get3A_227, %get3A_228, %get3A_229] {strides = array<i32>} : memref<3x256x64xf32, #tpu.memory_space<vmem>>, vector<1x1x16xf32>,
      %get3A_231 = vector.shape_cast %get3A_230 : vector<1x1x16xf32> to vector<16xf32>
      %mul3A_232 = arith.constant 8.000000e+00 : f32
      %mul3A_233 = vector.broadcast %mul3A_232 : f32 to vector<16xf32>
      %mul3A_234 = arith.mulf %get3A_231, %mul3A_233 : vector<16xf32>
      %add3A_235 = arith.constant 0 : i32
      %add3A_236 = arith.addi %mul3A_224, %add3A_235 : i32
      %swap3A = arith.constant 0 : i32
      %swap3A_237 = arith.index_cast %swap3A : i32 to index
      %swap3A_238 = arith.index_cast %add3A_236 : i32 to index
      %swap3A_239 = arith.constant 0 : index
      %swap3A_240 = tpu.vector_load %arg6[%swap3A_237, %swap3A_238, %swap3A_239] {strides = array<i32>} : memref<3x256x64xf32, #tpu.memory_space<vmem>>, vector<1x1x16xf32>,
      %swap3A_241 = vector.shape_cast %swap3A_240 : vector<1x1x16xf32> to vector<16xf32>
      %swap3A_242 = vector.shape_cast %mul3A_234 : vector<16xf32> to vector<1x1x16xf32>
      tpu.vector_store %arg6[%swap3A_237, %swap3A_238, %swap3A_239], %swap3A_242 {strides = array<i32>} : memref<3x256x64xf32, #tpu.memory_space<vmem>>, vector<1x1x16xf32>,
      %add3A_243 = arith.constant 0 : i32
      %add3A_244 = arith.addi %mul3A_224, %add3A_243 : i32
      %get3A_245 = arith.constant 0 : i32
      %get3A_246 = arith.index_cast %get3A_245 : i32 to index
      %get3A_247 = arith.index_cast %add3A_244 : i32 to index
      %get3A_248 = arith.constant 16 : index
      %get3A_249 = tpu.vector_load %arg6[%get3A_246, %get3A_247, %get3A_248] {strides = array<i32>} : memref<3x256x64xf32, #tpu.memory_space<vmem>>, vector<1x1x16xf32>,
      %get3A_250 = vector.shape_cast %get3A_249 : vector<1x1x16xf32> to vector<16xf32>
      %mul3A_251 = arith.constant 8.000000e+00 : f32
      %mul3A_252 = vector.broadcast %mul3A_251 : f32 to vector<16xf32>
      %mul3A_253 = arith.mulf %get3A_250, %mul3A_252 : vector<16xf32>
      %add3A_254 = arith.constant 0 : i32
      %add3A_255 = arith.addi %mul3A_224, %add3A_254 : i32
      %swap3A_256 = arith.constant 0 : i32
      %swap3A_257 = arith.index_cast %swap3A_256 : i32 to index
      %swap3A_258 = arith.index_cast %add3A_255 : i32 to index
      %swap3A_259 = arith.constant 16 : index
      %swap3A_260 = tpu.vector_load %arg6[%swap3A_257, %swap3A_258, %swap3A_259] {strides = array<i32>} : memref<3x256x64xf32, #tpu.memory_space<vmem>>, vector<1x1x16xf32>,
      %swap3A_261 = vector.shape_cast %swap3A_260 : vector<1x1x16xf32> to vector<16xf32>
      %swap3A_262 = vector.shape_cast %mul3A_253 : vector<16xf32> to vector<1x1x16xf32>
      tpu.vector_store %arg6[%swap3A_257, %swap3A_258, %swap3A_259], %swap3A_262 {strides = array<i32>} : memref<3x256x64xf32, #tpu.memory_space<vmem>>, vector<1x1x16xf32>,
      %add3A_263 = arith.constant 0 : i32
      %add3A_264 = arith.addi %mul3A_224, %add3A_263 : i32
      %get3A_265 = arith.constant 0 : i32
      %get3A_266 = arith.index_cast %get3A_265 : i32 to index
      %get3A_267 = arith.index_cast %add3A_264 : i32 to index
      %get3A_268 = arith.constant 32 : index
      %get3A_269 = tpu.vector_load %arg6[%get3A_266, %get3A_267, %get3A_268] {strides = array<i32>} : memref<3x256x64xf32, #tpu.memory_space<vmem>>, vector<1x1x16xf32>,
      %get3A_270 = vector.shape_cast %get3A_269 : vector<1x1x16xf32> to vector<16xf32>
      %mul3A_271 = arith.constant 8.000000e+00 : f32
      %mul3A_272 = vector.broadcast %mul3A_271 : f32 to vector<16xf32>
      %mul3A_273 = arith.mulf %get3A_270, %mul3A_272 : vector<16xf32>
      %add3A_274 = arith.constant 0 : i32
      %add3A_275 = arith.addi %mul3A_224, %add3A_274 : i32
      %swap3A_276 = arith.constant 0 : i32
      %swap3A_277 = arith.index_cast %swap3A_276 : i32 to index
      %swap3A_278 = arith.index_cast %add3A_275 : i32 to index
      %swap3A_279 = arith.constant 32 : index
      %swap3A_280 = tpu.vector_load %arg6[%swap3A_277, %swap3A_278, %swap3A_279] {strides = array<i32>} : memref<3x256x64xf32, #tpu.memory_space<vmem>>, vector<1x1x16xf32>,
      %swap3A_281 = vector.shape_cast %swap3A_280 : vector<1x1x16xf32> to vector<16xf32>
      %swap3A_282 = vector.shape_cast %mul3A_273 : vector<16xf32> to vector<1x1x16xf32>
      tpu.vector_store %arg6[%swap3A_277, %swap3A_278, %swap3A_279], %swap3A_282 {strides = array<i32>} : memref<3x256x64xf32, #tpu.memory_space<vmem>>, vector<1x1x16xf32>,
      %add3A_283 = arith.constant 0 : i32
      %add3A_284 = arith.addi %mul3A_224, %add3A_283 : i32
      %get3A_285 = arith.constant 0 : i32
      %get3A_286 = arith.index_cast %get3A_285 : i32 to index
      %get3A_287 = arith.index_cast %add3A_284 : i32 to index
      %get3A_288 = arith.constant 48 : index
      %get3A_289 = tpu.vector_load %arg6[%get3A_286, %get3A_287, %get3A_288] {strides = array<i32>} : memref<3x256x64xf32, #tpu.memory_space<vmem>>, vector<1x1x16xf32>,
      %get3A_290 = vector.shape_cast %get3A_289 : vector<1x1x16xf32> to vector<16xf32>
      %mul3A_291 = arith.constant 8.000000e+00 : f32
      %mul3A_292 = vector.broadcast %mul3A_291 : f32 to vector<16xf32>
      %mul3A_293 = arith.mulf %get3A_290, %mul3A_292 : vector<16xf32>
      %add3A_294 = arith.constant 0 : i32
      %add3A_295 = arith.addi %mul3A_224, %add3A_294 : i32
      %swap3A_296 = arith.constant 0 : i32
      %swap3A_297 = arith.index_cast %swap3A_296 : i32 to index
      %swap3A_298 = arith.index_cast %add3A_295 : i32 to index
      %swap3A_299 = arith.constant 48 : index
      %swap3A_300 = tpu.vector_load %arg6[%swap3A_297, %swap3A_298, %swap3A_299] {strides = array<i32>} : memref<3x256x64xf32, #tpu.memory_space<vmem>>, vector<1x1x16xf32>,
      %swap3A_301 = vector.shape_cast %swap3A_300 : vector<1x1x16xf32> to vector<16xf32>
      %swap3A_302 = vector.shape_cast %mul3A_293 : vector<16xf32> to vector<1x1x16xf32>
      tpu.vector_store %arg6[%swap3A_297, %swap3A_298, %swap3A_299], %swap3A_302 {strides = array<i32>} : memref<3x256x64xf32, #tpu.memory_space<vmem>>, vector<1x1x16xf32>,
      %add3A_303 = arith.constant 1 : i32
      %add3A_304 = arith.addi %mul3A_224, %add3A_303 : i32
      %get3A_305 = arith.constant 0 : i32
      %get3A_306 = arith.index_cast %get3A_305 : i32 to index
      %get3A_307 = arith.index_cast %add3A_304 : i32 to index
      %get3A_308 = arith.constant 0 : index
      %get3A_309 = tpu.vector_load %arg6[%get3A_306, %get3A_307, %get3A_308] {strides = array<i32>} : memref<3x256x64xf32, #tpu.memory_space<vmem>>, vector<1x1x16xf32>,
      %get3A_310 = vector.shape_cast %get3A_309 : vector<1x1x16xf32> to vector<16xf32>
      %mul3A_311 = arith.constant 8.000000e+00 : f32
      %mul3A_312 = vector.broadcast %mul3A_311 : f32 to vector<16xf32>
      %mul3A_313 = arith.mulf %get3A_310, %mul3A_312 : vector<16xf32>
      %add3A_314 = arith.constant 1 : i32
      %add3A_315 = arith.addi %mul3A_224, %add3A_314 : i32
      %swap3A_316 = arith.constant 0 : i32
      %swap3A_317 = arith.index_cast %swap3A_316 : i32 to index
      %swap3A_318 = arith.index_cast %add3A_315 : i32 to index
      %swap3A_319 = arith.constant 0 : index
      %swap3A_320 = tpu.vector_load %arg6[%swap3A_317, %swap3A_318, %swap3A_319] {strides = array<i32>} : memref<3x256x64xf32, #tpu.memory_space<vmem>>, vector<1x1x16xf32>,
      %swap3A_321 = vector.shape_cast %swap3A_320 : vector<1x1x16xf32> to vector<16xf32>
      %swap3A_322 = vector.shape_cast %mul3A_313 : vector<16xf32> to vector<1x1x16xf32>
      tpu.vector_store %arg6[%swap3A_317, %swap3A_318, %swap3A_319], %swap3A_322 {strides = array<i32>} : memref<3x256x64xf32, #tpu.memory_space<vmem>>, vector<1x1x16xf32>,
      %add3A_323 = arith.constant 1 : i32
      %add3A_324 = arith.addi %mul3A_224, %add3A_323 : i32
      %get3A_325 = arith.constant 0 : i32
      %get3A_326 = arith.index_cast %get3A_325 : i32 to index
      %get3A_327 = arith.index_cast %add3A_324 : i32 to index
      %get3A_328 = arith.constant 16 : index
      %get3A_329 = tpu.vector_load %arg6[%get3A_326, %get3A_327, %get3A_328] {strides = array<i32>} : memref<3x256x64xf32, #tpu.memory_space<vmem>>, vector<1x1x16xf32>,
      %get3A_330 = vector.shape_cast %get3A_329 : vector<1x1x16xf32> to vector<16xf32>
      %mul3A_331 = arith.constant 8.000000e+00 : f32
      %mul3A_332 = vector.broadcast %mul3A_331 : f32 to vector<16xf32>
      %mul3A_333 = arith.mulf %get3A_330, %mul3A_332 : vector<16xf32>
      %add3A_334 = arith.constant 1 : i32
      %add3A_335 = arith.addi %mul3A_224, %add3A_334 : i32
      %swap3A_336 = arith.constant 0 : i32
      %swap3A_337 = arith.index_cast %swap3A_336 : i32 to index
      %swap3A_338 = arith.index_cast %add3A_335 : i32 to index
      %swap3A_339 = arith.constant 16 : index
      %swap3A_340 = tpu.vector_load %arg6[%swap3A_337, %swap3A_338, %swap3A_339] {strides = array<i32>} : memref<3x256x64xf32, #tpu.memory_space<vmem>>, vector<1x1x16xf32>,
      %swap3A_341 = vector.shape_cast %swap3A_340 : vector<1x1x16xf32> to vector<16xf32>
      %swap3A_342 = vector.shape_cast %mul3A_333 : vector<16xf32> to vector<1x1x16xf32>
      tpu.vector_store %arg6[%swap3A_337, %swap3A_338, %swap3A_339], %swap3A_342 {strides = array<i32>} : memref<3x256x64xf32, #tpu.memory_space<vmem>>, vector<1x1x16xf32>,
      %add3A_343 = arith.constant 1 : i32
      %add3A_344 = arith.addi %mul3A_224, %add3A_343 : i32
      %get3A_345 = arith.constant 0 : i32
      %get3A_346 = arith.index_cast %get3A_345 : i32 to index
      %get3A_347 = arith.index_cast %add3A_344 : i32 to index
      %get3A_348 = arith.constant 32 : index
      %get3A_349 = tpu.vector_load %arg6[%get3A_346, %get3A_347, %get3A_348] {strides = array<i32>} : memref<3x256x64xf32, #tpu.memory_space<vmem>>, vector<1x1x16xf32>,
      %get3A_350 = vector.shape_cast %get3A_349 : vector<1x1x16xf32> to vector<16xf32>
      %mul3A_351 = arith.constant 8.000000e+00 : f32
      %mul3A_352 = vector.broadcast %mul3A_351 : f32 to vector<16xf32>
      %mul3A_353 = arith.mulf %get3A_350, %mul3A_352 : vector<16xf32>
      %add3A_354 = arith.constant 1 : i32
      %add3A_355 = arith.addi %mul3A_224, %add3A_354 : i32
      %swap3A_356 = arith.constant 0 : i32
      %swap3A_357 = arith.index_cast %swap3A_356 : i32 to index
      %swap3A_358 = arith.index_cast %add3A_355 : i32 to index
      %swap3A_359 = arith.constant 32 : index
      %swap3A_360 = tpu.vector_load %arg6[%swap3A_357, %swap3A_358, %swap3A_359] {strides = array<i32>} : memref<3x256x64xf32, #tpu.memory_space<vmem>>, vector<1x1x16xf32>,
      %swap3A_361 = vector.shape_cast %swap3A_360 : vector<1x1x16xf32> to vector<16xf32>
      %swap3A_362 = vector.shape_cast %mul3A_353 : vector<16xf32> to vector<1x1x16xf32>
      tpu.vector_store %arg6[%swap3A_357, %swap3A_358, %swap3A_359], %swap3A_362 {strides = array<i32>} : memref<3x256x64xf32, #tpu.memory_space<vmem>>, vector<1x1x16xf32>,
      %add3A_363 = arith.constant 1 : i32
      %add3A_364 = arith.addi %mul3A_224, %add3A_363 : i32
      %get3A_365 = arith.constant 0 : i32
      %get3A_366 = arith.index_cast %get3A_365 : i32 to index
      %get3A_367 = arith.index_cast %add3A_364 : i32 to index
      %get3A_368 = arith.constant 48 : index
      %get3A_369 = tpu.vector_load %arg6[%get3A_366, %get3A_367, %get3A_368] {strides = array<i32>} : memref<3x256x64xf32, #tpu.memory_space<vmem>>, vector<1x1x16xf32>,
      %get3A_370 = vector.shape_cast %get3A_369 : vector<1x1x16xf32> to vector<16xf32>
      %mul3A_371 = arith.constant 8.000000e+00 : f32
      %mul3A_372 = vector.broadcast %mul3A_371 : f32 to vector<16xf32>
      %mul3A_373 = arith.mulf %get3A_370, %mul3A_372 : vector<16xf32>
      %add3A_374 = arith.constant 1 : i32
      %add3A_375 = arith.addi %mul3A_224, %add3A_374 : i32
      %swap3A_376 = arith.constant 0 : i32
      %swap3A_377 = arith.index_cast %swap3A_376 : i32 to index
      %swap3A_378 = arith.index_cast %add3A_375 : i32 to index
      %swap3A_379 = arith.constant 48 : index
      %swap3A_380 = tpu.vector_load %arg6[%swap3A_377, %swap3A_378, %swap3A_379] {strides = array<i32>} : memref<3x256x64xf32, #tpu.memory_space<vmem>>, vector<1x1x16xf32>,
      %swap3A_381 = vector.shape_cast %swap3A_380 : vector<1x1x16xf32> to vector<16xf32>
      %swap3A_382 = vector.shape_cast %mul3A_373 : vector<16xf32> to vector<1x1x16xf32>
      tpu.vector_store %arg6[%swap3A_377, %swap3A_378, %swap3A_379], %swap3A_382 {strides = array<i32>} : memref<3x256x64xf32, #tpu.memory_space<vmem>>, vector<1x1x16xf32>,
      %add3A_383 = arith.constant 2 : i32
      %add3A_384 = arith.addi %mul3A_224, %add3A_383 : i32
      %get3A_385 = arith.constant 0 : i32
      %get3A_386 = arith.index_cast %get3A_385 : i32 to index
      %get3A_387 = arith.index_cast %add3A_384 : i32 to index
      %get3A_388 = arith.constant 0 : index
      %get3A_389 = tpu.vector_load %arg6[%get3A_386, %get3A_387, %get3A_388] {strides = array<i32>} : memref<3x256x64xf32, #tpu.memory_space<vmem>>, vector<1x1x16xf32>,
      %get3A_390 = vector.shape_cast %get3A_389 : vector<1x1x16xf32> to vector<16xf32>
      %mul3A_391 = arith.constant 8.000000e+00 : f32
      %mul3A_392 = vector.broadcast %mul3A_391 : f32 to vector<16xf32>
      %mul3A_393 = arith.mulf %get3A_390, %mul3A_392 : vector<16xf32>
      %add3A_394 = arith.constant 2 : i32
      %add3A_395 = arith.addi %mul3A_224, %add3A_394 : i32
      %swap3A_396 = arith.constant 0 : i32
      %swap3A_397 = arith.index_cast %swap3A_396 : i32 to index
      %swap3A_398 = arith.index_cast %add3A_395 : i32 to index
      %swap3A_399 = arith.constant 0 : index
      %swap3A_400 = tpu.vector_load %arg6[%swap3A_397, %swap3A_398, %swap3A_399] {strides = array<i32>} : memref<3x256x64xf32, #tpu.memory_space<vmem>>, vector<1x1x16xf32>,
      %swap3A_401 = vector.shape_cast %swap3A_400 : vector<1x1x16xf32> to vector<16xf32>
      %swap3A_402 = vector.shape_cast %mul3A_393 : vector<16xf32> to vector<1x1x16xf32>
      tpu.vector_store %arg6[%swap3A_397, %swap3A_398, %swap3A_399], %swap3A_402 {strides = array<i32>} : memref<3x256x64xf32, #tpu.memory_space<vmem>>, vector<1x1x16xf32>,
      %add3A_403 = arith.constant 2 : i32
      %add3A_404 = arith.addi %mul3A_224, %add3A_403 : i32
      %get3A_405 = arith.constant 0 : i32
      %get3A_406 = arith.index_cast %get3A_405 : i32 to index
      %get3A_407 = arith.index_cast %add3A_404 : i32 to index
      %get3A_408 = arith.constant 16 : index
      %get3A_409 = tpu.vector_load %arg6[%get3A_406, %get3A_407, %get3A_408] {strides = array<i32>} : memref<3x256x64xf32, #tpu.memory_space<vmem>>, vector<1x1x16xf32>,
      %get3A_410 = vector.shape_cast %get3A_409 : vector<1x1x16xf32> to vector<16xf32>
      %mul3A_411 = arith.constant 8.000000e+00 : f32
      %mul3A_412 = vector.broadcast %mul3A_411 : f32 to vector<16xf32>
      %mul3A_413 = arith.mulf %get3A_410, %mul3A_412 : vector<16xf32>
      %add3A_414 = arith.constant 2 : i32
      %add3A_415 = arith.addi %mul3A_224, %add3A_414 : i32
      %swap3A_416 = arith.constant 0 : i32
      %swap3A_417 = arith.index_cast %swap3A_416 : i32 to index
      %swap3A_418 = arith.index_cast %add3A_415 : i32 to index
      %swap3A_419 = arith.constant 16 : index
      %swap3A_420 = tpu.vector_load %arg6[%swap3A_417, %swap3A_418, %swap3A_419] {strides = array<i32>} : memref<3x256x64xf32, #tpu.memory_space<vmem>>, vector<1x1x16xf32>,
      %swap3A_421 = vector.shape_cast %swap3A_420 : vector<1x1x16xf32> to vector<16xf32>
      %swap3A_422 = vector.shape_cast %mul3A_413 : vector<16xf32> to vector<1x1x16xf32>
      tpu.vector_store %arg6[%swap3A_417, %swap3A_418, %swap3A_419], %swap3A_422 {strides = array<i32>} : memref<3x256x64xf32, #tpu.memory_space<vmem>>, vector<1x1x16xf32>,
      %add3A_423 = arith.constant 2 : i32
      %add3A_424 = arith.addi %mul3A_224, %add3A_423 : i32
      %get3A_425 = arith.constant 0 : i32
      %get3A_426 = arith.index_cast %get3A_425 : i32 to index
      %get3A_427 = arith.index_cast %add3A_424 : i32 to index
      %get3A_428 = arith.constant 32 : index
      %get3A_429 = tpu.vector_load %arg6[%get3A_426, %get3A_427, %get3A_428] {strides = array<i32>} : memref<3x256x64xf32, #tpu.memory_space<vmem>>, vector<1x1x16xf32>,
      %get3A_430 = vector.shape_cast %get3A_429 : vector<1x1x16xf32> to vector<16xf32>
      %mul3A_431 = arith.constant 8.000000e+00 : f32
      %mul3A_432 = vector.broadcast %mul3A_431 : f32 to vector<16xf32>
      %mul3A_433 = arith.mulf %get3A_430, %mul3A_432 : vector<16xf32>
      %add3A_434 = arith.constant 2 : i32
      %add3A_435 = arith.addi %mul3A_224, %add3A_434 : i32
      %swap3A_436 = arith.constant 0 : i32
      %swap3A_437 = arith.index_cast %swap3A_436 : i32 to index
      %swap3A_438 = arith.index_cast %add3A_435 : i32 to index
      %swap3A_439 = arith.constant 32 : index
      %swap3A_440 = tpu.vector_load %arg6[%swap3A_437, %swap3A_438, %swap3A_439] {strides = array<i32>} : memref<3x256x64xf32, #tpu.memory_space<vmem>>, vector<1x1x16xf32>,
      %swap3A_441 = vector.shape_cast %swap3A_440 : vector<1x1x16xf32> to vector<16xf32>
      %swap3A_442 = vector.shape_cast %mul3A_433 : vector<16xf32> to vector<1x1x16xf32>
      tpu.vector_store %arg6[%swap3A_437, %swap3A_438, %swap3A_439], %swap3A_442 {strides = array<i32>} : memref<3x256x64xf32, #tpu.memory_space<vmem>>, vector<1x1x16xf32>,
      %add3A_443 = arith.constant 2 : i32
      %add3A_444 = arith.addi %mul3A_224, %add3A_443 : i32
      %get3A_445 = arith.constant 0 : i32
      %get3A_446 = arith.index_cast %get3A_445 : i32 to index
      %get3A_447 = arith.index_cast %add3A_444 : i32 to index
      %get3A_448 = arith.constant 48 : index
      %get3A_449 = tpu.vector_load %arg6[%get3A_446, %get3A_447, %get3A_448] {strides = array<i32>} : memref<3x256x64xf32, #tpu.memory_space<vmem>>, vector<1x1x16xf32>,
      %get3A_450 = vector.shape_cast %get3A_449 : vector<1x1x16xf32> to vector<16xf32>
      %mul3A_451 = arith.constant 8.000000e+00 : f32
      %mul3A_452 = vector.broadcast %mul3A_451 : f32 to vector<16xf32>
      %mul3A_453 = arith.mulf %get3A_450, %mul3A_452 : vector<16xf32>
      %add3A_454 = arith.constant 2 : i32
      %add3A_455 = arith.addi %mul3A_224, %add3A_454 : i32
      %swap3A_456 = arith.constant 0 : i32
      %swap3A_457 = arith.index_cast %swap3A_456 : i32 to index
      %swap3A_458 = arith.index_cast %add3A_455 : i32 to index
      %swap3A_459 = arith.constant 48 : index
      %swap3A_460 = tpu.vector_load %arg6[%swap3A_457, %swap3A_458, %swap3A_459] {strides = array<i32>} : memref<3x256x64xf32, #tpu.memory_space<vmem>>, vector<1x1x16xf32>,
      %swap3A_461 = vector.shape_cast %swap3A_460 : vector<1x1x16xf32> to vector<16xf32>
      %swap3A_462 = vector.shape_cast %mul3A_453 : vector<16xf32> to vector<1x1x16xf32>
      tpu.vector_store %arg6[%swap3A_457, %swap3A_458, %swap3A_459], %swap3A_462 {strides = array<i32>} : memref<3x256x64xf32, #tpu.memory_space<vmem>>, vector<1x1x16xf32>,
      %add3A_463 = arith.constant 3 : i32
      %add3A_464 = arith.addi %mul3A_224, %add3A_463 : i32
      %get3A_465 = arith.constant 0 : i32
      %get3A_466 = arith.index_cast %get3A_465 : i32 to index
      %get3A_467 = arith.index_cast %add3A_464 : i32 to index
      %get3A_468 = arith.constant 0 : index
      %get3A_469 = tpu.vector_load %arg6[%get3A_466, %get3A_467, %get3A_468] {strides = array<i32>} : memref<3x256x64xf32, #tpu.memory_space<vmem>>, vector<1x1x16xf32>,
      %get3A_470 = vector.shape_cast %get3A_469 : vector<1x1x16xf32> to vector<16xf32>
      %mul3A_471 = arith.constant 8.000000e+00 : f32
      %mul3A_472 = vector.broadcast %mul3A_471 : f32 to vector<16xf32>
      %mul3A_473 = arith.mulf %get3A_470, %mul3A_472 : vector<16xf32>
      %add3A_474 = arith.constant 3 : i32
      %add3A_475 = arith.addi %mul3A_224, %add3A_474 : i32
      %swap3A_476 = arith.constant 0 : i32
      %swap3A_477 = arith.index_cast %swap3A_476 : i32 to index
      %swap3A_478 = arith.index_cast %add3A_475 : i32 to index
      %swap3A_479 = arith.constant 0 : index
      %swap3A_480 = tpu.vector_load %arg6[%swap3A_477, %swap3A_478, %swap3A_479] {strides = array<i32>} : memref<3x256x64xf32, #tpu.memory_space<vmem>>, vector<1x1x16xf32>,
      %swap3A_481 = vector.shape_cast %swap3A_480 : vector<1x1x16xf32> to vector<16xf32>
      %swap3A_482 = vector.shape_cast %mul3A_473 : vector<16xf32> to vector<1x1x16xf32>
      tpu.vector_store %arg6[%swap3A_477, %swap3A_478, %swap3A_479], %swap3A_482 {strides = array<i32>} : memref<3x256x64xf32, #tpu.memory_space<vmem>>, vector<1x1x16xf32>,
      %add3A_483 = arith.constant 3 : i32
      %add3A_484 = arith.addi %mul3A_224, %add3A_483 : i32
      %get3A_485 = arith.constant 0 : i32
      %get3A_486 = arith.index_cast %get3A_485 : i32 to index
      %get3A_487 = arith.index_cast %add3A_484 : i32 to index
      %get3A_488 = arith.constant 16 : index
      %get3A_489 = tpu.vector_load %arg6[%get3A_486, %get3A_487, %get3A_488] {strides = array<i32>} : memref<3x256x64xf32, #tpu.memory_space<vmem>>, vector<1x1x16xf32>,
      %get3A_490 = vector.shape_cast %get3A_489 : vector<1x1x16xf32> to vector<16xf32>
      %mul3A_491 = arith.constant 8.000000e+00 : f32
      %mul3A_492 = vector.broadcast %mul3A_491 : f32 to vector<16xf32>
      %mul3A_493 = arith.mulf %get3A_490, %mul3A_492 : vector<16xf32>
      %add3A_494 = arith.constant 3 : i32
      %add3A_495 = arith.addi %mul3A_224, %add3A_494 : i32
      %swap3A_496 = arith.constant 0 : i32
      %swap3A_497 = arith.index_cast %swap3A_496 : i32 to index
      %swap3A_498 = arith.index_cast %add3A_495 : i32 to index
      %swap3A_499 = arith.constant 16 : index
      %swap3A_500 = tpu.vector_load %arg6[%swap3A_497, %swap3A_498, %swap3A_499] {strides = array<i32>} : memref<3x256x64xf32, #tpu.memory_space<vmem>>, vector<1x1x16xf32>,
      %swap3A_501 = vector.shape_cast %swap3A_500 : vector<1x1x16xf32> to vector<16xf32>
      %swap3A_502 = vector.shape_cast %mul3A_493 : vector<16xf32> to vector<1x1x16xf32>
      tpu.vector_store %arg6[%swap3A_497, %swap3A_498, %swap3A_499], %swap3A_502 {strides = array<i32>} : memref<3x256x64xf32, #tpu.memory_space<vmem>>, vector<1x1x16xf32>,
      %add3A_503 = arith.constant 3 : i32
      %add3A_504 = arith.addi %mul3A_224, %add3A_503 : i32
      %get3A_505 = arith.constant 0 : i32
      %get3A_506 = arith.index_cast %get3A_505 : i32 to index
      %get3A_507 = arith.index_cast %add3A_504 : i32 to index
      %get3A_508 = arith.constant 32 : index
      %get3A_509 = tpu.vector_load %arg6[%get3A_506, %get3A_507, %get3A_508] {strides = array<i32>} : memref<3x256x64xf32, #tpu.memory_space<vmem>>, vector<1x1x16xf32>,
      %get3A_510 = vector.shape_cast %get3A_509 : vector<1x1x16xf32> to vector<16xf32>
      %mul3A_511 = arith.constant 8.000000e+00 : f32
      %mul3A_512 = vector.broadcast %mul3A_511 : f32 to vector<16xf32>
      %mul3A_513 = arith.mulf %get3A_510, %mul3A_512 : vector<16xf32>
      %add3A_514 = arith.constant 3 : i32
      %add3A_515 = arith.addi %mul3A_224, %add3A_514 : i32
      %swap3A_516 = arith.constant 0 : i32
      %swap3A_517 = arith.index_cast %swap3A_516 : i32 to index
      %swap3A_518 = arith.index_cast %add3A_515 : i32 to index
      %swap3A_519 = arith.constant 32 : index
      %swap3A_520 = tpu.vector_load %arg6[%swap3A_517, %swap3A_518, %swap3A_519] {strides = array<i32>} : memref<3x256x64xf32, #tpu.memory_space<vmem>>, vector<1x1x16xf32>,
      %swap3A_521 = vector.shape_cast %swap3A_520 : vector<1x1x16xf32> to vector<16xf32>
      %swap3A_522 = vector.shape_cast %mul3A_513 : vector<16xf32> to vector<1x1x16xf32>
      tpu.vector_store %arg6[%swap3A_517, %swap3A_518, %swap3A_519], %swap3A_522 {strides = array<i32>} : memref<3x256x64xf32, #tpu.memory_space<vmem>>, vector<1x1x16xf32>,
      %add3A_523 = arith.constant 3 : i32
      %add3A_524 = arith.addi %mul3A_224, %add3A_523 : i32
      %get3A_525 = arith.constant 0 : i32
      %get3A_526 = arith.index_cast %get3A_525 : i32 to index
      %get3A_527 = arith.index_cast %add3A_524 : i32 to index
      %get3A_528 = arith.constant 48 : index
      %get3A_529 = tpu.vector_load %arg6[%get3A_526, %get3A_527, %get3A_528] {strides = array<i32>} : memref<3x256x64xf32, #tpu.memory_space<vmem>>, vector<1x1x16xf32>,
      %get3A_530 = vector.shape_cast %get3A_529 : vector<1x1x16xf32> to vector<16xf32>
      %mul3A_531 = arith.constant 8.000000e+00 : f32
      %mul3A_532 = vector.broadcast %mul3A_531 : f32 to vector<16xf32>
      %mul3A_533 = arith.mulf %get3A_530, %mul3A_532 : vector<16xf32>
      %add3A_534 = arith.constant 3 : i32
      %add3A_535 = arith.addi %mul3A_224, %add3A_534 : i32
      %swap3A_536 = arith.constant 0 : i32
      %swap3A_537 = arith.index_cast %swap3A_536 : i32 to index
      %swap3A_538 = arith.index_cast %add3A_535 : i32 to index
      %swap3A_539 = arith.constant 48 : index
      %swap3A_540 = tpu.vector_load %arg6[%swap3A_537, %swap3A_538, %swap3A_539] {strides = array<i32>} : memref<3x256x64xf32, #tpu.memory_space<vmem>>, vector<1x1x16xf32>,
      %swap3A_541 = vector.shape_cast %swap3A_540 : vector<1x1x16xf32> to vector<16xf32>
      %swap3A_542 = vector.shape_cast %mul3A_533 : vector<16xf32> to vector<1x1x16xf32>
      tpu.vector_store %arg6[%swap3A_537, %swap3A_538, %swap3A_539], %swap3A_542 {strides = array<i32>} : memref<3x256x64xf32, #tpu.memory_space<vmem>>, vector<1x1x16xf32>,
      %add3A_543 = arith.constant 4 : i32
      %add3A_544 = arith.addi %mul3A_224, %add3A_543 : i32
      %get3A_545 = arith.constant 0 : i32
      %get3A_546 = arith.index_cast %get3A_545 : i32 to index
      %get3A_547 = arith.index_cast %add3A_544 : i32 to index
      %get3A_548 = arith.constant 0 : index
      %get3A_549 = tpu.vector_load %arg6[%get3A_546, %get3A_547, %get3A_548] {strides = array<i32>} : memref<3x256x64xf32, #tpu.memory_space<vmem>>, vector<1x1x16xf32>,
      %get3A_550 = vector.shape_cast %get3A_549 : vector<1x1x16xf32> to vector<16xf32>
      %mul3A_551 = arith.constant 8.000000e+00 : f32
      %mul3A_552 = vector.broadcast %mul3A_551 : f32 to vector<16xf32>
      %mul3A_553 = arith.mulf %get3A_550, %mul3A_552 : vector<16xf32>
      %add3A_554 = arith.constant 4 : i32
      %add3A_555 = arith.addi %mul3A_224, %add3A_554 : i32
      %swap3A_556 = arith.constant 0 : i32
      %swap3A_557 = arith.index_cast %swap3A_556 : i32 to index
      %swap3A_558 = arith.index_cast %add3A_555 : i32 to index
      %swap3A_559 = arith.constant 0 : index
      %swap3A_560 = tpu.vector_load %arg6[%swap3A_557, %swap3A_558, %swap3A_559] {strides = array<i32>} : memref<3x256x64xf32, #tpu.memory_space<vmem>>, vector<1x1x16xf32>,
      %swap3A_561 = vector.shape_cast %swap3A_560 : vector<1x1x16xf32> to vector<16xf32>
      %swap3A_562 = vector.shape_cast %mul3A_553 : vector<16xf32> to vector<1x1x16xf32>
      tpu.vector_store %arg6[%swap3A_557, %swap3A_558, %swap3A_559], %swap3A_562 {strides = array<i32>} : memref<3x256x64xf32, #tpu.memory_space<vmem>>, vector<1x1x16xf32>,
      %add3A_563 = arith.constant 4 : i32
      %add3A_564 = arith.addi %mul3A_224, %add3A_563 : i32
      %get3A_565 = arith.constant 0 : i32
      %get3A_566 = arith.index_cast %get3A_565 : i32 to index
      %get3A_567 = arith.index_cast %add3A_564 : i32 to index
      %get3A_568 = arith.constant 16 : index
      %get3A_569 = tpu.vector_load %arg6[%get3A_566, %get3A_567, %get3A_568] {strides = array<i32>} : memref<3x256x64xf32, #tpu.memory_space<vmem>>, vector<1x1x16xf32>,
      %get3A_570 = vector.shape_cast %get3A_569 : vector<1x1x16xf32> to vector<16xf32>
      %mul3A_571 = arith.constant 8.000000e+00 : f32
      %mul3A_572 = vector.broadcast %mul3A_571 : f32 to vector<16xf32>
      %mul3A_573 = arith.mulf %get3A_570, %mul3A_572 : vector<16xf32>
      %add3A_574 = arith.constant 4 : i32
      %add3A_575 = arith.addi %mul3A_224, %add3A_574 : i32
      %swap3A_576 = arith.constant 0 : i32
      %swap3A_577 = arith.index_cast %swap3A_576 : i32 to index
      %swap3A_578 = arith.index_cast %add3A_575 : i32 to index
      %swap3A_579 = arith.constant 16 : index
      %swap3A_580 = tpu.vector_load %arg6[%swap3A_577, %swap3A_578, %swap3A_579] {strides = array<i32>} : memref<3x256x64xf32, #tpu.memory_space<vmem>>, vector<1x1x16xf32>,
      %swap3A_581 = vector.shape_cast %swap3A_580 : vector<1x1x16xf32> to vector<16xf32>
      %swap3A_582 = vector.shape_cast %mul3A_573 : vector<16xf32> to vector<1x1x16xf32>
      tpu.vector_store %arg6[%swap3A_577, %swap3A_578, %swap3A_579], %swap3A_582 {strides = array<i32>} : memref<3x256x64xf32, #tpu.memory_space<vmem>>, vector<1x1x16xf32>,
      %add3A_583 = arith.constant 4 : i32
      %add3A_584 = arith.addi %mul3A_224, %add3A_583 : i32
      %get3A_585 = arith.constant 0 : i32
      %get3A_586 = arith.index_cast %get3A_585 : i32 to index
      %get3A_587 = arith.index_cast %add3A_584 : i32 to index
      %get3A_588 = arith.constant 32 : index
      %get3A_589 = tpu.vector_load %arg6[%get3A_586, %get3A_587, %get3A_588] {strides = array<i32>} : memref<3x256x64xf32, #tpu.memory_space<vmem>>, vector<1x1x16xf32>,
      %get3A_590 = vector.shape_cast %get3A_589 : vector<1x1x16xf32> to vector<16xf32>
      %mul3A_591 = arith.constant 8.000000e+00 : f32
      %mul3A_592 = vector.broadcast %mul3A_591 : f32 to vector<16xf32>
      %mul3A_593 = arith.mulf %get3A_590, %mul3A_592 : vector<16xf32>
      %add3A_594 = arith.constant 4 : i32
      %add3A_595 = arith.addi %mul3A_224, %add3A_594 : i32
      %swap3A_596 = arith.constant 0 : i32
      %swap3A_597 = arith.index_cast %swap3A_596 : i32 to index
      %swap3A_598 = arith.index_cast %add3A_595 : i32 to index
      %swap3A_599 = arith.constant 32 : index
      %swap3A_600 = tpu.vector_load %arg6[%swap3A_597, %swap3A_598, %swap3A_599] {strides = array<i32>} : memref<3x256x64xf32, #tpu.memory_space<vmem>>, vector<1x1x16xf32>,
      %swap3A_601 = vector.shape_cast %swap3A_600 : vector<1x1x16xf32> to vector<16xf32>
      %swap3A_602 = vector.shape_cast %mul3A_593 : vector<16xf32> to vector<1x1x16xf32>
      tpu.vector_store %arg6[%swap3A_597, %swap3A_598, %swap3A_599], %swap3A_602 {strides = array<i32>} : memref<3x256x64xf32, #tpu.memory_space<vmem>>, vector<1x1x16xf32>,
      %add3A_603 = arith.constant 4 : i32
      %add3A_604 = arith.addi %mul3A_224, %add3A_603 : i32
      %get3A_605 = arith.constant 0 : i32
      %get3A_606 = arith.index_cast %get3A_605 : i32 to index
      %get3A_607 = arith.index_cast %add3A_604 : i32 to index
      %get3A_608 = arith.constant 48 : index
      %get3A_609 = tpu.vector_load %arg6[%get3A_606, %get3A_607, %get3A_608] {strides = array<i32>} : memref<3x256x64xf32, #tpu.memory_space<vmem>>, vector<1x1x16xf32>,
      %get3A_610 = vector.shape_cast %get3A_609 : vector<1x1x16xf32> to vector<16xf32>
      %mul3A_611 = arith.constant 8.000000e+00 : f32
      %mul3A_612 = vector.broadcast %mul3A_611 : f32 to vector<16xf32>
      %mul3A_613 = arith.mulf %get3A_610, %mul3A_612 : vector<16xf32>
      %add3A_614 = arith.constant 4 : i32
      %add3A_615 = arith.addi %mul3A_224, %add3A_614 : i32
      %swap3A_616 = arith.constant 0 : i32
      %swap3A_617 = arith.index_cast %swap3A_616 : i32 to index
      %swap3A_618 = arith.index_cast %add3A_615 : i32 to index
      %swap3A_619 = arith.constant 48 : index
      %swap3A_620 = tpu.vector_load %arg6[%swap3A_617, %swap3A_618, %swap3A_619] {strides = array<i32>} : memref<3x256x64xf32, #tpu.memory_space<vmem>>, vector<1x1x16xf32>,
      %swap3A_621 = vector.shape_cast %swap3A_620 : vector<1x1x16xf32> to vector<16xf32>
      %swap3A_622 = vector.shape_cast %mul3A_613 : vector<16xf32> to vector<1x1x16xf32>
      tpu.vector_store %arg6[%swap3A_617, %swap3A_618, %swap3A_619], %swap3A_622 {strides = array<i32>} : memref<3x256x64xf32, #tpu.memory_space<vmem>>, vector<1x1x16xf32>,
      %add3A_623 = arith.constant 5 : i32
      %add3A_624 = arith.addi %mul3A_224, %add3A_623 : i32
      %get3A_625 = arith.constant 0 : i32
      %get3A_626 = arith.index_cast %get3A_625 : i32 to index
      %get3A_627 = arith.index_cast %add3A_624 : i32 to index
      %get3A_628 = arith.constant 0 : index
      %get3A_629 = tpu.vector_load %arg6[%get3A_626, %get3A_627, %get3A_628] {strides = array<i32>} : memref<3x256x64xf32, #tpu.memory_space<vmem>>, vector<1x1x16xf32>,
      %get3A_630 = vector.shape_cast %get3A_629 : vector<1x1x16xf32> to vector<16xf32>
      %mul3A_631 = arith.constant 8.000000e+00 : f32
      %mul3A_632 = vector.broadcast %mul3A_631 : f32 to vector<16xf32>
      %mul3A_633 = arith.mulf %get3A_630, %mul3A_632 : vector<16xf32>
      %add3A_634 = arith.constant 5 : i32
      %add3A_635 = arith.addi %mul3A_224, %add3A_634 : i32
      %swap3A_636 = arith.constant 0 : i32
      %swap3A_637 = arith.index_cast %swap3A_636 : i32 to index
      %swap3A_638 = arith.index_cast %add3A_635 : i32 to index
      %swap3A_639 = arith.constant 0 : index
      %swap3A_640 = tpu.vector_load %arg6[%swap3A_637, %swap3A_638, %swap3A_639] {strides = array<i32>} : memref<3x256x64xf32, #tpu.memory_space<vmem>>, vector<1x1x16xf32>,
      %swap3A_641 = vector.shape_cast %swap3A_640 : vector<1x1x16xf32> to vector<16xf32>
      %swap3A_642 = vector.shape_cast %mul3A_633 : vector<16xf32> to vector<1x1x16xf32>
      tpu.vector_store %arg6[%swap3A_637, %swap3A_638, %swap3A_639], %swap3A_642 {strides = array<i32>} : memref<3x256x64xf32, #tpu.memory_space<vmem>>, vector<1x1x16xf32>,
      %add3A_643 = arith.constant 5 : i32
      %add3A_644 = arith.addi %mul3A_224, %add3A_643 : i32
      %get3A_645 = arith.constant 0 : i32
      %get3A_646 = arith.index_cast %get3A_645 : i32 to index
      %get3A_647 = arith.index_cast %add3A_644 : i32 to index
      %get3A_648 = arith.constant 16 : index
      %get3A_649 = tpu.vector_load %arg6[%get3A_646, %get3A_647, %get3A_648] {strides = array<i32>} : memref<3x256x64xf32, #tpu.memory_space<vmem>>, vector<1x1x16xf32>,
      %get3A_650 = vector.shape_cast %get3A_649 : vector<1x1x16xf32> to vector<16xf32>
      %mul3A_651 = arith.constant 8.000000e+00 : f32
      %mul3A_652 = vector.broadcast %mul3A_651 : f32 to vector<16xf32>
      %mul3A_653 = arith.mulf %get3A_650, %mul3A_652 : vector<16xf32>
      %add3A_654 = arith.constant 5 : i32
      %add3A_655 = arith.addi %mul3A_224, %add3A_654 : i32
      %swap3A_656 = arith.constant 0 : i32
      %swap3A_657 = arith.index_cast %swap3A_656 : i32 to index
      %swap3A_658 = arith.index_cast %add3A_655 : i32 to index
      %swap3A_659 = arith.constant 16 : index
      %swap3A_660 = tpu.vector_load %arg6[%swap3A_657, %swap3A_658, %swap3A_659] {strides = array<i32>} : memref<3x256x64xf32, #tpu.memory_space<vmem>>, vector<1x1x16xf32>,
      %swap3A_661 = vector.shape_cast %swap3A_660 : vector<1x1x16xf32> to vector<16xf32>
      %swap3A_662 = vector.shape_cast %mul3A_653 : vector<16xf32> to vector<1x1x16xf32>
      tpu.vector_store %arg6[%swap3A_657, %swap3A_658, %swap3A_659], %swap3A_662 {strides = array<i32>} : memref<3x256x64xf32, #tpu.memory_space<vmem>>, vector<1x1x16xf32>,
      %add3A_663 = arith.constant 5 : i32
      %add3A_664 = arith.addi %mul3A_224, %add3A_663 : i32
      %get3A_665 = arith.constant 0 : i32
      %get3A_666 = arith.index_cast %get3A_665 : i32 to index
      %get3A_667 = arith.index_cast %add3A_664 : i32 to index
      %get3A_668 = arith.constant 32 : index
      %get3A_669 = tpu.vector_load %arg6[%get3A_666, %get3A_667, %get3A_668] {strides = array<i32>} : memref<3x256x64xf32, #tpu.memory_space<vmem>>, vector<1x1x16xf32>,
      %get3A_670 = vector.shape_cast %get3A_669 : vector<1x1x16xf32> to vector<16xf32>
      %mul3A_671 = arith.constant 8.000000e+00 : f32
      %mul3A_672 = vector.broadcast %mul3A_671 : f32 to vector<16xf32>
      %mul3A_673 = arith.mulf %get3A_670, %mul3A_672 : vector<16xf32>
      %add3A_674 = arith.constant 5 : i32
      %add3A_675 = arith.addi %mul3A_224, %add3A_674 : i32
      %swap3A_676 = arith.constant 0 : i32
      %swap3A_677 = arith.index_cast %swap3A_676 : i32 to index
      %swap3A_678 = arith.index_cast %add3A_675 : i32 to index
      %swap3A_679 = arith.constant 32 : index
      %swap3A_680 = tpu.vector_load %arg6[%swap3A_677, %swap3A_678, %swap3A_679] {strides = array<i32>} : memref<3x256x64xf32, #tpu.memory_space<vmem>>, vector<1x1x16xf32>,
      %swap3A_681 = vector.shape_cast %swap3A_680 : vector<1x1x16xf32> to vector<16xf32>
      %swap3A_682 = vector.shape_cast %mul3A_673 : vector<16xf32> to vector<1x1x16xf32>
      tpu.vector_store %arg6[%swap3A_677, %swap3A_678, %swap3A_679], %swap3A_682 {strides = array<i32>} : memref<3x256x64xf32, #tpu.memory_space<vmem>>, vector<1x1x16xf32>,
      %add3A_683 = arith.constant 5 : i32
      %add3A_684 = arith.addi %mul3A_224, %add3A_683 : i32
      %get3A_685 = arith.constant 0 : i32
      %get3A_686 = arith.index_cast %get3A_685 : i32 to index
      %get3A_687 = arith.index_cast %add3A_684 : i32 to index
      %get3A_688 = arith.constant 48 : index
      %get3A_689 = tpu.vector_load %arg6[%get3A_686, %get3A_687, %get3A_688] {strides = array<i32>} : memref<3x256x64xf32, #tpu.memory_space<vmem>>, vector<1x1x16xf32>,
      %get3A_690 = vector.shape_cast %get3A_689 : vector<1x1x16xf32> to vector<16xf32>
      %mul3A_691 = arith.constant 8.000000e+00 : f32
      %mul3A_692 = vector.broadcast %mul3A_691 : f32 to vector<16xf32>
      %mul3A_693 = arith.mulf %get3A_690, %mul3A_692 : vector<16xf32>
      %add3A_694 = arith.constant 5 : i32
      %add3A_695 = arith.addi %mul3A_224, %add3A_694 : i32
      %swap3A_696 = arith.constant 0 : i32
      %swap3A_697 = arith.index_cast %swap3A_696 : i32 to index
      %swap3A_698 = arith.index_cast %add3A_695 : i32 to index
      %swap3A_699 = arith.constant 48 : index
      %swap3A_700 = tpu.vector_load %arg6[%swap3A_697, %swap3A_698, %swap3A_699] {strides = array<i32>} : memref<3x256x64xf32, #tpu.memory_space<vmem>>, vector<1x1x16xf32>,
      %swap3A_701 = vector.shape_cast %swap3A_700 : vector<1x1x16xf32> to vector<16xf32>
      %swap3A_702 = vector.shape_cast %mul3A_693 : vector<16xf32> to vector<1x1x16xf32>
      tpu.vector_store %arg6[%swap3A_697, %swap3A_698, %swap3A_699], %swap3A_702 {strides = array<i32>} : memref<3x256x64xf32, #tpu.memory_space<vmem>>, vector<1x1x16xf32>,
      %add3A_703 = arith.constant 6 : i32
      %add3A_704 = arith.addi %mul3A_224, %add3A_703 : i32
      %get3A_705 = arith.constant 0 : i32
      %get3A_706 = arith.index_cast %get3A_705 : i32 to index
      %get3A_707 = arith.index_cast %add3A_704 : i32 to index
      %get3A_708 = arith.constant 0 : index
      %get3A_709 = tpu.vector_load %arg6[%get3A_706, %get3A_707, %get3A_708] {strides = array<i32>} : memref<3x256x64xf32, #tpu.memory_space<vmem>>, vector<1x1x16xf32>,
      %get3A_710 = vector.shape_cast %get3A_709 : vector<1x1x16xf32> to vector<16xf32>
      %mul3A_711 = arith.constant 8.000000e+00 : f32
      %mul3A_712 = vector.broadcast %mul3A_711 : f32 to vector<16xf32>
      %mul3A_713 = arith.mulf %get3A_710, %mul3A_712 : vector<16xf32>
      %add3A_714 = arith.constant 6 : i32
      %add3A_715 = arith.addi %mul3A_224, %add3A_714 : i32
      %swap3A_716 = arith.constant 0 : i32
      %swap3A_717 = arith.index_cast %swap3A_716 : i32 to index
      %swap3A_718 = arith.index_cast %add3A_715 : i32 to index
      %swap3A_719 = arith.constant 0 : index
      %swap3A_720 = tpu.vector_load %arg6[%swap3A_717, %swap3A_718, %swap3A_719] {strides = array<i32>} : memref<3x256x64xf32, #tpu.memory_space<vmem>>, vector<1x1x16xf32>,
      %swap3A_721 = vector.shape_cast %swap3A_720 : vector<1x1x16xf32> to vector<16xf32>
      %swap3A_722 = vector.shape_cast %mul3A_713 : vector<16xf32> to vector<1x1x16xf32>
      tpu.vector_store %arg6[%swap3A_717, %swap3A_718, %swap3A_719], %swap3A_722 {strides = array<i32>} : memref<3x256x64xf32, #tpu.memory_space<vmem>>, vector<1x1x16xf32>,
      %add3A_723 = arith.constant 6 : i32
      %add3A_724 = arith.addi %mul3A_224, %add3A_723 : i32
      %get3A_725 = arith.constant 0 : i32
      %get3A_726 = arith.index_cast %get3A_725 : i32 to index
      %get3A_727 = arith.index_cast %add3A_724 : i32 to index
      %get3A_728 = arith.constant 16 : index
      %get3A_729 = tpu.vector_load %arg6[%get3A_726, %get3A_727, %get3A_728] {strides = array<i32>} : memref<3x256x64xf32, #tpu.memory_space<vmem>>, vector<1x1x16xf32>,
      %get3A_730 = vector.shape_cast %get3A_729 : vector<1x1x16xf32> to vector<16xf32>
      %mul3A_731 = arith.constant 8.000000e+00 : f32
      %mul3A_732 = vector.broadcast %mul3A_731 : f32 to vector<16xf32>
      %mul3A_733 = arith.mulf %get3A_730, %mul3A_732 : vector<16xf32>
      %add3A_734 = arith.constant 6 : i32
      %add3A_735 = arith.addi %mul3A_224, %add3A_734 : i32
      %swap3A_736 = arith.constant 0 : i32
      %swap3A_737 = arith.index_cast %swap3A_736 : i32 to index
      %swap3A_738 = arith.index_cast %add3A_735 : i32 to index
      %swap3A_739 = arith.constant 16 : index
      %swap3A_740 = tpu.vector_load %arg6[%swap3A_737, %swap3A_738, %swap3A_739] {strides = array<i32>} : memref<3x256x64xf32, #tpu.memory_space<vmem>>, vector<1x1x16xf32>,
      %swap3A_741 = vector.shape_cast %swap3A_740 : vector<1x1x16xf32> to vector<16xf32>
      %swap3A_742 = vector.shape_cast %mul3A_733 : vector<16xf32> to vector<1x1x16xf32>
      tpu.vector_store %arg6[%swap3A_737, %swap3A_738, %swap3A_739], %swap3A_742 {strides = array<i32>} : memref<3x256x64xf32, #tpu.memory_space<vmem>>, vector<1x1x16xf32>,
      %add3A_743 = arith.constant 6 : i32
      %add3A_744 = arith.addi %mul3A_224, %add3A_743 : i32
      %get3A_745 = arith.constant 0 : i32
      %get3A_746 = arith.index_cast %get3A_745 : i32 to index
      %get3A_747 = arith.index_cast %add3A_744 : i32 to index
      %get3A_748 = arith.constant 32 : index
      %get3A_749 = tpu.vector_load %arg6[%get3A_746, %get3A_747, %get3A_748] {strides = array<i32>} : memref<3x256x64xf32, #tpu.memory_space<vmem>>, vector<1x1x16xf32>,
      %get3A_750 = vector.shape_cast %get3A_749 : vector<1x1x16xf32> to vector<16xf32>
      %mul3A_751 = arith.constant 8.000000e+00 : f32
      %mul3A_752 = vector.broadcast %mul3A_751 : f32 to vector<16xf32>
      %mul3A_753 = arith.mulf %get3A_750, %mul3A_752 : vector<16xf32>
      %add3A_754 = arith.constant 6 : i32
      %add3A_755 = arith.addi %mul3A_224, %add3A_754 : i32
      %swap3A_756 = arith.constant 0 : i32
      %swap3A_757 = arith.index_cast %swap3A_756 : i32 to index
      %swap3A_758 = arith.index_cast %add3A_755 : i32 to index
      %swap3A_759 = arith.constant 32 : index
      %swap3A_760 = tpu.vector_load %arg6[%swap3A_757, %swap3A_758, %swap3A_759] {strides = array<i32>} : memref<3x256x64xf32, #tpu.memory_space<vmem>>, vector<1x1x16xf32>,
      %swap3A_761 = vector.shape_cast %swap3A_760 : vector<1x1x16xf32> to vector<16xf32>
      %swap3A_762 = vector.shape_cast %mul3A_753 : vector<16xf32> to vector<1x1x16xf32>
      tpu.vector_store %arg6[%swap3A_757, %swap3A_758, %swap3A_759], %swap3A_762 {strides = array<i32>} : memref<3x256x64xf32, #tpu.memory_space<vmem>>, vector<1x1x16xf32>,
      %add3A_763 = arith.constant 6 : i32
      %add3A_764 = arith.addi %mul3A_224, %add3A_763 : i32
      %get3A_765 = arith.constant 0 : i32
      %get3A_766 = arith.index_cast %get3A_765 : i32 to index
      %get3A_767 = arith.index_cast %add3A_764 : i32 to index
      %get3A_768 = arith.constant 48 : index
      %get3A_769 = tpu.vector_load %arg6[%get3A_766, %get3A_767, %get3A_768] {strides = array<i32>} : memref<3x256x64xf32, #tpu.memory_space<vmem>>, vector<1x1x16xf32>,
      %get3A_770 = vector.shape_cast %get3A_769 : vector<1x1x16xf32> to vector<16xf32>
      %mul3A_771 = arith.constant 8.000000e+00 : f32
      %mul3A_772 = vector.broadcast %mul3A_771 : f32 to vector<16xf32>
      %mul3A_773 = arith.mulf %get3A_770, %mul3A_772 : vector<16xf32>
      %add3A_774 = arith.constant 6 : i32
      %add3A_775 = arith.addi %mul3A_224, %add3A_774 : i32
      %swap3A_776 = arith.constant 0 : i32
      %swap3A_777 = arith.index_cast %swap3A_776 : i32 to index
      %swap3A_778 = arith.index_cast %add3A_775 : i32 to index
      %swap3A_779 = arith.constant 48 : index
      %swap3A_780 = tpu.vector_load %arg6[%swap3A_777, %swap3A_778, %swap3A_779] {strides = array<i32>} : memref<3x256x64xf32, #tpu.memory_space<vmem>>, vector<1x1x16xf32>,
      %swap3A_781 = vector.shape_cast %swap3A_780 : vector<1x1x16xf32> to vector<16xf32>
      %swap3A_782 = vector.shape_cast %mul3A_773 : vector<16xf32> to vector<1x1x16xf32>
      tpu.vector_store %arg6[%swap3A_777, %swap3A_778, %swap3A_779], %swap3A_782 {strides = array<i32>} : memref<3x256x64xf32, #tpu.memory_space<vmem>>, vector<1x1x16xf32>,
      %add3A_783 = arith.constant 7 : i32
      %add3A_784 = arith.addi %mul3A_224, %add3A_783 : i32
      %get3A_785 = arith.constant 0 : i32
      %get3A_786 = arith.index_cast %get3A_785 : i32 to index
      %get3A_787 = arith.index_cast %add3A_784 : i32 to index
      %get3A_788 = arith.constant 0 : index
      %get3A_789 = tpu.vector_load %arg6[%get3A_786, %get3A_787, %get3A_788] {strides = array<i32>} : memref<3x256x64xf32, #tpu.memory_space<vmem>>, vector<1x1x16xf32>,
      %get3A_790 = vector.shape_cast %get3A_789 : vector<1x1x16xf32> to vector<16xf32>
      %mul3A_791 = arith.constant 8.000000e+00 : f32
      %mul3A_792 = vector.broadcast %mul3A_791 : f32 to vector<16xf32>
      %mul3A_793 = arith.mulf %get3A_790, %mul3A_792 : vector<16xf32>
      %add3A_794 = arith.constant 7 : i32
      %add3A_795 = arith.addi %mul3A_224, %add3A_794 : i32
      %swap3A_796 = arith.constant 0 : i32
      %swap3A_797 = arith.index_cast %swap3A_796 : i32 to index
      %swap3A_798 = arith.index_cast %add3A_795 : i32 to index
      %swap3A_799 = arith.constant 0 : index
      %swap3A_800 = tpu.vector_load %arg6[%swap3A_797, %swap3A_798, %swap3A_799] {strides = array<i32>} : memref<3x256x64xf32, #tpu.memory_space<vmem>>, vector<1x1x16xf32>,
      %swap3A_801 = vector.shape_cast %swap3A_800 : vector<1x1x16xf32> to vector<16xf32>
      %swap3A_802 = vector.shape_cast %mul3A_793 : vector<16xf32> to vector<1x1x16xf32>
      tpu.vector_store %arg6[%swap3A_797, %swap3A_798, %swap3A_799], %swap3A_802 {strides = array<i32>} : memref<3x256x64xf32, #tpu.memory_space<vmem>>, vector<1x1x16xf32>,
      %add3A_803 = arith.constant 7 : i32
      %add3A_804 = arith.addi %mul3A_224, %add3A_803 : i32
      %get3A_805 = arith.constant 0 : i32
      %get3A_806 = arith.index_cast %get3A_805 : i32 to index
      %get3A_807 = arith.index_cast %add3A_804 : i32 to index
      %get3A_808 = arith.constant 16 : index
      %get3A_809 = tpu.vector_load %arg6[%get3A_806, %get3A_807, %get3A_808] {strides = array<i32>} : memref<3x256x64xf32, #tpu.memory_space<vmem>>, vector<1x1x16xf32>,
      %get3A_810 = vector.shape_cast %get3A_809 : vector<1x1x16xf32> to vector<16xf32>
      %mul3A_811 = arith.constant 8.000000e+00 : f32
      %mul3A_812 = vector.broadcast %mul3A_811 : f32 to vector<16xf32>
      %mul3A_813 = arith.mulf %get3A_810, %mul3A_812 : vector<16xf32>
      %add3A_814 = arith.constant 7 : i32
      %add3A_815 = arith.addi %mul3A_224, %add3A_814 : i32
      %swap3A_816 = arith.constant 0 : i32
      %swap3A_817 = arith.index_cast %swap3A_816 : i32 to index
      %swap3A_818 = arith.index_cast %add3A_815 : i32 to index
      %swap3A_819 = arith.constant 16 : index
      %swap3A_820 = tpu.vector_load %arg6[%swap3A_817, %swap3A_818, %swap3A_819] {strides = array<i32>} : memref<3x256x64xf32, #tpu.memory_space<vmem>>, vector<1x1x16xf32>,
      %swap3A_821 = vector.shape_cast %swap3A_820 : vector<1x1x16xf32> to vector<16xf32>
      %swap3A_822 = vector.shape_cast %mul3A_813 : vector<16xf32> to vector<1x1x16xf32>
      tpu.vector_store %arg6[%swap3A_817, %swap3A_818, %swap3A_819], %swap3A_822 {strides = array<i32>} : memref<3x256x64xf32, #tpu.memory_space<vmem>>, vector<1x1x16xf32>,
      %add3A_823 = arith.constant 7 : i32
      %add3A_824 = arith.addi %mul3A_224, %add3A_823 : i32
      %get3A_825 = arith.constant 0 : i32
      %get3A_826 = arith.index_cast %get3A_825 : i32 to index
      %get3A_827 = arith.index_cast %add3A_824 : i32 to index
      %get3A_828 = arith.constant 32 : index
      %get3A_829 = tpu.vector_load %arg6[%get3A_826, %get3A_827, %get3A_828] {strides = array<i32>} : memref<3x256x64xf32, #tpu.memory_space<vmem>>, vector<1x1x16xf32>,
      %get3A_830 = vector.shape_cast %get3A_829 : vector<1x1x16xf32> to vector<16xf32>
      %mul3A_831 = arith.constant 8.000000e+00 : f32
      %mul3A_832 = vector.broadcast %mul3A_831 : f32 to vector<16xf32>
      %mul3A_833 = arith.mulf %get3A_830, %mul3A_832 : vector<16xf32>
      %add3A_834 = arith.constant 7 : i32
      %add3A_835 = arith.addi %mul3A_224, %add3A_834 : i32
      %swap3A_836 = arith.constant 0 : i32
      %swap3A_837 = arith.index_cast %swap3A_836 : i32 to index
      %swap3A_838 = arith.index_cast %add3A_835 : i32 to index
      %swap3A_839 = arith.constant 32 : index
      %swap3A_840 = tpu.vector_load %arg6[%swap3A_837, %swap3A_838, %swap3A_839] {strides = array<i32>} : memref<3x256x64xf32, #tpu.memory_space<vmem>>, vector<1x1x16xf32>,
      %swap3A_841 = vector.shape_cast %swap3A_840 : vector<1x1x16xf32> to vector<16xf32>
      %swap3A_842 = vector.shape_cast %mul3A_833 : vector<16xf32> to vector<1x1x16xf32>
      tpu.vector_store %arg6[%swap3A_837, %swap3A_838, %swap3A_839], %swap3A_842 {strides = array<i32>} : memref<3x256x64xf32, #tpu.memory_space<vmem>>, vector<1x1x16xf32>,
      %add3A_843 = arith.constant 7 : i32
      %add3A_844 = arith.addi %mul3A_224, %add3A_843 : i32
      %get3A_845 = arith.constant 0 : i32
      %get3A_846 = arith.index_cast %get3A_845 : i32 to index
      %get3A_847 = arith.index_cast %add3A_844 : i32 to index
      %get3A_848 = arith.constant 48 : index
      %get3A_849 = tpu.vector_load %arg6[%get3A_846, %get3A_847, %get3A_848] {strides = array<i32>} : memref<3x256x64xf32, #tpu.memory_space<vmem>>, vector<1x1x16xf32>,
      %get3A_850 = vector.shape_cast %get3A_849 : vector<1x1x16xf32> to vector<16xf32>
      %mul3A_851 = arith.constant 8.000000e+00 : f32
      %mul3A_852 = vector.broadcast %mul3A_851 : f32 to vector<16xf32>
      %mul3A_853 = arith.mulf %get3A_850, %mul3A_852 : vector<16xf32>
      %add3A_854 = arith.constant 7 : i32
      %add3A_855 = arith.addi %mul3A_224, %add3A_854 : i32
      %swap3A_856 = arith.constant 0 : i32
      %swap3A_857 = arith.index_cast %swap3A_856 : i32 to index
      %swap3A_858 = arith.index_cast %add3A_855 : i32 to index
      %swap3A_859 = arith.constant 48 : index
      %swap3A_860 = tpu.vector_load %arg6[%swap3A_857, %swap3A_858, %swap3A_859] {strides = array<i32>} : memref<3x256x64xf32, #tpu.memory_space<vmem>>, vector<1x1x16xf32>,
      %swap3A_861 = vector.shape_cast %swap3A_860 : vector<1x1x16xf32> to vector<16xf32>
      %swap3A_862 = vector.shape_cast %mul3A_853 : vector<16xf32> to vector<1x1x16xf32>
      tpu.vector_store %arg6[%swap3A_857, %swap3A_858, %swap3A_859], %swap3A_862 {strides = array<i32>} : memref<3x256x64xf32, #tpu.memory_space<vmem>>, vector<1x1x16xf32>,
    }
    %scan3A_149 = arith.constant 32 : i32
    %add3A_150 = arith.constant 25344 : i32
    %add3A_151 = arith.addi %mul3A_4, %add3A_150 : i32
    %dma_start3A_152 = arith.constant 0 : i32
    %dma_start3A_153 = arith.constant 0 : i32
    %dma_start3A_154 = arith.constant 0 : i32
    %dma_start3A_155 = arith.constant 0 : i32
    %dma_start3A_156 = tpu.memref_slice %arg6[%dma_start3A_152, %dma_start3A_154, %dma_start3A_155] : memref<3x256x64xf32, #tpu.memory_space<vmem>> -> memref<1x256x64xf32, #tpu.memory_space<vmem>>
    %dma_start3A_157 = tpu.memref_squeeze %dma_start3A_156 : memref<1x256x64xf32, #tpu.memory_space<vmem>> -> memref<256x64xf32, #tpu.memory_space<vmem>>
    %dma_start3A_158 = arith.constant 0 : i32
    %dma_start3A_159 = tpu.memref_slice %arg4[%add3A_151, %dma_start3A_158] : memref<819200x64xf32, #tpu.memory_space<hbm>> -> memref<256x64xf32, #tpu.memory_space<hbm>>
    %dma_start3A_160 = tpu.memref_slice %arg9[%dma_start3A_153] : memref<3x!tpu.dma_semaphore, #tpu.memory_space<semaphore_mem>> -> memref<1x!tpu.dma_semaphore, #tpu.memory_space<semaphore_mem>>
    %dma_start3A_161 = tpu.memref_squeeze %dma_start3A_160 : memref<1x!tpu.dma_semaphore, #tpu.memory_space<semaphore_mem>> -> memref<!tpu.dma_semaphore, #tpu.memory_space<semaphore_mem>>
    %dma_start3A_162 = arith.constant 0 : i32
    %dma_start3A_163 = tpu.memref_slice %arg4[%add3A_151, %dma_start3A_162] : memref<819200x64xf32, #tpu.memory_space<hbm>> -> memref<256x64xf32, #tpu.memory_space<hbm>>
    %dma_start3A_164 = arith.constant 0 : i32
    %dma_start3A_165 = arith.constant 0 : i32
    %dma_start3A_166 = tpu.memref_slice %arg6[%dma_start3A_152, %dma_start3A_164, %dma_start3A_165] : memref<3x256x64xf32, #tpu.memory_space<vmem>> -> memref<1x256x64xf32, #tpu.memory_space<vmem>>
    %dma_start3A_167 = tpu.memref_squeeze %dma_start3A_166 : memref<1x256x64xf32, #tpu.memory_space<vmem>> -> memref<256x64xf32, #tpu.memory_space<vmem>>
    tpu.enqueue_dma source(%dma_start3A_167 : memref<256x64xf32, #tpu.memory_space<vmem>>) target(%dma_start3A_163 : memref<256x64xf32, #tpu.memory_space<hbm>>) target_semaphore(%dma_start3A_161 : memref<!tpu.dma_semaphore, #tpu.memory_space<semaphore_mem>>)
    %add3A_168 = arith.constant 25344 : i32
    %add3A_169 = arith.addi %mul3A_4, %add3A_168 : i32
    %dma_wait3A_170 = arith.constant 0 : i32
    %dma_wait3A_171 = arith.constant 0 : i32
    %dma_wait3A_172 = arith.constant 0 : i32
    %dma_wait3A_173 = arith.constant 0 : i32
    %dma_wait3A_174 = tpu.memref_slice %arg6[%dma_wait3A_170, %dma_wait3A_172, %dma_wait3A_173] : memref<3x256x64xf32, #tpu.memory_space<vmem>> -> memref<1x256x64xf32, #tpu.memory_space<vmem>>
    %dma_wait3A_175 = tpu.memref_squeeze %dma_wait3A_174 : memref<1x256x64xf32, #tpu.memory_space<vmem>> -> memref<256x64xf32, #tpu.memory_space<vmem>>
    %dma_wait3A_176 = arith.constant 0 : i32
    %dma_wait3A_177 = tpu.memref_slice %arg4[%add3A_169, %dma_wait3A_176] : memref<819200x64xf32, #tpu.memory_space<hbm>> -> memref<256x64xf32, #tpu.memory_space<hbm>>
    %dma_wait3A_178 = tpu.memref_slice %arg9[%dma_wait3A_171] : memref<3x!tpu.dma_semaphore, #tpu.memory_space<semaphore_mem>> -> memref<1x!tpu.dma_semaphore, #tpu.memory_space<semaphore_mem>>
    %dma_wait3A_179 = tpu.memref_squeeze %dma_wait3A_178 : memref<1x!tpu.dma_semaphore, #tpu.memory_space<semaphore_mem>> -> memref<!tpu.dma_semaphore, #tpu.memory_space<semaphore_mem>>
    %dma_wait3A_180 = arith.constant 0 : i32
    %dma_wait3A_181 = tpu.memref_slice %arg4[%add3A_169, %dma_wait3A_180] : memref<819200x64xf32, #tpu.memory_space<hbm>> -> memref<256x64xf32, #tpu.memory_space<hbm>>
    %dma_wait3A_182 = arith.constant 0 : i32
    %dma_wait3A_183 = arith.constant 0 : i32
    %dma_wait3A_184 = tpu.memref_slice %arg6[%dma_wait3A_170, %dma_wait3A_182, %dma_wait3A_183] : memref<3x256x64xf32, #tpu.memory_space<vmem>> -> memref<1x256x64xf32, #tpu.memory_space<vmem>>
    %dma_wait3A_185 = tpu.memref_squeeze %dma_wait3A_184 : memref<1x256x64xf32, #tpu.memory_space<vmem>> -> memref<256x64xf32, #tpu.memory_space<vmem>>
    tpu.wait_dma2 semaphore(%dma_wait3A_179 : memref<!tpu.dma_semaphore, #tpu.memory_space<semaphore_mem>>) src(%dma_wait3A_185 : memref<256x64xf32, #tpu.memory_space<vmem>>) dst(%dma_wait3A_181 : memref<256x64xf32, #tpu.memory_space<hbm>>)
    %add3A_186 = arith.constant 25344 : i32
    %add3A_187 = arith.addi %mul3A_4, %add3A_186 : i32
    %dma_wait3A_188 = arith.constant 1 : i32
    %dma_wait3A_189 = arith.constant 1 : i32
    %dma_wait3A_190 = arith.constant 0 : i32
    %dma_wait3A_191 = arith.constant 0 : i32
    %dma_wait3A_192 = tpu.memref_slice %arg6[%dma_wait3A_188, %dma_wait3A_190, %dma_wait3A_191] : memref<3x256x64xf32, #tpu.memory_space<vmem>> -> memref<1x256x64xf32, #tpu.memory_space<vmem>>
    %dma_wait3A_193 = tpu.memref_squeeze %dma_wait3A_192 : memref<1x256x64xf32, #tpu.memory_space<vmem>> -> memref<256x64xf32, #tpu.memory_space<vmem>>
    %dma_wait3A_194 = arith.constant 0 : i32
    %dma_wait3A_195 = tpu.memref_slice %arg4[%add3A_187, %dma_wait3A_194] : memref<819200x64xf32, #tpu.memory_space<hbm>> -> memref<256x64xf32, #tpu.memory_space<hbm>>
    %dma_wait3A_196 = tpu.memref_slice %arg9[%dma_wait3A_189] : memref<3x!tpu.dma_semaphore, #tpu.memory_space<semaphore_mem>> -> memref<1x!tpu.dma_semaphore, #tpu.memory_space<semaphore_mem>>
    %dma_wait3A_197 = tpu.memref_squeeze %dma_wait3A_196 : memref<1x!tpu.dma_semaphore, #tpu.memory_space<semaphore_mem>> -> memref<!tpu.dma_semaphore, #tpu.memory_space<semaphore_mem>>
    %dma_wait3A_198 = arith.constant 0 : i32
    %dma_wait3A_199 = tpu.memref_slice %arg4[%add3A_187, %dma_wait3A_198] : memref<819200x64xf32, #tpu.memory_space<hbm>> -> memref<256x64xf32, #tpu.memory_space<hbm>>
    %dma_wait3A_200 = arith.constant 0 : i32
    %dma_wait3A_201 = arith.constant 0 : i32
    %dma_wait3A_202 = tpu.memref_slice %arg6[%dma_wait3A_188, %dma_wait3A_200, %dma_wait3A_201] : memref<3x256x64xf32, #tpu.memory_space<vmem>> -> memref<1x256x64xf32, #tpu.memory_space<vmem>>
    %dma_wait3A_203 = tpu.memref_squeeze %dma_wait3A_202 : memref<1x256x64xf32, #tpu.memory_space<vmem>> -> memref<256x64xf32, #tpu.memory_space<vmem>>
    tpu.wait_dma2 semaphore(%dma_wait3A_197 : memref<!tpu.dma_semaphore, #tpu.memory_space<semaphore_mem>>) src(%dma_wait3A_203 : memref<256x64xf32, #tpu.memory_space<vmem>>) dst(%dma_wait3A_199 : memref<256x64xf32, #tpu.memory_space<hbm>>)
    %add3A_204 = arith.constant 25344 : i32
    %add3A_205 = arith.addi %mul3A_4, %add3A_204 : i32
    %dma_wait3A_206 = arith.constant 2 : i32
    %dma_wait3A_207 = arith.constant 2 : i32
    %dma_wait3A_208 = arith.constant 0 : i32
    %dma_wait3A_209 = arith.constant 0 : i32
    %dma_wait3A_210 = tpu.memref_slice %arg6[%dma_wait3A_206, %dma_wait3A_208, %dma_wait3A_209] : memref<3x256x64xf32, #tpu.memory_space<vmem>> -> memref<1x256x64xf32, #tpu.memory_space<vmem>>
    %dma_wait3A_211 = tpu.memref_squeeze %dma_wait3A_210 : memref<1x256x64xf32, #tpu.memory_space<vmem>> -> memref<256x64xf32, #tpu.memory_space<vmem>>
    %dma_wait3A_212 = arith.constant 0 : i32
    %dma_wait3A_213 = tpu.memref_slice %arg4[%add3A_205, %dma_wait3A_212] : memref<819200x64xf32, #tpu.memory_space<hbm>> -> memref<256x64xf32, #tpu.memory_space<hbm>>
    %dma_wait3A_214 = tpu.memref_slice %arg9[%dma_wait3A_207] : memref<3x!tpu.dma_semaphore, #tpu.memory_space<semaphore_mem>> -> memref<1x!tpu.dma_semaphore, #tpu.memory_space<semaphore_mem>>
    %dma_wait3A_215 = tpu.memref_squeeze %dma_wait3A_214 : memref<1x!tpu.dma_semaphore, #tpu.memory_space<semaphore_mem>> -> memref<!tpu.dma_semaphore, #tpu.memory_space<semaphore_mem>>
    %dma_wait3A_216 = arith.constant 0 : i32
    %dma_wait3A_217 = tpu.memref_slice %arg4[%add3A_205, %dma_wait3A_216] : memref<819200x64xf32, #tpu.memory_space<hbm>> -> memref<256x64xf32, #tpu.memory_space<hbm>>
    %dma_wait3A_218 = arith.constant 0 : i32
    %dma_wait3A_219 = arith.constant 0 : i32
    %dma_wait3A_220 = tpu.memref_slice %arg6[%dma_wait3A_206, %dma_wait3A_218, %dma_wait3A_219] : memref<3x256x64xf32, #tpu.memory_space<vmem>> -> memref<1x256x64xf32, #tpu.memory_space<vmem>>
    %dma_wait3A_221 = tpu.memref_squeeze %dma_wait3A_220 : memref<1x256x64xf32, #tpu.memory_space<vmem>> -> memref<256x64xf32, #tpu.memory_space<vmem>>
    tpu.wait_dma2 semaphore(%dma_wait3A_215 : memref<!tpu.dma_semaphore, #tpu.memory_space<semaphore_mem>>) src(%dma_wait3A_221 : memref<256x64xf32, #tpu.memory_space<vmem>>) dst(%dma_wait3A_217 : memref<256x64xf32, #tpu.memory_space<hbm>>)
    return
  }
}

</mosaic_0001>

<sc_bundles>
// kernel: kernel.3.cloned.1.call-start
scs
__scs_entry_jumppad:
0x0: {  	(pc) =	sbr.rel $0x88, $3  }
0x1: {  	(tag) =	ssettag $0x0;
	lr =	simm.s32 $0x1  }
0x2: {  	[smem:$0x3F9F] =	sst lr;
	_ =	strace $0xD0000000  }
0x3: {  	_ = 	snop  }
0x4: {  	_ = 	snop  }
0x5: {  	_ = 	snop  }
0x6: {  	_ = 	snop  }
0x7: {  	_ = 	snop  }
__scs_overlays_trampoline_lowered:
0x8: {  	[smem:$0x3FAE] =	sst s0  }
0x9: {  	[smem:$0x3FAF] =	sst s1  }
0xa: {  	[smem:$0x3FB0] =	sst s2  }
0xb: {  	[smem:$0x3FB1] =	sst s3  }
0xc: {  	[smem:$0x3FB2] =	sst s4  }
0xd: {  	[smem:$0x3FB3] =	sst s5  }
0xe: {  	[smem:$0x3FB4] =	sst s6  }
0xf: {  	[smem:$0x3FB5] =	sst s7  }
0x10: {  	[smem:$0x3FB6] =	sst s8  }
0x11: {  	[smem:$0x3FB7] =	sst s9;
	s0 =	simm.s32 @!p0 $0x0  }
0x12: {  	s1 =	sld [smem:$0x3F9D];
	s0 =	simm.s32 @p0 $0x1  }
0x13: {  	[smem:$0x3FB8] =	sst s0;
	s0 =	simm.s32 @!p1 $0x0  }
0x14: {  	s2 =	sld [smem:$0x3F9C];
	s0 =	simm.s32 @p1 $0x1  }
0x15: {  	[smem:$0x3FB9] =	sst s0;
	s0 =	simm.s32 @!p2 $0x0  }
0x16: {  	s3 =	sld [smem:$0x3FDB];
	s0 =	simm.s32 @p2 $0x1  }
0x17: {  	s4 =	simm.s32 $0x1BF5;
	[smem:$0x3FBB] =	sst s0  }
0x18: {  	s0 =	sld [smem:$0x3F9E];
	_ =	swait.ge [sflag:s4], $0x0  }
0x19: {  	s7 =	sld [smem:$0x3F9F]  }
0x1a: {  	s8 =	sadd.s32 $0xFFFFE003, lr  }
0x1b: {  	s9 =	sadd.s32 $0xFFFFFEF7, lr;
	s5 =	simm.s32 $0xFFFFFFFF;
	p2 =	slt.u32 s8, $0xFFFFF086  }
0x1c: {  	p1 =	slt.u32 s9, $0xF7A;
	s5 =	simm.s32 @!p2 $0x0  }
0x1d: {  	s5 =	simm.s32 @p1 $0x1;
	p0 =	seq.s32 s7, s2  }
0x1e: {  	s7 =	smul.u32 @!p0 $0xF7A, s2;
	p2 =	seq.s32 @!p0 s5, $0x0  }
0x1f: {  	s9 =	smul.u32 $0xF7A, s1;
	s8 =	simm.s32 @!p0 $0x1BF5;
	p2 =	por !p2, p0  }
0x20: {  	[sflag:s8] =	ssyncset.s32 @!p0 $0xFFFFF086;
	s6 =	sadd.s32 @!p0 s3, s7;
	s7 =	simm.s32 @!p0 $0x108  }
0x21: {  	s3 =	sadd.s32 s3, s9;
	s6 =	sadd.s32 @!p0 $0x88, s6;
	s7 =	simm.s32 @p2 $0x1082  }
0x22: {  	[simem:s7], [sflag:s8] =	dma.local @!p0 [hbm:s6], $0xF7A  }
0x23: {  	s9 =	sor.u32 $0xD0000000, s2;
	s6 =	simm.s32 $0x108;
	_ =	swait.ge @!p0 [sflag:s8], $0x0  }
0x24: {  	s3 =	sadd.s32 $0x88, s3;
	s6 =	simm.s32 @!p1 $0x1082;
	[sflag:s4] =	ssyncset.s32 $0xFFFFF086  }
0x25: {  	[simem:s6], [sflag:s4] =	dma.local [hbm:s3], $0xF7A  }
0x26: {  	[smem:$0x3F9F] =	sst s1;
	(tag) =	ssettag s2;
	_ =	strace s9  }
0x27: {  	s1 =	sld [smem:$0x3FAF]  }
0x28: {  	s2 =	sld [smem:$0x3FB0]  }
0x29: {  	s4 =	sld [smem:$0x3FB2]  }
0x2a: {  	p0 =	seq.s32 s5, $0x0;
	s5 =	sld [smem:$0x3FB3]  }
0x2b: {  	s6 =	sld [smem:$0x3FB4]  }
0x2c: {  	s7 =	sld [smem:$0x3FB5]  }
0x2d: {  	s3 =	simm.s32 $0x108;
	s8 =	sld [smem:$0x3FB6]  }
0x2e: {  	s3 =	simm.s32 @!p0 $0x1082;
	s9 =	sld [smem:$0x3FB7]  }
0x2f: {  	lr =	sadd.s32 s0, s3;
	s0 =	sld [smem:$0x3FAE]  }
0x30: {  	s3 =	sld [smem:$0x3FB1]  }
0x31: {  	[smem:$0x3FBA] =	sst s10  }
0x32: {  	s10 =	sld [smem:$0x3FB8];
	_ =	sdelay $0x3  }
0x33: {  	p0 =	seq.s32 s10, $0x1;
	s10 =	sld [smem:$0x3FBA];
	_ =	sdelay $0x3  }
0x34: {  	[smem:$0x3FBA] =	sst s10  }
0x35: {  	s10 =	sld [smem:$0x3FB9];
	_ =	sdelay $0x3  }
0x36: {  	p1 =	seq.s32 s10, $0x1;
	s10 =	sld [smem:$0x3FBA];
	_ =	sdelay $0x3  }
0x37: {  	[smem:$0x3FBA] =	sst s10  }
0x38: {  	s10 =	sld [smem:$0x3FBB]  }
0x39: {  	_ = 	snop;
	(pc) =	sbr.ind lr, $3  }
0x3a: {  	_ = 	snop  }
0x3b: {  	_ = 	snop  }
0x3c: {  	p2 =	seq.s32 s10, $0x1;
	s10 =	sld [smem:$0x3FBA]  }
0x3d: {  	_ =	shalt  }
0x3e: {  	_ =	shalt  }
0x3f: {  	_ =	shalt  }
0x40: {  	_ =	shalt  }
0x41: {  	_ =	shalt  }
0x42: {  	_ =	shalt  }
0x43: {  	_ =	shalt  }
0x44: {  	_ =	shalt  }
0x45: {  	_ =	shalt  }
0x46: {  	_ =	shalt  }
0x47: {  	_ =	shalt  }
0x48: {  	_ =	shalt  }
0x49: {  	_ =	shalt  }
0x4a: {  	_ =	shalt  }
0x4b: {  	_ =	shalt  }
0x4c: {  	_ =	shalt  }
0x4d: {  	_ =	shalt  }
0x4e: {  	_ =	shalt  }
0x4f: {  	_ =	shalt  }
0x50: {  	_ =	shalt  }
0x51: {  	_ =	shalt  }
0x52: {  	_ =	shalt  }
0x53: {  	_ =	shalt  }
0x54: {  	_ =	shalt  }
0x55: {  	_ =	shalt  }
0x56: {  	_ =	shalt  }
0x57: {  	_ =	shalt  }
0x58: {  	_ =	shalt  }
0x59: {  	_ =	shalt  }
0x5a: {  	_ =	shalt  }
0x5b: {  	_ =	shalt  }
0x5c: {  	_ =	shalt  }
0x5d: {  	_ =	shalt  }
0x5e: {  	_ =	shalt  }
0x5f: {  	_ =	shalt  }
0x60: {  	_ =	shalt  }
0x61: {  	_ =	shalt  }
0x62: {  	_ =	shalt  }
0x63: {  	_ =	shalt  }
0x64: {  	_ =	shalt  }
0x65: {  	_ =	shalt  }
0x66: {  	_ =	shalt  }
0x67: {  	_ =	shalt  }
0x68: {  	_ =	shalt  }
0x69: {  	_ =	shalt  }
0x6a: {  	_ =	shalt  }
0x6b: {  	_ =	shalt  }
0x6c: {  	_ =	shalt  }
0x6d: {  	_ =	shalt  }
0x6e: {  	_ =	shalt  }
0x6f: {  	_ =	shalt  }
0x70: {  	_ =	shalt  }
0x71: {  	_ =	shalt  }
0x72: {  	_ =	shalt  }
0x73: {  	_ =	shalt  }
0x74: {  	_ =	shalt  }
0x75: {  	_ =	shalt  }
0x76: {  	_ =	shalt  }
0x77: {  	_ =	shalt  }
0x78: {  	_ =	shalt  }
0x79: {  	_ =	shalt  }
0x7a: {  	_ =	shalt  }
0x7b: {  	_ =	shalt  }
0x7c: {  	_ =	shalt  }
0x7d: {  	_ =	shalt  }
0x7e: {  	_ =	shalt  }
0x7f: {  	_ =	shalt  }
0x80: {  	_ =	shalt  }
0x81: {  	_ =	shalt  }
0x82: {  	_ =	shalt  }
0x83: {  	_ =	shalt  }
0x84: {  	_ =	shalt  }
0x85: {  	_ =	shalt  }
0x86: {  	_ =	shalt  }
0x87: {  	_ =	shalt  }
.Lfunc_end0:
.L_simem_size_0:
called_computation.1_lowered:
.L_overlay_start_0:
0x88: {  	s2 =	sld [smem:$0x3FD9]  }
0x89: {  	s3 =	sld [smem:$0x3FFE];
	_ =	sdelay $0x1  }
0x8a: {  	s1 =	srdreg.scid  }
0x8b: {  	s0 =	sand.u32 $0x1, s1  }
0x8c: {  	s17 =	sshll.u32 s0, $0xA;
	s2 =	sadd.s32 s3, s2  }
0x8d: {  	s2 =	sadd.s32 s2, s17  }
0x8e: {  	[smem:$0x3FC6] =	sst s2  }
0x8f: {  	_ = 	snop  }
0x90: {  	s2 =	sld [smem:$0x3FD0];
	(tm) =	ssettm $0x1  }
0x91: {  	s18 =	sld [smem:$0x3FFB];
	_ =	sdelay $0x3  }
0x92: {  	_ =	strace s18  }
0x93: {  	s3 =	sld [smem:$0x3FFC];
	_ =	sdelay $0x3  }
0x94: {  	_ =	strace s3  }
0x95: {  	s3 =	sld [smem:$0x3FFD];
	_ =	sdelay $0x3  }
0x96: {  	_ =	strace s3  }
0x97: {  	_ =	strace $0x8FFFFFFF  }
0x98: {  	s19 =	sld [smem:$0x3FDB];
	_ =	sdelay $0x1  }
0x99: {  	s4 =	simm.s32 $_scs_section_size  }
0x9a: {  	s5 =	simm.s32 $_size__tile_overlayer_lowered;
	s6 =	simm.s32 $_tile_overlayer_lowered  }
0x9b: {  	s22 =	simm.s32 $0x1BFF;
	s21 =	sshll.u32 s6, $0x1;
	s3 =	sadd.s32 s4, s19  }
0x9c: {  	s7 =	simm.s32 $0x0;
	s20 =	sshll.u32 s5, $0x1;
	s5 =	sadd.s32 s21, s3  }
0x9d: {  	[timem:s7], [sflag:s22] =	dma.local [hbm:s5], s20  }
0x9e: {  	_ =	swait.ge [sflag:s22], s20  }
0x9f: {  	s4 =	ssub.s32 $0x0, s20;
	[sflag:s22] =	ssyncset.done $0x0  }
0xa0: {  	[sflag:s22] =	ssyncadd.s32 s4;
	_ =	sdelay $0x1  }
0xa1: {  	s23 =	simm.s32 $0x1B8B  }
0xa2: {  	_ =	swait.ge [sflag:s23], $0x1  }
0xa3: {  	[sflag:s23] =	ssyncset.done $0x0  }
0xa4: {  	s25 =	simm.s32 $0x1B8E;
	s24 =	sld [smem:$0x3FFE];
	[sflag:s23] =	ssyncadd.s32 $0xFFFFFFFF  }
0xa5: {  	s26 =	simm.s32 $execute0_lowered;
	[smem:$0x3FD2] =	sst s25  }
0xa6: {  	s5 =	sshll.u32 s26, $0x1;
	_ =	strace $0x80000046;
	[dreg:$0x1] =	wrdreg $0xFFFFFFFF  }
0xa7: {  	s28 =	simm.s32 $_size_execute0_lowered;
	s3 =	sadd.s32 s3, s5;
	[dreg:$0x0] =	wrdreg $0x0  }
0xa8: {  	s5 =	sshll.u32 s28, $0x1;
	[dreg:$0x2] =	wrdreg s3  }
0xa9: {  	[dreg:$0x3] =	wrdreg s5  }
0xaa: {  	[dreg:$0x4] =	wrdreg $0xC0  }
0xab: {  	_ =	task [dreg:s7], $0x5FFFF  }
0xac: {  	[dreg:$0x1] =	wrdreg $0xFFFFFFFF  }
0xad: {  	[dreg:$0x0] =	wrdreg $0x60  }
0xae: {  	[dreg:$0x2] =	wrdreg s24  }
0xaf: {  	[dreg:$0x3] =	wrdreg s2  }
0xb0: {  	[dreg:$0x4] =	wrdreg $0x9  }
0xb1: {  	_ =	task.clear_ibuf [dreg:s7], $0x5FFFF;
	_ =	strace $0x90000046  }
0xb2: {  	s29 =	simm.s32 $0x9;
	_ =	strace $0x80000048  }
0xb3: {  	_ =	swait.ge [sflag:s29], $0x1  }
0xb4: {  	[sflag:s29] =	ssyncadd.s32 $0xFFFFFFFF  }
0xb5: {  	_ =	strace $0x90000048  }
0xb6: {  	_ =	sfence  }
0xb7: {  	s30 =	sld [smem:$0x0];
	_ =	sdelay $0x2  }
0xb8: {  	s31 =	sshll.u32 s1, $0xD;
	s1 =	sshrl.u32 s1, $0x2  }
0xb9: {  	s3 =	sand.u32 $0x4000, s31;
	s1 =	sadd.s32 s1, s30  }
0xba: {  	s0 =	sor.u32 s3, s0;
	s1 =	sshll.u32 s1, $0x11  }
0xbb: {  	s0 =	sor.u32 s1, s0  }
0xbc: {  	s0 =	sadd.s32 $0x8F2B, s0  }
0xbd: {  	[sflag:s0] =	ssyncadd.remote.s32 $0x1  }
0xbe: {  	_ =	sfence.sel $0xFFFF  }
0xbf: {  	[dreg:$0x0] =	wrdreg $0xFFFFFFFF;
	(pc) =	sbr.abs _section_cstart, $3  }
0xc0: {  	[dreg:$0x1] =	wrdreg $0xFFFFFFFF  }
0xc1: {  	_ =	task.clear_ibuf [dreg:s7], $0x2FFFF;
	_ =	strace $0x9FFFFFFF  }
0xc2: {  	(tm) =	ssettm $0x7FFFFFFF  }
0xc3: {  	_ =	shalt  }
tec
execute0_lowered:
.L_overlay_start_1:
0x0: {  	(tag) =	ssettag $0x1  }
0x1: {  	s0 =	rddreg [dreg:$0x0]  }
0x2: {  	s2 =	rddreg [dreg:$0x1]  }
0x3: {  	s1 =	srdreg.scid;
	s4 =	stileid.u32  }
0x4: {  	s3 =	simm.s32 $0x0;
	s17 =	simm.s32 $0x100;
	s18 =	simm.s32 $0x200  }
0x5: {  	s19 =	simm.s32 $0x4;
	s20 =	simm.s32 $0x80;
	s21 =	simm.s32 $0x300  }
0x6: {  	s22 =	simm.s32 $0x2300;
	s23 =	simm.s32 $0x1;
	s29 =	simm.s32 $0x2  }
0x7: {  	s30 =	simm.s32 $0x6;
	s1 =	sand.u32 $0x1, s1;
	s4 =	sshll.u32 s4, $0x1  }
0x8: {  	s31 =	simm.s32 $0x8300;
	s9 =	simm.s32 $0x7;
	s7 =	sor.u32 s1, s4  }
0x9: {  	s16 =	simm.s32 $0x0;
	[smem:$0x7FF] =	sst s3;
	s8 =	smul.u32 $0xC80, s7  }
0xa: {  	s5 =	sadd.s32 $0xF42E00, s0;
	s24 =	ssub.s32 $0x2, s1;
	s6 =	smul.u32 $0x6400, s7  }
0xb: {  	_ =	strace $0x80000047;
	s1 =	sshrl.u32 s24, $0x1;
	s7 =	smul.u32 $0x190000, s7  }
0xc: {  	s4 =	sadd.s32 $0xA00, s0;
	s0 =	ssub.s32 s24, s1;
	s24 =	simm.s32 $0x5  }
0xd: {  	s8 =	sadd.s32 s4, s8;
	s10 =	sor.u32 $0x300, s6;
	s11 =	sor.u32 $0x4000, s7  }
0xe: {  	s28 =	sshrl.u32 s7, $0x3;
	s12 =	sadd.s32 $0x400, s6;
	s13 =	sor.u32 $0x200, s6  }
0xf: {  	s14 =	sadd.s32 $0x500, s6;
	s0 =	smax.u32 s0, $0x1;
	[dreg:$0x3] =	wrdreg s8  }
0x10: {  	s25 =	sadd.s32 $0x20, s8;
	s26 =	sadd.s32 $0x40, s8;
	[dreg:$0x7] =	wrdreg s0  }
0x11: {  	s1 =	sadd.s32 s2, s28;
	s0 =	simm.s32 $0x280;
	[dreg:$0x4] =	wrdreg s25  }
0x12: {  	s8 =	simm.s32 $0x3;
	[dreg:$0x5] =	wrdreg s26;
	s1 =	sadd.s32 $0x31800, s1  }
0x13: {  	s25 =	simm.s32 $0x4300;
	[dreg:$0x6] =	wrdreg s1;
	s1 =	simm.s32 $0xA300  }
.LBB2_1:
0x14: {  	[dreg:$0x8] =	wrdreg s16  }
0x15: {  	s7 =	rddreg [dreg:$0x3]  }
0x16: {  	[tilespmem:s3], [sflag:$0x4] =	stream.linear.gather [hbm4b:s7+s3], $0x100, $0x38;
	[tilespmem:$0xC300] =	vst v63  }
0x17: {  	s26 =	rddreg [dreg:$0x4]  }
0x18: {  	[tilespmem:s17], [sflag:$0x5] =	stream.linear.gather [hbm4b:s26+s3], $0x100, $0x38;
	[tilespmem:$0xC300] =	vst v63  }
0x19: {  	s28 =	rddreg [dreg:$0x5]  }
0x1a: {  	[tilespmem:s18], [sflag:$0x6] =	stream.linear.gather [hbm4b:s28+s3], $0x100, $0x38;
	[tilespmem:$0xC300] =	vst v63  }
0x1b: {  	_ =	swait.ge [sflag:s19], $0x100  }
0x1c: {  	[sflag:s19] =	ssyncset.done $0x0  }
0x1d: {  	[sflag:s19] =	ssyncadd.s32 $0xFFFFFF00  }
0x1e: {  	[tilespmem:s21], [sflag:$0x1] =	stream.indirect.gather [hbm4b:s5+s20], $0x40, s3, s20, $0xb8;
	[tilespmem:$0xC300] =	vst v63  }
0x1f: {  	s15 =	simm.s32 $0x0  }
0x20: {  	[tilespmem:s22], [sflag:$0x1] =	stream.indirect.gather [hbm4b:s5+s20], $0x40, s20, s20, $0xb8;
	[tilespmem:$0xC300] =	vst v63  }
.LBB2_2:
0x21: {  	_ =	swait.ge [sflag:s23], $0x2000  }
0x22: {  	[sflag:s23] =	ssyncset.done $0x0  }
0x23: {  	[sflag:s23] =	ssyncadd.s32 $0xFFFFE000  }
0x24: {  	_ =	swait.ge [sflag:s23], $0x2000  }
0x25: {  	[sflag:s23] =	ssyncset.done $0x0  }
0x26: {  	[sflag:s23] =	ssyncadd.s32 $0xFFFFE000  }
0x27: {  	_ =	swait.ge [sflag:s24], $0x100  }
0x28: {  	p0 =	seq.s32 s15, $0x0;
	[sflag:s24] =	ssyncset.done $0x0  }
0x29: {  	s7 =	simm.s32 @!p0 $0x8;
	[sflag:s24] =	ssyncadd.s32 $0xFFFFFF00  }
0x2a: {  	_ =	swait.ge @!p0 [sflag:s7], $0x4000  }
0x2b: {  	[sflag:s7] =	ssyncset.done @!p0 $0x0  }
0x2c: {  	[sflag:s7] =	ssyncadd.s32 @!p0 $0xFFFFC000  }
0x2d: {  	[tilespmem:s25], [sflag:$0x2] =	stream.indirect.gather [hbm4b:s5+s20], $0x40, s17, s20, $0xb8;
	[tilespmem:$0xC300] =	vst v63  }
0x2e: {  	s28 =	simm.s32 $0x180;
	s16 =	simm.s32 $0x6300;
	s7 =	simm.s32 $0x0  }
0x2f: {  	[tilespmem:s16], [sflag:$0x2] =	stream.indirect.gather [hbm4b:s5+s20], $0x40, s28, s20, $0xb8;
	[tilespmem:$0xC300] =	vst v63  }
0x30: {  	v0 =	vld [tilespmem:s7+$0x300]  }
0x31: {  	v1 =	vld [tilespmem:s7+$0x310]  }
0x32: {  	v2 =	vld [tilespmem:s7+$0x320]  }
0x33: {  	v3 =	vld [tilespmem:s7+$0x330]  }
0x34: {  	v4 =	vld [tilespmem:s7+$0x340]  }
0x35: {  	v5 =	vld [tilespmem:s7+$0x350];
	v0 =	vmul.f32 $8.000000000e+00, v0  }
0x36: {  	v6 =	vld [tilespmem:s7+$0x360];
	v1 =	vmul.f32 $8.000000000e+00, v1  }
0x37: {  	v2 =	vmul.f32 $8.000000000e+00, v2;
	[tilespmem:s7+$0x300] =	vst v0;
	v0 =	vld [tilespmem:s7+$0x370]  }
0x38: {  	v3 =	vmul.f32 $8.000000000e+00, v3;
	[tilespmem:s7+$0x310] =	vst v1;
	v1 =	vld [tilespmem:s7+$0x380]  }
0x39: {  	v4 =	vmul.f32 $8.000000000e+00, v4;
	[tilespmem:s7+$0x320] =	vst v2;
	v2 =	vld [tilespmem:s7+$0x390]  }
0x3a: {  	v5 =	vmul.f32 $8.000000000e+00, v5;
	[tilespmem:s7+$0x330] =	vst v3;
	v3 =	vld [tilespmem:s7+$0x3A0]  }
0x3b: {  	v6 =	vmul.f32 $8.000000000e+00, v6;
	[tilespmem:s7+$0x340] =	vst v4;
	v4 =	vld [tilespmem:s7+$0x3B0]  }
0x3c: {  	[tilespmem:s7+$0x350] =	vst v5;
	v5 =	vld [tilespmem:s7+$0x3C0];
	v0 =	vmul.f32 $8.000000000e+00, v0  }
0x3d: {  	[tilespmem:s7+$0x360] =	vst v6;
	v6 =	vld [tilespmem:s7+$0x3D0];
	v1 =	vmul.f32 $8.000000000e+00, v1  }
0x3e: {  	v2 =	vmul.f32 $8.000000000e+00, v2;
	[tilespmem:s7+$0x370] =	vst v0;
	v0 =	vld [tilespmem:s7+$0x3E0]  }
0x3f: {  	v3 =	vmul.f32 $8.000000000e+00, v3;
	[tilespmem:s7+$0x380] =	vst v1;
	v1 =	vld [tilespmem:s7+$0x3F0]  }
0x40: {  	v4 =	vmul.f32 $8.000000000e+00, v4;
	[tilespmem:s7+$0x390] =	vst v2;
	v2 =	vld [tilespmem:s7+$0x400]  }
0x41: {  	v5 =	vmul.f32 $8.000000000e+00, v5;
	[tilespmem:s7+$0x3A0] =	vst v3;
	v3 =	vld [tilespmem:s7+$0x410]  }
0x42: {  	v6 =	vmul.f32 $8.000000000e+00, v6;
	[tilespmem:s7+$0x3B0] =	vst v4;
	v4 =	vld [tilespmem:s7+$0x420]  }
0x43: {  	[tilespmem:s7+$0x3C0] =	vst v5;
	v5 =	vld [tilespmem:s7+$0x430];
	v0 =	vmul.f32 $8.000000000e+00, v0  }
0x44: {  	[tilespmem:s7+$0x3D0] =	vst v6;
	v6 =	vld [tilespmem:s7+$0x440]  }
0x45: {  	v1 =	vmul.f32 $8.000000000e+00, v1;
	[tilespmem:s7+$0x3E0] =	vst v0;
	v0 =	vld [tilespmem:s7+$0x450]  }
0x46: {  	v2 =	vmul.f32 $8.000000000e+00, v2  }
0x47: {  	[tilespmem:s7+$0x3F0] =	vst v1;
	v1 =	vmul.f32 $8.000000000e+00, v3;
	v3 =	vld [tilespmem:s7+$0x470]  }
0x48: {  	v7 =	vld [tilespmem:s7+$0x460];
	[tilespmem:s7+$0x400] =	vst v2;
	v2 =	vmul.f32 $8.000000000e+00, v4  }
0x49: {  	v4 =	vld [tilespmem:s7+$0x480];
	[tilespmem:s7+$0x410] =	vst v1;
	v1 =	vmul.f32 $8.000000000e+00, v5  }
0x4a: {  	[tilespmem:s7+$0x420] =	vst v2;
	v5 =	vld [tilespmem:s7+$0x490];
	v2 =	vmul.f32 $8.000000000e+00, v6;
	v6 =	vmul.f32 $8.000000000e+00, v0  }
0x4b: {  	[tilespmem:s7+$0x430] =	vst v1;
	v1 =	vld [tilespmem:s7+$0x4A0]  }
0x4c: {  	v0 =	vld [tilespmem:s7+$0x4B0];
	[tilespmem:s7+$0x450] =	vst v6;
	v6 =	vmul.f32 $8.000000000e+00, v3  }
0x4d: {  	v7 =	vmul.f32 $8.000000000e+00, v7;
	[tilespmem:s7+$0x440] =	vst v2;
	v2 =	vld [tilespmem:s7+$0x4C0]  }
0x4e: {  	v3 =	vld [tilespmem:s7+$0x4D0];
	[tilespmem:s7+$0x470] =	vst v6;
	v6 =	vmul.f32 $8.000000000e+00, v4  }
0x4f: {  	s16 =	simm.s32 $0x800;
	[tilespmem:s7+$0x460] =	vst v7;
	v5 =	vmul.f32 $8.000000000e+00, v5;
	v4 =	vld [tilespmem:s7+$0x4E0]  }
.LBB2_3:
0x50: {  	s26 =	sshra.s32 s16, $0x2;
	p1 =	sne.s32 s16, $0xF800;
	[tilespmem:s7+$0x480] =	vst v6;
	v1 =	vmul.f32 $8.000000000e+00, v1;
	v6 =	vld [tilespmem:s7+$0x4F0]  }
0x51: {  	v7 =	vld [tilespmem:s26+$0x300];
	[tilespmem:s7+$0x490] =	vst v5;
	v0 =	vmul.f32 $8.000000000e+00, v0  }
0x52: {  	v5 =	vld [tilespmem:s26+$0x310];
	[tilespmem:s7+$0x4A0] =	vst v1;
	v1 =	vmul.f32 $8.000000000e+00, v2  }
0x53: {  	v2 =	vld [tilespmem:s26+$0x320];
	[tilespmem:s7+$0x4B0] =	vst v0;
	v0 =	vmul.f32 $8.000000000e+00, v3  }
0x54: {  	v3 =	vld [tilespmem:s26+$0x330];
	[tilespmem:s7+$0x4C0] =	vst v1;
	v1 =	vmul.f32 $8.000000000e+00, v4  }
0x55: {  	v4 =	vld [tilespmem:s26+$0x340];
	[tilespmem:s7+$0x4D0] =	vst v0;
	v0 =	vmul.f32 $8.000000000e+00, v6  }
0x56: {  	v6 =	vmul.f32 $8.000000000e+00, v7;
	v7 =	vld [tilespmem:s26+$0x350];
	[tilespmem:s7+$0x4E0] =	vst v1  }
0x57: {  	v1 =	vmul.f32 $8.000000000e+00, v5;
	v5 =	vld [tilespmem:s26+$0x360];
	[tilespmem:s7+$0x4F0] =	vst v0;
	s7 =	smov.u32 s26  }
0x58: {  	[tilespmem:s7+$0x300] =	vst v6;
	v0 =	vmul.f32 $8.000000000e+00, v2;
	v2 =	vld [tilespmem:s7+$0x370]  }
0x59: {  	[tilespmem:s7+$0x310] =	vst v1;
	v1 =	vmul.f32 $8.000000000e+00, v3;
	v3 =	vld [tilespmem:s7+$0x380]  }
0x5a: {  	[tilespmem:s7+$0x320] =	vst v0;
	v0 =	vmul.f32 $8.000000000e+00, v4;
	v4 =	vld [tilespmem:s7+$0x390]  }
0x5b: {  	[tilespmem:s7+$0x330] =	vst v1;
	v1 =	vmul.f32 $8.000000000e+00, v7;
	v6 =	vld [tilespmem:s7+$0x3A0]  }
0x5c: {  	[tilespmem:s7+$0x340] =	vst v0;
	v0 =	vmul.f32 $8.000000000e+00, v5;
	v5 =	vld [tilespmem:s7+$0x3B0]  }
0x5d: {  	[tilespmem:s7+$0x350] =	vst v1;
	v1 =	vmul.f32 $8.000000000e+00, v2;
	v2 =	vld [tilespmem:s7+$0x3C0]  }
0x5e: {  	[tilespmem:s7+$0x360] =	vst v0;
	v0 =	vmul.f32 $8.000000000e+00, v3;
	v3 =	vld [tilespmem:s7+$0x3D0]  }
0x5f: {  	[tilespmem:s7+$0x370] =	vst v1;
	v1 =	vmul.f32 $8.000000000e+00, v4;
	v4 =	vld [tilespmem:s7+$0x3E0]  }
0x60: {  	[tilespmem:s7+$0x380] =	vst v0;
	v0 =	vmul.f32 $8.000000000e+00, v6;
	v6 =	vld [tilespmem:s7+$0x3F0]  }
0x61: {  	[tilespmem:s7+$0x390] =	vst v1;
	v1 =	vmul.f32 $8.000000000e+00, v5;
	v5 =	vld [tilespmem:s7+$0x400]  }
0x62: {  	[tilespmem:s7+$0x3A0] =	vst v0;
	v0 =	vmul.f32 $8.000000000e+00, v2;
	v2 =	vld [tilespmem:s7+$0x410]  }
0x63: {  	[tilespmem:s7+$0x3B0] =	vst v1;
	v1 =	vmul.f32 $8.000000000e+00, v3;
	v3 =	vld [tilespmem:s7+$0x420]  }
0x64: {  	[tilespmem:s7+$0x3C0] =	vst v0;
	v0 =	vmul.f32 $8.000000000e+00, v4;
	v4 =	vld [tilespmem:s7+$0x430]  }
0x65: {  	[tilespmem:s7+$0x3D0] =	vst v1;
	v1 =	vmul.f32 $8.000000000e+00, v6;
	v6 =	vld [tilespmem:s7+$0x440]  }
0x66: {  	[tilespmem:s7+$0x3E0] =	vst v0;
	v0 =	vmul.f32 $8.000000000e+00, v5;
	v5 =	vld [tilespmem:s7+$0x450]  }
0x67: {  	[tilespmem:s7+$0x3F0] =	vst v1;
	v1 =	vmul.f32 $8.000000000e+00, v2;
	v2 =	vld [tilespmem:s7+$0x460]  }
0x68: {  	[tilespmem:s7+$0x400] =	vst v0;
	v0 =	vmul.f32 $8.000000000e+00, v3;
	v3 =	vld [tilespmem:s7+$0x470]  }
0x69: {  	[tilespmem:s7+$0x410] =	vst v1;
	v1 =	vmul.f32 $8.000000000e+00, v4;
	v4 =	vld [tilespmem:s7+$0x480]  }
0x6a: {  	[tilespmem:s7+$0x420] =	vst v0;
	v0 =	vmul.f32 $8.000000000e+00, v6;
	v7 =	vld [tilespmem:s7+$0x490]  }
.Ltmp0:
0x6b: {  	[tilespmem:s7+$0x430] =	vst v1;
	v5 =	vmul.f32 $8.000000000e+00, v5;
	v1 =	vld [tilespmem:s7+$0x4A0];
	(pc) =	sbr.rel @p1 .LBB2_3-.Ltmp0, $4  }
0x6c: {  	[tilespmem:s7+$0x440] =	vst v0;
	v6 =	vmul.f32 $8.000000000e+00, v2;
	v0 =	vld [tilespmem:s7+$0x4B0]  }
0x6d: {  	[tilespmem:s7+$0x450] =	vst v5;
	v5 =	vmul.f32 $8.000000000e+00, v3;
	v2 =	vld [tilespmem:s7+$0x4C0]  }
0x6e: {  	[tilespmem:s7+$0x460] =	vst v6;
	v6 =	vmul.f32 $8.000000000e+00, v4;
	v3 =	vld [tilespmem:s7+$0x4D0]  }
0x6f: {  	s16 =	sadd.s32 $0x800, s16;
	[tilespmem:s7+$0x470] =	vst v5;
	v5 =	vmul.f32 $8.000000000e+00, v7;
	v4 =	vld [tilespmem:s7+$0x4E0]  }
0x70: {  	[tilespmem:s7+$0x480] =	vst v6;
	v1 =	vmul.f32 $8.000000000e+00, v1;
	v6 =	vld [tilespmem:s7+$0x4F0]  }
0x71: {  	[tilespmem:s7+$0x490] =	vst v5;
	v0 =	vmul.f32 $8.000000000e+00, v0  }
0x72: {  	[tilespmem:s7+$0x4A0] =	vst v1;
	v1 =	vmul.f32 $8.000000000e+00, v2  }
0x73: {  	s16 =	smul.u32 $0x300, s15;
	[tilespmem:s7+$0x4B0] =	vst v0;
	v0 =	vmul.f32 $8.000000000e+00, v3  }
0x74: {  	[tilespmem:s7+$0x4C0] =	vst v1;
	v1 =	vmul.f32 $8.000000000e+00, v4  }
0x75: {  	s26 =	sadd.s32 s6, s16;
	[tilespmem:s7+$0x4D0] =	vst v0;
	v0 =	vmul.f32 $8.000000000e+00, v6  }
0x76: {  	s28 =	sadd.s32 s16, s10;
	s26 =	sshll.u32 s26, $0x3;
	[tilespmem:s7+$0x4E0] =	vst v1  }
0x77: {  	s26 =	sadd.s32 s2, s26;
	[tilespmem:s7+$0x4F0] =	vst v0;
	s7 =	sshrl.u32 s28, $0x3  }
0x78: {  	[hbm4b:s26+s3] =	stream.linear.scatter [tilespmem:s21], [sflag:$0x7], $0x4000, $0x38;
	[tilespmem:$0xC300] =	vst v63  }
0x79: {  	s7 =	sadd.s32 s4, s7  }
0x7a: {  	[tilespmem:s3], [sflag:$0x4] =	stream.linear.gather [hbm4b:s7+s3], $0x100, $0x38;
	[tilespmem:$0xC300] =	vst v63  }
0x7b: {  	_ =	swait.ge [sflag:s29], $0x2000  }
0x7c: {  	[sflag:s29] =	ssyncset.done $0x0  }
0x7d: {  	[sflag:s29] =	ssyncadd.s32 $0xFFFFE000  }
0x7e: {  	_ =	swait.ge [sflag:s29], $0x2000  }
0x7f: {  	[sflag:s29] =	ssyncset.done $0x0  }
0x80: {  	[sflag:s29] =	ssyncadd.s32 $0xFFFFE000  }
0x81: {  	_ =	swait.ge [sflag:s30], $0x100  }
0x82: {  	[sflag:s30] =	ssyncset.done $0x0  }
0x83: {  	s7 =	simm.s32 @!p0 $0x9;
	[sflag:s30] =	ssyncadd.s32 $0xFFFFFF00  }
0x84: {  	_ =	swait.ge @!p0 [sflag:s7], $0x4000  }
0x85: {  	[sflag:s7] =	ssyncset.done @!p0 $0x0  }
0x86: {  	[sflag:s7] =	ssyncadd.s32 @!p0 $0xFFFFC000  }
0x87: {  	[tilespmem:s31], [sflag:$0x3] =	stream.indirect.gather [hbm4b:s5+s20], $0x40, s18, s20, $0xb8;
	[tilespmem:$0xC300] =	vst v63  }
0x88: {  	s7 =	simm.s32 $0x0  }
0x89: {  	[tilespmem:s1], [sflag:$0x3] =	stream.indirect.gather [hbm4b:s5+s20], $0x40, s0, s20, $0xb8;
	[tilespmem:$0xC300] =	vst v63  }
0x8a: {  	v0 =	vld [tilespmem:s7+$0x4300]  }
0x8b: {  	v1 =	vld [tilespmem:s7+$0x4310]  }
0x8c: {  	v2 =	vld [tilespmem:s7+$0x4320]  }
0x8d: {  	v3 =	vld [tilespmem:s7+$0x4330]  }
0x8e: {  	v4 =	vld [tilespmem:s7+$0x4340]  }
0x8f: {  	v5 =	vld [tilespmem:s7+$0x4350];
	v0 =	vmul.f32 $8.000000000e+00, v0  }
0x90: {  	v6 =	vld [tilespmem:s7+$0x4360];
	v1 =	vmul.f32 $8.000000000e+00, v1  }
0x91: {  	v2 =	vmul.f32 $8.000000000e+00, v2;
	[tilespmem:s7+$0x4300] =	vst v0;
	v0 =	vld [tilespmem:s7+$0x4370]  }
0x92: {  	v3 =	vmul.f32 $8.000000000e+00, v3;
	[tilespmem:s7+$0x4310] =	vst v1;
	v1 =	vld [tilespmem:s7+$0x4380]  }
0x93: {  	v4 =	vmul.f32 $8.000000000e+00, v4;
	[tilespmem:s7+$0x4320] =	vst v2;
	v2 =	vld [tilespmem:s7+$0x4390]  }
0x94: {  	v5 =	vmul.f32 $8.000000000e+00, v5;
	[tilespmem:s7+$0x4330] =	vst v3;
	v3 =	vld [tilespmem:s7+$0x43A0]  }
0x95: {  	v6 =	vmul.f32 $8.000000000e+00, v6;
	[tilespmem:s7+$0x4340] =	vst v4;
	v4 =	vld [tilespmem:s7+$0x43B0]  }
0x96: {  	[tilespmem:s7+$0x4350] =	vst v5;
	v5 =	vld [tilespmem:s7+$0x43C0];
	v0 =	vmul.f32 $8.000000000e+00, v0  }
0x97: {  	[tilespmem:s7+$0x4360] =	vst v6;
	v6 =	vld [tilespmem:s7+$0x43D0];
	v1 =	vmul.f32 $8.000000000e+00, v1  }
0x98: {  	v2 =	vmul.f32 $8.000000000e+00, v2;
	[tilespmem:s7+$0x4370] =	vst v0;
	v0 =	vld [tilespmem:s7+$0x43E0]  }
0x99: {  	v3 =	vmul.f32 $8.000000000e+00, v3;
	[tilespmem:s7+$0x4380] =	vst v1;
	v1 =	vld [tilespmem:s7+$0x43F0]  }
0x9a: {  	v4 =	vmul.f32 $8.000000000e+00, v4;
	[tilespmem:s7+$0x4390] =	vst v2;
	v2 =	vld [tilespmem:s7+$0x4400]  }
0x9b: {  	v5 =	vmul.f32 $8.000000000e+00, v5;
	[tilespmem:s7+$0x43A0] =	vst v3;
	v3 =	vld [tilespmem:s7+$0x4410]  }
0x9c: {  	v6 =	vmul.f32 $8.000000000e+00, v6;
	[tilespmem:s7+$0x43B0] =	vst v4;
	v4 =	vld [tilespmem:s7+$0x4420]  }
0x9d: {  	[tilespmem:s7+$0x43C0] =	vst v5;
	v5 =	vld [tilespmem:s7+$0x4430];
	v0 =	vmul.f32 $8.000000000e+00, v0  }
0x9e: {  	[tilespmem:s7+$0x43D0] =	vst v6;
	v6 =	vld [tilespmem:s7+$0x4440]  }
0x9f: {  	v1 =	vmul.f32 $8.000000000e+00, v1;
	[tilespmem:s7+$0x43E0] =	vst v0;
	v0 =	vld [tilespmem:s7+$0x4450]  }
0xa0: {  	v2 =	vmul.f32 $8.000000000e+00, v2  }
0xa1: {  	[tilespmem:s7+$0x43F0] =	vst v1;
	v1 =	vmul.f32 $8.000000000e+00, v3;
	v3 =	vld [tilespmem:s7+$0x4470]  }
0xa2: {  	v7 =	vld [tilespmem:s7+$0x4460];
	[tilespmem:s7+$0x4400] =	vst v2;
	v2 =	vmul.f32 $8.000000000e+00, v4  }
0xa3: {  	v4 =	vld [tilespmem:s7+$0x4480];
	[tilespmem:s7+$0x4410] =	vst v1;
	v1 =	vmul.f32 $8.000000000e+00, v5  }
0xa4: {  	[tilespmem:s7+$0x4420] =	vst v2;
	v5 =	vld [tilespmem:s7+$0x4490];
	v2 =	vmul.f32 $8.000000000e+00, v6;
	v6 =	vmul.f32 $8.000000000e+00, v0  }
0xa5: {  	[tilespmem:s7+$0x4430] =	vst v1;
	v1 =	vld [tilespmem:s7+$0x44A0]  }
0xa6: {  	v0 =	vld [tilespmem:s7+$0x44B0];
	[tilespmem:s7+$0x4450] =	vst v6;
	v6 =	vmul.f32 $8.000000000e+00, v3  }
0xa7: {  	v7 =	vmul.f32 $8.000000000e+00, v7;
	[tilespmem:s7+$0x4440] =	vst v2;
	v2 =	vld [tilespmem:s7+$0x44C0]  }
0xa8: {  	v3 =	vld [tilespmem:s7+$0x44D0];
	[tilespmem:s7+$0x4470] =	vst v6;
	v6 =	vmul.f32 $8.000000000e+00, v4  }
0xa9: {  	s26 =	simm.s32 $0x800;
	[tilespmem:s7+$0x4460] =	vst v7;
	v5 =	vmul.f32 $8.000000000e+00, v5;
	v4 =	vld [tilespmem:s7+$0x44E0]  }
.LBB2_5:
0xaa: {  	s28 =	sshra.s32 s26, $0x2;
	p0 =	sne.s32 s26, $0xF800;
	[tilespmem:s7+$0x4480] =	vst v6;
	v1 =	vmul.f32 $8.000000000e+00, v1;
	v6 =	vld [tilespmem:s7+$0x44F0]  }
0xab: {  	v7 =	vld [tilespmem:s28+$0x4300];
	[tilespmem:s7+$0x4490] =	vst v5;
	v0 =	vmul.f32 $8.000000000e+00, v0  }
0xac: {  	v5 =	vld [tilespmem:s28+$0x4310];
	[tilespmem:s7+$0x44A0] =	vst v1;
	v1 =	vmul.f32 $8.000000000e+00, v2  }
0xad: {  	v2 =	vld [tilespmem:s28+$0x4320];
	[tilespmem:s7+$0x44B0] =	vst v0;
	v0 =	vmul.f32 $8.000000000e+00, v3  }
0xae: {  	v3 =	vld [tilespmem:s28+$0x4330];
	[tilespmem:s7+$0x44C0] =	vst v1;
	v1 =	vmul.f32 $8.000000000e+00, v4  }
0xaf: {  	v4 =	vld [tilespmem:s28+$0x4340];
	[tilespmem:s7+$0x44D0] =	vst v0;
	v0 =	vmul.f32 $8.000000000e+00, v6  }
0xb0: {  	v6 =	vmul.f32 $8.000000000e+00, v7;
	v7 =	vld [tilespmem:s28+$0x4350];
	[tilespmem:s7+$0x44E0] =	vst v1  }
0xb1: {  	v1 =	vmul.f32 $8.000000000e+00, v5;
	v5 =	vld [tilespmem:s28+$0x4360];
	[tilespmem:s7+$0x44F0] =	vst v0;
	s7 =	smov.u32 s28  }
0xb2: {  	[tilespmem:s7+$0x4300] =	vst v6;
	v0 =	vmul.f32 $8.000000000e+00, v2;
	v2 =	vld [tilespmem:s7+$0x4370]  }
0xb3: {  	[tilespmem:s7+$0x4310] =	vst v1;
	v1 =	vmul.f32 $8.000000000e+00, v3;
	v3 =	vld [tilespmem:s7+$0x4380]  }
0xb4: {  	[tilespmem:s7+$0x4320] =	vst v0;
	v0 =	vmul.f32 $8.000000000e+00, v4;
	v4 =	vld [tilespmem:s7+$0x4390]  }
0xb5: {  	[tilespmem:s7+$0x4330] =	vst v1;
	v1 =	vmul.f32 $8.000000000e+00, v7;
	v6 =	vld [tilespmem:s7+$0x43A0]  }
0xb6: {  	[tilespmem:s7+$0x4340] =	vst v0;
	v0 =	vmul.f32 $8.000000000e+00, v5;
	v5 =	vld [tilespmem:s7+$0x43B0]  }
0xb7: {  	[tilespmem:s7+$0x4350] =	vst v1;
	v1 =	vmul.f32 $8.000000000e+00, v2;
	v2 =	vld [tilespmem:s7+$0x43C0]  }
0xb8: {  	[tilespmem:s7+$0x4360] =	vst v0;
	v0 =	vmul.f32 $8.000000000e+00, v3;
	v3 =	vld [tilespmem:s7+$0x43D0]  }
0xb9: {  	[tilespmem:s7+$0x4370] =	vst v1;
	v1 =	vmul.f32 $8.000000000e+00, v4;
	v4 =	vld [tilespmem:s7+$0x43E0]  }
0xba: {  	[tilespmem:s7+$0x4380] =	vst v0;
	v0 =	vmul.f32 $8.000000000e+00, v6;
	v6 =	vld [tilespmem:s7+$0x43F0]  }
0xbb: {  	[tilespmem:s7+$0x4390] =	vst v1;
	v1 =	vmul.f32 $8.000000000e+00, v5;
	v5 =	vld [tilespmem:s7+$0x4400]  }
0xbc: {  	[tilespmem:s7+$0x43A0] =	vst v0;
	v0 =	vmul.f32 $8.000000000e+00, v2;
	v2 =	vld [tilespmem:s7+$0x4410]  }
0xbd: {  	[tilespmem:s7+$0x43B0] =	vst v1;
	v1 =	vmul.f32 $8.000000000e+00, v3;
	v3 =	vld [tilespmem:s7+$0x4420]  }
0xbe: {  	[tilespmem:s7+$0x43C0] =	vst v0;
	v0 =	vmul.f32 $8.000000000e+00, v4;
	v4 =	vld [tilespmem:s7+$0x4430]  }
0xbf: {  	[tilespmem:s7+$0x43D0] =	vst v1;
	v1 =	vmul.f32 $8.000000000e+00, v6;
	v6 =	vld [tilespmem:s7+$0x4440]  }
0xc0: {  	[tilespmem:s7+$0x43E0] =	vst v0;
	v0 =	vmul.f32 $8.000000000e+00, v5;
	v5 =	vld [tilespmem:s7+$0x4450]  }
0xc1: {  	[tilespmem:s7+$0x43F0] =	vst v1;
	v1 =	vmul.f32 $8.000000000e+00, v2;
	v2 =	vld [tilespmem:s7+$0x4460]  }
0xc2: {  	[tilespmem:s7+$0x4400] =	vst v0;
	v0 =	vmul.f32 $8.000000000e+00, v3;
	v3 =	vld [tilespmem:s7+$0x4470]  }
0xc3: {  	[tilespmem:s7+$0x4410] =	vst v1;
	v1 =	vmul.f32 $8.000000000e+00, v4;
	v4 =	vld [tilespmem:s7+$0x4480]  }
0xc4: {  	[tilespmem:s7+$0x4420] =	vst v0;
	v0 =	vmul.f32 $8.000000000e+00, v6;
	v7 =	vld [tilespmem:s7+$0x4490]  }
.Ltmp1:
0xc5: {  	[tilespmem:s7+$0x4430] =	vst v1;
	v5 =	vmul.f32 $8.000000000e+00, v5;
	v1 =	vld [tilespmem:s7+$0x44A0];
	(pc) =	sbr.rel @p0 .LBB2_5-.Ltmp1, $4  }
0xc6: {  	[tilespmem:s7+$0x4440] =	vst v0;
	v6 =	vmul.f32 $8.000000000e+00, v2;
	v0 =	vld [tilespmem:s7+$0x44B0]  }
0xc7: {  	[tilespmem:s7+$0x4450] =	vst v5;
	v5 =	vmul.f32 $8.000000000e+00, v3;
	v2 =	vld [tilespmem:s7+$0x44C0]  }
0xc8: {  	[tilespmem:s7+$0x4460] =	vst v6;
	v6 =	vmul.f32 $8.000000000e+00, v4;
	v3 =	vld [tilespmem:s7+$0x44D0]  }
0xc9: {  	s26 =	sadd.s32 $0x800, s26;
	[tilespmem:s7+$0x4470] =	vst v5;
	v5 =	vmul.f32 $8.000000000e+00, v7;
	v4 =	vld [tilespmem:s7+$0x44E0]  }
0xca: {  	[tilespmem:s7+$0x4480] =	vst v6;
	v1 =	vmul.f32 $8.000000000e+00, v1;
	v6 =	vld [tilespmem:s7+$0x44F0]  }
0xcb: {  	[tilespmem:s7+$0x4490] =	vst v5;
	v0 =	vmul.f32 $8.000000000e+00, v0  }
0xcc: {  	[tilespmem:s7+$0x44A0] =	vst v1;
	v1 =	vmul.f32 $8.000000000e+00, v2  }
0xcd: {  	s26 =	smul.u32 $0xC000, s15;
	[tilespmem:s7+$0x44B0] =	vst v0;
	v0 =	vmul.f32 $8.000000000e+00, v3  }
0xce: {  	[tilespmem:s7+$0x44C0] =	vst v1;
	v1 =	vmul.f32 $8.000000000e+00, v4  }
0xcf: {  	s26 =	sadd.s32 s26, s11;
	[tilespmem:s7+$0x44D0] =	vst v0;
	v0 =	vmul.f32 $8.000000000e+00, v6  }
0xd0: {  	p0 =	seq.s32 s15, $0x20;
	s26 =	sshrl.u32 s26, $0x3;
	[tilespmem:s7+$0x44E0] =	vst v1  }
0xd1: {  	s26 =	sadd.s32 s2, s26;
	[tilespmem:s7+$0x44F0] =	vst v0;
	s7 =	sadd.s32 @!p0 s16, s12  }
0xd2: {  	[hbm4b:s26+s3] =	stream.linear.scatter [tilespmem:s25], [sflag:$0x8], $0x4000, $0x38;
	[tilespmem:$0xC300] =	vst v63  }
0xd3: {  	s7 =	sshrl.u32 @!p0 s7, $0x3  }
0xd4: {  	s28 =	simm.s32 @!p0 $0x100;
	s26 =	simm.s32 @!p0 $0x0;
	s7 =	sadd.s32 @!p0 s4, s7  }
0xd5: {  	[tilespmem:s28], [sflag:$0x5] =	stream.linear.gather @!p0 [hbm4b:s7+s26], $0x100, $0x38;
	[tilespmem:$0xC300] =	vst v63  }
0xd6: {  	_ =	swait.ge [sflag:s8], $0x2000  }
0xd7: {  	[sflag:s8] =	ssyncset.done $0x0  }
0xd8: {  	[sflag:s8] =	ssyncadd.s32 $0xFFFFE000  }
0xd9: {  	_ =	swait.ge [sflag:s8], $0x2000  }
0xda: {  	[sflag:s8] =	ssyncset.done $0x0  }
0xdb: {  	[sflag:s8] =	ssyncadd.s32 $0xFFFFE000  }
0xdc: {  	_ =	swait.ge [sflag:s19], $0x100  }
0xdd: {  	[sflag:s19] =	ssyncset.done $0x0  }
0xde: {  	[sflag:s19] =	ssyncadd.s32 $0xFFFFFF00  }
0xdf: {  	_ =	swait.ge [sflag:s9], $0x4000  }
0xe0: {  	[sflag:s9] =	ssyncset.done $0x0  }
0xe1: {  	s28 =	simm.s32 $0x0;
	[sflag:s9] =	ssyncadd.s32 $0xFFFFC000  }
0xe2: {  	[tilespmem:s21], [sflag:$0x1] =	stream.indirect.gather [hbm4b:s5+s20], $0x40, s28, s20, $0xb8;
	[tilespmem:$0xC300] =	vst v63  }
0xe3: {  	s7 =	simm.s32 $0x0  }
0xe4: {  	[tilespmem:s22], [sflag:$0x1] =	stream.indirect.gather [hbm4b:s5+s20], $0x40, s20, s20, $0xb8;
	[tilespmem:$0xC300] =	vst v63  }
0xe5: {  	v0 =	vld [tilespmem:s7+$0x8300]  }
0xe6: {  	v1 =	vld [tilespmem:s7+$0x8310]  }
0xe7: {  	v2 =	vld [tilespmem:s7+$0x8320]  }
0xe8: {  	v3 =	vld [tilespmem:s7+$0x8330]  }
0xe9: {  	v4 =	vld [tilespmem:s7+$0x8340]  }
0xea: {  	v5 =	vld [tilespmem:s7+$0x8350];
	v0 =	vmul.f32 $8.000000000e+00, v0  }
0xeb: {  	v6 =	vld [tilespmem:s7+$0x8360];
	v1 =	vmul.f32 $8.000000000e+00, v1  }
0xec: {  	v2 =	vmul.f32 $8.000000000e+00, v2;
	[tilespmem:s7+$0x8300] =	vst v0;
	v0 =	vld [tilespmem:s7+$0x8370]  }
0xed: {  	v3 =	vmul.f32 $8.000000000e+00, v3;
	[tilespmem:s7+$0x8310] =	vst v1;
	v1 =	vld [tilespmem:s7+$0x8380]  }
0xee: {  	v4 =	vmul.f32 $8.000000000e+00, v4;
	[tilespmem:s7+$0x8320] =	vst v2;
	v2 =	vld [tilespmem:s7+$0x8390]  }
0xef: {  	v5 =	vmul.f32 $8.000000000e+00, v5;
	[tilespmem:s7+$0x8330] =	vst v3;
	v3 =	vld [tilespmem:s7+$0x83A0]  }
0xf0: {  	v6 =	vmul.f32 $8.000000000e+00, v6;
	[tilespmem:s7+$0x8340] =	vst v4;
	v4 =	vld [tilespmem:s7+$0x83B0]  }
0xf1: {  	[tilespmem:s7+$0x8350] =	vst v5;
	v5 =	vld [tilespmem:s7+$0x83C0];
	v0 =	vmul.f32 $8.000000000e+00, v0  }
0xf2: {  	[tilespmem:s7+$0x8360] =	vst v6;
	v6 =	vld [tilespmem:s7+$0x83D0];
	v1 =	vmul.f32 $8.000000000e+00, v1  }
0xf3: {  	v2 =	vmul.f32 $8.000000000e+00, v2;
	[tilespmem:s7+$0x8370] =	vst v0;
	v0 =	vld [tilespmem:s7+$0x83E0]  }
0xf4: {  	v3 =	vmul.f32 $8.000000000e+00, v3;
	[tilespmem:s7+$0x8380] =	vst v1;
	v1 =	vld [tilespmem:s7+$0x83F0]  }
0xf5: {  	v4 =	vmul.f32 $8.000000000e+00, v4;
	[tilespmem:s7+$0x8390] =	vst v2;
	v2 =	vld [tilespmem:s7+$0x8400]  }
0xf6: {  	v5 =	vmul.f32 $8.000000000e+00, v5;
	[tilespmem:s7+$0x83A0] =	vst v3;
	v3 =	vld [tilespmem:s7+$0x8410]  }
0xf7: {  	v6 =	vmul.f32 $8.000000000e+00, v6;
	[tilespmem:s7+$0x83B0] =	vst v4;
	v4 =	vld [tilespmem:s7+$0x8420]  }
0xf8: {  	[tilespmem:s7+$0x83C0] =	vst v5;
	v5 =	vld [tilespmem:s7+$0x8430];
	v0 =	vmul.f32 $8.000000000e+00, v0  }
0xf9: {  	[tilespmem:s7+$0x83D0] =	vst v6;
	v6 =	vld [tilespmem:s7+$0x8440]  }
0xfa: {  	v1 =	vmul.f32 $8.000000000e+00, v1;
	[tilespmem:s7+$0x83E0] =	vst v0;
	v0 =	vld [tilespmem:s7+$0x8450]  }
0xfb: {  	v2 =	vmul.f32 $8.000000000e+00, v2  }
0xfc: {  	[tilespmem:s7+$0x83F0] =	vst v1;
	v1 =	vmul.f32 $8.000000000e+00, v3;
	v3 =	vld [tilespmem:s7+$0x8470]  }
0xfd: {  	v7 =	vld [tilespmem:s7+$0x8460];
	[tilespmem:s7+$0x8400] =	vst v2;
	v2 =	vmul.f32 $8.000000000e+00, v4  }
0xfe: {  	v4 =	vld [tilespmem:s7+$0x8480];
	[tilespmem:s7+$0x8410] =	vst v1;
	v1 =	vmul.f32 $8.000000000e+00, v5  }
0xff: {  	[tilespmem:s7+$0x8420] =	vst v2;
	v5 =	vld [tilespmem:s7+$0x8490];
	v2 =	vmul.f32 $8.000000000e+00, v6;
	v6 =	vmul.f32 $8.000000000e+00, v0  }
0x100: {  	[tilespmem:s7+$0x8430] =	vst v1;
	v1 =	vld [tilespmem:s7+$0x84A0]  }
0x101: {  	v0 =	vld [tilespmem:s7+$0x84B0];
	[tilespmem:s7+$0x8450] =	vst v6;
	v6 =	vmul.f32 $8.000000000e+00, v3  }
0x102: {  	v7 =	vmul.f32 $8.000000000e+00, v7;
	[tilespmem:s7+$0x8440] =	vst v2;
	v2 =	vld [tilespmem:s7+$0x84C0]  }
0x103: {  	v3 =	vld [tilespmem:s7+$0x84D0];
	[tilespmem:s7+$0x8470] =	vst v6;
	v6 =	vmul.f32 $8.000000000e+00, v4  }
0x104: {  	s26 =	simm.s32 $0x800;
	[tilespmem:s7+$0x8460] =	vst v7;
	v5 =	vmul.f32 $8.000000000e+00, v5;
	v4 =	vld [tilespmem:s7+$0x84E0]  }
.LBB2_7:
0x105: {  	s28 =	sshra.s32 s26, $0x2;
	p1 =	sne.s32 s26, $0xF800;
	[tilespmem:s7+$0x8480] =	vst v6;
	v1 =	vmul.f32 $8.000000000e+00, v1;
	v6 =	vld [tilespmem:s7+$0x84F0]  }
0x106: {  	v7 =	vld [tilespmem:s28+$0x8300];
	[tilespmem:s7+$0x8490] =	vst v5;
	v0 =	vmul.f32 $8.000000000e+00, v0  }
0x107: {  	v5 =	vld [tilespmem:s28+$0x8310];
	[tilespmem:s7+$0x84A0] =	vst v1;
	v1 =	vmul.f32 $8.000000000e+00, v2  }
0x108: {  	v2 =	vld [tilespmem:s28+$0x8320];
	[tilespmem:s7+$0x84B0] =	vst v0;
	v0 =	vmul.f32 $8.000000000e+00, v3  }
0x109: {  	v3 =	vld [tilespmem:s28+$0x8330];
	[tilespmem:s7+$0x84C0] =	vst v1;
	v1 =	vmul.f32 $8.000000000e+00, v4  }
0x10a: {  	v4 =	vld [tilespmem:s28+$0x8340];
	[tilespmem:s7+$0x84D0] =	vst v0;
	v0 =	vmul.f32 $8.000000000e+00, v6  }
0x10b: {  	v6 =	vmul.f32 $8.000000000e+00, v7;
	v7 =	vld [tilespmem:s28+$0x8350];
	[tilespmem:s7+$0x84E0] =	vst v1  }
0x10c: {  	v1 =	vmul.f32 $8.000000000e+00, v5;
	v5 =	vld [tilespmem:s28+$0x8360];
	[tilespmem:s7+$0x84F0] =	vst v0;
	s7 =	smov.u32 s28  }
0x10d: {  	[tilespmem:s7+$0x8300] =	vst v6;
	v0 =	vmul.f32 $8.000000000e+00, v2;
	v2 =	vld [tilespmem:s7+$0x8370]  }
0x10e: {  	[tilespmem:s7+$0x8310] =	vst v1;
	v1 =	vmul.f32 $8.000000000e+00, v3;
	v3 =	vld [tilespmem:s7+$0x8380]  }
0x10f: {  	[tilespmem:s7+$0x8320] =	vst v0;
	v0 =	vmul.f32 $8.000000000e+00, v4;
	v4 =	vld [tilespmem:s7+$0x8390]  }
0x110: {  	[tilespmem:s7+$0x8330] =	vst v1;
	v1 =	vmul.f32 $8.000000000e+00, v7;
	v6 =	vld [tilespmem:s7+$0x83A0]  }
0x111: {  	[tilespmem:s7+$0x8340] =	vst v0;
	v0 =	vmul.f32 $8.000000000e+00, v5;
	v5 =	vld [tilespmem:s7+$0x83B0]  }
0x112: {  	[tilespmem:s7+$0x8350] =	vst v1;
	v1 =	vmul.f32 $8.000000000e+00, v2;
	v2 =	vld [tilespmem:s7+$0x83C0]  }
0x113: {  	[tilespmem:s7+$0x8360] =	vst v0;
	v0 =	vmul.f32 $8.000000000e+00, v3;
	v3 =	vld [tilespmem:s7+$0x83D0]  }
0x114: {  	[tilespmem:s7+$0x8370] =	vst v1;
	v1 =	vmul.f32 $8.000000000e+00, v4;
	v4 =	vld [tilespmem:s7+$0x83E0]  }
0x115: {  	[tilespmem:s7+$0x8380] =	vst v0;
	v0 =	vmul.f32 $8.000000000e+00, v6;
	v6 =	vld [tilespmem:s7+$0x83F0]  }
0x116: {  	[tilespmem:s7+$0x8390] =	vst v1;
	v1 =	vmul.f32 $8.000000000e+00, v5;
	v5 =	vld [tilespmem:s7+$0x8400]  }
0x117: {  	[tilespmem:s7+$0x83A0] =	vst v0;
	v0 =	vmul.f32 $8.000000000e+00, v2;
	v2 =	vld [tilespmem:s7+$0x8410]  }
0x118: {  	[tilespmem:s7+$0x83B0] =	vst v1;
	v1 =	vmul.f32 $8.000000000e+00, v3;
	v3 =	vld [tilespmem:s7+$0x8420]  }
0x119: {  	[tilespmem:s7+$0x83C0] =	vst v0;
	v0 =	vmul.f32 $8.000000000e+00, v4;
	v4 =	vld [tilespmem:s7+$0x8430]  }
0x11a: {  	[tilespmem:s7+$0x83D0] =	vst v1;
	v1 =	vmul.f32 $8.000000000e+00, v6;
	v6 =	vld [tilespmem:s7+$0x8440]  }
0x11b: {  	[tilespmem:s7+$0x83E0] =	vst v0;
	v0 =	vmul.f32 $8.000000000e+00, v5;
	v5 =	vld [tilespmem:s7+$0x8450]  }
0x11c: {  	[tilespmem:s7+$0x83F0] =	vst v1;
	v1 =	vmul.f32 $8.000000000e+00, v2;
	v2 =	vld [tilespmem:s7+$0x8460]  }
0x11d: {  	[tilespmem:s7+$0x8400] =	vst v0;
	v0 =	vmul.f32 $8.000000000e+00, v3;
	v3 =	vld [tilespmem:s7+$0x8470]  }
0x11e: {  	[tilespmem:s7+$0x8410] =	vst v1;
	v1 =	vmul.f32 $8.000000000e+00, v4;
	v4 =	vld [tilespmem:s7+$0x8480]  }
0x11f: {  	[tilespmem:s7+$0x8420] =	vst v0;
	v0 =	vmul.f32 $8.000000000e+00, v6;
	v7 =	vld [tilespmem:s7+$0x8490]  }
.Ltmp2:
0x120: {  	[tilespmem:s7+$0x8430] =	vst v1;
	v5 =	vmul.f32 $8.000000000e+00, v5;
	v1 =	vld [tilespmem:s7+$0x84A0];
	(pc) =	sbr.rel @p1 .LBB2_7-.Ltmp2, $4  }
0x121: {  	[tilespmem:s7+$0x8440] =	vst v0;
	v6 =	vmul.f32 $8.000000000e+00, v2;
	v0 =	vld [tilespmem:s7+$0x84B0]  }
0x122: {  	[tilespmem:s7+$0x8450] =	vst v5;
	v5 =	vmul.f32 $8.000000000e+00, v3;
	v2 =	vld [tilespmem:s7+$0x84C0]  }
0x123: {  	[tilespmem:s7+$0x8460] =	vst v6;
	v6 =	vmul.f32 $8.000000000e+00, v4;
	v3 =	vld [tilespmem:s7+$0x84D0]  }
0x124: {  	s26 =	sadd.s32 $0x800, s26;
	[tilespmem:s7+$0x8470] =	vst v5;
	v5 =	vmul.f32 $8.000000000e+00, v7;
	v4 =	vld [tilespmem:s7+$0x84E0]  }
0x125: {  	[tilespmem:s7+$0x8480] =	vst v6;
	v1 =	vmul.f32 $8.000000000e+00, v1;
	v59 =	vld [tilespmem:s7+$0x84F0]  }
0x126: {  	[tilespmem:s7+$0x8490] =	vst v5;
	v0 =	vmul.f32 $8.000000000e+00, v0  }
0x127: {  	[tilespmem:s7+$0x84A0] =	vst v1;
	v60 =	vmul.f32 $8.000000000e+00, v2  }
0x128: {  	[tilespmem:s7+$0x84B0] =	vst v0;
	v61 =	vmul.f32 $8.000000000e+00, v3  }
.Ltmp3:
0x129: {  	s26 =	sadd.s32 s16, s13;
	[tilespmem:s7+$0x84C0] =	vst v60;
	v62 =	vmul.f32 $8.000000000e+00, v4;
	(pc) =	sbr.rel @p0 .LBB2_10-.Ltmp3, $4  }
0x12a: {  	s26 =	sshll.u32 s26, $0x3;
	[tilespmem:s7+$0x84D0] =	vst v61;
	v63 =	vmul.f32 $8.000000000e+00, v59  }
0x12b: {  	s26 =	sand.u32 $0x1FFFF800, s26;
	[tilespmem:s7+$0x84E0] =	vst v62  }
0x12c: {  	s28 =	sadd.s32 s2, s26;
	[tilespmem:s7+$0x84F0] =	vst v63  }
0x12d: {  	[hbm4b:s28+s3] =	stream.linear.scatter [tilespmem:s31], [sflag:$0x9], $0x4000, $0x38;
	[tilespmem:$0xC300] =	vst v63  }
.Ltmp4:
0x12e: {  	(pc) =	sbr.rel .LBB2_2-.Ltmp4, $4  }
0x12f: {  	s7 =	sadd.s32 s16, s14  }
0x130: {  	s7 =	sshrl.u32 s7, $0x3  }
0x131: {  	s15 =	sadd.s32 $0x1, s15;
	s7 =	sadd.s32 s4, s7  }
0x132: {  	[tilespmem:s18], [sflag:$0x6] =	stream.linear.gather [hbm4b:s7+s3], $0x100, $0x38;
	[tilespmem:$0xC300] =	vst v63  }
.LBB2_10:
0x133: {  	_ =	swait.ge [sflag:s23], $0x2000  }
0x134: {  	[sflag:s23] =	ssyncset.done $0x0  }
0x135: {  	[sflag:s23] =	ssyncadd.s32 $0xFFFFE000  }
0x136: {  	_ =	swait.ge [sflag:s23], $0x2000  }
0x137: {  	[sflag:s23] =	ssyncset.done $0x0  }
0x138: {  	s7 =	simm.s32 $0x0;
	[sflag:s23] =	ssyncadd.s32 $0xFFFFE000  }
0x139: {  	v0 =	vld [tilespmem:s7+$0x300]  }
0x13a: {  	v1 =	vld [tilespmem:s7+$0x310]  }
0x13b: {  	v2 =	vld [tilespmem:s7+$0x320]  }
0x13c: {  	v3 =	vld [tilespmem:s7+$0x330]  }
0x13d: {  	v4 =	vld [tilespmem:s7+$0x340]  }
0x13e: {  	v5 =	vld [tilespmem:s7+$0x350];
	v0 =	vmul.f32 $8.000000000e+00, v0  }
0x13f: {  	v6 =	vld [tilespmem:s7+$0x360];
	v1 =	vmul.f32 $8.000000000e+00, v1  }
0x140: {  	v2 =	vmul.f32 $8.000000000e+00, v2;
	[tilespmem:s7+$0x300] =	vst v0;
	v0 =	vld [tilespmem:s7+$0x370]  }
0x141: {  	v3 =	vmul.f32 $8.000000000e+00, v3;
	[tilespmem:s7+$0x310] =	vst v1;
	v1 =	vld [tilespmem:s7+$0x380]  }
0x142: {  	v4 =	vmul.f32 $8.000000000e+00, v4;
	[tilespmem:s7+$0x320] =	vst v2;
	v2 =	vld [tilespmem:s7+$0x390]  }
0x143: {  	v5 =	vmul.f32 $8.000000000e+00, v5;
	[tilespmem:s7+$0x330] =	vst v3;
	v3 =	vld [tilespmem:s7+$0x3A0]  }
0x144: {  	v6 =	vmul.f32 $8.000000000e+00, v6;
	[tilespmem:s7+$0x340] =	vst v4;
	v4 =	vld [tilespmem:s7+$0x3B0]  }
0x145: {  	[tilespmem:s7+$0x350] =	vst v5;
	v5 =	vld [tilespmem:s7+$0x3C0];
	v0 =	vmul.f32 $8.000000000e+00, v0  }
0x146: {  	[tilespmem:s7+$0x360] =	vst v6;
	v6 =	vld [tilespmem:s7+$0x3D0];
	v1 =	vmul.f32 $8.000000000e+00, v1  }
0x147: {  	v2 =	vmul.f32 $8.000000000e+00, v2;
	[tilespmem:s7+$0x370] =	vst v0;
	v0 =	vld [tilespmem:s7+$0x3E0]  }
0x148: {  	v3 =	vmul.f32 $8.000000000e+00, v3;
	[tilespmem:s7+$0x380] =	vst v1;
	v1 =	vld [tilespmem:s7+$0x3F0]  }
0x149: {  	v4 =	vmul.f32 $8.000000000e+00, v4;
	[tilespmem:s7+$0x390] =	vst v2;
	v2 =	vld [tilespmem:s7+$0x400]  }
0x14a: {  	v5 =	vmul.f32 $8.000000000e+00, v5;
	[tilespmem:s7+$0x3A0] =	vst v3;
	v3 =	vld [tilespmem:s7+$0x410]  }
0x14b: {  	v6 =	vmul.f32 $8.000000000e+00, v6;
	[tilespmem:s7+$0x3B0] =	vst v4;
	v4 =	vld [tilespmem:s7+$0x420]  }
0x14c: {  	[tilespmem:s7+$0x3C0] =	vst v5;
	v5 =	vld [tilespmem:s7+$0x430];
	v0 =	vmul.f32 $8.000000000e+00, v0  }
0x14d: {  	[tilespmem:s7+$0x3D0] =	vst v6;
	v6 =	vld [tilespmem:s7+$0x440]  }
0x14e: {  	v1 =	vmul.f32 $8.000000000e+00, v1;
	[tilespmem:s7+$0x3E0] =	vst v0;
	v0 =	vld [tilespmem:s7+$0x450]  }
0x14f: {  	v2 =	vmul.f32 $8.000000000e+00, v2  }
0x150: {  	[tilespmem:s7+$0x3F0] =	vst v1;
	v1 =	vmul.f32 $8.000000000e+00, v3;
	v3 =	vld [tilespmem:s7+$0x470]  }
0x151: {  	v7 =	vld [tilespmem:s7+$0x460];
	[tilespmem:s7+$0x400] =	vst v2;
	v2 =	vmul.f32 $8.000000000e+00, v4  }
0x152: {  	v4 =	vld [tilespmem:s7+$0x480];
	[tilespmem:s7+$0x410] =	vst v1;
	v1 =	vmul.f32 $8.000000000e+00, v5  }
0x153: {  	[tilespmem:s7+$0x420] =	vst v2;
	v5 =	vld [tilespmem:s7+$0x490];
	v2 =	vmul.f32 $8.000000000e+00, v6;
	v6 =	vmul.f32 $8.000000000e+00, v0  }
0x154: {  	[tilespmem:s7+$0x430] =	vst v1;
	v1 =	vld [tilespmem:s7+$0x4A0]  }
0x155: {  	v0 =	vld [tilespmem:s7+$0x4B0];
	[tilespmem:s7+$0x450] =	vst v6;
	v6 =	vmul.f32 $8.000000000e+00, v3  }
0x156: {  	v7 =	vmul.f32 $8.000000000e+00, v7;
	[tilespmem:s7+$0x440] =	vst v2;
	v2 =	vld [tilespmem:s7+$0x4C0]  }
0x157: {  	v3 =	vld [tilespmem:s7+$0x4D0];
	[tilespmem:s7+$0x470] =	vst v6;
	v6 =	vmul.f32 $8.000000000e+00, v4  }
0x158: {  	s15 =	simm.s32 $0x800;
	[tilespmem:s7+$0x460] =	vst v7;
	v5 =	vmul.f32 $8.000000000e+00, v5;
	v4 =	vld [tilespmem:s7+$0x4E0]  }
.LBB2_11:
0x159: {  	s16 =	sshra.s32 s15, $0x2;
	p0 =	sne.s32 s15, $0xF800;
	[tilespmem:s7+$0x480] =	vst v6;
	v1 =	vmul.f32 $8.000000000e+00, v1;
	v6 =	vld [tilespmem:s7+$0x4F0]  }
0x15a: {  	v7 =	vld [tilespmem:s16+$0x300];
	[tilespmem:s7+$0x490] =	vst v5;
	v0 =	vmul.f32 $8.000000000e+00, v0  }
0x15b: {  	v5 =	vld [tilespmem:s16+$0x310];
	[tilespmem:s7+$0x4A0] =	vst v1;
	v1 =	vmul.f32 $8.000000000e+00, v2  }
0x15c: {  	v2 =	vld [tilespmem:s16+$0x320];
	[tilespmem:s7+$0x4B0] =	vst v0;
	v0 =	vmul.f32 $8.000000000e+00, v3  }
0x15d: {  	v3 =	vld [tilespmem:s16+$0x330];
	[tilespmem:s7+$0x4C0] =	vst v1;
	v1 =	vmul.f32 $8.000000000e+00, v4  }
0x15e: {  	v4 =	vld [tilespmem:s16+$0x340];
	[tilespmem:s7+$0x4D0] =	vst v0;
	v0 =	vmul.f32 $8.000000000e+00, v6  }
0x15f: {  	v6 =	vmul.f32 $8.000000000e+00, v7;
	v7 =	vld [tilespmem:s16+$0x350];
	[tilespmem:s7+$0x4E0] =	vst v1  }
0x160: {  	v1 =	vmul.f32 $8.000000000e+00, v5;
	v5 =	vld [tilespmem:s16+$0x360];
	[tilespmem:s7+$0x4F0] =	vst v0;
	s7 =	smov.u32 s16  }
0x161: {  	[tilespmem:s7+$0x300] =	vst v6;
	v0 =	vmul.f32 $8.000000000e+00, v2;
	v2 =	vld [tilespmem:s7+$0x370]  }
0x162: {  	[tilespmem:s7+$0x310] =	vst v1;
	v1 =	vmul.f32 $8.000000000e+00, v3;
	v3 =	vld [tilespmem:s7+$0x380]  }
0x163: {  	[tilespmem:s7+$0x320] =	vst v0;
	v0 =	vmul.f32 $8.000000000e+00, v4;
	v4 =	vld [tilespmem:s7+$0x390]  }
0x164: {  	[tilespmem:s7+$0x330] =	vst v1;
	v1 =	vmul.f32 $8.000000000e+00, v7;
	v6 =	vld [tilespmem:s7+$0x3A0]  }
0x165: {  	[tilespmem:s7+$0x340] =	vst v0;
	v0 =	vmul.f32 $8.000000000e+00, v5;
	v5 =	vld [tilespmem:s7+$0x3B0]  }
0x166: {  	[tilespmem:s7+$0x350] =	vst v1;
	v1 =	vmul.f32 $8.000000000e+00, v2;
	v2 =	vld [tilespmem:s7+$0x3C0]  }
0x167: {  	[tilespmem:s7+$0x360] =	vst v0;
	v0 =	vmul.f32 $8.000000000e+00, v3;
	v3 =	vld [tilespmem:s7+$0x3D0]  }
0x168: {  	[tilespmem:s7+$0x370] =	vst v1;
	v1 =	vmul.f32 $8.000000000e+00, v4;
	v4 =	vld [tilespmem:s7+$0x3E0]  }
0x169: {  	[tilespmem:s7+$0x380] =	vst v0;
	v0 =	vmul.f32 $8.000000000e+00, v6;
	v6 =	vld [tilespmem:s7+$0x3F0]  }
0x16a: {  	[tilespmem:s7+$0x390] =	vst v1;
	v1 =	vmul.f32 $8.000000000e+00, v5;
	v5 =	vld [tilespmem:s7+$0x400]  }
0x16b: {  	[tilespmem:s7+$0x3A0] =	vst v0;
	v0 =	vmul.f32 $8.000000000e+00, v2;
	v2 =	vld [tilespmem:s7+$0x410]  }
0x16c: {  	[tilespmem:s7+$0x3B0] =	vst v1;
	v1 =	vmul.f32 $8.000000000e+00, v3;
	v3 =	vld [tilespmem:s7+$0x420]  }
0x16d: {  	[tilespmem:s7+$0x3C0] =	vst v0;
	v0 =	vmul.f32 $8.000000000e+00, v4;
	v4 =	vld [tilespmem:s7+$0x430]  }
0x16e: {  	[tilespmem:s7+$0x3D0] =	vst v1;
	v1 =	vmul.f32 $8.000000000e+00, v6;
	v6 =	vld [tilespmem:s7+$0x440]  }
0x16f: {  	[tilespmem:s7+$0x3E0] =	vst v0;
	v0 =	vmul.f32 $8.000000000e+00, v5;
	v5 =	vld [tilespmem:s7+$0x450]  }
0x170: {  	[tilespmem:s7+$0x3F0] =	vst v1;
	v1 =	vmul.f32 $8.000000000e+00, v2;
	v2 =	vld [tilespmem:s7+$0x460]  }
0x171: {  	[tilespmem:s7+$0x400] =	vst v0;
	v0 =	vmul.f32 $8.000000000e+00, v3;
	v3 =	vld [tilespmem:s7+$0x470]  }
0x172: {  	[tilespmem:s7+$0x410] =	vst v1;
	v1 =	vmul.f32 $8.000000000e+00, v4;
	v4 =	vld [tilespmem:s7+$0x480]  }
0x173: {  	[tilespmem:s7+$0x420] =	vst v0;
	v0 =	vmul.f32 $8.000000000e+00, v6;
	v7 =	vld [tilespmem:s7+$0x490]  }
.Ltmp5:
0x174: {  	[tilespmem:s7+$0x430] =	vst v1;
	v5 =	vmul.f32 $8.000000000e+00, v5;
	v1 =	vld [tilespmem:s7+$0x4A0];
	(pc) =	sbr.rel @p0 .LBB2_11-.Ltmp5, $4  }
0x175: {  	[tilespmem:s7+$0x440] =	vst v0;
	v6 =	vmul.f32 $8.000000000e+00, v2;
	v0 =	vld [tilespmem:s7+$0x4B0]  }
0x176: {  	[tilespmem:s7+$0x450] =	vst v5;
	v5 =	vmul.f32 $8.000000000e+00, v3;
	v2 =	vld [tilespmem:s7+$0x4C0]  }
0x177: {  	[tilespmem:s7+$0x460] =	vst v6;
	v6 =	vmul.f32 $8.000000000e+00, v4;
	v3 =	vld [tilespmem:s7+$0x4D0]  }
0x178: {  	s15 =	sadd.s32 $0x800, s15;
	[tilespmem:s7+$0x470] =	vst v5;
	v5 =	vmul.f32 $8.000000000e+00, v7;
	v4 =	vld [tilespmem:s7+$0x4E0]  }
0x179: {  	[tilespmem:s7+$0x480] =	vst v6;
	v1 =	vmul.f32 $8.000000000e+00, v1;
	v59 =	vld [tilespmem:s7+$0x4F0]  }
0x17a: {  	[tilespmem:s7+$0x490] =	vst v5;
	v0 =	vmul.f32 $8.000000000e+00, v0  }
0x17b: {  	[tilespmem:s7+$0x4A0] =	vst v1;
	v60 =	vmul.f32 $8.000000000e+00, v2  }
0x17c: {  	[tilespmem:s7+$0x4B0] =	vst v0;
	v61 =	vmul.f32 $8.000000000e+00, v3  }
0x17d: {  	[tilespmem:s7+$0x4C0] =	vst v60;
	v62 =	vmul.f32 $8.000000000e+00, v4  }
0x17e: {  	[tilespmem:s7+$0x4D0] =	vst v61;
	v63 =	vmul.f32 $8.000000000e+00, v59  }
0x17f: {  	[tilespmem:s7+$0x4E0] =	vst v62  }
0x180: {  	s16 =	rddreg [dreg:$0x6];
	[tilespmem:s7+$0x4F0] =	vst v63  }
0x181: {  	[hbm4b:s16+s3] =	stream.linear.scatter [tilespmem:s21], [sflag:$0x7], $0x4000, $0x38;
	[tilespmem:$0xC300] =	vst v63  }
0x182: {  	_ =	swait.ge [sflag:s9], $0x4000  }
0x183: {  	[sflag:s9] =	ssyncset.done $0x0  }
0x184: {  	s26 =	simm.s32 $0x8;
	[sflag:s9] =	ssyncadd.s32 $0xFFFFC000  }
0x185: {  	_ =	swait.ge [sflag:s26], $0x4000  }
0x186: {  	[sflag:s26] =	ssyncset.done $0x0  }
0x187: {  	s15 =	simm.s32 $0x9;
	[sflag:s26] =	ssyncadd.s32 $0xFFFFC000  }
0x188: {  	_ =	swait.ge [sflag:s15], $0x4000  }
0x189: {  	s16 =	rddreg [dreg:$0x8]  }
0x18a: {  	s28 =	rddreg [dreg:$0x7];
	s16 =	sadd.s32 $0x1, s16  }
0x18b: {  	p0 =	sne.s32 s16, s28  }
.Ltmp6:
0x18c: {  	_ = 	snop;
	(pc) =	sbr.rel @p0 .LBB2_1-.Ltmp6, $3  }
0x18d: {  	_ =	sdelay $0x1  }
0x18e: {  	[sflag:s15] =	ssyncset.done $0x0  }
0x18f: {  	[sflag:s15] =	ssyncadd.s32 $0xFFFFC000  }
0x190: {  	_ =	sfence.sel $0x180000  }
0x191: {  	[bflag:$0x0] =	sbarrier.arrive $0xFFFF  }
0x192: {  	_ =	strace $0x90000047  }
0x193: {  	s0 =	stileid.u32;
	[bflag:$0x2] =	sbarrier.arrive $0xFFFF  }
0x194: {  	p0 =	sne.s32 s0, $0x0;
	s0 =	rddreg [dreg:$0x2]  }
0x195: {  	s0 =	sadd.s32 @!p0 $0x100000, s0  }
0x196: {  	[sflag:s0] =	ssyncadd.tile.s32 @!p0 $0x1;
	_ =	shalt  }
.Lfunc_end2:
_tile_overlayer_lowered:
.L_overlay_start_2:
0x197: {  	(tag) =	ssettag $0x2  }
0x198: {  	s0 =	rddreg [dreg:$0x0];
	s2 =	stileid.u32  }
0x199: {  	s1 =	rddreg [dreg:$0x1];
	p0 =	sne.s32 s2, $0x0  }
0x19a: {  	s3 =	rddreg [dreg:$0x2];
	[bflag:$0x3] =	sbarrier.arrive $0xFFFF;
	s2 =	simm.s32 @!p0 $0x1C0A  }
0x19b: {  	[timem:s3], [sflag:s2] =	dma.local @!p0 [hbm:s0], s1  }
0x19c: {  	s0 =	simm.s32 @!p0 $0xA  }
0x19d: {  	_ =	swait.ge @!p0 [sflag:s0], s1  }
0x19e: {  	s1 =	ssub.s32 @!p0 $0x0, s1;
	[sflag:s0] =	ssyncset.done @!p0 $0x0  }
0x19f: {  	[sflag:s0] =	ssyncadd.s32 @!p0 s1  }
0x1a0: {  	[bflag:$0x3] =	sbarrier.arrive $0xFFFF  }
0x1a1: {  	_ =	shalt  }

// kernel: sparse-core-data-format-call.cloned.1.call-start
scs
called_computation_lowered:
.L_overlay_start_0:
0x0: {  	s2 =	sld [smem:$0x3FD9]  }
0x1: {  	s3 =	sld [smem:$0x3FFE];
	_ =	sdelay $0x1  }
0x2: {  	s1 =	srdreg.scid  }
0x3: {  	s0 =	sand.u32 $0x1, s1  }
0x4: {  	s18 =	sshll.u32 s0, $0xA;
	s2 =	sadd.s32 s3, s2  }
0x5: {  	s2 =	sadd.s32 s2, s18  }
0x6: {  	[smem:$0x3FC6] =	sst s2  }
0x7: {  	_ = 	snop  }
0x8: {  	s2 =	sld [smem:$0x3FD0];
	(tm) =	ssettm $0x1  }
0x9: {  	s19 =	sld [smem:$0x3FFB];
	_ =	sdelay $0x3  }
0xa: {  	_ =	strace s19  }
0xb: {  	s3 =	sld [smem:$0x3FFC];
	_ =	sdelay $0x3  }
0xc: {  	_ =	strace s3  }
0xd: {  	s3 =	sld [smem:$0x3FFD];
	_ =	sdelay $0x3  }
0xe: {  	_ =	strace s3  }
0xf: {  	_ =	strace $0x8FFFFFFF  }
0x10: {  	s20 =	sld [smem:$0x3FDB];
	_ =	sdelay $0x1  }
0x11: {  	s4 =	simm.s32 $_scs_section_size  }
0x12: {  	s5 =	simm.s32 $_size__tile_overlayer_lowered;
	s6 =	simm.s32 $_tile_overlayer_lowered  }
0x13: {  	s23 =	simm.s32 $0x1BFF;
	s22 =	sshll.u32 s6, $0x1;
	s3 =	sadd.s32 s4, s20  }
0x14: {  	s7 =	simm.s32 $0x0;
	s21 =	sshll.u32 s5, $0x1;
	s5 =	sadd.s32 s22, s3  }
0x15: {  	[timem:s7], [sflag:s23] =	dma.local [hbm:s5], s21  }
0x16: {  	_ =	swait.ge [sflag:s23], s21  }
0x17: {  	s4 =	ssub.s32 $0x0, s21;
	[sflag:s23] =	ssyncset.done $0x0  }
0x18: {  	[sflag:s23] =	ssyncadd.s32 s4;
	_ =	sdelay $0x1  }
0x19: {  	s24 =	simm.s32 $0x1B8B  }
0x1a: {  	_ =	swait.ge [sflag:s24], $0x1  }
0x1b: {  	[sflag:s24] =	ssyncset.done $0x0  }
0x1c: {  	s26 =	simm.s32 $0x1B8E;
	s25 =	sld [smem:$0x3FFE];
	[sflag:s24] =	ssyncadd.s32 $0xFFFFFFFF  }
0x1d: {  	s27 =	simm.s32 $execute0_lowered;
	[smem:$0x3FD2] =	sst s26  }
0x1e: {  	s5 =	sshll.u32 s27, $0x1;
	_ =	strace $0x80000049;
	[dreg:$0x1] =	wrdreg $0xFFFFFFFF  }
0x1f: {  	s28 =	simm.s32 $_size_execute0_lowered;
	s3 =	sadd.s32 s3, s5;
	[dreg:$0x0] =	wrdreg $0x0  }
0x20: {  	s5 =	sshll.u32 s28, $0x1;
	[dreg:$0x2] =	wrdreg s3  }
0x21: {  	[dreg:$0x3] =	wrdreg s5  }
0x22: {  	[dreg:$0x4] =	wrdreg $0xC0  }
0x23: {  	_ =	task [dreg:s7], $0x5FFFF  }
0x24: {  	[dreg:$0x1] =	wrdreg $0xFFFFFFFF  }
0x25: {  	[dreg:$0x0] =	wrdreg $0x60  }
0x26: {  	[dreg:$0x2] =	wrdreg s25  }
0x27: {  	[dreg:$0x3] =	wrdreg s2  }
0x28: {  	[dreg:$0x4] =	wrdreg $0x9  }
0x29: {  	_ =	task.clear_ibuf [dreg:s7], $0x5FFFF;
	_ =	strace $0x90000049  }
0x2a: {  	s29 =	simm.s32 $0x9;
	_ =	strace $0x8000004B  }
0x2b: {  	_ =	swait.ge [sflag:s29], $0x1  }
0x2c: {  	[sflag:s29] =	ssyncadd.s32 $0xFFFFFFFF  }
0x2d: {  	_ =	strace $0x9000004B  }
0x2e: {  	_ =	sfence  }
0x2f: {  	s30 =	sld [smem:$0x0];
	_ =	sdelay $0x2  }
0x30: {  	s31 =	sshll.u32 s1, $0xD;
	s1 =	sshrl.u32 s1, $0x2  }
0x31: {  	s3 =	sand.u32 $0x4000, s31;
	s1 =	sadd.s32 s1, s30  }
0x32: {  	s0 =	sor.u32 s3, s0;
	s1 =	sshll.u32 s1, $0x11  }
0x33: {  	s0 =	sor.u32 s1, s0  }
0x34: {  	s0 =	sadd.s32 $0x8F2B, s0  }
0x35: {  	[sflag:s0] =	ssyncadd.remote.s32 $0x1  }
0x36: {  	_ =	sfence.sel $0xFFFF  }
0x37: {  	[dreg:$0x0] =	wrdreg $0xFFFFFFFF;
	(pc) =	sbr.abs _section_cstart, $3  }
0x38: {  	[dreg:$0x1] =	wrdreg $0xFFFFFFFF  }
0x39: {  	_ =	task.clear_ibuf [dreg:s7], $0x2FFFF;
	_ =	strace $0x9FFFFFFF  }
0x3a: {  	(tm) =	ssettm $0x7FFFFFFF  }
0x3b: {  	_ =	shalt  }
tec
execute0_lowered:
.L_overlay_start_1:
0x0: {  	(tag) =	ssettag $0x1  }
0x1: {  	s0 =	srdreg.scid  }
0x2: {  	s1 =	sshll.u32 s0, $0x4  }
0x3: {  	s0 =	stileid.u32;
	s1 =	sand.u32 $0x10, s1  }
0x4: {  	s1 =	sor.u32 s0, s1  }
0x5: {  	s6 =	rddreg [dreg:$0x0];
	s4 =	simm.s32 $0x1;
	s2 =	sshll.u32 s1, $0x7  }
0x6: {  	s7 =	simm.s32 $0x2;
	s12 =	simm.s32 $0x0;
	s1 =	ssub.s32 $0x1000, s2  }
0x7: {  	s8 =	simm.s32 $0x8000;
	s13 =	simm.s32 $0x0;
	s3 =	sand.u32 $0xF80, s1  }
0x8: {  	s9 =	simm.s32 $0x0;
	s5 =	sshrl.u32 s1, $0xC;
	p0 =	sne.s32 s3, $0x0  }
.Ltmp0:
0x9: {  	s1 =	rddreg [dreg:$0x2];
	s4 =	simm.s32 @!p0 $0x0;
	(pc) =	sbr.rel .LBB1_1-.Ltmp0, $4  }
0xa: {  	s11 =	simm.s32 $0x0;
	s3 =	rddreg [dreg:$0x1];
	s5 =	sadd.s32 s4, s5  }
0xb: {  	_ =	strace $0x8000004A;
	s4 =	simm.s32 $0x1;
	s5 =	smul.u32 $0xC8, s5  }
0xc: {  	s6 =	sadd.s32 $0xA00, s6;
	s10 =	smov.u32 s2;
	[sflag:s4] =	ssyncpa.u1 $0x0  }
0xd: {  	p0 =	por $0x0, $0x0;
	[sflag:s7] =	ssyncpa.u1 $0x0;
	s7 =	sor.u32 $0x1, s5  }
.LBB1_4:
0xe: {  	s16 =	sshll.u32 s13, $0x3;
	s17 =	sand.u32 $0x78, s13  }
0xf: {  	s30 =	sand.u32 $0x7E00, s13;
	s12 =	sshll.u32 s12, $0xF;
	s16 =	sand.u32 $0xC00, s16  }
0x10: {  	[tilespmem:s15+$0x810 ss:$0x81] =	vst.msk $0xffff, v2;
	s31 =	sand.u32 $0x7, s13;
	s16 =	sor.u32 s17, s16;
	s17 =	sadd.s32 s3, s30  }
0x11: {  	[tilespmem:s15+$0x1020 ss:$0x81] =	vst.msk $0xffff, v0;
	s13 =	sshll.u32 s31, $0x12;
	s12 =	sadd.s32 s12, s17;
	s16 =	sshrl.u32 s16, $0x3  }
0x12: {  	[tilespmem:s15+$0x0 ss:$0x81] =	vst.msk $0xffff, v1;
	s13 =	sor.u32 $0x400, s13;
	s12 =	sadd.s32 s16, s12  }
0x13: {  	[hbm4b:s12+s13] =	stream.strided.scatter [tilespmem:s14], [sflag:$0x2], $0x2000, s8, s13, $0x20;
	[tilespmem:$0x8080] =	vst v63  }
.LBB1_5:
0x14: {  	s14 =	sadd.s32 $0x1, s9  }
0x15: {  	s12 =	sadd.s32 $0x1000, s10;
	s16 =	smov.u32 s10;
	p2 =	sgt.s32 s14, $0xC7  }
0x16: {  	s16 =	smov.u32 @p2 s12  }
0x17: {  	s14 =	simm.s32 @p2 $0x0;
	p2 =	sgt.s32 s16, $0xFFF  }
0x18: {  	s16 =	smov.u32 @p2 s2;
	p2 =	sne.s32 s11, s7  }
.Ltmp1:
0x19: {  	p1 =	slt.u32 s11, $0x2;
	(pc) =	sbr.rel @!p2 .LBB1_6-.Ltmp1, $4  }
0x1a: {  	s15 =	simm.s32 @!p1 $0x2  }
0x1b: {  	s13 =	smov.u32 s10;
	p0 =	por !p0, !p0;
	_ =	swait.ge @!p1 [sflag:s15], $0x2000  }
0x1c: {  	s12 =	smov.u32 s9;
	[sflag:s15] =	ssyncset.done @!p1 $0x0;
	s9 =	smov.u32 s14  }
0x1d: {  	s11 =	sadd.s32 $0x1, s11;
	[sflag:s15] =	ssyncadd.s32 @!p1 $0xFFFFE000;
	s10 =	smov.u32 s16  }
.LBB1_1:
0x1e: {  	p1 =	sge.u32 s11, s5  }
0x1f: {  	s14 =	sand.u32 @!p1 $0x1FFFFFF, s9  }
0x20: {  	s15 =	smulhi.u32 @!p1 $0x147AE15, s14;
	_ =	sdelay $0x1  }
0x21: {  	s15 =	smul.u32 @!p1 $0xC8, s15  }
0x22: {  	s16 =	sxor.u32 @!p1 $0xFFFFFFFF, s11;
	s17 =	smul.u32 @!p1 $0xC80, s10  }
0x23: {  	s31 =	sadd.s32 $0xFFFFFFFF, s11;
	s16 =	sshll.u32 @!p1 s16, $0xD;
	s14 =	ssub.s32 @!p1 s14, s15  }
0x24: {  	s15 =	sand.u32 @!p1 $0x2000, s16;
	s16 =	sadd.s32 @!p1 s6, s17;
	s14 =	sshll.u32 @!p1 s14, $0x4  }
0x25: {  	s17 =	simm.s32 @!p1 $0x6400;
	s14 =	sadd.s32 @!p1 s14, s16;
	s16 =	simm.s32 @!p1 $0x40  }
0x26: {  	[tilespmem:s15], [sflag:$0x1] =	stream.strided.gather @!p1 [hbm4b:s14+s16], $0x2000, s17, s16, $0x38;
	[tilespmem:$0x8080] =	vst v63  }
0x27: {  	p1 =	sge.u32 s31, s5  }
.Ltmp2:
0x28: {  	_ = 	snop;
	(pc) =	sbr.rel @p1 .LBB1_5-.Ltmp2, $1  }
0x29: {  	_ =	sdelay $0x3  }
0x2a: {  	s14 =	simm.s32 $0x1  }
0x2b: {  	_ =	swait.ge [sflag:s4], $0x2000;
	s14 =	simm.s32 @!p0 $0x0  }
0x2c: {  	[sflag:s4] =	ssyncset.done $0x0;
	s15 =	sshll.u32 s14, $0xD  }
0x2d: {  	[sflag:s4] =	ssyncadd.s32 $0xFFFFE000;
	s18 =	sor.u32 $0x20, s15  }
0x2e: {  	s14 =	smul.u32 $0x8100, s14;
	v3 =	vld [tilespmem:s18+$0x10]  }
0x2f: {  	s30 =	sand.u32 $0x1, s11;
	v2 =	vld [tilespmem:s18+$0xFFFFFFF0]  }
0x30: {  	s15 =	smul.u32 $0x8100, s30;
	s14 =	sshrl.u32 s14, $0x2;
	v0 =	vld [tilespmem:s18+$0x0]  }
0x31: {  	v1 =	vld [tilespmem:s18+$0xFFFFFFE0];
	s16 =	sor.u32 $0x4000, s14  }
0x32: {  	s31 =	sshrl.u32 s15, $0x2;
	s15 =	sadd.s32 $0x0, s16  }
0x33: {  	s17 =	simm.s32 $0x4;
	s18 =	sadd.s32 $0x40, s18;
	s14 =	sor.u32 $0x4000, s31;
	[tilespmem:s15+$0x1830 ss:$0x81] =	vst.msk $0xffff, v3  }
.LBB1_3:
0x34: {  	v3 =	vld [tilespmem:s18+$0x10];
	p1 =	sne.s32 s17, $0x1FC;
	[tilespmem:s15+$0x810 ss:$0x81] =	vst.msk $0xffff, v2;
	s19 =	smov.u32 s17;
	s17 =	sadd.s32 $0x4, s17  }
.Ltmp3:
0x35: {  	v2 =	vld [tilespmem:s18+$0xFFFFFFF0];
	[tilespmem:s15+$0x1020 ss:$0x81] =	vst.msk $0xffff, v0;
	(pc) =	sbr.rel @p1 .LBB1_3-.Ltmp3, $4  }
0x36: {  	v0 =	vld [tilespmem:s18+$0x0];
	[tilespmem:s15+$0x0 ss:$0x81] =	vst.msk $0xffff, v1  }
0x37: {  	s15 =	sshra.s32 s19, $0x2;
	v1 =	vld [tilespmem:s18+$0xFFFFFFE0]  }
0x38: {  	s15 =	sadd.s32 s15, s16  }
0x39: {  	s18 =	sadd.s32 $0x40, s18;
	[tilespmem:s15+$0x1830 ss:$0x81] =	vst.msk $0xffff, v3  }
.Ltmp4:
0x3a: {  	_ = 	snop;
	(pc) =	sbr.rel .LBB1_4-.Ltmp4, $1  }
0x3b: {  	_ =	sdelay $0x3  }
.LBB1_6:
0x3c: {  	_ =	sfence.sel $0x180000  }
0x3d: {  	s2 =	simm.s32 $0x1;
	[bflag:$0x0] =	sbarrier.arrive $0xFFFF  }
0x3e: {  	s31 =	simm.s32 $0x2;
	[sflag:s2] =	ssyncpa.u1 $0x1  }
0x3f: {  	[sflag:s31] =	ssyncpa.u1 $0x1  }
0x40: {  	p0 =	sne.s32 s0, $0x0;
	_ =	strace $0x9000004A  }
0x41: {  	s0 =	sadd.s32 @!p0 $0x100000, s1;
	[bflag:$0x2] =	sbarrier.arrive $0xFFFF  }
0x42: {  	[sflag:s0] =	ssyncadd.tile.s32 @!p0 $0x1;
	_ =	shalt  }
.Lfunc_end1:
_tile_overlayer_lowered:
.L_overlay_start_2:
0x43: {  	(tag) =	ssettag $0x2  }
0x44: {  	s0 =	rddreg [dreg:$0x0];
	s2 =	stileid.u32  }
0x45: {  	s1 =	rddreg [dreg:$0x1];
	p0 =	sne.s32 s2, $0x0  }
0x46: {  	s3 =	rddreg [dreg:$0x2];
	[bflag:$0x3] =	sbarrier.arrive $0xFFFF;
	s2 =	simm.s32 @!p0 $0x1C01  }
0x47: {  	[timem:s3], [sflag:s2] =	dma.local @!p0 [hbm:s0], s1  }
0x48: {  	s0 =	simm.s32 @!p0 $0x1  }
0x49: {  	_ =	swait.ge @!p0 [sflag:s0], s1  }
0x4a: {  	s1 =	ssub.s32 @!p0 $0x0, s1;
	[sflag:s0] =	ssyncset.done @!p0 $0x0  }
0x4b: {  	[sflag:s0] =	ssyncadd.s32 @!p0 s1  }
0x4c: {  	[bflag:$0x3] =	sbarrier.arrive $0xFFFF  }
0x4d: {  	_ =	shalt  }

</sc_bundles>
